<compile_context>
chip_gen: v7x
topology: tpu7x:2x2x1
jax: 0.10.2.dev20260603
libtpu: 0.0.44.dev20260713+nightly
codegen_flags: <defaults>
</compile_context>

<pallas_src>
import jax
import jax.numpy as jnp
from jax import lax
from jax.experimental import pallas as pl
from jax.experimental.pallas import tpu as pltpu
from jax.experimental.pallas import tpu_sc as plsc

N = 10000
M = 10000
E = 320000
D = 128

CHUNK = 160
NCHUNKS = E // CHUNK
NC, NS = 2, 16
NW = NC * NS
WCHUNKS = NCHUNKS // NW
LEFT = NCHUNKS - WCHUNKS * NW
SUB_SPAN = 624
TAIL = M - SUB_SPAN * NS
EPW = E // NW
HR = 80

_sc_mesh = plsc.VectorSubcoreMesh(core_axis_name="c", subcore_axis_name="s")


def _make_seg_sum():
  scratch = (
      [pltpu.VMEM((CHUNK,), jnp.int32) for _ in range(8)] +
      [pltpu.VMEM((CHUNK, D), jnp.float32) for _ in range(2)] +
      [pltpu.VMEM_SHARED((M, D), jnp.float32)] +
      [pltpu.SemaphoreType.DMA for _ in range(8)]
  )

  def body(src_hbm, gidx_hbm, sidx_hbm, zd_hbm, out_hbm, *refs):
    gb = refs[0:4]
    sb = refs[4:8]
    rows = refs[8:10]
    acc = refs[10]
    mg = refs[11:13]
    ms = refs[13:15]
    mi = refs[15:19]

    cid = lax.axis_index("c")
    sid = lax.axis_index("s")
    wid = cid * NS + sid
    acc_base = sid * SUB_SPAN
    off_w = wid * WCHUNKS

    def idx_start(j, p):
      base = (off_w + j) * CHUNK
      pltpu.async_copy(gidx_hbm.at[pl.ds(base, CHUNK)], gb[p], mi[p])
      pltpu.async_copy(sidx_hbm.at[pl.ds(base, CHUNK)], sb[p], mi[p])

    def idx_wait(j, p):
      base = (off_w + j) * CHUNK
      pltpu.make_async_copy(gidx_hbm.at[pl.ds(base, CHUNK)], gb[p],
                            mi[p]).wait()
      pltpu.make_async_copy(sidx_hbm.at[pl.ds(base, CHUNK)], sb[p],
                            mi[p]).wait()

    def gather(p, b):
      pltpu.async_copy(src_hbm.at[gb[p]], rows[b], mg[b])

    def gather_wait(p, b):
      pltpu.make_async_copy(src_hbm.at[gb[p]], rows[b], mg[b]).wait()

    def scatter(p, b):
      pltpu.async_copy(rows[b], acc.at[sb[p]], ms[b], add=True)

    def scatter_wait(p, b):
      pltpu.make_async_copy(rows[b], acc.at[sb[p]], ms[b]).wait()

    idx_start(0, 0)
    idx_start(1, 1)
    idx_start(2, 2)

    pltpu.sync_copy(zd_hbm.at[pl.ds(0, SUB_SPAN)],
                    acc.at[pl.ds(acc_base, SUB_SPAN)])

    @pl.when(sid == NS - 1)
    def _():
      pltpu.sync_copy(zd_hbm.at[pl.ds(0, TAIL)],
                      acc.at[pl.ds(NS * SUB_SPAN, TAIL)])

    idx_wait(0, 0)
    gather(0, 0)
    plsc.subcore_barrier()

    @pl.loop(0, WCHUNKS // 4)
    def _(k):
      for t in range(4):
        j = 4 * k + t
        b = t % 2
        gather_wait(t, b)
        if t == 0:
          @pl.when(k > 0)
          def _():
            scatter_wait(3, 1 - b)
        else:
          scatter_wait(t - 1, 1 - b)
        if t == 3:
          @pl.when(k < WCHUNKS // 4 - 1)
          def _():
            idx_start(j + 3, (t + 3) % 4)
        else:
          idx_start(j + 3, (t + 3) % 4)
        idx_wait(j + 1, (t + 1) % 4)
        gather((t + 1) % 4, 1 - b)
        scatter(t, b)

    j = WCHUNKS - 2
    gather_wait(0, 0)
    scatter_wait(3, 1)
    idx_wait(j + 1, 1)
    gather(1, 1)
    scatter(0, 0)
    gather_wait(1, 1)
    scatter_wait(0, 0)
    scatter(1, 1)
    scatter_wait(1, 1)

    @pl.when(wid < LEFT)
    def _():
      base = (NW * WCHUNKS + wid) * CHUNK
      pltpu.sync_copy(gidx_hbm.at[pl.ds(base, CHUNK)], gb[0])
      pltpu.sync_copy(sidx_hbm.at[pl.ds(base, CHUNK)], sb[0])
      pltpu.async_copy(src_hbm.at[gb[0]], rows[0], mg[0]).wait()
      pltpu.sync_copy(rows[0], acc.at[sb[0]], add=True)

    plsc.subcore_barrier()

    out_base = cid * M + acc_base
    pltpu.sync_copy(acc.at[pl.ds(acc_base, SUB_SPAN)],
                    out_hbm.at[pl.ds(out_base, SUB_SPAN)])

    @pl.when(sid == NS - 1)
    def _():
      pltpu.sync_copy(acc.at[pl.ds(NS * SUB_SPAN, TAIL)],
                      out_hbm.at[pl.ds(cid * M + NS * SUB_SPAN, TAIL)])

  return pl.kernel(body, out_type=jax.ShapeDtypeStruct((NC * M, D), jnp.float32),
                   mesh=_sc_mesh, scratch_types=scratch, name="seg_sum")


def _make_counts():
  scratch = [
      pltpu.VMEM((EPW,), jnp.int32),
      pltpu.VMEM((HR, 128), jnp.float32),
  ]

  def body(sidx_hbm, zd_hbm, out_hbm, sbuf, hist):
    cid = lax.axis_index("c")
    sid = lax.axis_index("s")
    wid = cid * NS + sid

    pltpu.sync_copy(zd_hbm.at[pl.ds(0, HR)], hist)
    pltpu.sync_copy(sidx_hbm.at[pl.ds(wid * EPW, EPW)], sbuf)

    ones = jnp.ones((16,), jnp.float32)

    @pl.loop(0, EPW // 16)
    def _(i):
      idx = sbuf[pl.ds(i * 16, 16)]
      hi = lax.shift_right_logical(idx, 7)
      lo = lax.bitwise_and(idx, 127)
      plsc.addupdate_scatter(hist, [hi, lo], ones)

    pltpu.sync_copy(hist, out_hbm.at[pl.ds(wid * HR, HR)])

  return pl.kernel(
      body, out_type=jax.ShapeDtypeStruct((NW * HR, 128), jnp.float32),
      mesh=_sc_mesh, scratch_types=scratch, name="edge_counts",
      compiler_params=pltpu.CompilerParams(needs_layout_passes=False))


_seg_sum = _make_seg_sum()
_counts = _make_counts()



_BN = 1000
_G = N // _BN


def _mm_body(x_ref, w_ref, b_ref, o_ref):
  o_ref[...] = jnp.dot(x_ref[...], w_ref[...],
                       preferred_element_type=jnp.float32) + b_ref[...]


def _matmul(x, W, b):
  return pl.pallas_call(
      _mm_body,
      grid=(_G,),
      in_specs=[
          pl.BlockSpec((_BN, D), lambda i: (i, 0)),
          pl.BlockSpec((D, D), lambda i: (0, 0)),
          pl.BlockSpec((1, D), lambda i: (0, 0)),
      ],
      out_specs=pl.BlockSpec((_BN, D), lambda i: (i, 0)),
      out_shape=jax.ShapeDtypeStruct((N, D), jnp.float32),
  )(x, W, b.reshape(1, D))


def _div_body(p_ref, q_ref, c_ref, o_ref):
  o_ref[...] = (p_ref[0] + q_ref[0]) / jnp.maximum(c_ref[...], 1.0)


def _combine_div(parts, cnt):
  return pl.pallas_call(
      _div_body,
      grid=(_G,),
      in_specs=[
          pl.BlockSpec((1, _BN, D), lambda i: (0, i, 0)),
          pl.BlockSpec((1, _BN, D), lambda i: (1, i, 0)),
          pl.BlockSpec((_BN, 1), lambda i: (i, 0)),
      ],
      out_specs=pl.BlockSpec((_BN, D), lambda i: (i, 0)),
      out_shape=jax.ShapeDtypeStruct((M, D), jnp.float32),
  )(parts, parts, cnt)


def _resmm_body(h_ref, p_ref, q_ref, w_ref, b_ref, o_ref):
  a = jnp.maximum(h_ref[...] + p_ref[0] + q_ref[0], 0.0)
  o_ref[...] = jnp.dot(a, w_ref[...],
                       preferred_element_type=jnp.float32) + b_ref[...]


def _residual_relu_matmul(h, parts, W, b):
  return pl.pallas_call(
      _resmm_body,
      grid=(_G,),
      in_specs=[
          pl.BlockSpec((_BN, D), lambda i: (i, 0)),
          pl.BlockSpec((1, _BN, D), lambda i: (0, i, 0)),
          pl.BlockSpec((1, _BN, D), lambda i: (1, i, 0)),
          pl.BlockSpec((D, D), lambda i: (0, 0)),
          pl.BlockSpec((1, D), lambda i: (0, 0)),
      ],
      out_specs=pl.BlockSpec((_BN, D), lambda i: (i, 0)),
      out_shape=jax.ShapeDtypeStruct((N, D), jnp.float32),
  )(h, parts, parts, W, b.reshape(1, D))


def _resrelu_body(h_ref, p_ref, q_ref, o_ref):
  o_ref[...] = jnp.maximum(h_ref[...] + p_ref[0] + q_ref[0], 0.0)


def _residual_relu(h, parts):
  return pl.pallas_call(
      _resrelu_body,
      grid=(_G,),
      in_specs=[
          pl.BlockSpec((_BN, D), lambda i: (i, 0)),
          pl.BlockSpec((1, _BN, D), lambda i: (0, i, 0)),
          pl.BlockSpec((1, _BN, D), lambda i: (1, i, 0)),
      ],
      out_specs=pl.BlockSpec((_BN, D), lambda i: (i, 0)),
      out_shape=jax.ShapeDtypeStruct((N, D), jnp.float32),
  )(h, parts, parts)


@jax.jit
def kernel(x, hg, W1, b1, W2, b2):
  v1d = hg[0]
  e1d = hg[1]
  zd = jnp.zeros((SUB_SPAN + TAIL, D), jnp.float32)

  hist = _counts(e1d, zd)
  cnt = hist.reshape(NW, HR * 128).sum(axis=0)[:M].reshape(M, 1)

  h1 = _matmul(x, W1, b1)
  ep = _seg_sum(h1, v1d, e1d, zd)
  y1 = _combine_div(ep.reshape(NC, M, D), cnt)
  vp = _seg_sum(y1, e1d, v1d, zd)
  h2 = _residual_relu_matmul(h1, vp.reshape(NC, N, D), W2, b2)

  ep2 = _seg_sum(h2, v1d, e1d, zd)
  y2 = _combine_div(ep2.reshape(NC, M, D), cnt)
  vp2 = _seg_sum(y2, e1d, v1d, zd)
  return _residual_relu(h2, vp2.reshape(NC, N, D))

# --- scband reference (transcript-rebuilt; emitter-appended) ---
"""Pipeline reference for scband-uni-sage-68118181314629 (READ-ONLY COPY).

The authoritative reference and input builder live on the scoring server;
editing this copy changes nothing except your own understanding.
"""

import jax, jax.numpy as jnp
import numpy as np

N = 10000   # vertices
M = 10000   # hyperedges
E = 320000  # incidence pairs
D = 128     # feature dim (input == hidden)


def setup_inputs(seed: int = 0) -> dict:
    key = jax.random.key(seed)
    ks = jax.random.split(key, 6)
    x = jax.random.normal(ks[0], (N, D), dtype=jnp.float32)
    # hg: hypergraph incidence pairs; row0 = vertex ids, row1 = hyperedge ids
    hg = jax.random.randint(ks[1], (2, E), 0, N, dtype=jnp.int32)
    # UniSAGEConv theta = Linear(in, out, bias=True), two layers
    W1 = jax.random.normal(ks[2], (D, D), dtype=jnp.float32) * (1.0 / np.sqrt(D))
    b1 = jnp.zeros((D,), dtype=jnp.float32)
    W2 = jax.random.normal(ks[3], (D, D), dtype=jnp.float32) * (1.0 / np.sqrt(D))
    b2 = jnp.zeros((D,), dtype=jnp.float32)
    return {"x": x, "hg": hg, "W1": W1, "b1": b1, "W2": W2, "b2": b2}


def _unisage_conv(x, v_idx, e_idx, W, b):
    # theta
    h = x @ W + b
    # v2e with mean aggregation: hyperedge feature = mean of member vertex features
    e_sum = jax.ops.segment_sum(h[v_idx], e_idx, num_segments=M)
    e_cnt = jax.ops.segment_sum(jnp.ones((v_idx.shape[0],), h.dtype), e_idx, num_segments=M)
    y = e_sum / jnp.maximum(e_cnt, 1.0)[:, None]
    # e2v with sum aggregation + residual (UniSAGE: x + AGG over incident hyperedges)
    v_agg = jax.ops.segment_sum(y[e_idx], v_idx, num_segments=h.shape[0])
    return h + v_agg


def reference(x, hg, W1, b1, W2, b2):
    v_idx = hg[0]
    e_idx = hg[1]
    h = jax.nn.relu(_unisage_conv(x, v_idx, e_idx, W1, b1))
    h = jax.nn.relu(_unisage_conv(h, v_idx, e_idx, W2, b2))
    return h

if __name__ == "__main__":
    import jax
    _d = setup_inputs()
    print(jax.jit(kernel)(*tuple(_d.values())))

</pallas_src>

<mosaic_0001>
#map = affine_map<(d0, d1) -> (0, 0)>
#map1 = affine_map<(d0, d1) -> (0)>
module attributes {stable_mosaic.version = 14 : i64} {
  func.func @seg_sum(%arg0: i32, %arg1: i32, %arg2: memref<10000x128xf32, #tpu.memory_space<hbm>>, %arg3: memref<320000xi32, #tpu.memory_space<hbm>>, %arg4: memref<320000xi32, #tpu.memory_space<hbm>>, %arg5: memref<640x128xf32, #tpu.memory_space<hbm>>, %arg6: memref<20000x128xf32, #tpu.memory_space<hbm>>, %arg7: memref<160xi32, #tpu.memory_space<vmem>>, %arg8: memref<160xi32, #tpu.memory_space<vmem>>, %arg9: memref<160xi32, #tpu.memory_space<vmem>>, %arg10: memref<160xi32, #tpu.memory_space<vmem>>, %arg11: memref<160xi32, #tpu.memory_space<vmem>>, %arg12: memref<160xi32, #tpu.memory_space<vmem>>, %arg13: memref<160xi32, #tpu.memory_space<vmem>>, %arg14: memref<160xi32, #tpu.memory_space<vmem>>, %arg15: memref<160x128xf32, #tpu.memory_space<vmem>>, %arg16: memref<160x128xf32, #tpu.memory_space<vmem>>, %arg17: memref<10000x128xf32, #tpu.memory_space<vmem_shared>>, %arg18: memref<!tpu.dma_semaphore, #tpu.memory_space<semaphore_mem>>, %arg19: memref<!tpu.dma_semaphore, #tpu.memory_space<semaphore_mem>>, %arg20: memref<!tpu.dma_semaphore, #tpu.memory_space<semaphore_mem>>, %arg21: memref<!tpu.dma_semaphore, #tpu.memory_space<semaphore_mem>>, %arg22: memref<!tpu.dma_semaphore, #tpu.memory_space<semaphore_mem>>, %arg23: memref<!tpu.dma_semaphore, #tpu.memory_space<semaphore_mem>>, %arg24: memref<!tpu.dma_semaphore, #tpu.memory_space<semaphore_mem>>, %arg25: memref<!tpu.dma_semaphore, #tpu.memory_space<semaphore_mem>>) attributes {dimension_semantics = [#tpu.dimension_semantics<core_parallel>, #tpu.dimension_semantics<subcore_parallel>], iteration_bounds = array<i64: 2, 16>, scalar_prefetch = 0 : i64, scratch_operands = 19 : i64, tpu.core_type = #tpu.core_type<sc_vector_subcore>, window_params = [{transform_indices = #map}, {transform_indices = #map1}, {transform_indices = #map1}, {transform_indices = #map}, {transform_indices = #map}]} {
    %mul3A = arith.constant 16 : i32
    %mul3A_0 = arith.muli %arg0, %mul3A : i32
    %add3A = arith.addi %mul3A_0, %arg1 : i32
    %mul3A_1 = arith.constant 624 : i32
    %mul3A_2 = arith.muli %arg1, %mul3A_1 : i32
    %mul3A_3 = arith.constant 62 : i32
    %mul3A_4 = arith.muli %add3A, %mul3A_3 : i32
    %add3A_5 = arith.constant 0 : i32
    %add3A_6 = arith.addi %mul3A_4, %add3A_5 : i32
    %mul3A_7 = arith.constant 160 : i32
    %mul3A_8 = arith.muli %add3A_6, %mul3A_7 : i32
    %dma_start3A = tpu.memref_slice %arg3[%mul3A_8] : memref<320000xi32, #tpu.memory_space<hbm>> -> memref<160xi32, #tpu.memory_space<hbm>>
    %dma_start3A_9 = tpu.memref_slice %arg3[%mul3A_8] : memref<320000xi32, #tpu.memory_space<hbm>> -> memref<160xi32, #tpu.memory_space<hbm>>
    tpu.enqueue_dma source(%dma_start3A_9 : memref<160xi32, #tpu.memory_space<hbm>>) target(%arg7 : memref<160xi32, #tpu.memory_space<vmem>>) target_semaphore(%arg22 : memref<!tpu.dma_semaphore, #tpu.memory_space<semaphore_mem>>)
    %dma_start3A_10 = tpu.memref_slice %arg4[%mul3A_8] : memref<320000xi32, #tpu.memory_space<hbm>> -> memref<160xi32, #tpu.memory_space<hbm>>
    %dma_start3A_11 = tpu.memref_slice %arg4[%mul3A_8] : memref<320000xi32, #tpu.memory_space<hbm>> -> memref<160xi32, #tpu.memory_space<hbm>>
    tpu.enqueue_dma source(%dma_start3A_11 : memref<160xi32, #tpu.memory_space<hbm>>) target(%arg11 : memref<160xi32, #tpu.memory_space<vmem>>) target_semaphore(%arg22 : memref<!tpu.dma_semaphore, #tpu.memory_space<semaphore_mem>>)
    %add3A_12 = arith.constant 1 : i32
    %add3A_13 = arith.addi %mul3A_4, %add3A_12 : i32
    %mul3A_14 = arith.constant 160 : i32
    %mul3A_15 = arith.muli %add3A_13, %mul3A_14 : i32
    %dma_start3A_16 = tpu.memref_slice %arg3[%mul3A_15] : memref<320000xi32, #tpu.memory_space<hbm>> -> memref<160xi32, #tpu.memory_space<hbm>>
    %dma_start3A_17 = tpu.memref_slice %arg3[%mul3A_15] : memref<320000xi32, #tpu.memory_space<hbm>> -> memref<160xi32, #tpu.memory_space<hbm>>
    tpu.enqueue_dma source(%dma_start3A_17 : memref<160xi32, #tpu.memory_space<hbm>>) target(%arg8 : memref<160xi32, #tpu.memory_space<vmem>>) target_semaphore(%arg23 : memref<!tpu.dma_semaphore, #tpu.memory_space<semaphore_mem>>)
    %dma_start3A_18 = tpu.memref_slice %arg4[%mul3A_15] : memref<320000xi32, #tpu.memory_space<hbm>> -> memref<160xi32, #tpu.memory_space<hbm>>
    %dma_start3A_19 = tpu.memref_slice %arg4[%mul3A_15] : memref<320000xi32, #tpu.memory_space<hbm>> -> memref<160xi32, #tpu.memory_space<hbm>>
    tpu.enqueue_dma source(%dma_start3A_19 : memref<160xi32, #tpu.memory_space<hbm>>) target(%arg12 : memref<160xi32, #tpu.memory_space<vmem>>) target_semaphore(%arg23 : memref<!tpu.dma_semaphore, #tpu.memory_space<semaphore_mem>>)
    %add3A_20 = arith.constant 2 : i32
    %add3A_21 = arith.addi %mul3A_4, %add3A_20 : i32
    %mul3A_22 = arith.constant 160 : i32
    %mul3A_23 = arith.muli %add3A_21, %mul3A_22 : i32
    %dma_start3A_24 = tpu.memref_slice %arg3[%mul3A_23] : memref<320000xi32, #tpu.memory_space<hbm>> -> memref<160xi32, #tpu.memory_space<hbm>>
    %dma_start3A_25 = tpu.memref_slice %arg3[%mul3A_23] : memref<320000xi32, #tpu.memory_space<hbm>> -> memref<160xi32, #tpu.memory_space<hbm>>
    tpu.enqueue_dma source(%dma_start3A_25 : memref<160xi32, #tpu.memory_space<hbm>>) target(%arg9 : memref<160xi32, #tpu.memory_space<vmem>>) target_semaphore(%arg24 : memref<!tpu.dma_semaphore, #tpu.memory_space<semaphore_mem>>)
    %dma_start3A_26 = tpu.memref_slice %arg4[%mul3A_23] : memref<320000xi32, #tpu.memory_space<hbm>> -> memref<160xi32, #tpu.memory_space<hbm>>
    %dma_start3A_27 = tpu.memref_slice %arg4[%mul3A_23] : memref<320000xi32, #tpu.memory_space<hbm>> -> memref<160xi32, #tpu.memory_space<hbm>>
    tpu.enqueue_dma source(%dma_start3A_27 : memref<160xi32, #tpu.memory_space<hbm>>) target(%arg13 : memref<160xi32, #tpu.memory_space<vmem>>) target_semaphore(%arg24 : memref<!tpu.dma_semaphore, #tpu.memory_space<semaphore_mem>>)
    "tpu.region"() ({
      %run_scoped3A = tpu.sem_alloc : memref<!tpu.dma_semaphore, #tpu.memory_space<semaphore_mem>>
      %dma_start3A_89 = arith.constant 0 : i32
      %dma_start3A_90 = tpu.memref_slice %arg17[%mul3A_2, %dma_start3A_89] : memref<10000x128xf32, #tpu.memory_space<vmem_shared>> -> memref<624x128xf32, #tpu.memory_space<vmem_shared>>
      %dma_start3A_91 = arith.constant 0 : i32
      %dma_start3A_92 = arith.constant 0 : i32
      %dma_start3A_93 = tpu.memref_slice %arg5[%dma_start3A_91, %dma_start3A_92] : memref<640x128xf32, #tpu.memory_space<hbm>> -> memref<624x128xf32, #tpu.memory_space<hbm>>
      tpu.enqueue_dma source(%dma_start3A_93 : memref<624x128xf32, #tpu.memory_space<hbm>>) target(%dma_start3A_90 : memref<624x128xf32, #tpu.memory_space<vmem_shared>>) target_semaphore(%run_scoped3A : memref<!tpu.dma_semaphore, #tpu.memory_space<semaphore_mem>>)
      %dma_wait3A_94 = arith.constant 0 : i32
      %dma_wait3A_95 = tpu.memref_slice %arg17[%mul3A_2, %dma_wait3A_94] : memref<10000x128xf32, #tpu.memory_space<vmem_shared>> -> memref<624x128xf32, #tpu.memory_space<vmem_shared>>
      %dma_wait3A_96 = arith.constant 0 : i32
      %dma_wait3A_97 = arith.constant 0 : i32
      %dma_wait3A_98 = tpu.memref_slice %arg5[%dma_wait3A_96, %dma_wait3A_97] : memref<640x128xf32, #tpu.memory_space<hbm>> -> memref<624x128xf32, #tpu.memory_space<hbm>>
      tpu.wait_dma2 semaphore(%run_scoped3A : memref<!tpu.dma_semaphore, #tpu.memory_space<semaphore_mem>>) src(%dma_wait3A_98 : memref<624x128xf32, #tpu.memory_space<hbm>>) dst(%dma_wait3A_95 : memref<624x128xf32, #tpu.memory_space<vmem_shared>>)
      tpu.yield
    }) : () -> ()
    %eq3A = arith.constant 15 : i32
    %eq3A_28 = arith.cmpi eq, %arg1, %eq3A : i32
    %convert_element_type3A = arith.extui %eq3A_28 : i1 to i32
    %cond3A = arith.constant 0 : i32
    %cond3A_29 = arith.cmpi ne, %convert_element_type3A, %cond3A : i32
    scf.if %cond3A_29 {
      "tpu.region"() ({
        %run_scoped3A = tpu.sem_alloc : memref<!tpu.dma_semaphore, #tpu.memory_space<semaphore_mem>>
        %dma_start3A_89 = arith.constant 9984 : i32
        %dma_start3A_90 = arith.constant 0 : i32
        %dma_start3A_91 = tpu.memref_slice %arg17[%dma_start3A_89, %dma_start3A_90] : memref<10000x128xf32, #tpu.memory_space<vmem_shared>> -> memref<16x128xf32, #tpu.memory_space<vmem_shared>>
        %dma_start3A_92 = arith.constant 0 : i32
        %dma_start3A_93 = arith.constant 0 : i32
        %dma_start3A_94 = tpu.memref_slice %arg5[%dma_start3A_92, %dma_start3A_93] : memref<640x128xf32, #tpu.memory_space<hbm>> -> memref<16x128xf32, #tpu.memory_space<hbm>>
        tpu.enqueue_dma source(%dma_start3A_94 : memref<16x128xf32, #tpu.memory_space<hbm>>) target(%dma_start3A_91 : memref<16x128xf32, #tpu.memory_space<vmem_shared>>) target_semaphore(%run_scoped3A : memref<!tpu.dma_semaphore, #tpu.memory_space<semaphore_mem>>)
        %dma_wait3A_95 = arith.constant 9984 : i32
        %dma_wait3A_96 = arith.constant 0 : i32
        %dma_wait3A_97 = tpu.memref_slice %arg17[%dma_wait3A_95, %dma_wait3A_96] : memref<10000x128xf32, #tpu.memory_space<vmem_shared>> -> memref<16x128xf32, #tpu.memory_space<vmem_shared>>
        %dma_wait3A_98 = arith.constant 0 : i32
        %dma_wait3A_99 = arith.constant 0 : i32
        %dma_wait3A_100 = tpu.memref_slice %arg5[%dma_wait3A_98, %dma_wait3A_99] : memref<640x128xf32, #tpu.memory_space<hbm>> -> memref<16x128xf32, #tpu.memory_space<hbm>>
        tpu.wait_dma2 semaphore(%run_scoped3A : memref<!tpu.dma_semaphore, #tpu.memory_space<semaphore_mem>>) src(%dma_wait3A_100 : memref<16x128xf32, #tpu.memory_space<hbm>>) dst(%dma_wait3A_97 : memref<16x128xf32, #tpu.memory_space<vmem_shared>>)
        tpu.yield
      }) : () -> ()
    } else {
    }
    %add3A_30 = arith.constant 0 : i32
    %add3A_31 = arith.addi %mul3A_4, %add3A_30 : i32
    %mul3A_32 = arith.constant 160 : i32
    %mul3A_33 = arith.muli %add3A_31, %mul3A_32 : i32
    %dma_wait3A = tpu.memref_slice %arg3[%mul3A_33] : memref<320000xi32, #tpu.memory_space<hbm>> -> memref<160xi32, #tpu.memory_space<hbm>>
    %dma_wait3A_34 = tpu.memref_slice %arg3[%mul3A_33] : memref<320000xi32, #tpu.memory_space<hbm>> -> memref<160xi32, #tpu.memory_space<hbm>>
    tpu.wait_dma2 semaphore(%arg22 : memref<!tpu.dma_semaphore, #tpu.memory_space<semaphore_mem>>) src(%dma_wait3A_34 : memref<160xi32, #tpu.memory_space<hbm>>) dst(%arg7 : memref<160xi32, #tpu.memory_space<vmem>>)
    %dma_wait3A_35 = tpu.memref_slice %arg4[%mul3A_33] : memref<320000xi32, #tpu.memory_space<hbm>> -> memref<160xi32, #tpu.memory_space<hbm>>
    %dma_wait3A_36 = tpu.memref_slice %arg4[%mul3A_33] : memref<320000xi32, #tpu.memory_space<hbm>> -> memref<160xi32, #tpu.memory_space<hbm>>
    tpu.wait_dma2 semaphore(%arg22 : memref<!tpu.dma_semaphore, #tpu.memory_space<semaphore_mem>>) src(%dma_wait3A_36 : memref<160xi32, #tpu.memory_space<hbm>>) dst(%arg11 : memref<160xi32, #tpu.memory_space<vmem>>)
    %dma_start3A_37 = arith.constant 0 : i32
    %dma_start3A_38 = arith.constant 0 : i32
    %dma_start3A_39 = tpu.memref_slice %arg2[%dma_start3A_37, %dma_start3A_38] : memref<10000x128xf32, #tpu.memory_space<hbm>> -> memref<10000x128xf32, #tpu.memory_space<hbm>>
    tpu.enqueue_indirect_dma source(%dma_start3A_39 : memref<10000x128xf32, #tpu.memory_space<hbm>>) target(%arg15 : memref<160x128xf32, #tpu.memory_space<vmem>>) offsets(%arg7 : memref<160xi32, #tpu.memory_space<vmem>>) semaphore(%arg18 : memref<!tpu.dma_semaphore, #tpu.memory_space<semaphore_mem>>)
    %barrier3A = arith.constant 0 : index
    tpu.barrier barrier_id(%barrier3A)
    %scan3A = arith.constant 0 : i32
    %scan3A_40 = arith.constant 15 : i32
    %scan3A_41 = arith.addi %scan3A, %scan3A_40 : i32
    %scan3A_42 = arith.constant 1 : i32
    scf.for %scan3A_89 = %scan3A to %scan3A_41 step %scan3A_42  : i32 {
      %mul3A_90 = arith.constant 1 : i32
      %mul3A_91 = arith.muli %scan3A_89, %mul3A_90 : i32
      %add3A_92 = arith.constant 0 : i32
      %add3A_93 = arith.addi %add3A_92, %mul3A_91 : i32
      %mul3A_94 = arith.constant 4 : i32
      %mul3A_95 = arith.muli %mul3A_94, %add3A_93 : i32
      %add3A_96 = arith.constant 0 : i32
      %add3A_97 = arith.addi %mul3A_95, %add3A_96 : i32
      %dma_wait3A_98 = arith.constant 0 : i32
      %dma_wait3A_99 = arith.constant 0 : i32
      %dma_wait3A_100 = tpu.memref_slice %arg2[%dma_wait3A_98, %dma_wait3A_99] : memref<10000x128xf32, #tpu.memory_space<hbm>> -> memref<10000x128xf32, #tpu.memory_space<hbm>>
      tpu.wait_indirect_dma semaphore(%arg18 : memref<!tpu.dma_semaphore, #tpu.memory_space<semaphore_mem>>) src(%dma_wait3A_100 : memref<10000x128xf32, #tpu.memory_space<hbm>>) dst(%arg15 : memref<160x128xf32, #tpu.memory_space<vmem>>)
      %gt3A = arith.constant 0 : i32
      %gt3A_101 = arith.cmpi sgt, %add3A_93, %gt3A : i32
      %convert_element_type3A_102 = arith.extui %gt3A_101 : i1 to i32
      %cond3A_103 = arith.constant 0 : i32
      %cond3A_104 = arith.cmpi ne, %convert_element_type3A_102, %cond3A_103 : i32
      scf.if %cond3A_104 {
        %dma_wait3A_227 = arith.constant 0 : i32
        %dma_wait3A_228 = arith.constant 0 : i32
        %dma_wait3A_229 = tpu.memref_slice %arg17[%dma_wait3A_227, %dma_wait3A_228] : memref<10000x128xf32, #tpu.memory_space<vmem_shared>> -> memref<10000x128xf32, #tpu.memory_space<vmem_shared>>
        tpu.wait_indirect_dma semaphore(%arg21 : memref<!tpu.dma_semaphore, #tpu.memory_space<semaphore_mem>>) src(%arg16 : memref<160x128xf32, #tpu.memory_space<vmem>>) dst(%dma_wait3A_229 : memref<10000x128xf32, #tpu.memory_space<vmem_shared>>)
      } else {
      }
      %add3A_105 = arith.constant 3 : i32
      %add3A_106 = arith.addi %add3A_97, %add3A_105 : i32
      %add3A_107 = arith.addi %mul3A_4, %add3A_106 : i32
      %mul3A_108 = arith.constant 160 : i32
      %mul3A_109 = arith.muli %add3A_107, %mul3A_108 : i32
      %dma_start3A_110 = tpu.memref_slice %arg3[%mul3A_109] : memref<320000xi32, #tpu.memory_space<hbm>> -> memref<160xi32, #tpu.memory_space<hbm>>
      %dma_start3A_111 = tpu.memref_slice %arg3[%mul3A_109] : memref<320000xi32, #tpu.memory_space<hbm>> -> memref<160xi32, #tpu.memory_space<hbm>>
      tpu.enqueue_dma source(%dma_start3A_111 : memref<160xi32, #tpu.memory_space<hbm>>) target(%arg10 : memref<160xi32, #tpu.memory_space<vmem>>) target_semaphore(%arg25 : memref<!tpu.dma_semaphore, #tpu.memory_space<semaphore_mem>>)
      %dma_start3A_112 = tpu.memref_slice %arg4[%mul3A_109] : memref<320000xi32, #tpu.memory_space<hbm>> -> memref<160xi32, #tpu.memory_space<hbm>>
      %dma_start3A_113 = tpu.memref_slice %arg4[%mul3A_109] : memref<320000xi32, #tpu.memory_space<hbm>> -> memref<160xi32, #tpu.memory_space<hbm>>
      tpu.enqueue_dma source(%dma_start3A_113 : memref<160xi32, #tpu.memory_space<hbm>>) target(%arg14 : memref<160xi32, #tpu.memory_space<vmem>>) target_semaphore(%arg25 : memref<!tpu.dma_semaphore, #tpu.memory_space<semaphore_mem>>)
      %add3A_114 = arith.constant 1 : i32
      %add3A_115 = arith.addi %add3A_97, %add3A_114 : i32
      %add3A_116 = arith.addi %mul3A_4, %add3A_115 : i32
      %mul3A_117 = arith.constant 160 : i32
      %mul3A_118 = arith.muli %add3A_116, %mul3A_117 : i32
      %dma_wait3A_119 = tpu.memref_slice %arg3[%mul3A_118] : memref<320000xi32, #tpu.memory_space<hbm>> -> memref<160xi32, #tpu.memory_space<hbm>>
      %dma_wait3A_120 = tpu.memref_slice %arg3[%mul3A_118] : memref<320000xi32, #tpu.memory_space<hbm>> -> memref<160xi32, #tpu.memory_space<hbm>>
      tpu.wait_dma2 semaphore(%arg23 : memref<!tpu.dma_semaphore, #tpu.memory_space<semaphore_mem>>) src(%dma_wait3A_120 : memref<160xi32, #tpu.memory_space<hbm>>) dst(%arg8 : memref<160xi32, #tpu.memory_space<vmem>>)
      %dma_wait3A_121 = tpu.memref_slice %arg4[%mul3A_118] : memref<320000xi32, #tpu.memory_space<hbm>> -> memref<160xi32, #tpu.memory_space<hbm>>
      %dma_wait3A_122 = tpu.memref_slice %arg4[%mul3A_118] : memref<320000xi32, #tpu.memory_space<hbm>> -> memref<160xi32, #tpu.memory_space<hbm>>
      tpu.wait_dma2 semaphore(%arg23 : memref<!tpu.dma_semaphore, #tpu.memory_space<semaphore_mem>>) src(%dma_wait3A_122 : memref<160xi32, #tpu.memory_space<hbm>>) dst(%arg12 : memref<160xi32, #tpu.memory_space<vmem>>)
      %dma_start3A_123 = arith.constant 0 : i32
      %dma_start3A_124 = arith.constant 0 : i32
      %dma_start3A_125 = tpu.memref_slice %arg2[%dma_start3A_123, %dma_start3A_124] : memref<10000x128xf32, #tpu.memory_space<hbm>> -> memref<10000x128xf32, #tpu.memory_space<hbm>>
      tpu.enqueue_indirect_dma source(%dma_start3A_125 : memref<10000x128xf32, #tpu.memory_space<hbm>>) target(%arg16 : memref<160x128xf32, #tpu.memory_space<vmem>>) offsets(%arg8 : memref<160xi32, #tpu.memory_space<vmem>>) semaphore(%arg19 : memref<!tpu.dma_semaphore, #tpu.memory_space<semaphore_mem>>)
      %dma_start3A_126 = arith.constant 0 : i32
      %dma_start3A_127 = arith.constant 0 : i32
      %dma_start3A_128 = tpu.memref_slice %arg17[%dma_start3A_126, %dma_start3A_127] : memref<10000x128xf32, #tpu.memory_space<vmem_shared>> -> memref<10000x128xf32, #tpu.memory_space<vmem_shared>>
      tpu.enqueue_indirect_dma source(%arg15 : memref<160x128xf32, #tpu.memory_space<vmem>>) target(%dma_start3A_128 : memref<10000x128xf32, #tpu.memory_space<vmem_shared>>) offsets(%arg11 : memref<160xi32, #tpu.memory_space<vmem>>) semaphore(%arg20 : memref<!tpu.dma_semaphore, #tpu.memory_space<semaphore_mem>>) {add = true}
      %mul3A_129 = arith.constant 4 : i32
      %mul3A_130 = arith.muli %mul3A_129, %add3A_93 : i32
      %add3A_131 = arith.constant 1 : i32
      %add3A_132 = arith.addi %mul3A_130, %add3A_131 : i32
      %dma_wait3A_133 = arith.constant 0 : i32
      %dma_wait3A_134 = arith.constant 0 : i32
      %dma_wait3A_135 = tpu.memref_slice %arg2[%dma_wait3A_133, %dma_wait3A_134] : memref<10000x128xf32, #tpu.memory_space<hbm>> -> memref<10000x128xf32, #tpu.memory_space<hbm>>
      tpu.wait_indirect_dma semaphore(%arg19 : memref<!tpu.dma_semaphore, #tpu.memory_space<semaphore_mem>>) src(%dma_wait3A_135 : memref<10000x128xf32, #tpu.memory_space<hbm>>) dst(%arg16 : memref<160x128xf32, #tpu.memory_space<vmem>>)
      %dma_wait3A_136 = arith.constant 0 : i32
      %dma_wait3A_137 = arith.constant 0 : i32
      %dma_wait3A_138 = tpu.memref_slice %arg17[%dma_wait3A_136, %dma_wait3A_137] : memref<10000x128xf32, #tpu.memory_space<vmem_shared>> -> memref<10000x128xf32, #tpu.memory_space<vmem_shared>>
      tpu.wait_indirect_dma semaphore(%arg20 : memref<!tpu.dma_semaphore, #tpu.memory_space<semaphore_mem>>) src(%arg15 : memref<160x128xf32, #tpu.memory_space<vmem>>) dst(%dma_wait3A_138 : memref<10000x128xf32, #tpu.memory_space<vmem_shared>>)
      %add3A_139 = arith.constant 3 : i32
      %add3A_140 = arith.addi %add3A_132, %add3A_139 : i32
      %add3A_141 = arith.addi %mul3A_4, %add3A_140 : i32
      %mul3A_142 = arith.constant 160 : i32
      %mul3A_143 = arith.muli %add3A_141, %mul3A_142 : i32
      %dma_start3A_144 = tpu.memref_slice %arg3[%mul3A_143] : memref<320000xi32, #tpu.memory_space<hbm>> -> memref<160xi32, #tpu.memory_space<hbm>>
      %dma_start3A_145 = tpu.memref_slice %arg3[%mul3A_143] : memref<320000xi32, #tpu.memory_space<hbm>> -> memref<160xi32, #tpu.memory_space<hbm>>
      tpu.enqueue_dma source(%dma_start3A_145 : memref<160xi32, #tpu.memory_space<hbm>>) target(%arg7 : memref<160xi32, #tpu.memory_space<vmem>>) target_semaphore(%arg22 : memref<!tpu.dma_semaphore, #tpu.memory_space<semaphore_mem>>)
      %dma_start3A_146 = tpu.memref_slice %arg4[%mul3A_143] : memref<320000xi32, #tpu.memory_space<hbm>> -> memref<160xi32, #tpu.memory_space<hbm>>
      %dma_start3A_147 = tpu.memref_slice %arg4[%mul3A_143] : memref<320000xi32, #tpu.memory_space<hbm>> -> memref<160xi32, #tpu.memory_space<hbm>>
      tpu.enqueue_dma source(%dma_start3A_147 : memref<160xi32, #tpu.memory_space<hbm>>) target(%arg11 : memref<160xi32, #tpu.memory_space<vmem>>) target_semaphore(%arg22 : memref<!tpu.dma_semaphore, #tpu.memory_space<semaphore_mem>>)
      %add3A_148 = arith.constant 1 : i32
      %add3A_149 = arith.addi %add3A_132, %add3A_148 : i32
      %add3A_150 = arith.addi %mul3A_4, %add3A_149 : i32
      %mul3A_151 = arith.constant 160 : i32
      %mul3A_152 = arith.muli %add3A_150, %mul3A_151 : i32
      %dma_wait3A_153 = tpu.memref_slice %arg3[%mul3A_152] : memref<320000xi32, #tpu.memory_space<hbm>> -> memref<160xi32, #tpu.memory_space<hbm>>
      %dma_wait3A_154 = tpu.memref_slice %arg3[%mul3A_152] : memref<320000xi32, #tpu.memory_space<hbm>> -> memref<160xi32, #tpu.memory_space<hbm>>
      tpu.wait_dma2 semaphore(%arg24 : memref<!tpu.dma_semaphore, #tpu.memory_space<semaphore_mem>>) src(%dma_wait3A_154 : memref<160xi32, #tpu.memory_space<hbm>>) dst(%arg9 : memref<160xi32, #tpu.memory_space<vmem>>)
      %dma_wait3A_155 = tpu.memref_slice %arg4[%mul3A_152] : memref<320000xi32, #tpu.memory_space<hbm>> -> memref<160xi32, #tpu.memory_space<hbm>>
      %dma_wait3A_156 = tpu.memref_slice %arg4[%mul3A_152] : memref<320000xi32, #tpu.memory_space<hbm>> -> memref<160xi32, #tpu.memory_space<hbm>>
      tpu.wait_dma2 semaphore(%arg24 : memref<!tpu.dma_semaphore, #tpu.memory_space<semaphore_mem>>) src(%dma_wait3A_156 : memref<160xi32, #tpu.memory_space<hbm>>) dst(%arg13 : memref<160xi32, #tpu.memory_space<vmem>>)
      %dma_start3A_157 = arith.constant 0 : i32
      %dma_start3A_158 = arith.constant 0 : i32
      %dma_start3A_159 = tpu.memref_slice %arg2[%dma_start3A_157, %dma_start3A_158] : memref<10000x128xf32, #tpu.memory_space<hbm>> -> memref<10000x128xf32, #tpu.memory_space<hbm>>
      tpu.enqueue_indirect_dma source(%dma_start3A_159 : memref<10000x128xf32, #tpu.memory_space<hbm>>) target(%arg15 : memref<160x128xf32, #tpu.memory_space<vmem>>) offsets(%arg9 : memref<160xi32, #tpu.memory_space<vmem>>) semaphore(%arg18 : memref<!tpu.dma_semaphore, #tpu.memory_space<semaphore_mem>>)
      %dma_start3A_160 = arith.constant 0 : i32
      %dma_start3A_161 = arith.constant 0 : i32
      %dma_start3A_162 = tpu.memref_slice %arg17[%dma_start3A_160, %dma_start3A_161] : memref<10000x128xf32, #tpu.memory_space<vmem_shared>> -> memref<10000x128xf32, #tpu.memory_space<vmem_shared>>
      tpu.enqueue_indirect_dma source(%arg16 : memref<160x128xf32, #tpu.memory_space<vmem>>) target(%dma_start3A_162 : memref<10000x128xf32, #tpu.memory_space<vmem_shared>>) offsets(%arg12 : memref<160xi32, #tpu.memory_space<vmem>>) semaphore(%arg21 : memref<!tpu.dma_semaphore, #tpu.memory_space<semaphore_mem>>) {add = true}
      %mul3A_163 = arith.constant 4 : i32
      %mul3A_164 = arith.muli %mul3A_163, %add3A_93 : i32
      %add3A_165 = arith.constant 2 : i32
      %add3A_166 = arith.addi %mul3A_164, %add3A_165 : i32
      %dma_wait3A_167 = arith.constant 0 : i32
      %dma_wait3A_168 = arith.constant 0 : i32
      %dma_wait3A_169 = tpu.memref_slice %arg2[%dma_wait3A_167, %dma_wait3A_168] : memref<10000x128xf32, #tpu.memory_space<hbm>> -> memref<10000x128xf32, #tpu.memory_space<hbm>>
      tpu.wait_indirect_dma semaphore(%arg18 : memref<!tpu.dma_semaphore, #tpu.memory_space<semaphore_mem>>) src(%dma_wait3A_169 : memref<10000x128xf32, #tpu.memory_space<hbm>>) dst(%arg15 : memref<160x128xf32, #tpu.memory_space<vmem>>)
      %dma_wait3A_170 = arith.constant 0 : i32
      %dma_wait3A_171 = arith.constant 0 : i32
      %dma_wait3A_172 = tpu.memref_slice %arg17[%dma_wait3A_170, %dma_wait3A_171] : memref<10000x128xf32, #tpu.memory_space<vmem_shared>> -> memref<10000x128xf32, #tpu.memory_space<vmem_shared>>
      tpu.wait_indirect_dma semaphore(%arg21 : memref<!tpu.dma_semaphore, #tpu.memory_space<semaphore_mem>>) src(%arg16 : memref<160x128xf32, #tpu.memory_space<vmem>>) dst(%dma_wait3A_172 : memref<10000x128xf32, #tpu.memory_space<vmem_shared>>)
      %add3A_173 = arith.constant 3 : i32
      %add3A_174 = arith.addi %add3A_166, %add3A_173 : i32
      %add3A_175 = arith.addi %mul3A_4, %add3A_174 : i32
      %mul3A_176 = arith.constant 160 : i32
      %mul3A_177 = arith.muli %add3A_175, %mul3A_176 : i32
      %dma_start3A_178 = tpu.memref_slice %arg3[%mul3A_177] : memref<320000xi32, #tpu.memory_space<hbm>> -> memref<160xi32, #tpu.memory_space<hbm>>
      %dma_start3A_179 = tpu.memref_slice %arg3[%mul3A_177] : memref<320000xi32, #tpu.memory_space<hbm>> -> memref<160xi32, #tpu.memory_space<hbm>>
      tpu.enqueue_dma source(%dma_start3A_179 : memref<160xi32, #tpu.memory_space<hbm>>) target(%arg8 : memref<160xi32, #tpu.memory_space<vmem>>) target_semaphore(%arg23 : memref<!tpu.dma_semaphore, #tpu.memory_space<semaphore_mem>>)
      %dma_start3A_180 = tpu.memref_slice %arg4[%mul3A_177] : memref<320000xi32, #tpu.memory_space<hbm>> -> memref<160xi32, #tpu.memory_space<hbm>>
      %dma_start3A_181 = tpu.memref_slice %arg4[%mul3A_177] : memref<320000xi32, #tpu.memory_space<hbm>> -> memref<160xi32, #tpu.memory_space<hbm>>
      tpu.enqueue_dma source(%dma_start3A_181 : memref<160xi32, #tpu.memory_space<hbm>>) target(%arg12 : memref<160xi32, #tpu.memory_space<vmem>>) target_semaphore(%arg23 : memref<!tpu.dma_semaphore, #tpu.memory_space<semaphore_mem>>)
      %add3A_182 = arith.constant 1 : i32
      %add3A_183 = arith.addi %add3A_166, %add3A_182 : i32
      %add3A_184 = arith.addi %mul3A_4, %add3A_183 : i32
      %mul3A_185 = arith.constant 160 : i32
      %mul3A_186 = arith.muli %add3A_184, %mul3A_185 : i32
      %dma_wait3A_187 = tpu.memref_slice %arg3[%mul3A_186] : memref<320000xi32, #tpu.memory_space<hbm>> -> memref<160xi32, #tpu.memory_space<hbm>>
      %dma_wait3A_188 = tpu.memref_slice %arg3[%mul3A_186] : memref<320000xi32, #tpu.memory_space<hbm>> -> memref<160xi32, #tpu.memory_space<hbm>>
      tpu.wait_dma2 semaphore(%arg25 : memref<!tpu.dma_semaphore, #tpu.memory_space<semaphore_mem>>) src(%dma_wait3A_188 : memref<160xi32, #tpu.memory_space<hbm>>) dst(%arg10 : memref<160xi32, #tpu.memory_space<vmem>>)
      %dma_wait3A_189 = tpu.memref_slice %arg4[%mul3A_186] : memref<320000xi32, #tpu.memory_space<hbm>> -> memref<160xi32, #tpu.memory_space<hbm>>
      %dma_wait3A_190 = tpu.memref_slice %arg4[%mul3A_186] : memref<320000xi32, #tpu.memory_space<hbm>> -> memref<160xi32, #tpu.memory_space<hbm>>
      tpu.wait_dma2 semaphore(%arg25 : memref<!tpu.dma_semaphore, #tpu.memory_space<semaphore_mem>>) src(%dma_wait3A_190 : memref<160xi32, #tpu.memory_space<hbm>>) dst(%arg14 : memref<160xi32, #tpu.memory_space<vmem>>)
      %dma_start3A_191 = arith.constant 0 : i32
      %dma_start3A_192 = arith.constant 0 : i32
      %dma_start3A_193 = tpu.memref_slice %arg2[%dma_start3A_191, %dma_start3A_192] : memref<10000x128xf32, #tpu.memory_space<hbm>> -> memref<10000x128xf32, #tpu.memory_space<hbm>>
      tpu.enqueue_indirect_dma source(%dma_start3A_193 : memref<10000x128xf32, #tpu.memory_space<hbm>>) target(%arg16 : memref<160x128xf32, #tpu.memory_space<vmem>>) offsets(%arg10 : memref<160xi32, #tpu.memory_space<vmem>>) semaphore(%arg19 : memref<!tpu.dma_semaphore, #tpu.memory_space<semaphore_mem>>)
      %dma_start3A_194 = arith.constant 0 : i32
      %dma_start3A_195 = arith.constant 0 : i32
      %dma_start3A_196 = tpu.memref_slice %arg17[%dma_start3A_194, %dma_start3A_195] : memref<10000x128xf32, #tpu.memory_space<vmem_shared>> -> memref<10000x128xf32, #tpu.memory_space<vmem_shared>>
      tpu.enqueue_indirect_dma source(%arg15 : memref<160x128xf32, #tpu.memory_space<vmem>>) target(%dma_start3A_196 : memref<10000x128xf32, #tpu.memory_space<vmem_shared>>) offsets(%arg13 : memref<160xi32, #tpu.memory_space<vmem>>) semaphore(%arg20 : memref<!tpu.dma_semaphore, #tpu.memory_space<semaphore_mem>>) {add = true}
      %mul3A_197 = arith.constant 4 : i32
      %mul3A_198 = arith.muli %mul3A_197, %add3A_93 : i32
      %add3A_199 = arith.constant 3 : i32
      %add3A_200 = arith.addi %mul3A_198, %add3A_199 : i32
      %dma_wait3A_201 = arith.constant 0 : i32
      %dma_wait3A_202 = arith.constant 0 : i32
      %dma_wait3A_203 = tpu.memref_slice %arg2[%dma_wait3A_201, %dma_wait3A_202] : memref<10000x128xf32, #tpu.memory_space<hbm>> -> memref<10000x128xf32, #tpu.memory_space<hbm>>
      tpu.wait_indirect_dma semaphore(%arg19 : memref<!tpu.dma_semaphore, #tpu.memory_space<semaphore_mem>>) src(%dma_wait3A_203 : memref<10000x128xf32, #tpu.memory_space<hbm>>) dst(%arg16 : memref<160x128xf32, #tpu.memory_space<vmem>>)
      %dma_wait3A_204 = arith.constant 0 : i32
      %dma_wait3A_205 = arith.constant 0 : i32
      %dma_wait3A_206 = tpu.memref_slice %arg17[%dma_wait3A_204, %dma_wait3A_205] : memref<10000x128xf32, #tpu.memory_space<vmem_shared>> -> memref<10000x128xf32, #tpu.memory_space<vmem_shared>>
      tpu.wait_indirect_dma semaphore(%arg20 : memref<!tpu.dma_semaphore, #tpu.memory_space<semaphore_mem>>) src(%arg15 : memref<160x128xf32, #tpu.memory_space<vmem>>) dst(%dma_wait3A_206 : memref<10000x128xf32, #tpu.memory_space<vmem_shared>>)
      %lt3A_207 = arith.constant 14 : i32
      %lt3A_208 = arith.cmpi slt, %add3A_93, %lt3A_207 : i32
      %convert_element_type3A_209 = arith.extui %lt3A_208 : i1 to i32
      %cond3A_210 = arith.constant 0 : i32
      %cond3A_211 = arith.cmpi ne, %convert_element_type3A_209, %cond3A_210 : i32
      scf.if %cond3A_211 {
        %add3A_227 = arith.constant 3 : i32
        %add3A_228 = arith.addi %add3A_200, %add3A_227 : i32
        %add3A_229 = arith.addi %mul3A_4, %add3A_228 : i32
        %mul3A_230 = arith.constant 160 : i32
        %mul3A_231 = arith.muli %add3A_229, %mul3A_230 : i32
        %dma_start3A_232 = tpu.memref_slice %arg3[%mul3A_231] : memref<320000xi32, #tpu.memory_space<hbm>> -> memref<160xi32, #tpu.memory_space<hbm>>
        %dma_start3A_233 = tpu.memref_slice %arg3[%mul3A_231] : memref<320000xi32, #tpu.memory_space<hbm>> -> memref<160xi32, #tpu.memory_space<hbm>>
        tpu.enqueue_dma source(%dma_start3A_233 : memref<160xi32, #tpu.memory_space<hbm>>) target(%arg9 : memref<160xi32, #tpu.memory_space<vmem>>) target_semaphore(%arg24 : memref<!tpu.dma_semaphore, #tpu.memory_space<semaphore_mem>>)
        %dma_start3A_234 = tpu.memref_slice %arg4[%mul3A_231] : memref<320000xi32, #tpu.memory_space<hbm>> -> memref<160xi32, #tpu.memory_space<hbm>>
        %dma_start3A_235 = tpu.memref_slice %arg4[%mul3A_231] : memref<320000xi32, #tpu.memory_space<hbm>> -> memref<160xi32, #tpu.memory_space<hbm>>
        tpu.enqueue_dma source(%dma_start3A_235 : memref<160xi32, #tpu.memory_space<hbm>>) target(%arg13 : memref<160xi32, #tpu.memory_space<vmem>>) target_semaphore(%arg24 : memref<!tpu.dma_semaphore, #tpu.memory_space<semaphore_mem>>)
      } else {
      }
      %add3A_212 = arith.constant 1 : i32
      %add3A_213 = arith.addi %add3A_200, %add3A_212 : i32
      %add3A_214 = arith.addi %mul3A_4, %add3A_213 : i32
      %mul3A_215 = arith.constant 160 : i32
      %mul3A_216 = arith.muli %add3A_214, %mul3A_215 : i32
      %dma_wait3A_217 = tpu.memref_slice %arg3[%mul3A_216] : memref<320000xi32, #tpu.memory_space<hbm>> -> memref<160xi32, #tpu.memory_space<hbm>>
      %dma_wait3A_218 = tpu.memref_slice %arg3[%mul3A_216] : memref<320000xi32, #tpu.memory_space<hbm>> -> memref<160xi32, #tpu.memory_space<hbm>>
      tpu.wait_dma2 semaphore(%arg22 : memref<!tpu.dma_semaphore, #tpu.memory_space<semaphore_mem>>) src(%dma_wait3A_218 : memref<160xi32, #tpu.memory_space<hbm>>) dst(%arg7 : memref<160xi32, #tpu.memory_space<vmem>>)
      %dma_wait3A_219 = tpu.memref_slice %arg4[%mul3A_216] : memref<320000xi32, #tpu.memory_space<hbm>> -> memref<160xi32, #tpu.memory_space<hbm>>
      %dma_wait3A_220 = tpu.memref_slice %arg4[%mul3A_216] : memref<320000xi32, #tpu.memory_space<hbm>> -> memref<160xi32, #tpu.memory_space<hbm>>
      tpu.wait_dma2 semaphore(%arg22 : memref<!tpu.dma_semaphore, #tpu.memory_space<semaphore_mem>>) src(%dma_wait3A_220 : memref<160xi32, #tpu.memory_space<hbm>>) dst(%arg11 : memref<160xi32, #tpu.memory_space<vmem>>)
      %dma_start3A_221 = arith.constant 0 : i32
      %dma_start3A_222 = arith.constant 0 : i32
      %dma_start3A_223 = tpu.memref_slice %arg2[%dma_start3A_221, %dma_start3A_222] : memref<10000x128xf32, #tpu.memory_space<hbm>> -> memref<10000x128xf32, #tpu.memory_space<hbm>>
      tpu.enqueue_indirect_dma source(%dma_start3A_223 : memref<10000x128xf32, #tpu.memory_space<hbm>>) target(%arg15 : memref<160x128xf32, #tpu.memory_space<vmem>>) offsets(%arg7 : memref<160xi32, #tpu.memory_space<vmem>>) semaphore(%arg18 : memref<!tpu.dma_semaphore, #tpu.memory_space<semaphore_mem>>)
      %dma_start3A_224 = arith.constant 0 : i32
      %dma_start3A_225 = arith.constant 0 : i32
      %dma_start3A_226 = tpu.memref_slice %arg17[%dma_start3A_224, %dma_start3A_225] : memref<10000x128xf32, #tpu.memory_space<vmem_shared>> -> memref<10000x128xf32, #tpu.memory_space<vmem_shared>>
      tpu.enqueue_indirect_dma source(%arg16 : memref<160x128xf32, #tpu.memory_space<vmem>>) target(%dma_start3A_226 : memref<10000x128xf32, #tpu.memory_space<vmem_shared>>) offsets(%arg14 : memref<160xi32, #tpu.memory_space<vmem>>) semaphore(%arg21 : memref<!tpu.dma_semaphore, #tpu.memory_space<semaphore_mem>>) {add = true}
    }
    %scan3A_43 = arith.constant 15 : i32
    %dma_wait3A_44 = arith.constant 0 : i32
    %dma_wait3A_45 = arith.constant 0 : i32
    %dma_wait3A_46 = tpu.memref_slice %arg2[%dma_wait3A_44, %dma_wait3A_45] : memref<10000x128xf32, #tpu.memory_space<hbm>> -> memref<10000x128xf32, #tpu.memory_space<hbm>>
    tpu.wait_indirect_dma semaphore(%arg18 : memref<!tpu.dma_semaphore, #tpu.memory_space<semaphore_mem>>) src(%dma_wait3A_46 : memref<10000x128xf32, #tpu.memory_space<hbm>>) dst(%arg15 : memref<160x128xf32, #tpu.memory_space<vmem>>)
    %dma_wait3A_47 = arith.constant 0 : i32
    %dma_wait3A_48 = arith.constant 0 : i32
    %dma_wait3A_49 = tpu.memref_slice %arg17[%dma_wait3A_47, %dma_wait3A_48] : memref<10000x128xf32, #tpu.memory_space<vmem_shared>> -> memref<10000x128xf32, #tpu.memory_space<vmem_shared>>
    tpu.wait_indirect_dma semaphore(%arg21 : memref<!tpu.dma_semaphore, #tpu.memory_space<semaphore_mem>>) src(%arg16 : memref<160x128xf32, #tpu.memory_space<vmem>>) dst(%dma_wait3A_49 : memref<10000x128xf32, #tpu.memory_space<vmem_shared>>)
    %add3A_50 = arith.constant 61 : i32
    %add3A_51 = arith.addi %mul3A_4, %add3A_50 : i32
    %mul3A_52 = arith.constant 160 : i32
    %mul3A_53 = arith.muli %add3A_51, %mul3A_52 : i32
    %dma_wait3A_54 = tpu.memref_slice %arg3[%mul3A_53] : memref<320000xi32, #tpu.memory_space<hbm>> -> memref<160xi32, #tpu.memory_space<hbm>>
    %dma_wait3A_55 = tpu.memref_slice %arg3[%mul3A_53] : memref<320000xi32, #tpu.memory_space<hbm>> -> memref<160xi32, #tpu.memory_space<hbm>>
    tpu.wait_dma2 semaphore(%arg23 : memref<!tpu.dma_semaphore, #tpu.memory_space<semaphore_mem>>) src(%dma_wait3A_55 : memref<160xi32, #tpu.memory_space<hbm>>) dst(%arg8 : memref<160xi32, #tpu.memory_space<vmem>>)
    %dma_wait3A_56 = tpu.memref_slice %arg4[%mul3A_53] : memref<320000xi32, #tpu.memory_space<hbm>> -> memref<160xi32, #tpu.memory_space<hbm>>
    %dma_wait3A_57 = tpu.memref_slice %arg4[%mul3A_53] : memref<320000xi32, #tpu.memory_space<hbm>> -> memref<160xi32, #tpu.memory_space<hbm>>
    tpu.wait_dma2 semaphore(%arg23 : memref<!tpu.dma_semaphore, #tpu.memory_space<semaphore_mem>>) src(%dma_wait3A_57 : memref<160xi32, #tpu.memory_space<hbm>>) dst(%arg12 : memref<160xi32, #tpu.memory_space<vmem>>)
    %dma_start3A_58 = arith.constant 0 : i32
    %dma_start3A_59 = arith.constant 0 : i32
    %dma_start3A_60 = tpu.memref_slice %arg2[%dma_start3A_58, %dma_start3A_59] : memref<10000x128xf32, #tpu.memory_space<hbm>> -> memref<10000x128xf32, #tpu.memory_space<hbm>>
    tpu.enqueue_indirect_dma source(%dma_start3A_60 : memref<10000x128xf32, #tpu.memory_space<hbm>>) target(%arg16 : memref<160x128xf32, #tpu.memory_space<vmem>>) offsets(%arg8 : memref<160xi32, #tpu.memory_space<vmem>>) semaphore(%arg19 : memref<!tpu.dma_semaphore, #tpu.memory_space<semaphore_mem>>)
    %dma_start3A_61 = arith.constant 0 : i32
    %dma_start3A_62 = arith.constant 0 : i32
    %dma_start3A_63 = tpu.memref_slice %arg17[%dma_start3A_61, %dma_start3A_62] : memref<10000x128xf32, #tpu.memory_space<vmem_shared>> -> memref<10000x128xf32, #tpu.memory_space<vmem_shared>>
    tpu.enqueue_indirect_dma source(%arg15 : memref<160x128xf32, #tpu.memory_space<vmem>>) target(%dma_start3A_63 : memref<10000x128xf32, #tpu.memory_space<vmem_shared>>) offsets(%arg11 : memref<160xi32, #tpu.memory_space<vmem>>) semaphore(%arg20 : memref<!tpu.dma_semaphore, #tpu.memory_space<semaphore_mem>>) {add = true}
    %dma_wait3A_64 = arith.constant 0 : i32
    %dma_wait3A_65 = arith.constant 0 : i32
    %dma_wait3A_66 = tpu.memref_slice %arg2[%dma_wait3A_64, %dma_wait3A_65] : memref<10000x128xf32, #tpu.memory_space<hbm>> -> memref<10000x128xf32, #tpu.memory_space<hbm>>
    tpu.wait_indirect_dma semaphore(%arg19 : memref<!tpu.dma_semaphore, #tpu.memory_space<semaphore_mem>>) src(%dma_wait3A_66 : memref<10000x128xf32, #tpu.memory_space<hbm>>) dst(%arg16 : memref<160x128xf32, #tpu.memory_space<vmem>>)
    %dma_wait3A_67 = arith.constant 0 : i32
    %dma_wait3A_68 = arith.constant 0 : i32
    %dma_wait3A_69 = tpu.memref_slice %arg17[%dma_wait3A_67, %dma_wait3A_68] : memref<10000x128xf32, #tpu.memory_space<vmem_shared>> -> memref<10000x128xf32, #tpu.memory_space<vmem_shared>>
    tpu.wait_indirect_dma semaphore(%arg20 : memref<!tpu.dma_semaphore, #tpu.memory_space<semaphore_mem>>) src(%arg15 : memref<160x128xf32, #tpu.memory_space<vmem>>) dst(%dma_wait3A_69 : memref<10000x128xf32, #tpu.memory_space<vmem_shared>>)
    %dma_start3A_70 = arith.constant 0 : i32
    %dma_start3A_71 = arith.constant 0 : i32
    %dma_start3A_72 = tpu.memref_slice %arg17[%dma_start3A_70, %dma_start3A_71] : memref<10000x128xf32, #tpu.memory_space<vmem_shared>> -> memref<10000x128xf32, #tpu.memory_space<vmem_shared>>
    tpu.enqueue_indirect_dma source(%arg16 : memref<160x128xf32, #tpu.memory_space<vmem>>) target(%dma_start3A_72 : memref<10000x128xf32, #tpu.memory_space<vmem_shared>>) offsets(%arg12 : memref<160xi32, #tpu.memory_space<vmem>>) semaphore(%arg21 : memref<!tpu.dma_semaphore, #tpu.memory_space<semaphore_mem>>) {add = true}
    %dma_wait3A_73 = arith.constant 0 : i32
    %dma_wait3A_74 = arith.constant 0 : i32
    %dma_wait3A_75 = tpu.memref_slice %arg17[%dma_wait3A_73, %dma_wait3A_74] : memref<10000x128xf32, #tpu.memory_space<vmem_shared>> -> memref<10000x128xf32, #tpu.memory_space<vmem_shared>>
    tpu.wait_indirect_dma semaphore(%arg21 : memref<!tpu.dma_semaphore, #tpu.memory_space<semaphore_mem>>) src(%arg16 : memref<160x128xf32, #tpu.memory_space<vmem>>) dst(%dma_wait3A_75 : memref<10000x128xf32, #tpu.memory_space<vmem_shared>>)
    %lt3A = arith.constant 16 : i32
    %lt3A_76 = arith.cmpi slt, %add3A, %lt3A : i32
    %convert_element_type3A_77 = arith.extui %lt3A_76 : i1 to i32
    %cond3A_78 = arith.constant 0 : i32
    %cond3A_79 = arith.cmpi ne, %convert_element_type3A_77, %cond3A_78 : i32
    scf.if %cond3A_79 {
      %add3A_89 = arith.constant 1984 : i32
      %add3A_90 = arith.addi %add3A_89, %add3A : i32
      %mul3A_91 = arith.constant 160 : i32
      %mul3A_92 = arith.muli %add3A_90, %mul3A_91 : i32
      "tpu.region"() ({
        %run_scoped3A = tpu.sem_alloc : memref<!tpu.dma_semaphore, #tpu.memory_space<semaphore_mem>>
        %dma_start3A_99 = tpu.memref_slice %arg3[%mul3A_92] : memref<320000xi32, #tpu.memory_space<hbm>> -> memref<160xi32, #tpu.memory_space<hbm>>
        %dma_start3A_100 = tpu.memref_slice %arg3[%mul3A_92] : memref<320000xi32, #tpu.memory_space<hbm>> -> memref<160xi32, #tpu.memory_space<hbm>>
        tpu.enqueue_dma source(%dma_start3A_100 : memref<160xi32, #tpu.memory_space<hbm>>) target(%arg7 : memref<160xi32, #tpu.memory_space<vmem>>) target_semaphore(%run_scoped3A : memref<!tpu.dma_semaphore, #tpu.memory_space<semaphore_mem>>)
        %dma_wait3A_101 = tpu.memref_slice %arg3[%mul3A_92] : memref<320000xi32, #tpu.memory_space<hbm>> -> memref<160xi32, #tpu.memory_space<hbm>>
        %dma_wait3A_102 = tpu.memref_slice %arg3[%mul3A_92] : memref<320000xi32, #tpu.memory_space<hbm>> -> memref<160xi32, #tpu.memory_space<hbm>>
        tpu.wait_dma2 semaphore(%run_scoped3A : memref<!tpu.dma_semaphore, #tpu.memory_space<semaphore_mem>>) src(%dma_wait3A_102 : memref<160xi32, #tpu.memory_space<hbm>>) dst(%arg7 : memref<160xi32, #tpu.memory_space<vmem>>)
        tpu.yield
      }) : () -> ()
      "tpu.region"() ({
        %run_scoped3A = tpu.sem_alloc : memref<!tpu.dma_semaphore, #tpu.memory_space<semaphore_mem>>
        %dma_start3A_99 = tpu.memref_slice %arg4[%mul3A_92] : memref<320000xi32, #tpu.memory_space<hbm>> -> memref<160xi32, #tpu.memory_space<hbm>>
        %dma_start3A_100 = tpu.memref_slice %arg4[%mul3A_92] : memref<320000xi32, #tpu.memory_space<hbm>> -> memref<160xi32, #tpu.memory_space<hbm>>
        tpu.enqueue_dma source(%dma_start3A_100 : memref<160xi32, #tpu.memory_space<hbm>>) target(%arg11 : memref<160xi32, #tpu.memory_space<vmem>>) target_semaphore(%run_scoped3A : memref<!tpu.dma_semaphore, #tpu.memory_space<semaphore_mem>>)
        %dma_wait3A_101 = tpu.memref_slice %arg4[%mul3A_92] : memref<320000xi32, #tpu.memory_space<hbm>> -> memref<160xi32, #tpu.memory_space<hbm>>
        %dma_wait3A_102 = tpu.memref_slice %arg4[%mul3A_92] : memref<320000xi32, #tpu.memory_space<hbm>> -> memref<160xi32, #tpu.memory_space<hbm>>
        tpu.wait_dma2 semaphore(%run_scoped3A : memref<!tpu.dma_semaphore, #tpu.memory_space<semaphore_mem>>) src(%dma_wait3A_102 : memref<160xi32, #tpu.memory_space<hbm>>) dst(%arg11 : memref<160xi32, #tpu.memory_space<vmem>>)
        tpu.yield
      }) : () -> ()
      %dma_start3A_93 = arith.constant 0 : i32
      %dma_start3A_94 = arith.constant 0 : i32
      %dma_start3A_95 = tpu.memref_slice %arg2[%dma_start3A_93, %dma_start3A_94] : memref<10000x128xf32, #tpu.memory_space<hbm>> -> memref<10000x128xf32, #tpu.memory_space<hbm>>
      tpu.enqueue_indirect_dma source(%dma_start3A_95 : memref<10000x128xf32, #tpu.memory_space<hbm>>) target(%arg15 : memref<160x128xf32, #tpu.memory_space<vmem>>) offsets(%arg7 : memref<160xi32, #tpu.memory_space<vmem>>) semaphore(%arg18 : memref<!tpu.dma_semaphore, #tpu.memory_space<semaphore_mem>>)
      %dma_wait3A_96 = arith.constant 0 : i32
      %dma_wait3A_97 = arith.constant 0 : i32
      %dma_wait3A_98 = tpu.memref_slice %arg2[%dma_wait3A_96, %dma_wait3A_97] : memref<10000x128xf32, #tpu.memory_space<hbm>> -> memref<10000x128xf32, #tpu.memory_space<hbm>>
      tpu.wait_indirect_dma semaphore(%arg18 : memref<!tpu.dma_semaphore, #tpu.memory_space<semaphore_mem>>) src(%dma_wait3A_98 : memref<10000x128xf32, #tpu.memory_space<hbm>>) dst(%arg15 : memref<160x128xf32, #tpu.memory_space<vmem>>)
      "tpu.region"() ({
        %run_scoped3A = tpu.sem_alloc : memref<!tpu.dma_semaphore, #tpu.memory_space<semaphore_mem>>
        %dma_start3A_99 = arith.constant 0 : i32
        %dma_start3A_100 = arith.constant 0 : i32
        %dma_start3A_101 = tpu.memref_slice %arg17[%dma_start3A_99, %dma_start3A_100] : memref<10000x128xf32, #tpu.memory_space<vmem_shared>> -> memref<10000x128xf32, #tpu.memory_space<vmem_shared>>
        tpu.enqueue_indirect_dma source(%arg15 : memref<160x128xf32, #tpu.memory_space<vmem>>) target(%dma_start3A_101 : memref<10000x128xf32, #tpu.memory_space<vmem_shared>>) offsets(%arg11 : memref<160xi32, #tpu.memory_space<vmem>>) semaphore(%run_scoped3A : memref<!tpu.dma_semaphore, #tpu.memory_space<semaphore_mem>>) {add = true}
        %dma_wait3A_102 = arith.constant 0 : i32
        %dma_wait3A_103 = arith.constant 0 : i32
        %dma_wait3A_104 = tpu.memref_slice %arg17[%dma_wait3A_102, %dma_wait3A_103] : memref<10000x128xf32, #tpu.memory_space<vmem_shared>> -> memref<10000x128xf32, #tpu.memory_space<vmem_shared>>
        tpu.wait_indirect_dma semaphore(%run_scoped3A : memref<!tpu.dma_semaphore, #tpu.memory_space<semaphore_mem>>) src(%arg15 : memref<160x128xf32, #tpu.memory_space<vmem>>) dst(%dma_wait3A_104 : memref<10000x128xf32, #tpu.memory_space<vmem_shared>>)
        tpu.yield
      }) : () -> ()
    } else {
    }
    %barrier3A_80 = arith.constant 0 : index
    tpu.barrier barrier_id(%barrier3A_80)
    %mul3A_81 = arith.constant 10000 : i32
    %mul3A_82 = arith.muli %arg0, %mul3A_81 : i32
    %add3A_83 = arith.addi %mul3A_82, %mul3A_2 : i32
    "tpu.region"() ({
      %run_scoped3A = tpu.sem_alloc : memref<!tpu.dma_semaphore, #tpu.memory_space<semaphore_mem>>
      %dma_start3A_89 = arith.constant 0 : i32
      %dma_start3A_90 = tpu.memref_slice %arg6[%add3A_83, %dma_start3A_89] : memref<20000x128xf32, #tpu.memory_space<hbm>> -> memref<624x128xf32, #tpu.memory_space<hbm>>
      %dma_start3A_91 = arith.constant 0 : i32
      %dma_start3A_92 = tpu.memref_slice %arg17[%mul3A_2, %dma_start3A_91] : memref<10000x128xf32, #tpu.memory_space<vmem_shared>> -> memref<624x128xf32, #tpu.memory_space<vmem_shared>>
      tpu.enqueue_dma source(%dma_start3A_92 : memref<624x128xf32, #tpu.memory_space<vmem_shared>>) target(%dma_start3A_90 : memref<624x128xf32, #tpu.memory_space<hbm>>) target_semaphore(%run_scoped3A : memref<!tpu.dma_semaphore, #tpu.memory_space<semaphore_mem>>)
      %dma_wait3A_93 = arith.constant 0 : i32
      %dma_wait3A_94 = tpu.memref_slice %arg6[%add3A_83, %dma_wait3A_93] : memref<20000x128xf32, #tpu.memory_space<hbm>> -> memref<624x128xf32, #tpu.memory_space<hbm>>
      %dma_wait3A_95 = arith.constant 0 : i32
      %dma_wait3A_96 = tpu.memref_slice %arg17[%mul3A_2, %dma_wait3A_95] : memref<10000x128xf32, #tpu.memory_space<vmem_shared>> -> memref<624x128xf32, #tpu.memory_space<vmem_shared>>
      tpu.wait_dma2 semaphore(%run_scoped3A : memref<!tpu.dma_semaphore, #tpu.memory_space<semaphore_mem>>) src(%dma_wait3A_96 : memref<624x128xf32, #tpu.memory_space<vmem_shared>>) dst(%dma_wait3A_94 : memref<624x128xf32, #tpu.memory_space<hbm>>)
      tpu.yield
    }) : () -> ()
    %eq3A_84 = arith.constant 15 : i32
    %eq3A_85 = arith.cmpi eq, %arg1, %eq3A_84 : i32
    %convert_element_type3A_86 = arith.extui %eq3A_85 : i1 to i32
    %cond3A_87 = arith.constant 0 : i32
    %cond3A_88 = arith.cmpi ne, %convert_element_type3A_86, %cond3A_87 : i32
    scf.if %cond3A_88 {
      %mul3A_89 = arith.constant 10000 : i32
      %mul3A_90 = arith.muli %arg0, %mul3A_89 : i32
      %add3A_91 = arith.constant 9984 : i32
      %add3A_92 = arith.addi %mul3A_90, %add3A_91 : i32
      "tpu.region"() ({
        %run_scoped3A = tpu.sem_alloc : memref<!tpu.dma_semaphore, #tpu.memory_space<semaphore_mem>>
        %dma_start3A_93 = arith.constant 0 : i32
        %dma_start3A_94 = tpu.memref_slice %arg6[%add3A_92, %dma_start3A_93] : memref<20000x128xf32, #tpu.memory_space<hbm>> -> memref<16x128xf32, #tpu.memory_space<hbm>>
        %dma_start3A_95 = arith.constant 9984 : i32
        %dma_start3A_96 = arith.constant 0 : i32
        %dma_start3A_97 = tpu.memref_slice %arg17[%dma_start3A_95, %dma_start3A_96] : memref<10000x128xf32, #tpu.memory_space<vmem_shared>> -> memref<16x128xf32, #tpu.memory_space<vmem_shared>>
        tpu.enqueue_dma source(%dma_start3A_97 : memref<16x128xf32, #tpu.memory_space<vmem_shared>>) target(%dma_start3A_94 : memref<16x128xf32, #tpu.memory_space<hbm>>) target_semaphore(%run_scoped3A : memref<!tpu.dma_semaphore, #tpu.memory_space<semaphore_mem>>)
        %dma_wait3A_98 = arith.constant 0 : i32
        %dma_wait3A_99 = tpu.memref_slice %arg6[%add3A_92, %dma_wait3A_98] : memref<20000x128xf32, #tpu.memory_space<hbm>> -> memref<16x128xf32, #tpu.memory_space<hbm>>
        %dma_wait3A_100 = arith.constant 9984 : i32
        %dma_wait3A_101 = arith.constant 0 : i32
        %dma_wait3A_102 = tpu.memref_slice %arg17[%dma_wait3A_100, %dma_wait3A_101] : memref<10000x128xf32, #tpu.memory_space<vmem_shared>> -> memref<16x128xf32, #tpu.memory_space<vmem_shared>>
        tpu.wait_dma2 semaphore(%run_scoped3A : memref<!tpu.dma_semaphore, #tpu.memory_space<semaphore_mem>>) src(%dma_wait3A_102 : memref<16x128xf32, #tpu.memory_space<vmem_shared>>) dst(%dma_wait3A_99 : memref<16x128xf32, #tpu.memory_space<hbm>>)
        tpu.yield
      }) : () -> ()
    } else {
    }
    return
  }
}

#map = affine_map<(d0, d1) -> (0)>
#map1 = affine_map<(d0, d1) -> (0, 0)>
module attributes {stable_mosaic.version = 14 : i64} {
  func.func @edge_counts(%arg0: i32, %arg1: i32, %arg2: memref<320000xi32, #tpu.memory_space<hbm>>, %arg3: memref<640x128xf32, #tpu.memory_space<hbm>>, %arg4: memref<2560x128xf32, #tpu.memory_space<hbm>>, %arg5: memref<10000xi32, #tpu.memory_space<vmem>>, %arg6: memref<80x128xf32, #tpu.memory_space<vmem>>) attributes {dimension_semantics = [#tpu.dimension_semantics<core_parallel>, #tpu.dimension_semantics<subcore_parallel>], iteration_bounds = array<i64: 2, 16>, scalar_prefetch = 0 : i64, scratch_operands = 2 : i64, tpu.core_type = #tpu.core_type<sc_vector_subcore>, window_params = [{transform_indices = #map}, {transform_indices = #map1}, {transform_indices = #map1}]} {
    %mul3A = arith.constant 16 : i32
    %mul3A_0 = arith.muli %arg0, %mul3A : i32
    %add3A = arith.addi %mul3A_0, %arg1 : i32
    "tpu.region"() ({
      %run_scoped3A = tpu.sem_alloc : memref<!tpu.dma_semaphore, #tpu.memory_space<semaphore_mem>>
      %dma_start3A = arith.constant 0 : i32
      %dma_start3A_10 = arith.constant 0 : i32
      %dma_start3A_11 = tpu.memref_slice %arg3[%dma_start3A, %dma_start3A_10] : memref<640x128xf32, #tpu.memory_space<hbm>> -> memref<80x128xf32, #tpu.memory_space<hbm>>
      %dma_start3A_12 = arith.constant 0 : i32
      %dma_start3A_13 = arith.constant 0 : i32
      %dma_start3A_14 = tpu.memref_slice %arg3[%dma_start3A_12, %dma_start3A_13] : memref<640x128xf32, #tpu.memory_space<hbm>> -> memref<80x128xf32, #tpu.memory_space<hbm>>
      tpu.enqueue_dma source(%dma_start3A_14 : memref<80x128xf32, #tpu.memory_space<hbm>>) target(%arg6 : memref<80x128xf32, #tpu.memory_space<vmem>>) target_semaphore(%run_scoped3A : memref<!tpu.dma_semaphore, #tpu.memory_space<semaphore_mem>>)
      %dma_wait3A = arith.constant 0 : i32
      %dma_wait3A_15 = arith.constant 0 : i32
      %dma_wait3A_16 = tpu.memref_slice %arg3[%dma_wait3A, %dma_wait3A_15] : memref<640x128xf32, #tpu.memory_space<hbm>> -> memref<80x128xf32, #tpu.memory_space<hbm>>
      %dma_wait3A_17 = arith.constant 0 : i32
      %dma_wait3A_18 = arith.constant 0 : i32
      %dma_wait3A_19 = tpu.memref_slice %arg3[%dma_wait3A_17, %dma_wait3A_18] : memref<640x128xf32, #tpu.memory_space<hbm>> -> memref<80x128xf32, #tpu.memory_space<hbm>>
      tpu.wait_dma2 semaphore(%run_scoped3A : memref<!tpu.dma_semaphore, #tpu.memory_space<semaphore_mem>>) src(%dma_wait3A_19 : memref<80x128xf32, #tpu.memory_space<hbm>>) dst(%arg6 : memref<80x128xf32, #tpu.memory_space<vmem>>)
      tpu.yield
    }) : () -> ()
    %mul3A_1 = arith.constant 10000 : i32
    %mul3A_2 = arith.muli %add3A, %mul3A_1 : i32
    "tpu.region"() ({
      %run_scoped3A = tpu.sem_alloc : memref<!tpu.dma_semaphore, #tpu.memory_space<semaphore_mem>>
      %dma_start3A = tpu.memref_slice %arg2[%mul3A_2] : memref<320000xi32, #tpu.memory_space<hbm>> -> memref<10000xi32, #tpu.memory_space<hbm>>
      %dma_start3A_10 = tpu.memref_slice %arg2[%mul3A_2] : memref<320000xi32, #tpu.memory_space<hbm>> -> memref<10000xi32, #tpu.memory_space<hbm>>
      tpu.enqueue_dma source(%dma_start3A_10 : memref<10000xi32, #tpu.memory_space<hbm>>) target(%arg5 : memref<10000xi32, #tpu.memory_space<vmem>>) target_semaphore(%run_scoped3A : memref<!tpu.dma_semaphore, #tpu.memory_space<semaphore_mem>>)
      %dma_wait3A = tpu.memref_slice %arg2[%mul3A_2] : memref<320000xi32, #tpu.memory_space<hbm>> -> memref<10000xi32, #tpu.memory_space<hbm>>
      %dma_wait3A_11 = tpu.memref_slice %arg2[%mul3A_2] : memref<320000xi32, #tpu.memory_space<hbm>> -> memref<10000xi32, #tpu.memory_space<hbm>>
      tpu.wait_dma2 semaphore(%run_scoped3A : memref<!tpu.dma_semaphore, #tpu.memory_space<semaphore_mem>>) src(%dma_wait3A_11 : memref<10000xi32, #tpu.memory_space<hbm>>) dst(%arg5 : memref<10000xi32, #tpu.memory_space<vmem>>)
      tpu.yield
    }) : () -> ()
    %broadcast_in_dim3A = arith.constant 1.000000e+00 : f32
    %broadcast_in_dim3A_3 = vector.broadcast %broadcast_in_dim3A : f32 to vector<16xf32>
    %scan3A = arith.constant 0 : i32
    %scan3A_4 = arith.constant 625 : i32
    %scan3A_5 = arith.addi %scan3A, %scan3A_4 : i32
    %scan3A_6 = arith.constant 1 : i32
    scf.for %scan3A_10 = %scan3A to %scan3A_5 step %scan3A_6  : i32 {
      %mul3A_11 = arith.constant 1 : i32
      %mul3A_12 = arith.muli %scan3A_10, %mul3A_11 : i32
      %add3A_13 = arith.constant 0 : i32
      %add3A_14 = arith.addi %add3A_13, %mul3A_12 : i32
      %mul3A_15 = arith.constant 16 : i32
      %mul3A_16 = arith.muli %add3A_14, %mul3A_15 : i32
      %get3A = arith.index_cast %mul3A_16 : i32 to index
      %get3A_17 = tpu.vector_load %arg5[%get3A] {strides = array<i32>} : memref<10000xi32, #tpu.memory_space<vmem>>, vector<16xi32>,
      %shift_right_logical3A = arith.constant 7 : i32
      %shift_right_logical3A_18 = vector.broadcast %shift_right_logical3A : i32 to vector<16xi32>
      %shift_right_logical3A_19 = arith.shrui %get3A_17, %shift_right_logical3A_18 : vector<16xi32>
      %and3A = arith.constant 127 : i32
      %and3A_20 = vector.broadcast %and3A : i32 to vector<16xi32>
      %and3A_21 = arith.andi %get3A_17, %and3A_20 : vector<16xi32>
      tpu.vector_store_idx %arg6[%shift_right_logical3A_19, %and3A_21], %broadcast_in_dim3A_3 {add = true} : memref<80x128xf32, #tpu.memory_space<vmem>>[vector<16xi32>, vector<16xi32>], vector<16xf32>,
    }
    %scan3A_7 = arith.constant 625 : i32
    %mul3A_8 = arith.constant 80 : i32
    %mul3A_9 = arith.muli %add3A, %mul3A_8 : i32
    "tpu.region"() ({
      %run_scoped3A = tpu.sem_alloc : memref<!tpu.dma_semaphore, #tpu.memory_space<semaphore_mem>>
      %dma_start3A = arith.constant 0 : i32
      %dma_start3A_10 = tpu.memref_slice %arg4[%mul3A_9, %dma_start3A] : memref<2560x128xf32, #tpu.memory_space<hbm>> -> memref<80x128xf32, #tpu.memory_space<hbm>>
      %dma_start3A_11 = arith.constant 0 : i32
      %dma_start3A_12 = tpu.memref_slice %arg4[%mul3A_9, %dma_start3A_11] : memref<2560x128xf32, #tpu.memory_space<hbm>> -> memref<80x128xf32, #tpu.memory_space<hbm>>
      tpu.enqueue_dma source(%arg6 : memref<80x128xf32, #tpu.memory_space<vmem>>) target(%dma_start3A_12 : memref<80x128xf32, #tpu.memory_space<hbm>>) target_semaphore(%run_scoped3A : memref<!tpu.dma_semaphore, #tpu.memory_space<semaphore_mem>>)
      %dma_wait3A = arith.constant 0 : i32
      %dma_wait3A_13 = tpu.memref_slice %arg4[%mul3A_9, %dma_wait3A] : memref<2560x128xf32, #tpu.memory_space<hbm>> -> memref<80x128xf32, #tpu.memory_space<hbm>>
      %dma_wait3A_14 = arith.constant 0 : i32
      %dma_wait3A_15 = tpu.memref_slice %arg4[%mul3A_9, %dma_wait3A_14] : memref<2560x128xf32, #tpu.memory_space<hbm>> -> memref<80x128xf32, #tpu.memory_space<hbm>>
      tpu.wait_dma2 semaphore(%run_scoped3A : memref<!tpu.dma_semaphore, #tpu.memory_space<semaphore_mem>>) src(%arg6 : memref<80x128xf32, #tpu.memory_space<vmem>>) dst(%dma_wait3A_15 : memref<80x128xf32, #tpu.memory_space<hbm>>)
      tpu.yield
    }) : () -> ()
    return
  }
}

#map = affine_map<(d0, d1) -> (0, 0)>
#map1 = affine_map<(d0, d1) -> (0)>
module attributes {stable_mosaic.version = 14 : i64} {
  func.func @seg_sum(%arg0: i32, %arg1: i32, %arg2: memref<10000x128xf32, #tpu.memory_space<hbm>>, %arg3: memref<320000xi32, #tpu.memory_space<hbm>>, %arg4: memref<320000xi32, #tpu.memory_space<hbm>>, %arg5: memref<640x128xf32, #tpu.memory_space<hbm>>, %arg6: memref<20000x128xf32, #tpu.memory_space<hbm>>, %arg7: memref<160xi32, #tpu.memory_space<vmem>>, %arg8: memref<160xi32, #tpu.memory_space<vmem>>, %arg9: memref<160xi32, #tpu.memory_space<vmem>>, %arg10: memref<160xi32, #tpu.memory_space<vmem>>, %arg11: memref<160xi32, #tpu.memory_space<vmem>>, %arg12: memref<160xi32, #tpu.memory_space<vmem>>, %arg13: memref<160xi32, #tpu.memory_space<vmem>>, %arg14: memref<160xi32, #tpu.memory_space<vmem>>, %arg15: memref<160x128xf32, #tpu.memory_space<vmem>>, %arg16: memref<160x128xf32, #tpu.memory_space<vmem>>, %arg17: memref<10000x128xf32, #tpu.memory_space<vmem_shared>>, %arg18: memref<!tpu.dma_semaphore, #tpu.memory_space<semaphore_mem>>, %arg19: memref<!tpu.dma_semaphore, #tpu.memory_space<semaphore_mem>>, %arg20: memref<!tpu.dma_semaphore, #tpu.memory_space<semaphore_mem>>, %arg21: memref<!tpu.dma_semaphore, #tpu.memory_space<semaphore_mem>>, %arg22: memref<!tpu.dma_semaphore, #tpu.memory_space<semaphore_mem>>, %arg23: memref<!tpu.dma_semaphore, #tpu.memory_space<semaphore_mem>>, %arg24: memref<!tpu.dma_semaphore, #tpu.memory_space<semaphore_mem>>, %arg25: memref<!tpu.dma_semaphore, #tpu.memory_space<semaphore_mem>>) attributes {dimension_semantics = [#tpu.dimension_semantics<core_parallel>, #tpu.dimension_semantics<subcore_parallel>], iteration_bounds = array<i64: 2, 16>, scalar_prefetch = 0 : i64, scratch_operands = 19 : i64, tpu.core_type = #tpu.core_type<sc_vector_subcore>, window_params = [{transform_indices = #map}, {transform_indices = #map1}, {transform_indices = #map1}, {transform_indices = #map}, {transform_indices = #map}]} {
    %mul3A = arith.constant 16 : i32
    %mul3A_0 = arith.muli %arg0, %mul3A : i32
    %add3A = arith.addi %mul3A_0, %arg1 : i32
    %mul3A_1 = arith.constant 624 : i32
    %mul3A_2 = arith.muli %arg1, %mul3A_1 : i32
    %mul3A_3 = arith.constant 62 : i32
    %mul3A_4 = arith.muli %add3A, %mul3A_3 : i32
    %add3A_5 = arith.constant 0 : i32
    %add3A_6 = arith.addi %mul3A_4, %add3A_5 : i32
    %mul3A_7 = arith.constant 160 : i32
    %mul3A_8 = arith.muli %add3A_6, %mul3A_7 : i32
    %dma_start3A = tpu.memref_slice %arg3[%mul3A_8] : memref<320000xi32, #tpu.memory_space<hbm>> -> memref<160xi32, #tpu.memory_space<hbm>>
    %dma_start3A_9 = tpu.memref_slice %arg3[%mul3A_8] : memref<320000xi32, #tpu.memory_space<hbm>> -> memref<160xi32, #tpu.memory_space<hbm>>
    tpu.enqueue_dma source(%dma_start3A_9 : memref<160xi32, #tpu.memory_space<hbm>>) target(%arg7 : memref<160xi32, #tpu.memory_space<vmem>>) target_semaphore(%arg22 : memref<!tpu.dma_semaphore, #tpu.memory_space<semaphore_mem>>)
    %dma_start3A_10 = tpu.memref_slice %arg4[%mul3A_8] : memref<320000xi32, #tpu.memory_space<hbm>> -> memref<160xi32, #tpu.memory_space<hbm>>
    %dma_start3A_11 = tpu.memref_slice %arg4[%mul3A_8] : memref<320000xi32, #tpu.memory_space<hbm>> -> memref<160xi32, #tpu.memory_space<hbm>>
    tpu.enqueue_dma source(%dma_start3A_11 : memref<160xi32, #tpu.memory_space<hbm>>) target(%arg11 : memref<160xi32, #tpu.memory_space<vmem>>) target_semaphore(%arg22 : memref<!tpu.dma_semaphore, #tpu.memory_space<semaphore_mem>>)
    %add3A_12 = arith.constant 1 : i32
    %add3A_13 = arith.addi %mul3A_4, %add3A_12 : i32
    %mul3A_14 = arith.constant 160 : i32
    %mul3A_15 = arith.muli %add3A_13, %mul3A_14 : i32
    %dma_start3A_16 = tpu.memref_slice %arg3[%mul3A_15] : memref<320000xi32, #tpu.memory_space<hbm>> -> memref<160xi32, #tpu.memory_space<hbm>>
    %dma_start3A_17 = tpu.memref_slice %arg3[%mul3A_15] : memref<320000xi32, #tpu.memory_space<hbm>> -> memref<160xi32, #tpu.memory_space<hbm>>
    tpu.enqueue_dma source(%dma_start3A_17 : memref<160xi32, #tpu.memory_space<hbm>>) target(%arg8 : memref<160xi32, #tpu.memory_space<vmem>>) target_semaphore(%arg23 : memref<!tpu.dma_semaphore, #tpu.memory_space<semaphore_mem>>)
    %dma_start3A_18 = tpu.memref_slice %arg4[%mul3A_15] : memref<320000xi32, #tpu.memory_space<hbm>> -> memref<160xi32, #tpu.memory_space<hbm>>
    %dma_start3A_19 = tpu.memref_slice %arg4[%mul3A_15] : memref<320000xi32, #tpu.memory_space<hbm>> -> memref<160xi32, #tpu.memory_space<hbm>>
    tpu.enqueue_dma source(%dma_start3A_19 : memref<160xi32, #tpu.memory_space<hbm>>) target(%arg12 : memref<160xi32, #tpu.memory_space<vmem>>) target_semaphore(%arg23 : memref<!tpu.dma_semaphore, #tpu.memory_space<semaphore_mem>>)
    %add3A_20 = arith.constant 2 : i32
    %add3A_21 = arith.addi %mul3A_4, %add3A_20 : i32
    %mul3A_22 = arith.constant 160 : i32
    %mul3A_23 = arith.muli %add3A_21, %mul3A_22 : i32
    %dma_start3A_24 = tpu.memref_slice %arg3[%mul3A_23] : memref<320000xi32, #tpu.memory_space<hbm>> -> memref<160xi32, #tpu.memory_space<hbm>>
    %dma_start3A_25 = tpu.memref_slice %arg3[%mul3A_23] : memref<320000xi32, #tpu.memory_space<hbm>> -> memref<160xi32, #tpu.memory_space<hbm>>
    tpu.enqueue_dma source(%dma_start3A_25 : memref<160xi32, #tpu.memory_space<hbm>>) target(%arg9 : memref<160xi32, #tpu.memory_space<vmem>>) target_semaphore(%arg24 : memref<!tpu.dma_semaphore, #tpu.memory_space<semaphore_mem>>)
    %dma_start3A_26 = tpu.memref_slice %arg4[%mul3A_23] : memref<320000xi32, #tpu.memory_space<hbm>> -> memref<160xi32, #tpu.memory_space<hbm>>
    %dma_start3A_27 = tpu.memref_slice %arg4[%mul3A_23] : memref<320000xi32, #tpu.memory_space<hbm>> -> memref<160xi32, #tpu.memory_space<hbm>>
    tpu.enqueue_dma source(%dma_start3A_27 : memref<160xi32, #tpu.memory_space<hbm>>) target(%arg13 : memref<160xi32, #tpu.memory_space<vmem>>) target_semaphore(%arg24 : memref<!tpu.dma_semaphore, #tpu.memory_space<semaphore_mem>>)
    "tpu.region"() ({
      %run_scoped3A = tpu.sem_alloc : memref<!tpu.dma_semaphore, #tpu.memory_space<semaphore_mem>>
      %dma_start3A_89 = arith.constant 0 : i32
      %dma_start3A_90 = tpu.memref_slice %arg17[%mul3A_2, %dma_start3A_89] : memref<10000x128xf32, #tpu.memory_space<vmem_shared>> -> memref<624x128xf32, #tpu.memory_space<vmem_shared>>
      %dma_start3A_91 = arith.constant 0 : i32
      %dma_start3A_92 = arith.constant 0 : i32
      %dma_start3A_93 = tpu.memref_slice %arg5[%dma_start3A_91, %dma_start3A_92] : memref<640x128xf32, #tpu.memory_space<hbm>> -> memref<624x128xf32, #tpu.memory_space<hbm>>
      tpu.enqueue_dma source(%dma_start3A_93 : memref<624x128xf32, #tpu.memory_space<hbm>>) target(%dma_start3A_90 : memref<624x128xf32, #tpu.memory_space<vmem_shared>>) target_semaphore(%run_scoped3A : memref<!tpu.dma_semaphore, #tpu.memory_space<semaphore_mem>>)
      %dma_wait3A_94 = arith.constant 0 : i32
      %dma_wait3A_95 = tpu.memref_slice %arg17[%mul3A_2, %dma_wait3A_94] : memref<10000x128xf32, #tpu.memory_space<vmem_shared>> -> memref<624x128xf32, #tpu.memory_space<vmem_shared>>
      %dma_wait3A_96 = arith.constant 0 : i32
      %dma_wait3A_97 = arith.constant 0 : i32
      %dma_wait3A_98 = tpu.memref_slice %arg5[%dma_wait3A_96, %dma_wait3A_97] : memref<640x128xf32, #tpu.memory_space<hbm>> -> memref<624x128xf32, #tpu.memory_space<hbm>>
      tpu.wait_dma2 semaphore(%run_scoped3A : memref<!tpu.dma_semaphore, #tpu.memory_space<semaphore_mem>>) src(%dma_wait3A_98 : memref<624x128xf32, #tpu.memory_space<hbm>>) dst(%dma_wait3A_95 : memref<624x128xf32, #tpu.memory_space<vmem_shared>>)
      tpu.yield
    }) : () -> ()
    %eq3A = arith.constant 15 : i32
    %eq3A_28 = arith.cmpi eq, %arg1, %eq3A : i32
    %convert_element_type3A = arith.extui %eq3A_28 : i1 to i32
    %cond3A = arith.constant 0 : i32
    %cond3A_29 = arith.cmpi ne, %convert_element_type3A, %cond3A : i32
    scf.if %cond3A_29 {
      "tpu.region"() ({
        %run_scoped3A = tpu.sem_alloc : memref<!tpu.dma_semaphore, #tpu.memory_space<semaphore_mem>>
        %dma_start3A_89 = arith.constant 9984 : i32
        %dma_start3A_90 = arith.constant 0 : i32
        %dma_start3A_91 = tpu.memref_slice %arg17[%dma_start3A_89, %dma_start3A_90] : memref<10000x128xf32, #tpu.memory_space<vmem_shared>> -> memref<16x128xf32, #tpu.memory_space<vmem_shared>>
        %dma_start3A_92 = arith.constant 0 : i32
        %dma_start3A_93 = arith.constant 0 : i32
        %dma_start3A_94 = tpu.memref_slice %arg5[%dma_start3A_92, %dma_start3A_93] : memref<640x128xf32, #tpu.memory_space<hbm>> -> memref<16x128xf32, #tpu.memory_space<hbm>>
        tpu.enqueue_dma source(%dma_start3A_94 : memref<16x128xf32, #tpu.memory_space<hbm>>) target(%dma_start3A_91 : memref<16x128xf32, #tpu.memory_space<vmem_shared>>) target_semaphore(%run_scoped3A : memref<!tpu.dma_semaphore, #tpu.memory_space<semaphore_mem>>)
        %dma_wait3A_95 = arith.constant 9984 : i32
        %dma_wait3A_96 = arith.constant 0 : i32
        %dma_wait3A_97 = tpu.memref_slice %arg17[%dma_wait3A_95, %dma_wait3A_96] : memref<10000x128xf32, #tpu.memory_space<vmem_shared>> -> memref<16x128xf32, #tpu.memory_space<vmem_shared>>
        %dma_wait3A_98 = arith.constant 0 : i32
        %dma_wait3A_99 = arith.constant 0 : i32
        %dma_wait3A_100 = tpu.memref_slice %arg5[%dma_wait3A_98, %dma_wait3A_99] : memref<640x128xf32, #tpu.memory_space<hbm>> -> memref<16x128xf32, #tpu.memory_space<hbm>>
        tpu.wait_dma2 semaphore(%run_scoped3A : memref<!tpu.dma_semaphore, #tpu.memory_space<semaphore_mem>>) src(%dma_wait3A_100 : memref<16x128xf32, #tpu.memory_space<hbm>>) dst(%dma_wait3A_97 : memref<16x128xf32, #tpu.memory_space<vmem_shared>>)
        tpu.yield
      }) : () -> ()
    } else {
    }
    %add3A_30 = arith.constant 0 : i32
    %add3A_31 = arith.addi %mul3A_4, %add3A_30 : i32
    %mul3A_32 = arith.constant 160 : i32
    %mul3A_33 = arith.muli %add3A_31, %mul3A_32 : i32
    %dma_wait3A = tpu.memref_slice %arg3[%mul3A_33] : memref<320000xi32, #tpu.memory_space<hbm>> -> memref<160xi32, #tpu.memory_space<hbm>>
    %dma_wait3A_34 = tpu.memref_slice %arg3[%mul3A_33] : memref<320000xi32, #tpu.memory_space<hbm>> -> memref<160xi32, #tpu.memory_space<hbm>>
    tpu.wait_dma2 semaphore(%arg22 : memref<!tpu.dma_semaphore, #tpu.memory_space<semaphore_mem>>) src(%dma_wait3A_34 : memref<160xi32, #tpu.memory_space<hbm>>) dst(%arg7 : memref<160xi32, #tpu.memory_space<vmem>>)
    %dma_wait3A_35 = tpu.memref_slice %arg4[%mul3A_33] : memref<320000xi32, #tpu.memory_space<hbm>> -> memref<160xi32, #tpu.memory_space<hbm>>
    %dma_wait3A_36 = tpu.memref_slice %arg4[%mul3A_33] : memref<320000xi32, #tpu.memory_space<hbm>> -> memref<160xi32, #tpu.memory_space<hbm>>
    tpu.wait_dma2 semaphore(%arg22 : memref<!tpu.dma_semaphore, #tpu.memory_space<semaphore_mem>>) src(%dma_wait3A_36 : memref<160xi32, #tpu.memory_space<hbm>>) dst(%arg11 : memref<160xi32, #tpu.memory_space<vmem>>)
    %dma_start3A_37 = arith.constant 0 : i32
    %dma_start3A_38 = arith.constant 0 : i32
    %dma_start3A_39 = tpu.memref_slice %arg2[%dma_start3A_37, %dma_start3A_38] : memref<10000x128xf32, #tpu.memory_space<hbm>> -> memref<10000x128xf32, #tpu.memory_space<hbm>>
    tpu.enqueue_indirect_dma source(%dma_start3A_39 : memref<10000x128xf32, #tpu.memory_space<hbm>>) target(%arg15 : memref<160x128xf32, #tpu.memory_space<vmem>>) offsets(%arg7 : memref<160xi32, #tpu.memory_space<vmem>>) semaphore(%arg18 : memref<!tpu.dma_semaphore, #tpu.memory_space<semaphore_mem>>)
    %barrier3A = arith.constant 0 : index
    tpu.barrier barrier_id(%barrier3A)
    %scan3A = arith.constant 0 : i32
    %scan3A_40 = arith.constant 15 : i32
    %scan3A_41 = arith.addi %scan3A, %scan3A_40 : i32
    %scan3A_42 = arith.constant 1 : i32
    scf.for %scan3A_89 = %scan3A to %scan3A_41 step %scan3A_42  : i32 {
      %mul3A_90 = arith.constant 1 : i32
      %mul3A_91 = arith.muli %scan3A_89, %mul3A_90 : i32
      %add3A_92 = arith.constant 0 : i32
      %add3A_93 = arith.addi %add3A_92, %mul3A_91 : i32
      %mul3A_94 = arith.constant 4 : i32
      %mul3A_95 = arith.muli %mul3A_94, %add3A_93 : i32
      %add3A_96 = arith.constant 0 : i32
      %add3A_97 = arith.addi %mul3A_95, %add3A_96 : i32
      %dma_wait3A_98 = arith.constant 0 : i32
      %dma_wait3A_99 = arith.constant 0 : i32
      %dma_wait3A_100 = tpu.memref_slice %arg2[%dma_wait3A_98, %dma_wait3A_99] : memref<10000x128xf32, #tpu.memory_space<hbm>> -> memref<10000x128xf32, #tpu.memory_space<hbm>>
      tpu.wait_indirect_dma semaphore(%arg18 : memref<!tpu.dma_semaphore, #tpu.memory_space<semaphore_mem>>) src(%dma_wait3A_100 : memref<10000x128xf32, #tpu.memory_space<hbm>>) dst(%arg15 : memref<160x128xf32, #tpu.memory_space<vmem>>)
      %gt3A = arith.constant 0 : i32
      %gt3A_101 = arith.cmpi sgt, %add3A_93, %gt3A : i32
      %convert_element_type3A_102 = arith.extui %gt3A_101 : i1 to i32
      %cond3A_103 = arith.constant 0 : i32
      %cond3A_104 = arith.cmpi ne, %convert_element_type3A_102, %cond3A_103 : i32
      scf.if %cond3A_104 {
        %dma_wait3A_227 = arith.constant 0 : i32
        %dma_wait3A_228 = arith.constant 0 : i32
        %dma_wait3A_229 = tpu.memref_slice %arg17[%dma_wait3A_227, %dma_wait3A_228] : memref<10000x128xf32, #tpu.memory_space<vmem_shared>> -> memref<10000x128xf32, #tpu.memory_space<vmem_shared>>
        tpu.wait_indirect_dma semaphore(%arg21 : memref<!tpu.dma_semaphore, #tpu.memory_space<semaphore_mem>>) src(%arg16 : memref<160x128xf32, #tpu.memory_space<vmem>>) dst(%dma_wait3A_229 : memref<10000x128xf32, #tpu.memory_space<vmem_shared>>)
      } else {
      }
      %add3A_105 = arith.constant 3 : i32
      %add3A_106 = arith.addi %add3A_97, %add3A_105 : i32
      %add3A_107 = arith.addi %mul3A_4, %add3A_106 : i32
      %mul3A_108 = arith.constant 160 : i32
      %mul3A_109 = arith.muli %add3A_107, %mul3A_108 : i32
      %dma_start3A_110 = tpu.memref_slice %arg3[%mul3A_109] : memref<320000xi32, #tpu.memory_space<hbm>> -> memref<160xi32, #tpu.memory_space<hbm>>
      %dma_start3A_111 = tpu.memref_slice %arg3[%mul3A_109] : memref<320000xi32, #tpu.memory_space<hbm>> -> memref<160xi32, #tpu.memory_space<hbm>>
      tpu.enqueue_dma source(%dma_start3A_111 : memref<160xi32, #tpu.memory_space<hbm>>) target(%arg10 : memref<160xi32, #tpu.memory_space<vmem>>) target_semaphore(%arg25 : memref<!tpu.dma_semaphore, #tpu.memory_space<semaphore_mem>>)
      %dma_start3A_112 = tpu.memref_slice %arg4[%mul3A_109] : memref<320000xi32, #tpu.memory_space<hbm>> -> memref<160xi32, #tpu.memory_space<hbm>>
      %dma_start3A_113 = tpu.memref_slice %arg4[%mul3A_109] : memref<320000xi32, #tpu.memory_space<hbm>> -> memref<160xi32, #tpu.memory_space<hbm>>
      tpu.enqueue_dma source(%dma_start3A_113 : memref<160xi32, #tpu.memory_space<hbm>>) target(%arg14 : memref<160xi32, #tpu.memory_space<vmem>>) target_semaphore(%arg25 : memref<!tpu.dma_semaphore, #tpu.memory_space<semaphore_mem>>)
      %add3A_114 = arith.constant 1 : i32
      %add3A_115 = arith.addi %add3A_97, %add3A_114 : i32
      %add3A_116 = arith.addi %mul3A_4, %add3A_115 : i32
      %mul3A_117 = arith.constant 160 : i32
      %mul3A_118 = arith.muli %add3A_116, %mul3A_117 : i32
      %dma_wait3A_119 = tpu.memref_slice %arg3[%mul3A_118] : memref<320000xi32, #tpu.memory_space<hbm>> -> memref<160xi32, #tpu.memory_space<hbm>>
      %dma_wait3A_120 = tpu.memref_slice %arg3[%mul3A_118] : memref<320000xi32, #tpu.memory_space<hbm>> -> memref<160xi32, #tpu.memory_space<hbm>>
      tpu.wait_dma2 semaphore(%arg23 : memref<!tpu.dma_semaphore, #tpu.memory_space<semaphore_mem>>) src(%dma_wait3A_120 : memref<160xi32, #tpu.memory_space<hbm>>) dst(%arg8 : memref<160xi32, #tpu.memory_space<vmem>>)
      %dma_wait3A_121 = tpu.memref_slice %arg4[%mul3A_118] : memref<320000xi32, #tpu.memory_space<hbm>> -> memref<160xi32, #tpu.memory_space<hbm>>
      %dma_wait3A_122 = tpu.memref_slice %arg4[%mul3A_118] : memref<320000xi32, #tpu.memory_space<hbm>> -> memref<160xi32, #tpu.memory_space<hbm>>
      tpu.wait_dma2 semaphore(%arg23 : memref<!tpu.dma_semaphore, #tpu.memory_space<semaphore_mem>>) src(%dma_wait3A_122 : memref<160xi32, #tpu.memory_space<hbm>>) dst(%arg12 : memref<160xi32, #tpu.memory_space<vmem>>)
      %dma_start3A_123 = arith.constant 0 : i32
      %dma_start3A_124 = arith.constant 0 : i32
      %dma_start3A_125 = tpu.memref_slice %arg2[%dma_start3A_123, %dma_start3A_124] : memref<10000x128xf32, #tpu.memory_space<hbm>> -> memref<10000x128xf32, #tpu.memory_space<hbm>>
      tpu.enqueue_indirect_dma source(%dma_start3A_125 : memref<10000x128xf32, #tpu.memory_space<hbm>>) target(%arg16 : memref<160x128xf32, #tpu.memory_space<vmem>>) offsets(%arg8 : memref<160xi32, #tpu.memory_space<vmem>>) semaphore(%arg19 : memref<!tpu.dma_semaphore, #tpu.memory_space<semaphore_mem>>)
      %dma_start3A_126 = arith.constant 0 : i32
      %dma_start3A_127 = arith.constant 0 : i32
      %dma_start3A_128 = tpu.memref_slice %arg17[%dma_start3A_126, %dma_start3A_127] : memref<10000x128xf32, #tpu.memory_space<vmem_shared>> -> memref<10000x128xf32, #tpu.memory_space<vmem_shared>>
      tpu.enqueue_indirect_dma source(%arg15 : memref<160x128xf32, #tpu.memory_space<vmem>>) target(%dma_start3A_128 : memref<10000x128xf32, #tpu.memory_space<vmem_shared>>) offsets(%arg11 : memref<160xi32, #tpu.memory_space<vmem>>) semaphore(%arg20 : memref<!tpu.dma_semaphore, #tpu.memory_space<semaphore_mem>>) {add = true}
      %mul3A_129 = arith.constant 4 : i32
      %mul3A_130 = arith.muli %mul3A_129, %add3A_93 : i32
      %add3A_131 = arith.constant 1 : i32
      %add3A_132 = arith.addi %mul3A_130, %add3A_131 : i32
      %dma_wait3A_133 = arith.constant 0 : i32
      %dma_wait3A_134 = arith.constant 0 : i32
      %dma_wait3A_135 = tpu.memref_slice %arg2[%dma_wait3A_133, %dma_wait3A_134] : memref<10000x128xf32, #tpu.memory_space<hbm>> -> memref<10000x128xf32, #tpu.memory_space<hbm>>
      tpu.wait_indirect_dma semaphore(%arg19 : memref<!tpu.dma_semaphore, #tpu.memory_space<semaphore_mem>>) src(%dma_wait3A_135 : memref<10000x128xf32, #tpu.memory_space<hbm>>) dst(%arg16 : memref<160x128xf32, #tpu.memory_space<vmem>>)
      %dma_wait3A_136 = arith.constant 0 : i32
      %dma_wait3A_137 = arith.constant 0 : i32
      %dma_wait3A_138 = tpu.memref_slice %arg17[%dma_wait3A_136, %dma_wait3A_137] : memref<10000x128xf32, #tpu.memory_space<vmem_shared>> -> memref<10000x128xf32, #tpu.memory_space<vmem_shared>>
      tpu.wait_indirect_dma semaphore(%arg20 : memref<!tpu.dma_semaphore, #tpu.memory_space<semaphore_mem>>) src(%arg15 : memref<160x128xf32, #tpu.memory_space<vmem>>) dst(%dma_wait3A_138 : memref<10000x128xf32, #tpu.memory_space<vmem_shared>>)
      %add3A_139 = arith.constant 3 : i32
      %add3A_140 = arith.addi %add3A_132, %add3A_139 : i32
      %add3A_141 = arith.addi %mul3A_4, %add3A_140 : i32
      %mul3A_142 = arith.constant 160 : i32
      %mul3A_143 = arith.muli %add3A_141, %mul3A_142 : i32
      %dma_start3A_144 = tpu.memref_slice %arg3[%mul3A_143] : memref<320000xi32, #tpu.memory_space<hbm>> -> memref<160xi32, #tpu.memory_space<hbm>>
      %dma_start3A_145 = tpu.memref_slice %arg3[%mul3A_143] : memref<320000xi32, #tpu.memory_space<hbm>> -> memref<160xi32, #tpu.memory_space<hbm>>
      tpu.enqueue_dma source(%dma_start3A_145 : memref<160xi32, #tpu.memory_space<hbm>>) target(%arg7 : memref<160xi32, #tpu.memory_space<vmem>>) target_semaphore(%arg22 : memref<!tpu.dma_semaphore, #tpu.memory_space<semaphore_mem>>)
      %dma_start3A_146 = tpu.memref_slice %arg4[%mul3A_143] : memref<320000xi32, #tpu.memory_space<hbm>> -> memref<160xi32, #tpu.memory_space<hbm>>
      %dma_start3A_147 = tpu.memref_slice %arg4[%mul3A_143] : memref<320000xi32, #tpu.memory_space<hbm>> -> memref<160xi32, #tpu.memory_space<hbm>>
      tpu.enqueue_dma source(%dma_start3A_147 : memref<160xi32, #tpu.memory_space<hbm>>) target(%arg11 : memref<160xi32, #tpu.memory_space<vmem>>) target_semaphore(%arg22 : memref<!tpu.dma_semaphore, #tpu.memory_space<semaphore_mem>>)
      %add3A_148 = arith.constant 1 : i32
      %add3A_149 = arith.addi %add3A_132, %add3A_148 : i32
      %add3A_150 = arith.addi %mul3A_4, %add3A_149 : i32
      %mul3A_151 = arith.constant 160 : i32
      %mul3A_152 = arith.muli %add3A_150, %mul3A_151 : i32
      %dma_wait3A_153 = tpu.memref_slice %arg3[%mul3A_152] : memref<320000xi32, #tpu.memory_space<hbm>> -> memref<160xi32, #tpu.memory_space<hbm>>
      %dma_wait3A_154 = tpu.memref_slice %arg3[%mul3A_152] : memref<320000xi32, #tpu.memory_space<hbm>> -> memref<160xi32, #tpu.memory_space<hbm>>
      tpu.wait_dma2 semaphore(%arg24 : memref<!tpu.dma_semaphore, #tpu.memory_space<semaphore_mem>>) src(%dma_wait3A_154 : memref<160xi32, #tpu.memory_space<hbm>>) dst(%arg9 : memref<160xi32, #tpu.memory_space<vmem>>)
      %dma_wait3A_155 = tpu.memref_slice %arg4[%mul3A_152] : memref<320000xi32, #tpu.memory_space<hbm>> -> memref<160xi32, #tpu.memory_space<hbm>>
      %dma_wait3A_156 = tpu.memref_slice %arg4[%mul3A_152] : memref<320000xi32, #tpu.memory_space<hbm>> -> memref<160xi32, #tpu.memory_space<hbm>>
      tpu.wait_dma2 semaphore(%arg24 : memref<!tpu.dma_semaphore, #tpu.memory_space<semaphore_mem>>) src(%dma_wait3A_156 : memref<160xi32, #tpu.memory_space<hbm>>) dst(%arg13 : memref<160xi32, #tpu.memory_space<vmem>>)
      %dma_start3A_157 = arith.constant 0 : i32
      %dma_start3A_158 = arith.constant 0 : i32
      %dma_start3A_159 = tpu.memref_slice %arg2[%dma_start3A_157, %dma_start3A_158] : memref<10000x128xf32, #tpu.memory_space<hbm>> -> memref<10000x128xf32, #tpu.memory_space<hbm>>
      tpu.enqueue_indirect_dma source(%dma_start3A_159 : memref<10000x128xf32, #tpu.memory_space<hbm>>) target(%arg15 : memref<160x128xf32, #tpu.memory_space<vmem>>) offsets(%arg9 : memref<160xi32, #tpu.memory_space<vmem>>) semaphore(%arg18 : memref<!tpu.dma_semaphore, #tpu.memory_space<semaphore_mem>>)
      %dma_start3A_160 = arith.constant 0 : i32
      %dma_start3A_161 = arith.constant 0 : i32
      %dma_start3A_162 = tpu.memref_slice %arg17[%dma_start3A_160, %dma_start3A_161] : memref<10000x128xf32, #tpu.memory_space<vmem_shared>> -> memref<10000x128xf32, #tpu.memory_space<vmem_shared>>
      tpu.enqueue_indirect_dma source(%arg16 : memref<160x128xf32, #tpu.memory_space<vmem>>) target(%dma_start3A_162 : memref<10000x128xf32, #tpu.memory_space<vmem_shared>>) offsets(%arg12 : memref<160xi32, #tpu.memory_space<vmem>>) semaphore(%arg21 : memref<!tpu.dma_semaphore, #tpu.memory_space<semaphore_mem>>) {add = true}
      %mul3A_163 = arith.constant 4 : i32
      %mul3A_164 = arith.muli %mul3A_163, %add3A_93 : i32
      %add3A_165 = arith.constant 2 : i32
      %add3A_166 = arith.addi %mul3A_164, %add3A_165 : i32
      %dma_wait3A_167 = arith.constant 0 : i32
      %dma_wait3A_168 = arith.constant 0 : i32
      %dma_wait3A_169 = tpu.memref_slice %arg2[%dma_wait3A_167, %dma_wait3A_168] : memref<10000x128xf32, #tpu.memory_space<hbm>> -> memref<10000x128xf32, #tpu.memory_space<hbm>>
      tpu.wait_indirect_dma semaphore(%arg18 : memref<!tpu.dma_semaphore, #tpu.memory_space<semaphore_mem>>) src(%dma_wait3A_169 : memref<10000x128xf32, #tpu.memory_space<hbm>>) dst(%arg15 : memref<160x128xf32, #tpu.memory_space<vmem>>)
      %dma_wait3A_170 = arith.constant 0 : i32
      %dma_wait3A_171 = arith.constant 0 : i32
      %dma_wait3A_172 = tpu.memref_slice %arg17[%dma_wait3A_170, %dma_wait3A_171] : memref<10000x128xf32, #tpu.memory_space<vmem_shared>> -> memref<10000x128xf32, #tpu.memory_space<vmem_shared>>
      tpu.wait_indirect_dma semaphore(%arg21 : memref<!tpu.dma_semaphore, #tpu.memory_space<semaphore_mem>>) src(%arg16 : memref<160x128xf32, #tpu.memory_space<vmem>>) dst(%dma_wait3A_172 : memref<10000x128xf32, #tpu.memory_space<vmem_shared>>)
      %add3A_173 = arith.constant 3 : i32
      %add3A_174 = arith.addi %add3A_166, %add3A_173 : i32
      %add3A_175 = arith.addi %mul3A_4, %add3A_174 : i32
      %mul3A_176 = arith.constant 160 : i32
      %mul3A_177 = arith.muli %add3A_175, %mul3A_176 : i32
      %dma_start3A_178 = tpu.memref_slice %arg3[%mul3A_177] : memref<320000xi32, #tpu.memory_space<hbm>> -> memref<160xi32, #tpu.memory_space<hbm>>
      %dma_start3A_179 = tpu.memref_slice %arg3[%mul3A_177] : memref<320000xi32, #tpu.memory_space<hbm>> -> memref<160xi32, #tpu.memory_space<hbm>>
      tpu.enqueue_dma source(%dma_start3A_179 : memref<160xi32, #tpu.memory_space<hbm>>) target(%arg8 : memref<160xi32, #tpu.memory_space<vmem>>) target_semaphore(%arg23 : memref<!tpu.dma_semaphore, #tpu.memory_space<semaphore_mem>>)
      %dma_start3A_180 = tpu.memref_slice %arg4[%mul3A_177] : memref<320000xi32, #tpu.memory_space<hbm>> -> memref<160xi32, #tpu.memory_space<hbm>>
      %dma_start3A_181 = tpu.memref_slice %arg4[%mul3A_177] : memref<320000xi32, #tpu.memory_space<hbm>> -> memref<160xi32, #tpu.memory_space<hbm>>
      tpu.enqueue_dma source(%dma_start3A_181 : memref<160xi32, #tpu.memory_space<hbm>>) target(%arg12 : memref<160xi32, #tpu.memory_space<vmem>>) target_semaphore(%arg23 : memref<!tpu.dma_semaphore, #tpu.memory_space<semaphore_mem>>)
      %add3A_182 = arith.constant 1 : i32
      %add3A_183 = arith.addi %add3A_166, %add3A_182 : i32
      %add3A_184 = arith.addi %mul3A_4, %add3A_183 : i32
      %mul3A_185 = arith.constant 160 : i32
      %mul3A_186 = arith.muli %add3A_184, %mul3A_185 : i32
      %dma_wait3A_187 = tpu.memref_slice %arg3[%mul3A_186] : memref<320000xi32, #tpu.memory_space<hbm>> -> memref<160xi32, #tpu.memory_space<hbm>>
      %dma_wait3A_188 = tpu.memref_slice %arg3[%mul3A_186] : memref<320000xi32, #tpu.memory_space<hbm>> -> memref<160xi32, #tpu.memory_space<hbm>>
      tpu.wait_dma2 semaphore(%arg25 : memref<!tpu.dma_semaphore, #tpu.memory_space<semaphore_mem>>) src(%dma_wait3A_188 : memref<160xi32, #tpu.memory_space<hbm>>) dst(%arg10 : memref<160xi32, #tpu.memory_space<vmem>>)
      %dma_wait3A_189 = tpu.memref_slice %arg4[%mul3A_186] : memref<320000xi32, #tpu.memory_space<hbm>> -> memref<160xi32, #tpu.memory_space<hbm>>
      %dma_wait3A_190 = tpu.memref_slice %arg4[%mul3A_186] : memref<320000xi32, #tpu.memory_space<hbm>> -> memref<160xi32, #tpu.memory_space<hbm>>
      tpu.wait_dma2 semaphore(%arg25 : memref<!tpu.dma_semaphore, #tpu.memory_space<semaphore_mem>>) src(%dma_wait3A_190 : memref<160xi32, #tpu.memory_space<hbm>>) dst(%arg14 : memref<160xi32, #tpu.memory_space<vmem>>)
      %dma_start3A_191 = arith.constant 0 : i32
      %dma_start3A_192 = arith.constant 0 : i32
      %dma_start3A_193 = tpu.memref_slice %arg2[%dma_start3A_191, %dma_start3A_192] : memref<10000x128xf32, #tpu.memory_space<hbm>> -> memref<10000x128xf32, #tpu.memory_space<hbm>>
      tpu.enqueue_indirect_dma source(%dma_start3A_193 : memref<10000x128xf32, #tpu.memory_space<hbm>>) target(%arg16 : memref<160x128xf32, #tpu.memory_space<vmem>>) offsets(%arg10 : memref<160xi32, #tpu.memory_space<vmem>>) semaphore(%arg19 : memref<!tpu.dma_semaphore, #tpu.memory_space<semaphore_mem>>)
      %dma_start3A_194 = arith.constant 0 : i32
      %dma_start3A_195 = arith.constant 0 : i32
      %dma_start3A_196 = tpu.memref_slice %arg17[%dma_start3A_194, %dma_start3A_195] : memref<10000x128xf32, #tpu.memory_space<vmem_shared>> -> memref<10000x128xf32, #tpu.memory_space<vmem_shared>>
      tpu.enqueue_indirect_dma source(%arg15 : memref<160x128xf32, #tpu.memory_space<vmem>>) target(%dma_start3A_196 : memref<10000x128xf32, #tpu.memory_space<vmem_shared>>) offsets(%arg13 : memref<160xi32, #tpu.memory_space<vmem>>) semaphore(%arg20 : memref<!tpu.dma_semaphore, #tpu.memory_space<semaphore_mem>>) {add = true}
      %mul3A_197 = arith.constant 4 : i32
      %mul3A_198 = arith.muli %mul3A_197, %add3A_93 : i32
      %add3A_199 = arith.constant 3 : i32
      %add3A_200 = arith.addi %mul3A_198, %add3A_199 : i32
      %dma_wait3A_201 = arith.constant 0 : i32
      %dma_wait3A_202 = arith.constant 0 : i32
      %dma_wait3A_203 = tpu.memref_slice %arg2[%dma_wait3A_201, %dma_wait3A_202] : memref<10000x128xf32, #tpu.memory_space<hbm>> -> memref<10000x128xf32, #tpu.memory_space<hbm>>
      tpu.wait_indirect_dma semaphore(%arg19 : memref<!tpu.dma_semaphore, #tpu.memory_space<semaphore_mem>>) src(%dma_wait3A_203 : memref<10000x128xf32, #tpu.memory_space<hbm>>) dst(%arg16 : memref<160x128xf32, #tpu.memory_space<vmem>>)
      %dma_wait3A_204 = arith.constant 0 : i32
      %dma_wait3A_205 = arith.constant 0 : i32
      %dma_wait3A_206 = tpu.memref_slice %arg17[%dma_wait3A_204, %dma_wait3A_205] : memref<10000x128xf32, #tpu.memory_space<vmem_shared>> -> memref<10000x128xf32, #tpu.memory_space<vmem_shared>>
      tpu.wait_indirect_dma semaphore(%arg20 : memref<!tpu.dma_semaphore, #tpu.memory_space<semaphore_mem>>) src(%arg15 : memref<160x128xf32, #tpu.memory_space<vmem>>) dst(%dma_wait3A_206 : memref<10000x128xf32, #tpu.memory_space<vmem_shared>>)
      %lt3A_207 = arith.constant 14 : i32
      %lt3A_208 = arith.cmpi slt, %add3A_93, %lt3A_207 : i32
      %convert_element_type3A_209 = arith.extui %lt3A_208 : i1 to i32
      %cond3A_210 = arith.constant 0 : i32
      %cond3A_211 = arith.cmpi ne, %convert_element_type3A_209, %cond3A_210 : i32
      scf.if %cond3A_211 {
        %add3A_227 = arith.constant 3 : i32
        %add3A_228 = arith.addi %add3A_200, %add3A_227 : i32
        %add3A_229 = arith.addi %mul3A_4, %add3A_228 : i32
        %mul3A_230 = arith.constant 160 : i32
        %mul3A_231 = arith.muli %add3A_229, %mul3A_230 : i32
        %dma_start3A_232 = tpu.memref_slice %arg3[%mul3A_231] : memref<320000xi32, #tpu.memory_space<hbm>> -> memref<160xi32, #tpu.memory_space<hbm>>
        %dma_start3A_233 = tpu.memref_slice %arg3[%mul3A_231] : memref<320000xi32, #tpu.memory_space<hbm>> -> memref<160xi32, #tpu.memory_space<hbm>>
        tpu.enqueue_dma source(%dma_start3A_233 : memref<160xi32, #tpu.memory_space<hbm>>) target(%arg9 : memref<160xi32, #tpu.memory_space<vmem>>) target_semaphore(%arg24 : memref<!tpu.dma_semaphore, #tpu.memory_space<semaphore_mem>>)
        %dma_start3A_234 = tpu.memref_slice %arg4[%mul3A_231] : memref<320000xi32, #tpu.memory_space<hbm>> -> memref<160xi32, #tpu.memory_space<hbm>>
        %dma_start3A_235 = tpu.memref_slice %arg4[%mul3A_231] : memref<320000xi32, #tpu.memory_space<hbm>> -> memref<160xi32, #tpu.memory_space<hbm>>
        tpu.enqueue_dma source(%dma_start3A_235 : memref<160xi32, #tpu.memory_space<hbm>>) target(%arg13 : memref<160xi32, #tpu.memory_space<vmem>>) target_semaphore(%arg24 : memref<!tpu.dma_semaphore, #tpu.memory_space<semaphore_mem>>)
      } else {
      }
      %add3A_212 = arith.constant 1 : i32
      %add3A_213 = arith.addi %add3A_200, %add3A_212 : i32
      %add3A_214 = arith.addi %mul3A_4, %add3A_213 : i32
      %mul3A_215 = arith.constant 160 : i32
      %mul3A_216 = arith.muli %add3A_214, %mul3A_215 : i32
      %dma_wait3A_217 = tpu.memref_slice %arg3[%mul3A_216] : memref<320000xi32, #tpu.memory_space<hbm>> -> memref<160xi32, #tpu.memory_space<hbm>>
      %dma_wait3A_218 = tpu.memref_slice %arg3[%mul3A_216] : memref<320000xi32, #tpu.memory_space<hbm>> -> memref<160xi32, #tpu.memory_space<hbm>>
      tpu.wait_dma2 semaphore(%arg22 : memref<!tpu.dma_semaphore, #tpu.memory_space<semaphore_mem>>) src(%dma_wait3A_218 : memref<160xi32, #tpu.memory_space<hbm>>) dst(%arg7 : memref<160xi32, #tpu.memory_space<vmem>>)
      %dma_wait3A_219 = tpu.memref_slice %arg4[%mul3A_216] : memref<320000xi32, #tpu.memory_space<hbm>> -> memref<160xi32, #tpu.memory_space<hbm>>
      %dma_wait3A_220 = tpu.memref_slice %arg4[%mul3A_216] : memref<320000xi32, #tpu.memory_space<hbm>> -> memref<160xi32, #tpu.memory_space<hbm>>
      tpu.wait_dma2 semaphore(%arg22 : memref<!tpu.dma_semaphore, #tpu.memory_space<semaphore_mem>>) src(%dma_wait3A_220 : memref<160xi32, #tpu.memory_space<hbm>>) dst(%arg11 : memref<160xi32, #tpu.memory_space<vmem>>)
      %dma_start3A_221 = arith.constant 0 : i32
      %dma_start3A_222 = arith.constant 0 : i32
      %dma_start3A_223 = tpu.memref_slice %arg2[%dma_start3A_221, %dma_start3A_222] : memref<10000x128xf32, #tpu.memory_space<hbm>> -> memref<10000x128xf32, #tpu.memory_space<hbm>>
      tpu.enqueue_indirect_dma source(%dma_start3A_223 : memref<10000x128xf32, #tpu.memory_space<hbm>>) target(%arg15 : memref<160x128xf32, #tpu.memory_space<vmem>>) offsets(%arg7 : memref<160xi32, #tpu.memory_space<vmem>>) semaphore(%arg18 : memref<!tpu.dma_semaphore, #tpu.memory_space<semaphore_mem>>)
      %dma_start3A_224 = arith.constant 0 : i32
      %dma_start3A_225 = arith.constant 0 : i32
      %dma_start3A_226 = tpu.memref_slice %arg17[%dma_start3A_224, %dma_start3A_225] : memref<10000x128xf32, #tpu.memory_space<vmem_shared>> -> memref<10000x128xf32, #tpu.memory_space<vmem_shared>>
      tpu.enqueue_indirect_dma source(%arg16 : memref<160x128xf32, #tpu.memory_space<vmem>>) target(%dma_start3A_226 : memref<10000x128xf32, #tpu.memory_space<vmem_shared>>) offsets(%arg14 : memref<160xi32, #tpu.memory_space<vmem>>) semaphore(%arg21 : memref<!tpu.dma_semaphore, #tpu.memory_space<semaphore_mem>>) {add = true}
    }
    %scan3A_43 = arith.constant 15 : i32
    %dma_wait3A_44 = arith.constant 0 : i32
    %dma_wait3A_45 = arith.constant 0 : i32
    %dma_wait3A_46 = tpu.memref_slice %arg2[%dma_wait3A_44, %dma_wait3A_45] : memref<10000x128xf32, #tpu.memory_space<hbm>> -> memref<10000x128xf32, #tpu.memory_space<hbm>>
    tpu.wait_indirect_dma semaphore(%arg18 : memref<!tpu.dma_semaphore, #tpu.memory_space<semaphore_mem>>) src(%dma_wait3A_46 : memref<10000x128xf32, #tpu.memory_space<hbm>>) dst(%arg15 : memref<160x128xf32, #tpu.memory_space<vmem>>)
    %dma_wait3A_47 = arith.constant 0 : i32
    %dma_wait3A_48 = arith.constant 0 : i32
    %dma_wait3A_49 = tpu.memref_slice %arg17[%dma_wait3A_47, %dma_wait3A_48] : memref<10000x128xf32, #tpu.memory_space<vmem_shared>> -> memref<10000x128xf32, #tpu.memory_space<vmem_shared>>
    tpu.wait_indirect_dma semaphore(%arg21 : memref<!tpu.dma_semaphore, #tpu.memory_space<semaphore_mem>>) src(%arg16 : memref<160x128xf32, #tpu.memory_space<vmem>>) dst(%dma_wait3A_49 : memref<10000x128xf32, #tpu.memory_space<vmem_shared>>)
    %add3A_50 = arith.constant 61 : i32
    %add3A_51 = arith.addi %mul3A_4, %add3A_50 : i32
    %mul3A_52 = arith.constant 160 : i32
    %mul3A_53 = arith.muli %add3A_51, %mul3A_52 : i32
    %dma_wait3A_54 = tpu.memref_slice %arg3[%mul3A_53] : memref<320000xi32, #tpu.memory_space<hbm>> -> memref<160xi32, #tpu.memory_space<hbm>>
    %dma_wait3A_55 = tpu.memref_slice %arg3[%mul3A_53] : memref<320000xi32, #tpu.memory_space<hbm>> -> memref<160xi32, #tpu.memory_space<hbm>>
    tpu.wait_dma2 semaphore(%arg23 : memref<!tpu.dma_semaphore, #tpu.memory_space<semaphore_mem>>) src(%dma_wait3A_55 : memref<160xi32, #tpu.memory_space<hbm>>) dst(%arg8 : memref<160xi32, #tpu.memory_space<vmem>>)
    %dma_wait3A_56 = tpu.memref_slice %arg4[%mul3A_53] : memref<320000xi32, #tpu.memory_space<hbm>> -> memref<160xi32, #tpu.memory_space<hbm>>
    %dma_wait3A_57 = tpu.memref_slice %arg4[%mul3A_53] : memref<320000xi32, #tpu.memory_space<hbm>> -> memref<160xi32, #tpu.memory_space<hbm>>
    tpu.wait_dma2 semaphore(%arg23 : memref<!tpu.dma_semaphore, #tpu.memory_space<semaphore_mem>>) src(%dma_wait3A_57 : memref<160xi32, #tpu.memory_space<hbm>>) dst(%arg12 : memref<160xi32, #tpu.memory_space<vmem>>)
    %dma_start3A_58 = arith.constant 0 : i32
    %dma_start3A_59 = arith.constant 0 : i32
    %dma_start3A_60 = tpu.memref_slice %arg2[%dma_start3A_58, %dma_start3A_59] : memref<10000x128xf32, #tpu.memory_space<hbm>> -> memref<10000x128xf32, #tpu.memory_space<hbm>>
    tpu.enqueue_indirect_dma source(%dma_start3A_60 : memref<10000x128xf32, #tpu.memory_space<hbm>>) target(%arg16 : memref<160x128xf32, #tpu.memory_space<vmem>>) offsets(%arg8 : memref<160xi32, #tpu.memory_space<vmem>>) semaphore(%arg19 : memref<!tpu.dma_semaphore, #tpu.memory_space<semaphore_mem>>)
    %dma_start3A_61 = arith.constant 0 : i32
    %dma_start3A_62 = arith.constant 0 : i32
    %dma_start3A_63 = tpu.memref_slice %arg17[%dma_start3A_61, %dma_start3A_62] : memref<10000x128xf32, #tpu.memory_space<vmem_shared>> -> memref<10000x128xf32, #tpu.memory_space<vmem_shared>>
    tpu.enqueue_indirect_dma source(%arg15 : memref<160x128xf32, #tpu.memory_space<vmem>>) target(%dma_start3A_63 : memref<10000x128xf32, #tpu.memory_space<vmem_shared>>) offsets(%arg11 : memref<160xi32, #tpu.memory_space<vmem>>) semaphore(%arg20 : memref<!tpu.dma_semaphore, #tpu.memory_space<semaphore_mem>>) {add = true}
    %dma_wait3A_64 = arith.constant 0 : i32
    %dma_wait3A_65 = arith.constant 0 : i32
    %dma_wait3A_66 = tpu.memref_slice %arg2[%dma_wait3A_64, %dma_wait3A_65] : memref<10000x128xf32, #tpu.memory_space<hbm>> -> memref<10000x128xf32, #tpu.memory_space<hbm>>
    tpu.wait_indirect_dma semaphore(%arg19 : memref<!tpu.dma_semaphore, #tpu.memory_space<semaphore_mem>>) src(%dma_wait3A_66 : memref<10000x128xf32, #tpu.memory_space<hbm>>) dst(%arg16 : memref<160x128xf32, #tpu.memory_space<vmem>>)
    %dma_wait3A_67 = arith.constant 0 : i32
    %dma_wait3A_68 = arith.constant 0 : i32
    %dma_wait3A_69 = tpu.memref_slice %arg17[%dma_wait3A_67, %dma_wait3A_68] : memref<10000x128xf32, #tpu.memory_space<vmem_shared>> -> memref<10000x128xf32, #tpu.memory_space<vmem_shared>>
    tpu.wait_indirect_dma semaphore(%arg20 : memref<!tpu.dma_semaphore, #tpu.memory_space<semaphore_mem>>) src(%arg15 : memref<160x128xf32, #tpu.memory_space<vmem>>) dst(%dma_wait3A_69 : memref<10000x128xf32, #tpu.memory_space<vmem_shared>>)
    %dma_start3A_70 = arith.constant 0 : i32
    %dma_start3A_71 = arith.constant 0 : i32
    %dma_start3A_72 = tpu.memref_slice %arg17[%dma_start3A_70, %dma_start3A_71] : memref<10000x128xf32, #tpu.memory_space<vmem_shared>> -> memref<10000x128xf32, #tpu.memory_space<vmem_shared>>
    tpu.enqueue_indirect_dma source(%arg16 : memref<160x128xf32, #tpu.memory_space<vmem>>) target(%dma_start3A_72 : memref<10000x128xf32, #tpu.memory_space<vmem_shared>>) offsets(%arg12 : memref<160xi32, #tpu.memory_space<vmem>>) semaphore(%arg21 : memref<!tpu.dma_semaphore, #tpu.memory_space<semaphore_mem>>) {add = true}
    %dma_wait3A_73 = arith.constant 0 : i32
    %dma_wait3A_74 = arith.constant 0 : i32
    %dma_wait3A_75 = tpu.memref_slice %arg17[%dma_wait3A_73, %dma_wait3A_74] : memref<10000x128xf32, #tpu.memory_space<vmem_shared>> -> memref<10000x128xf32, #tpu.memory_space<vmem_shared>>
    tpu.wait_indirect_dma semaphore(%arg21 : memref<!tpu.dma_semaphore, #tpu.memory_space<semaphore_mem>>) src(%arg16 : memref<160x128xf32, #tpu.memory_space<vmem>>) dst(%dma_wait3A_75 : memref<10000x128xf32, #tpu.memory_space<vmem_shared>>)
    %lt3A = arith.constant 16 : i32
    %lt3A_76 = arith.cmpi slt, %add3A, %lt3A : i32
    %convert_element_type3A_77 = arith.extui %lt3A_76 : i1 to i32
    %cond3A_78 = arith.constant 0 : i32
    %cond3A_79 = arith.cmpi ne, %convert_element_type3A_77, %cond3A_78 : i32
    scf.if %cond3A_79 {
      %add3A_89 = arith.constant 1984 : i32
      %add3A_90 = arith.addi %add3A_89, %add3A : i32
      %mul3A_91 = arith.constant 160 : i32
      %mul3A_92 = arith.muli %add3A_90, %mul3A_91 : i32
      "tpu.region"() ({
        %run_scoped3A = tpu.sem_alloc : memref<!tpu.dma_semaphore, #tpu.memory_space<semaphore_mem>>
        %dma_start3A_99 = tpu.memref_slice %arg3[%mul3A_92] : memref<320000xi32, #tpu.memory_space<hbm>> -> memref<160xi32, #tpu.memory_space<hbm>>
        %dma_start3A_100 = tpu.memref_slice %arg3[%mul3A_92] : memref<320000xi32, #tpu.memory_space<hbm>> -> memref<160xi32, #tpu.memory_space<hbm>>
        tpu.enqueue_dma source(%dma_start3A_100 : memref<160xi32, #tpu.memory_space<hbm>>) target(%arg7 : memref<160xi32, #tpu.memory_space<vmem>>) target_semaphore(%run_scoped3A : memref<!tpu.dma_semaphore, #tpu.memory_space<semaphore_mem>>)
        %dma_wait3A_101 = tpu.memref_slice %arg3[%mul3A_92] : memref<320000xi32, #tpu.memory_space<hbm>> -> memref<160xi32, #tpu.memory_space<hbm>>
        %dma_wait3A_102 = tpu.memref_slice %arg3[%mul3A_92] : memref<320000xi32, #tpu.memory_space<hbm>> -> memref<160xi32, #tpu.memory_space<hbm>>
        tpu.wait_dma2 semaphore(%run_scoped3A : memref<!tpu.dma_semaphore, #tpu.memory_space<semaphore_mem>>) src(%dma_wait3A_102 : memref<160xi32, #tpu.memory_space<hbm>>) dst(%arg7 : memref<160xi32, #tpu.memory_space<vmem>>)
        tpu.yield
      }) : () -> ()
      "tpu.region"() ({
        %run_scoped3A = tpu.sem_alloc : memref<!tpu.dma_semaphore, #tpu.memory_space<semaphore_mem>>
        %dma_start3A_99 = tpu.memref_slice %arg4[%mul3A_92] : memref<320000xi32, #tpu.memory_space<hbm>> -> memref<160xi32, #tpu.memory_space<hbm>>
        %dma_start3A_100 = tpu.memref_slice %arg4[%mul3A_92] : memref<320000xi32, #tpu.memory_space<hbm>> -> memref<160xi32, #tpu.memory_space<hbm>>
        tpu.enqueue_dma source(%dma_start3A_100 : memref<160xi32, #tpu.memory_space<hbm>>) target(%arg11 : memref<160xi32, #tpu.memory_space<vmem>>) target_semaphore(%run_scoped3A : memref<!tpu.dma_semaphore, #tpu.memory_space<semaphore_mem>>)
        %dma_wait3A_101 = tpu.memref_slice %arg4[%mul3A_92] : memref<320000xi32, #tpu.memory_space<hbm>> -> memref<160xi32, #tpu.memory_space<hbm>>
        %dma_wait3A_102 = tpu.memref_slice %arg4[%mul3A_92] : memref<320000xi32, #tpu.memory_space<hbm>> -> memref<160xi32, #tpu.memory_space<hbm>>
        tpu.wait_dma2 semaphore(%run_scoped3A : memref<!tpu.dma_semaphore, #tpu.memory_space<semaphore_mem>>) src(%dma_wait3A_102 : memref<160xi32, #tpu.memory_space<hbm>>) dst(%arg11 : memref<160xi32, #tpu.memory_space<vmem>>)
        tpu.yield
      }) : () -> ()
      %dma_start3A_93 = arith.constant 0 : i32
      %dma_start3A_94 = arith.constant 0 : i32
      %dma_start3A_95 = tpu.memref_slice %arg2[%dma_start3A_93, %dma_start3A_94] : memref<10000x128xf32, #tpu.memory_space<hbm>> -> memref<10000x128xf32, #tpu.memory_space<hbm>>
      tpu.enqueue_indirect_dma source(%dma_start3A_95 : memref<10000x128xf32, #tpu.memory_space<hbm>>) target(%arg15 : memref<160x128xf32, #tpu.memory_space<vmem>>) offsets(%arg7 : memref<160xi32, #tpu.memory_space<vmem>>) semaphore(%arg18 : memref<!tpu.dma_semaphore, #tpu.memory_space<semaphore_mem>>)
      %dma_wait3A_96 = arith.constant 0 : i32
      %dma_wait3A_97 = arith.constant 0 : i32
      %dma_wait3A_98 = tpu.memref_slice %arg2[%dma_wait3A_96, %dma_wait3A_97] : memref<10000x128xf32, #tpu.memory_space<hbm>> -> memref<10000x128xf32, #tpu.memory_space<hbm>>
      tpu.wait_indirect_dma semaphore(%arg18 : memref<!tpu.dma_semaphore, #tpu.memory_space<semaphore_mem>>) src(%dma_wait3A_98 : memref<10000x128xf32, #tpu.memory_space<hbm>>) dst(%arg15 : memref<160x128xf32, #tpu.memory_space<vmem>>)
      "tpu.region"() ({
        %run_scoped3A = tpu.sem_alloc : memref<!tpu.dma_semaphore, #tpu.memory_space<semaphore_mem>>
        %dma_start3A_99 = arith.constant 0 : i32
        %dma_start3A_100 = arith.constant 0 : i32
        %dma_start3A_101 = tpu.memref_slice %arg17[%dma_start3A_99, %dma_start3A_100] : memref<10000x128xf32, #tpu.memory_space<vmem_shared>> -> memref<10000x128xf32, #tpu.memory_space<vmem_shared>>
        tpu.enqueue_indirect_dma source(%arg15 : memref<160x128xf32, #tpu.memory_space<vmem>>) target(%dma_start3A_101 : memref<10000x128xf32, #tpu.memory_space<vmem_shared>>) offsets(%arg11 : memref<160xi32, #tpu.memory_space<vmem>>) semaphore(%run_scoped3A : memref<!tpu.dma_semaphore, #tpu.memory_space<semaphore_mem>>) {add = true}
        %dma_wait3A_102 = arith.constant 0 : i32
        %dma_wait3A_103 = arith.constant 0 : i32
        %dma_wait3A_104 = tpu.memref_slice %arg17[%dma_wait3A_102, %dma_wait3A_103] : memref<10000x128xf32, #tpu.memory_space<vmem_shared>> -> memref<10000x128xf32, #tpu.memory_space<vmem_shared>>
        tpu.wait_indirect_dma semaphore(%run_scoped3A : memref<!tpu.dma_semaphore, #tpu.memory_space<semaphore_mem>>) src(%arg15 : memref<160x128xf32, #tpu.memory_space<vmem>>) dst(%dma_wait3A_104 : memref<10000x128xf32, #tpu.memory_space<vmem_shared>>)
        tpu.yield
      }) : () -> ()
    } else {
    }
    %barrier3A_80 = arith.constant 0 : index
    tpu.barrier barrier_id(%barrier3A_80)
    %mul3A_81 = arith.constant 10000 : i32
    %mul3A_82 = arith.muli %arg0, %mul3A_81 : i32
    %add3A_83 = arith.addi %mul3A_82, %mul3A_2 : i32
    "tpu.region"() ({
      %run_scoped3A = tpu.sem_alloc : memref<!tpu.dma_semaphore, #tpu.memory_space<semaphore_mem>>
      %dma_start3A_89 = arith.constant 0 : i32
      %dma_start3A_90 = tpu.memref_slice %arg6[%add3A_83, %dma_start3A_89] : memref<20000x128xf32, #tpu.memory_space<hbm>> -> memref<624x128xf32, #tpu.memory_space<hbm>>
      %dma_start3A_91 = arith.constant 0 : i32
      %dma_start3A_92 = tpu.memref_slice %arg17[%mul3A_2, %dma_start3A_91] : memref<10000x128xf32, #tpu.memory_space<vmem_shared>> -> memref<624x128xf32, #tpu.memory_space<vmem_shared>>
      tpu.enqueue_dma source(%dma_start3A_92 : memref<624x128xf32, #tpu.memory_space<vmem_shared>>) target(%dma_start3A_90 : memref<624x128xf32, #tpu.memory_space<hbm>>) target_semaphore(%run_scoped3A : memref<!tpu.dma_semaphore, #tpu.memory_space<semaphore_mem>>)
      %dma_wait3A_93 = arith.constant 0 : i32
      %dma_wait3A_94 = tpu.memref_slice %arg6[%add3A_83, %dma_wait3A_93] : memref<20000x128xf32, #tpu.memory_space<hbm>> -> memref<624x128xf32, #tpu.memory_space<hbm>>
      %dma_wait3A_95 = arith.constant 0 : i32
      %dma_wait3A_96 = tpu.memref_slice %arg17[%mul3A_2, %dma_wait3A_95] : memref<10000x128xf32, #tpu.memory_space<vmem_shared>> -> memref<624x128xf32, #tpu.memory_space<vmem_shared>>
      tpu.wait_dma2 semaphore(%run_scoped3A : memref<!tpu.dma_semaphore, #tpu.memory_space<semaphore_mem>>) src(%dma_wait3A_96 : memref<624x128xf32, #tpu.memory_space<vmem_shared>>) dst(%dma_wait3A_94 : memref<624x128xf32, #tpu.memory_space<hbm>>)
      tpu.yield
    }) : () -> ()
    %eq3A_84 = arith.constant 15 : i32
    %eq3A_85 = arith.cmpi eq, %arg1, %eq3A_84 : i32
    %convert_element_type3A_86 = arith.extui %eq3A_85 : i1 to i32
    %cond3A_87 = arith.constant 0 : i32
    %cond3A_88 = arith.cmpi ne, %convert_element_type3A_86, %cond3A_87 : i32
    scf.if %cond3A_88 {
      %mul3A_89 = arith.constant 10000 : i32
      %mul3A_90 = arith.muli %arg0, %mul3A_89 : i32
      %add3A_91 = arith.constant 9984 : i32
      %add3A_92 = arith.addi %mul3A_90, %add3A_91 : i32
      "tpu.region"() ({
        %run_scoped3A = tpu.sem_alloc : memref<!tpu.dma_semaphore, #tpu.memory_space<semaphore_mem>>
        %dma_start3A_93 = arith.constant 0 : i32
        %dma_start3A_94 = tpu.memref_slice %arg6[%add3A_92, %dma_start3A_93] : memref<20000x128xf32, #tpu.memory_space<hbm>> -> memref<16x128xf32, #tpu.memory_space<hbm>>
        %dma_start3A_95 = arith.constant 9984 : i32
        %dma_start3A_96 = arith.constant 0 : i32
        %dma_start3A_97 = tpu.memref_slice %arg17[%dma_start3A_95, %dma_start3A_96] : memref<10000x128xf32, #tpu.memory_space<vmem_shared>> -> memref<16x128xf32, #tpu.memory_space<vmem_shared>>
        tpu.enqueue_dma source(%dma_start3A_97 : memref<16x128xf32, #tpu.memory_space<vmem_shared>>) target(%dma_start3A_94 : memref<16x128xf32, #tpu.memory_space<hbm>>) target_semaphore(%run_scoped3A : memref<!tpu.dma_semaphore, #tpu.memory_space<semaphore_mem>>)
        %dma_wait3A_98 = arith.constant 0 : i32
        %dma_wait3A_99 = tpu.memref_slice %arg6[%add3A_92, %dma_wait3A_98] : memref<20000x128xf32, #tpu.memory_space<hbm>> -> memref<16x128xf32, #tpu.memory_space<hbm>>
        %dma_wait3A_100 = arith.constant 9984 : i32
        %dma_wait3A_101 = arith.constant 0 : i32
        %dma_wait3A_102 = tpu.memref_slice %arg17[%dma_wait3A_100, %dma_wait3A_101] : memref<10000x128xf32, #tpu.memory_space<vmem_shared>> -> memref<16x128xf32, #tpu.memory_space<vmem_shared>>
        tpu.wait_dma2 semaphore(%run_scoped3A : memref<!tpu.dma_semaphore, #tpu.memory_space<semaphore_mem>>) src(%dma_wait3A_102 : memref<16x128xf32, #tpu.memory_space<vmem_shared>>) dst(%dma_wait3A_99 : memref<16x128xf32, #tpu.memory_space<hbm>>)
        tpu.yield
      }) : () -> ()
    } else {
    }
    return
  }
}

#map = affine_map<(d0, d1) -> (0, 0)>
#map1 = affine_map<(d0, d1) -> (0)>
module attributes {stable_mosaic.version = 14 : i64} {
  func.func @seg_sum(%arg0: i32, %arg1: i32, %arg2: memref<10000x128xf32, #tpu.memory_space<hbm>>, %arg3: memref<320000xi32, #tpu.memory_space<hbm>>, %arg4: memref<320000xi32, #tpu.memory_space<hbm>>, %arg5: memref<640x128xf32, #tpu.memory_space<hbm>>, %arg6: memref<20000x128xf32, #tpu.memory_space<hbm>>, %arg7: memref<160xi32, #tpu.memory_space<vmem>>, %arg8: memref<160xi32, #tpu.memory_space<vmem>>, %arg9: memref<160xi32, #tpu.memory_space<vmem>>, %arg10: memref<160xi32, #tpu.memory_space<vmem>>, %arg11: memref<160xi32, #tpu.memory_space<vmem>>, %arg12: memref<160xi32, #tpu.memory_space<vmem>>, %arg13: memref<160xi32, #tpu.memory_space<vmem>>, %arg14: memref<160xi32, #tpu.memory_space<vmem>>, %arg15: memref<160x128xf32, #tpu.memory_space<vmem>>, %arg16: memref<160x128xf32, #tpu.memory_space<vmem>>, %arg17: memref<10000x128xf32, #tpu.memory_space<vmem_shared>>, %arg18: memref<!tpu.dma_semaphore, #tpu.memory_space<semaphore_mem>>, %arg19: memref<!tpu.dma_semaphore, #tpu.memory_space<semaphore_mem>>, %arg20: memref<!tpu.dma_semaphore, #tpu.memory_space<semaphore_mem>>, %arg21: memref<!tpu.dma_semaphore, #tpu.memory_space<semaphore_mem>>, %arg22: memref<!tpu.dma_semaphore, #tpu.memory_space<semaphore_mem>>, %arg23: memref<!tpu.dma_semaphore, #tpu.memory_space<semaphore_mem>>, %arg24: memref<!tpu.dma_semaphore, #tpu.memory_space<semaphore_mem>>, %arg25: memref<!tpu.dma_semaphore, #tpu.memory_space<semaphore_mem>>) attributes {dimension_semantics = [#tpu.dimension_semantics<core_parallel>, #tpu.dimension_semantics<subcore_parallel>], iteration_bounds = array<i64: 2, 16>, scalar_prefetch = 0 : i64, scratch_operands = 19 : i64, tpu.core_type = #tpu.core_type<sc_vector_subcore>, window_params = [{transform_indices = #map}, {transform_indices = #map1}, {transform_indices = #map1}, {transform_indices = #map}, {transform_indices = #map}]} {
    %mul3A = arith.constant 16 : i32
    %mul3A_0 = arith.muli %arg0, %mul3A : i32
    %add3A = arith.addi %mul3A_0, %arg1 : i32
    %mul3A_1 = arith.constant 624 : i32
    %mul3A_2 = arith.muli %arg1, %mul3A_1 : i32
    %mul3A_3 = arith.constant 62 : i32
    %mul3A_4 = arith.muli %add3A, %mul3A_3 : i32
    %add3A_5 = arith.constant 0 : i32
    %add3A_6 = arith.addi %mul3A_4, %add3A_5 : i32
    %mul3A_7 = arith.constant 160 : i32
    %mul3A_8 = arith.muli %add3A_6, %mul3A_7 : i32
    %dma_start3A = tpu.memref_slice %arg3[%mul3A_8] : memref<320000xi32, #tpu.memory_space<hbm>> -> memref<160xi32, #tpu.memory_space<hbm>>
    %dma_start3A_9 = tpu.memref_slice %arg3[%mul3A_8] : memref<320000xi32, #tpu.memory_space<hbm>> -> memref<160xi32, #tpu.memory_space<hbm>>
    tpu.enqueue_dma source(%dma_start3A_9 : memref<160xi32, #tpu.memory_space<hbm>>) target(%arg7 : memref<160xi32, #tpu.memory_space<vmem>>) target_semaphore(%arg22 : memref<!tpu.dma_semaphore, #tpu.memory_space<semaphore_mem>>)
    %dma_start3A_10 = tpu.memref_slice %arg4[%mul3A_8] : memref<320000xi32, #tpu.memory_space<hbm>> -> memref<160xi32, #tpu.memory_space<hbm>>
    %dma_start3A_11 = tpu.memref_slice %arg4[%mul3A_8] : memref<320000xi32, #tpu.memory_space<hbm>> -> memref<160xi32, #tpu.memory_space<hbm>>
    tpu.enqueue_dma source(%dma_start3A_11 : memref<160xi32, #tpu.memory_space<hbm>>) target(%arg11 : memref<160xi32, #tpu.memory_space<vmem>>) target_semaphore(%arg22 : memref<!tpu.dma_semaphore, #tpu.memory_space<semaphore_mem>>)
    %add3A_12 = arith.constant 1 : i32
    %add3A_13 = arith.addi %mul3A_4, %add3A_12 : i32
    %mul3A_14 = arith.constant 160 : i32
    %mul3A_15 = arith.muli %add3A_13, %mul3A_14 : i32
    %dma_start3A_16 = tpu.memref_slice %arg3[%mul3A_15] : memref<320000xi32, #tpu.memory_space<hbm>> -> memref<160xi32, #tpu.memory_space<hbm>>
    %dma_start3A_17 = tpu.memref_slice %arg3[%mul3A_15] : memref<320000xi32, #tpu.memory_space<hbm>> -> memref<160xi32, #tpu.memory_space<hbm>>
    tpu.enqueue_dma source(%dma_start3A_17 : memref<160xi32, #tpu.memory_space<hbm>>) target(%arg8 : memref<160xi32, #tpu.memory_space<vmem>>) target_semaphore(%arg23 : memref<!tpu.dma_semaphore, #tpu.memory_space<semaphore_mem>>)
    %dma_start3A_18 = tpu.memref_slice %arg4[%mul3A_15] : memref<320000xi32, #tpu.memory_space<hbm>> -> memref<160xi32, #tpu.memory_space<hbm>>
    %dma_start3A_19 = tpu.memref_slice %arg4[%mul3A_15] : memref<320000xi32, #tpu.memory_space<hbm>> -> memref<160xi32, #tpu.memory_space<hbm>>
    tpu.enqueue_dma source(%dma_start3A_19 : memref<160xi32, #tpu.memory_space<hbm>>) target(%arg12 : memref<160xi32, #tpu.memory_space<vmem>>) target_semaphore(%arg23 : memref<!tpu.dma_semaphore, #tpu.memory_space<semaphore_mem>>)
    %add3A_20 = arith.constant 2 : i32
    %add3A_21 = arith.addi %mul3A_4, %add3A_20 : i32
    %mul3A_22 = arith.constant 160 : i32
    %mul3A_23 = arith.muli %add3A_21, %mul3A_22 : i32
    %dma_start3A_24 = tpu.memref_slice %arg3[%mul3A_23] : memref<320000xi32, #tpu.memory_space<hbm>> -> memref<160xi32, #tpu.memory_space<hbm>>
    %dma_start3A_25 = tpu.memref_slice %arg3[%mul3A_23] : memref<320000xi32, #tpu.memory_space<hbm>> -> memref<160xi32, #tpu.memory_space<hbm>>
    tpu.enqueue_dma source(%dma_start3A_25 : memref<160xi32, #tpu.memory_space<hbm>>) target(%arg9 : memref<160xi32, #tpu.memory_space<vmem>>) target_semaphore(%arg24 : memref<!tpu.dma_semaphore, #tpu.memory_space<semaphore_mem>>)
    %dma_start3A_26 = tpu.memref_slice %arg4[%mul3A_23] : memref<320000xi32, #tpu.memory_space<hbm>> -> memref<160xi32, #tpu.memory_space<hbm>>
    %dma_start3A_27 = tpu.memref_slice %arg4[%mul3A_23] : memref<320000xi32, #tpu.memory_space<hbm>> -> memref<160xi32, #tpu.memory_space<hbm>>
    tpu.enqueue_dma source(%dma_start3A_27 : memref<160xi32, #tpu.memory_space<hbm>>) target(%arg13 : memref<160xi32, #tpu.memory_space<vmem>>) target_semaphore(%arg24 : memref<!tpu.dma_semaphore, #tpu.memory_space<semaphore_mem>>)
    "tpu.region"() ({
      %run_scoped3A = tpu.sem_alloc : memref<!tpu.dma_semaphore, #tpu.memory_space<semaphore_mem>>
      %dma_start3A_89 = arith.constant 0 : i32
      %dma_start3A_90 = tpu.memref_slice %arg17[%mul3A_2, %dma_start3A_89] : memref<10000x128xf32, #tpu.memory_space<vmem_shared>> -> memref<624x128xf32, #tpu.memory_space<vmem_shared>>
      %dma_start3A_91 = arith.constant 0 : i32
      %dma_start3A_92 = arith.constant 0 : i32
      %dma_start3A_93 = tpu.memref_slice %arg5[%dma_start3A_91, %dma_start3A_92] : memref<640x128xf32, #tpu.memory_space<hbm>> -> memref<624x128xf32, #tpu.memory_space<hbm>>
      tpu.enqueue_dma source(%dma_start3A_93 : memref<624x128xf32, #tpu.memory_space<hbm>>) target(%dma_start3A_90 : memref<624x128xf32, #tpu.memory_space<vmem_shared>>) target_semaphore(%run_scoped3A : memref<!tpu.dma_semaphore, #tpu.memory_space<semaphore_mem>>)
      %dma_wait3A_94 = arith.constant 0 : i32
      %dma_wait3A_95 = tpu.memref_slice %arg17[%mul3A_2, %dma_wait3A_94] : memref<10000x128xf32, #tpu.memory_space<vmem_shared>> -> memref<624x128xf32, #tpu.memory_space<vmem_shared>>
      %dma_wait3A_96 = arith.constant 0 : i32
      %dma_wait3A_97 = arith.constant 0 : i32
      %dma_wait3A_98 = tpu.memref_slice %arg5[%dma_wait3A_96, %dma_wait3A_97] : memref<640x128xf32, #tpu.memory_space<hbm>> -> memref<624x128xf32, #tpu.memory_space<hbm>>
      tpu.wait_dma2 semaphore(%run_scoped3A : memref<!tpu.dma_semaphore, #tpu.memory_space<semaphore_mem>>) src(%dma_wait3A_98 : memref<624x128xf32, #tpu.memory_space<hbm>>) dst(%dma_wait3A_95 : memref<624x128xf32, #tpu.memory_space<vmem_shared>>)
      tpu.yield
    }) : () -> ()
    %eq3A = arith.constant 15 : i32
    %eq3A_28 = arith.cmpi eq, %arg1, %eq3A : i32
    %convert_element_type3A = arith.extui %eq3A_28 : i1 to i32
    %cond3A = arith.constant 0 : i32
    %cond3A_29 = arith.cmpi ne, %convert_element_type3A, %cond3A : i32
    scf.if %cond3A_29 {
      "tpu.region"() ({
        %run_scoped3A = tpu.sem_alloc : memref<!tpu.dma_semaphore, #tpu.memory_space<semaphore_mem>>
        %dma_start3A_89 = arith.constant 9984 : i32
        %dma_start3A_90 = arith.constant 0 : i32
        %dma_start3A_91 = tpu.memref_slice %arg17[%dma_start3A_89, %dma_start3A_90] : memref<10000x128xf32, #tpu.memory_space<vmem_shared>> -> memref<16x128xf32, #tpu.memory_space<vmem_shared>>
        %dma_start3A_92 = arith.constant 0 : i32
        %dma_start3A_93 = arith.constant 0 : i32
        %dma_start3A_94 = tpu.memref_slice %arg5[%dma_start3A_92, %dma_start3A_93] : memref<640x128xf32, #tpu.memory_space<hbm>> -> memref<16x128xf32, #tpu.memory_space<hbm>>
        tpu.enqueue_dma source(%dma_start3A_94 : memref<16x128xf32, #tpu.memory_space<hbm>>) target(%dma_start3A_91 : memref<16x128xf32, #tpu.memory_space<vmem_shared>>) target_semaphore(%run_scoped3A : memref<!tpu.dma_semaphore, #tpu.memory_space<semaphore_mem>>)
        %dma_wait3A_95 = arith.constant 9984 : i32
        %dma_wait3A_96 = arith.constant 0 : i32
        %dma_wait3A_97 = tpu.memref_slice %arg17[%dma_wait3A_95, %dma_wait3A_96] : memref<10000x128xf32, #tpu.memory_space<vmem_shared>> -> memref<16x128xf32, #tpu.memory_space<vmem_shared>>
        %dma_wait3A_98 = arith.constant 0 : i32
        %dma_wait3A_99 = arith.constant 0 : i32
        %dma_wait3A_100 = tpu.memref_slice %arg5[%dma_wait3A_98, %dma_wait3A_99] : memref<640x128xf32, #tpu.memory_space<hbm>> -> memref<16x128xf32, #tpu.memory_space<hbm>>
        tpu.wait_dma2 semaphore(%run_scoped3A : memref<!tpu.dma_semaphore, #tpu.memory_space<semaphore_mem>>) src(%dma_wait3A_100 : memref<16x128xf32, #tpu.memory_space<hbm>>) dst(%dma_wait3A_97 : memref<16x128xf32, #tpu.memory_space<vmem_shared>>)
        tpu.yield
      }) : () -> ()
    } else {
    }
    %add3A_30 = arith.constant 0 : i32
    %add3A_31 = arith.addi %mul3A_4, %add3A_30 : i32
    %mul3A_32 = arith.constant 160 : i32
    %mul3A_33 = arith.muli %add3A_31, %mul3A_32 : i32
    %dma_wait3A = tpu.memref_slice %arg3[%mul3A_33] : memref<320000xi32, #tpu.memory_space<hbm>> -> memref<160xi32, #tpu.memory_space<hbm>>
    %dma_wait3A_34 = tpu.memref_slice %arg3[%mul3A_33] : memref<320000xi32, #tpu.memory_space<hbm>> -> memref<160xi32, #tpu.memory_space<hbm>>
    tpu.wait_dma2 semaphore(%arg22 : memref<!tpu.dma_semaphore, #tpu.memory_space<semaphore_mem>>) src(%dma_wait3A_34 : memref<160xi32, #tpu.memory_space<hbm>>) dst(%arg7 : memref<160xi32, #tpu.memory_space<vmem>>)
    %dma_wait3A_35 = tpu.memref_slice %arg4[%mul3A_33] : memref<320000xi32, #tpu.memory_space<hbm>> -> memref<160xi32, #tpu.memory_space<hbm>>
    %dma_wait3A_36 = tpu.memref_slice %arg4[%mul3A_33] : memref<320000xi32, #tpu.memory_space<hbm>> -> memref<160xi32, #tpu.memory_space<hbm>>
    tpu.wait_dma2 semaphore(%arg22 : memref<!tpu.dma_semaphore, #tpu.memory_space<semaphore_mem>>) src(%dma_wait3A_36 : memref<160xi32, #tpu.memory_space<hbm>>) dst(%arg11 : memref<160xi32, #tpu.memory_space<vmem>>)
    %dma_start3A_37 = arith.constant 0 : i32
    %dma_start3A_38 = arith.constant 0 : i32
    %dma_start3A_39 = tpu.memref_slice %arg2[%dma_start3A_37, %dma_start3A_38] : memref<10000x128xf32, #tpu.memory_space<hbm>> -> memref<10000x128xf32, #tpu.memory_space<hbm>>
    tpu.enqueue_indirect_dma source(%dma_start3A_39 : memref<10000x128xf32, #tpu.memory_space<hbm>>) target(%arg15 : memref<160x128xf32, #tpu.memory_space<vmem>>) offsets(%arg7 : memref<160xi32, #tpu.memory_space<vmem>>) semaphore(%arg18 : memref<!tpu.dma_semaphore, #tpu.memory_space<semaphore_mem>>)
    %barrier3A = arith.constant 0 : index
    tpu.barrier barrier_id(%barrier3A)
    %scan3A = arith.constant 0 : i32
    %scan3A_40 = arith.constant 15 : i32
    %scan3A_41 = arith.addi %scan3A, %scan3A_40 : i32
    %scan3A_42 = arith.constant 1 : i32
    scf.for %scan3A_89 = %scan3A to %scan3A_41 step %scan3A_42  : i32 {
      %mul3A_90 = arith.constant 1 : i32
      %mul3A_91 = arith.muli %scan3A_89, %mul3A_90 : i32
      %add3A_92 = arith.constant 0 : i32
      %add3A_93 = arith.addi %add3A_92, %mul3A_91 : i32
      %mul3A_94 = arith.constant 4 : i32
      %mul3A_95 = arith.muli %mul3A_94, %add3A_93 : i32
      %add3A_96 = arith.constant 0 : i32
      %add3A_97 = arith.addi %mul3A_95, %add3A_96 : i32
      %dma_wait3A_98 = arith.constant 0 : i32
      %dma_wait3A_99 = arith.constant 0 : i32
      %dma_wait3A_100 = tpu.memref_slice %arg2[%dma_wait3A_98, %dma_wait3A_99] : memref<10000x128xf32, #tpu.memory_space<hbm>> -> memref<10000x128xf32, #tpu.memory_space<hbm>>
      tpu.wait_indirect_dma semaphore(%arg18 : memref<!tpu.dma_semaphore, #tpu.memory_space<semaphore_mem>>) src(%dma_wait3A_100 : memref<10000x128xf32, #tpu.memory_space<hbm>>) dst(%arg15 : memref<160x128xf32, #tpu.memory_space<vmem>>)
      %gt3A = arith.constant 0 : i32
      %gt3A_101 = arith.cmpi sgt, %add3A_93, %gt3A : i32
      %convert_element_type3A_102 = arith.extui %gt3A_101 : i1 to i32
      %cond3A_103 = arith.constant 0 : i32
      %cond3A_104 = arith.cmpi ne, %convert_element_type3A_102, %cond3A_103 : i32
      scf.if %cond3A_104 {
        %dma_wait3A_227 = arith.constant 0 : i32
        %dma_wait3A_228 = arith.constant 0 : i32
        %dma_wait3A_229 = tpu.memref_slice %arg17[%dma_wait3A_227, %dma_wait3A_228] : memref<10000x128xf32, #tpu.memory_space<vmem_shared>> -> memref<10000x128xf32, #tpu.memory_space<vmem_shared>>
        tpu.wait_indirect_dma semaphore(%arg21 : memref<!tpu.dma_semaphore, #tpu.memory_space<semaphore_mem>>) src(%arg16 : memref<160x128xf32, #tpu.memory_space<vmem>>) dst(%dma_wait3A_229 : memref<10000x128xf32, #tpu.memory_space<vmem_shared>>)
      } else {
      }
      %add3A_105 = arith.constant 3 : i32
      %add3A_106 = arith.addi %add3A_97, %add3A_105 : i32
      %add3A_107 = arith.addi %mul3A_4, %add3A_106 : i32
      %mul3A_108 = arith.constant 160 : i32
      %mul3A_109 = arith.muli %add3A_107, %mul3A_108 : i32
      %dma_start3A_110 = tpu.memref_slice %arg3[%mul3A_109] : memref<320000xi32, #tpu.memory_space<hbm>> -> memref<160xi32, #tpu.memory_space<hbm>>
      %dma_start3A_111 = tpu.memref_slice %arg3[%mul3A_109] : memref<320000xi32, #tpu.memory_space<hbm>> -> memref<160xi32, #tpu.memory_space<hbm>>
      tpu.enqueue_dma source(%dma_start3A_111 : memref<160xi32, #tpu.memory_space<hbm>>) target(%arg10 : memref<160xi32, #tpu.memory_space<vmem>>) target_semaphore(%arg25 : memref<!tpu.dma_semaphore, #tpu.memory_space<semaphore_mem>>)
      %dma_start3A_112 = tpu.memref_slice %arg4[%mul3A_109] : memref<320000xi32, #tpu.memory_space<hbm>> -> memref<160xi32, #tpu.memory_space<hbm>>
      %dma_start3A_113 = tpu.memref_slice %arg4[%mul3A_109] : memref<320000xi32, #tpu.memory_space<hbm>> -> memref<160xi32, #tpu.memory_space<hbm>>
      tpu.enqueue_dma source(%dma_start3A_113 : memref<160xi32, #tpu.memory_space<hbm>>) target(%arg14 : memref<160xi32, #tpu.memory_space<vmem>>) target_semaphore(%arg25 : memref<!tpu.dma_semaphore, #tpu.memory_space<semaphore_mem>>)
      %add3A_114 = arith.constant 1 : i32
      %add3A_115 = arith.addi %add3A_97, %add3A_114 : i32
      %add3A_116 = arith.addi %mul3A_4, %add3A_115 : i32
      %mul3A_117 = arith.constant 160 : i32
      %mul3A_118 = arith.muli %add3A_116, %mul3A_117 : i32
      %dma_wait3A_119 = tpu.memref_slice %arg3[%mul3A_118] : memref<320000xi32, #tpu.memory_space<hbm>> -> memref<160xi32, #tpu.memory_space<hbm>>
      %dma_wait3A_120 = tpu.memref_slice %arg3[%mul3A_118] : memref<320000xi32, #tpu.memory_space<hbm>> -> memref<160xi32, #tpu.memory_space<hbm>>
      tpu.wait_dma2 semaphore(%arg23 : memref<!tpu.dma_semaphore, #tpu.memory_space<semaphore_mem>>) src(%dma_wait3A_120 : memref<160xi32, #tpu.memory_space<hbm>>) dst(%arg8 : memref<160xi32, #tpu.memory_space<vmem>>)
      %dma_wait3A_121 = tpu.memref_slice %arg4[%mul3A_118] : memref<320000xi32, #tpu.memory_space<hbm>> -> memref<160xi32, #tpu.memory_space<hbm>>
      %dma_wait3A_122 = tpu.memref_slice %arg4[%mul3A_118] : memref<320000xi32, #tpu.memory_space<hbm>> -> memref<160xi32, #tpu.memory_space<hbm>>
      tpu.wait_dma2 semaphore(%arg23 : memref<!tpu.dma_semaphore, #tpu.memory_space<semaphore_mem>>) src(%dma_wait3A_122 : memref<160xi32, #tpu.memory_space<hbm>>) dst(%arg12 : memref<160xi32, #tpu.memory_space<vmem>>)
      %dma_start3A_123 = arith.constant 0 : i32
      %dma_start3A_124 = arith.constant 0 : i32
      %dma_start3A_125 = tpu.memref_slice %arg2[%dma_start3A_123, %dma_start3A_124] : memref<10000x128xf32, #tpu.memory_space<hbm>> -> memref<10000x128xf32, #tpu.memory_space<hbm>>
      tpu.enqueue_indirect_dma source(%dma_start3A_125 : memref<10000x128xf32, #tpu.memory_space<hbm>>) target(%arg16 : memref<160x128xf32, #tpu.memory_space<vmem>>) offsets(%arg8 : memref<160xi32, #tpu.memory_space<vmem>>) semaphore(%arg19 : memref<!tpu.dma_semaphore, #tpu.memory_space<semaphore_mem>>)
      %dma_start3A_126 = arith.constant 0 : i32
      %dma_start3A_127 = arith.constant 0 : i32
      %dma_start3A_128 = tpu.memref_slice %arg17[%dma_start3A_126, %dma_start3A_127] : memref<10000x128xf32, #tpu.memory_space<vmem_shared>> -> memref<10000x128xf32, #tpu.memory_space<vmem_shared>>
      tpu.enqueue_indirect_dma source(%arg15 : memref<160x128xf32, #tpu.memory_space<vmem>>) target(%dma_start3A_128 : memref<10000x128xf32, #tpu.memory_space<vmem_shared>>) offsets(%arg11 : memref<160xi32, #tpu.memory_space<vmem>>) semaphore(%arg20 : memref<!tpu.dma_semaphore, #tpu.memory_space<semaphore_mem>>) {add = true}
      %mul3A_129 = arith.constant 4 : i32
      %mul3A_130 = arith.muli %mul3A_129, %add3A_93 : i32
      %add3A_131 = arith.constant 1 : i32
      %add3A_132 = arith.addi %mul3A_130, %add3A_131 : i32
      %dma_wait3A_133 = arith.constant 0 : i32
      %dma_wait3A_134 = arith.constant 0 : i32
      %dma_wait3A_135 = tpu.memref_slice %arg2[%dma_wait3A_133, %dma_wait3A_134] : memref<10000x128xf32, #tpu.memory_space<hbm>> -> memref<10000x128xf32, #tpu.memory_space<hbm>>
      tpu.wait_indirect_dma semaphore(%arg19 : memref<!tpu.dma_semaphore, #tpu.memory_space<semaphore_mem>>) src(%dma_wait3A_135 : memref<10000x128xf32, #tpu.memory_space<hbm>>) dst(%arg16 : memref<160x128xf32, #tpu.memory_space<vmem>>)
      %dma_wait3A_136 = arith.constant 0 : i32
      %dma_wait3A_137 = arith.constant 0 : i32
      %dma_wait3A_138 = tpu.memref_slice %arg17[%dma_wait3A_136, %dma_wait3A_137] : memref<10000x128xf32, #tpu.memory_space<vmem_shared>> -> memref<10000x128xf32, #tpu.memory_space<vmem_shared>>
      tpu.wait_indirect_dma semaphore(%arg20 : memref<!tpu.dma_semaphore, #tpu.memory_space<semaphore_mem>>) src(%arg15 : memref<160x128xf32, #tpu.memory_space<vmem>>) dst(%dma_wait3A_138 : memref<10000x128xf32, #tpu.memory_space<vmem_shared>>)
      %add3A_139 = arith.constant 3 : i32
      %add3A_140 = arith.addi %add3A_132, %add3A_139 : i32
      %add3A_141 = arith.addi %mul3A_4, %add3A_140 : i32
      %mul3A_142 = arith.constant 160 : i32
      %mul3A_143 = arith.muli %add3A_141, %mul3A_142 : i32
      %dma_start3A_144 = tpu.memref_slice %arg3[%mul3A_143] : memref<320000xi32, #tpu.memory_space<hbm>> -> memref<160xi32, #tpu.memory_space<hbm>>
      %dma_start3A_145 = tpu.memref_slice %arg3[%mul3A_143] : memref<320000xi32, #tpu.memory_space<hbm>> -> memref<160xi32, #tpu.memory_space<hbm>>
      tpu.enqueue_dma source(%dma_start3A_145 : memref<160xi32, #tpu.memory_space<hbm>>) target(%arg7 : memref<160xi32, #tpu.memory_space<vmem>>) target_semaphore(%arg22 : memref<!tpu.dma_semaphore, #tpu.memory_space<semaphore_mem>>)
      %dma_start3A_146 = tpu.memref_slice %arg4[%mul3A_143] : memref<320000xi32, #tpu.memory_space<hbm>> -> memref<160xi32, #tpu.memory_space<hbm>>
      %dma_start3A_147 = tpu.memref_slice %arg4[%mul3A_143] : memref<320000xi32, #tpu.memory_space<hbm>> -> memref<160xi32, #tpu.memory_space<hbm>>
      tpu.enqueue_dma source(%dma_start3A_147 : memref<160xi32, #tpu.memory_space<hbm>>) target(%arg11 : memref<160xi32, #tpu.memory_space<vmem>>) target_semaphore(%arg22 : memref<!tpu.dma_semaphore, #tpu.memory_space<semaphore_mem>>)
      %add3A_148 = arith.constant 1 : i32
      %add3A_149 = arith.addi %add3A_132, %add3A_148 : i32
      %add3A_150 = arith.addi %mul3A_4, %add3A_149 : i32
      %mul3A_151 = arith.constant 160 : i32
      %mul3A_152 = arith.muli %add3A_150, %mul3A_151 : i32
      %dma_wait3A_153 = tpu.memref_slice %arg3[%mul3A_152] : memref<320000xi32, #tpu.memory_space<hbm>> -> memref<160xi32, #tpu.memory_space<hbm>>
      %dma_wait3A_154 = tpu.memref_slice %arg3[%mul3A_152] : memref<320000xi32, #tpu.memory_space<hbm>> -> memref<160xi32, #tpu.memory_space<hbm>>
      tpu.wait_dma2 semaphore(%arg24 : memref<!tpu.dma_semaphore, #tpu.memory_space<semaphore_mem>>) src(%dma_wait3A_154 : memref<160xi32, #tpu.memory_space<hbm>>) dst(%arg9 : memref<160xi32, #tpu.memory_space<vmem>>)
      %dma_wait3A_155 = tpu.memref_slice %arg4[%mul3A_152] : memref<320000xi32, #tpu.memory_space<hbm>> -> memref<160xi32, #tpu.memory_space<hbm>>
      %dma_wait3A_156 = tpu.memref_slice %arg4[%mul3A_152] : memref<320000xi32, #tpu.memory_space<hbm>> -> memref<160xi32, #tpu.memory_space<hbm>>
      tpu.wait_dma2 semaphore(%arg24 : memref<!tpu.dma_semaphore, #tpu.memory_space<semaphore_mem>>) src(%dma_wait3A_156 : memref<160xi32, #tpu.memory_space<hbm>>) dst(%arg13 : memref<160xi32, #tpu.memory_space<vmem>>)
      %dma_start3A_157 = arith.constant 0 : i32
      %dma_start3A_158 = arith.constant 0 : i32
      %dma_start3A_159 = tpu.memref_slice %arg2[%dma_start3A_157, %dma_start3A_158] : memref<10000x128xf32, #tpu.memory_space<hbm>> -> memref<10000x128xf32, #tpu.memory_space<hbm>>
      tpu.enqueue_indirect_dma source(%dma_start3A_159 : memref<10000x128xf32, #tpu.memory_space<hbm>>) target(%arg15 : memref<160x128xf32, #tpu.memory_space<vmem>>) offsets(%arg9 : memref<160xi32, #tpu.memory_space<vmem>>) semaphore(%arg18 : memref<!tpu.dma_semaphore, #tpu.memory_space<semaphore_mem>>)
      %dma_start3A_160 = arith.constant 0 : i32
      %dma_start3A_161 = arith.constant 0 : i32
      %dma_start3A_162 = tpu.memref_slice %arg17[%dma_start3A_160, %dma_start3A_161] : memref<10000x128xf32, #tpu.memory_space<vmem_shared>> -> memref<10000x128xf32, #tpu.memory_space<vmem_shared>>
      tpu.enqueue_indirect_dma source(%arg16 : memref<160x128xf32, #tpu.memory_space<vmem>>) target(%dma_start3A_162 : memref<10000x128xf32, #tpu.memory_space<vmem_shared>>) offsets(%arg12 : memref<160xi32, #tpu.memory_space<vmem>>) semaphore(%arg21 : memref<!tpu.dma_semaphore, #tpu.memory_space<semaphore_mem>>) {add = true}
      %mul3A_163 = arith.constant 4 : i32
      %mul3A_164 = arith.muli %mul3A_163, %add3A_93 : i32
      %add3A_165 = arith.constant 2 : i32
      %add3A_166 = arith.addi %mul3A_164, %add3A_165 : i32
      %dma_wait3A_167 = arith.constant 0 : i32
      %dma_wait3A_168 = arith.constant 0 : i32
      %dma_wait3A_169 = tpu.memref_slice %arg2[%dma_wait3A_167, %dma_wait3A_168] : memref<10000x128xf32, #tpu.memory_space<hbm>> -> memref<10000x128xf32, #tpu.memory_space<hbm>>
      tpu.wait_indirect_dma semaphore(%arg18 : memref<!tpu.dma_semaphore, #tpu.memory_space<semaphore_mem>>) src(%dma_wait3A_169 : memref<10000x128xf32, #tpu.memory_space<hbm>>) dst(%arg15 : memref<160x128xf32, #tpu.memory_space<vmem>>)
      %dma_wait3A_170 = arith.constant 0 : i32
      %dma_wait3A_171 = arith.constant 0 : i32
      %dma_wait3A_172 = tpu.memref_slice %arg17[%dma_wait3A_170, %dma_wait3A_171] : memref<10000x128xf32, #tpu.memory_space<vmem_shared>> -> memref<10000x128xf32, #tpu.memory_space<vmem_shared>>
      tpu.wait_indirect_dma semaphore(%arg21 : memref<!tpu.dma_semaphore, #tpu.memory_space<semaphore_mem>>) src(%arg16 : memref<160x128xf32, #tpu.memory_space<vmem>>) dst(%dma_wait3A_172 : memref<10000x128xf32, #tpu.memory_space<vmem_shared>>)
      %add3A_173 = arith.constant 3 : i32
      %add3A_174 = arith.addi %add3A_166, %add3A_173 : i32
      %add3A_175 = arith.addi %mul3A_4, %add3A_174 : i32
      %mul3A_176 = arith.constant 160 : i32
      %mul3A_177 = arith.muli %add3A_175, %mul3A_176 : i32
      %dma_start3A_178 = tpu.memref_slice %arg3[%mul3A_177] : memref<320000xi32, #tpu.memory_space<hbm>> -> memref<160xi32, #tpu.memory_space<hbm>>
      %dma_start3A_179 = tpu.memref_slice %arg3[%mul3A_177] : memref<320000xi32, #tpu.memory_space<hbm>> -> memref<160xi32, #tpu.memory_space<hbm>>
      tpu.enqueue_dma source(%dma_start3A_179 : memref<160xi32, #tpu.memory_space<hbm>>) target(%arg8 : memref<160xi32, #tpu.memory_space<vmem>>) target_semaphore(%arg23 : memref<!tpu.dma_semaphore, #tpu.memory_space<semaphore_mem>>)
      %dma_start3A_180 = tpu.memref_slice %arg4[%mul3A_177] : memref<320000xi32, #tpu.memory_space<hbm>> -> memref<160xi32, #tpu.memory_space<hbm>>
      %dma_start3A_181 = tpu.memref_slice %arg4[%mul3A_177] : memref<320000xi32, #tpu.memory_space<hbm>> -> memref<160xi32, #tpu.memory_space<hbm>>
      tpu.enqueue_dma source(%dma_start3A_181 : memref<160xi32, #tpu.memory_space<hbm>>) target(%arg12 : memref<160xi32, #tpu.memory_space<vmem>>) target_semaphore(%arg23 : memref<!tpu.dma_semaphore, #tpu.memory_space<semaphore_mem>>)
      %add3A_182 = arith.constant 1 : i32
      %add3A_183 = arith.addi %add3A_166, %add3A_182 : i32
      %add3A_184 = arith.addi %mul3A_4, %add3A_183 : i32
      %mul3A_185 = arith.constant 160 : i32
      %mul3A_186 = arith.muli %add3A_184, %mul3A_185 : i32
      %dma_wait3A_187 = tpu.memref_slice %arg3[%mul3A_186] : memref<320000xi32, #tpu.memory_space<hbm>> -> memref<160xi32, #tpu.memory_space<hbm>>
      %dma_wait3A_188 = tpu.memref_slice %arg3[%mul3A_186] : memref<320000xi32, #tpu.memory_space<hbm>> -> memref<160xi32, #tpu.memory_space<hbm>>
      tpu.wait_dma2 semaphore(%arg25 : memref<!tpu.dma_semaphore, #tpu.memory_space<semaphore_mem>>) src(%dma_wait3A_188 : memref<160xi32, #tpu.memory_space<hbm>>) dst(%arg10 : memref<160xi32, #tpu.memory_space<vmem>>)
      %dma_wait3A_189 = tpu.memref_slice %arg4[%mul3A_186] : memref<320000xi32, #tpu.memory_space<hbm>> -> memref<160xi32, #tpu.memory_space<hbm>>
      %dma_wait3A_190 = tpu.memref_slice %arg4[%mul3A_186] : memref<320000xi32, #tpu.memory_space<hbm>> -> memref<160xi32, #tpu.memory_space<hbm>>
      tpu.wait_dma2 semaphore(%arg25 : memref<!tpu.dma_semaphore, #tpu.memory_space<semaphore_mem>>) src(%dma_wait3A_190 : memref<160xi32, #tpu.memory_space<hbm>>) dst(%arg14 : memref<160xi32, #tpu.memory_space<vmem>>)
      %dma_start3A_191 = arith.constant 0 : i32
      %dma_start3A_192 = arith.constant 0 : i32
      %dma_start3A_193 = tpu.memref_slice %arg2[%dma_start3A_191, %dma_start3A_192] : memref<10000x128xf32, #tpu.memory_space<hbm>> -> memref<10000x128xf32, #tpu.memory_space<hbm>>
      tpu.enqueue_indirect_dma source(%dma_start3A_193 : memref<10000x128xf32, #tpu.memory_space<hbm>>) target(%arg16 : memref<160x128xf32, #tpu.memory_space<vmem>>) offsets(%arg10 : memref<160xi32, #tpu.memory_space<vmem>>) semaphore(%arg19 : memref<!tpu.dma_semaphore, #tpu.memory_space<semaphore_mem>>)
      %dma_start3A_194 = arith.constant 0 : i32
      %dma_start3A_195 = arith.constant 0 : i32
      %dma_start3A_196 = tpu.memref_slice %arg17[%dma_start3A_194, %dma_start3A_195] : memref<10000x128xf32, #tpu.memory_space<vmem_shared>> -> memref<10000x128xf32, #tpu.memory_space<vmem_shared>>
      tpu.enqueue_indirect_dma source(%arg15 : memref<160x128xf32, #tpu.memory_space<vmem>>) target(%dma_start3A_196 : memref<10000x128xf32, #tpu.memory_space<vmem_shared>>) offsets(%arg13 : memref<160xi32, #tpu.memory_space<vmem>>) semaphore(%arg20 : memref<!tpu.dma_semaphore, #tpu.memory_space<semaphore_mem>>) {add = true}
      %mul3A_197 = arith.constant 4 : i32
      %mul3A_198 = arith.muli %mul3A_197, %add3A_93 : i32
      %add3A_199 = arith.constant 3 : i32
      %add3A_200 = arith.addi %mul3A_198, %add3A_199 : i32
      %dma_wait3A_201 = arith.constant 0 : i32
      %dma_wait3A_202 = arith.constant 0 : i32
      %dma_wait3A_203 = tpu.memref_slice %arg2[%dma_wait3A_201, %dma_wait3A_202] : memref<10000x128xf32, #tpu.memory_space<hbm>> -> memref<10000x128xf32, #tpu.memory_space<hbm>>
      tpu.wait_indirect_dma semaphore(%arg19 : memref<!tpu.dma_semaphore, #tpu.memory_space<semaphore_mem>>) src(%dma_wait3A_203 : memref<10000x128xf32, #tpu.memory_space<hbm>>) dst(%arg16 : memref<160x128xf32, #tpu.memory_space<vmem>>)
      %dma_wait3A_204 = arith.constant 0 : i32
      %dma_wait3A_205 = arith.constant 0 : i32
      %dma_wait3A_206 = tpu.memref_slice %arg17[%dma_wait3A_204, %dma_wait3A_205] : memref<10000x128xf32, #tpu.memory_space<vmem_shared>> -> memref<10000x128xf32, #tpu.memory_space<vmem_shared>>
      tpu.wait_indirect_dma semaphore(%arg20 : memref<!tpu.dma_semaphore, #tpu.memory_space<semaphore_mem>>) src(%arg15 : memref<160x128xf32, #tpu.memory_space<vmem>>) dst(%dma_wait3A_206 : memref<10000x128xf32, #tpu.memory_space<vmem_shared>>)
      %lt3A_207 = arith.constant 14 : i32
      %lt3A_208 = arith.cmpi slt, %add3A_93, %lt3A_207 : i32
      %convert_element_type3A_209 = arith.extui %lt3A_208 : i1 to i32
      %cond3A_210 = arith.constant 0 : i32
      %cond3A_211 = arith.cmpi ne, %convert_element_type3A_209, %cond3A_210 : i32
      scf.if %cond3A_211 {
        %add3A_227 = arith.constant 3 : i32
        %add3A_228 = arith.addi %add3A_200, %add3A_227 : i32
        %add3A_229 = arith.addi %mul3A_4, %add3A_228 : i32
        %mul3A_230 = arith.constant 160 : i32
        %mul3A_231 = arith.muli %add3A_229, %mul3A_230 : i32
        %dma_start3A_232 = tpu.memref_slice %arg3[%mul3A_231] : memref<320000xi32, #tpu.memory_space<hbm>> -> memref<160xi32, #tpu.memory_space<hbm>>
        %dma_start3A_233 = tpu.memref_slice %arg3[%mul3A_231] : memref<320000xi32, #tpu.memory_space<hbm>> -> memref<160xi32, #tpu.memory_space<hbm>>
        tpu.enqueue_dma source(%dma_start3A_233 : memref<160xi32, #tpu.memory_space<hbm>>) target(%arg9 : memref<160xi32, #tpu.memory_space<vmem>>) target_semaphore(%arg24 : memref<!tpu.dma_semaphore, #tpu.memory_space<semaphore_mem>>)
        %dma_start3A_234 = tpu.memref_slice %arg4[%mul3A_231] : memref<320000xi32, #tpu.memory_space<hbm>> -> memref<160xi32, #tpu.memory_space<hbm>>
        %dma_start3A_235 = tpu.memref_slice %arg4[%mul3A_231] : memref<320000xi32, #tpu.memory_space<hbm>> -> memref<160xi32, #tpu.memory_space<hbm>>
        tpu.enqueue_dma source(%dma_start3A_235 : memref<160xi32, #tpu.memory_space<hbm>>) target(%arg13 : memref<160xi32, #tpu.memory_space<vmem>>) target_semaphore(%arg24 : memref<!tpu.dma_semaphore, #tpu.memory_space<semaphore_mem>>)
      } else {
      }
      %add3A_212 = arith.constant 1 : i32
      %add3A_213 = arith.addi %add3A_200, %add3A_212 : i32
      %add3A_214 = arith.addi %mul3A_4, %add3A_213 : i32
      %mul3A_215 = arith.constant 160 : i32
      %mul3A_216 = arith.muli %add3A_214, %mul3A_215 : i32
      %dma_wait3A_217 = tpu.memref_slice %arg3[%mul3A_216] : memref<320000xi32, #tpu.memory_space<hbm>> -> memref<160xi32, #tpu.memory_space<hbm>>
      %dma_wait3A_218 = tpu.memref_slice %arg3[%mul3A_216] : memref<320000xi32, #tpu.memory_space<hbm>> -> memref<160xi32, #tpu.memory_space<hbm>>
      tpu.wait_dma2 semaphore(%arg22 : memref<!tpu.dma_semaphore, #tpu.memory_space<semaphore_mem>>) src(%dma_wait3A_218 : memref<160xi32, #tpu.memory_space<hbm>>) dst(%arg7 : memref<160xi32, #tpu.memory_space<vmem>>)
      %dma_wait3A_219 = tpu.memref_slice %arg4[%mul3A_216] : memref<320000xi32, #tpu.memory_space<hbm>> -> memref<160xi32, #tpu.memory_space<hbm>>
      %dma_wait3A_220 = tpu.memref_slice %arg4[%mul3A_216] : memref<320000xi32, #tpu.memory_space<hbm>> -> memref<160xi32, #tpu.memory_space<hbm>>
      tpu.wait_dma2 semaphore(%arg22 : memref<!tpu.dma_semaphore, #tpu.memory_space<semaphore_mem>>) src(%dma_wait3A_220 : memref<160xi32, #tpu.memory_space<hbm>>) dst(%arg11 : memref<160xi32, #tpu.memory_space<vmem>>)
      %dma_start3A_221 = arith.constant 0 : i32
      %dma_start3A_222 = arith.constant 0 : i32
      %dma_start3A_223 = tpu.memref_slice %arg2[%dma_start3A_221, %dma_start3A_222] : memref<10000x128xf32, #tpu.memory_space<hbm>> -> memref<10000x128xf32, #tpu.memory_space<hbm>>
      tpu.enqueue_indirect_dma source(%dma_start3A_223 : memref<10000x128xf32, #tpu.memory_space<hbm>>) target(%arg15 : memref<160x128xf32, #tpu.memory_space<vmem>>) offsets(%arg7 : memref<160xi32, #tpu.memory_space<vmem>>) semaphore(%arg18 : memref<!tpu.dma_semaphore, #tpu.memory_space<semaphore_mem>>)
      %dma_start3A_224 = arith.constant 0 : i32
      %dma_start3A_225 = arith.constant 0 : i32
      %dma_start3A_226 = tpu.memref_slice %arg17[%dma_start3A_224, %dma_start3A_225] : memref<10000x128xf32, #tpu.memory_space<vmem_shared>> -> memref<10000x128xf32, #tpu.memory_space<vmem_shared>>
      tpu.enqueue_indirect_dma source(%arg16 : memref<160x128xf32, #tpu.memory_space<vmem>>) target(%dma_start3A_226 : memref<10000x128xf32, #tpu.memory_space<vmem_shared>>) offsets(%arg14 : memref<160xi32, #tpu.memory_space<vmem>>) semaphore(%arg21 : memref<!tpu.dma_semaphore, #tpu.memory_space<semaphore_mem>>) {add = true}
    }
    %scan3A_43 = arith.constant 15 : i32
    %dma_wait3A_44 = arith.constant 0 : i32
    %dma_wait3A_45 = arith.constant 0 : i32
    %dma_wait3A_46 = tpu.memref_slice %arg2[%dma_wait3A_44, %dma_wait3A_45] : memref<10000x128xf32, #tpu.memory_space<hbm>> -> memref<10000x128xf32, #tpu.memory_space<hbm>>
    tpu.wait_indirect_dma semaphore(%arg18 : memref<!tpu.dma_semaphore, #tpu.memory_space<semaphore_mem>>) src(%dma_wait3A_46 : memref<10000x128xf32, #tpu.memory_space<hbm>>) dst(%arg15 : memref<160x128xf32, #tpu.memory_space<vmem>>)
    %dma_wait3A_47 = arith.constant 0 : i32
    %dma_wait3A_48 = arith.constant 0 : i32
    %dma_wait3A_49 = tpu.memref_slice %arg17[%dma_wait3A_47, %dma_wait3A_48] : memref<10000x128xf32, #tpu.memory_space<vmem_shared>> -> memref<10000x128xf32, #tpu.memory_space<vmem_shared>>
    tpu.wait_indirect_dma semaphore(%arg21 : memref<!tpu.dma_semaphore, #tpu.memory_space<semaphore_mem>>) src(%arg16 : memref<160x128xf32, #tpu.memory_space<vmem>>) dst(%dma_wait3A_49 : memref<10000x128xf32, #tpu.memory_space<vmem_shared>>)
    %add3A_50 = arith.constant 61 : i32
    %add3A_51 = arith.addi %mul3A_4, %add3A_50 : i32
    %mul3A_52 = arith.constant 160 : i32
    %mul3A_53 = arith.muli %add3A_51, %mul3A_52 : i32
    %dma_wait3A_54 = tpu.memref_slice %arg3[%mul3A_53] : memref<320000xi32, #tpu.memory_space<hbm>> -> memref<160xi32, #tpu.memory_space<hbm>>
    %dma_wait3A_55 = tpu.memref_slice %arg3[%mul3A_53] : memref<320000xi32, #tpu.memory_space<hbm>> -> memref<160xi32, #tpu.memory_space<hbm>>
    tpu.wait_dma2 semaphore(%arg23 : memref<!tpu.dma_semaphore, #tpu.memory_space<semaphore_mem>>) src(%dma_wait3A_55 : memref<160xi32, #tpu.memory_space<hbm>>) dst(%arg8 : memref<160xi32, #tpu.memory_space<vmem>>)
    %dma_wait3A_56 = tpu.memref_slice %arg4[%mul3A_53] : memref<320000xi32, #tpu.memory_space<hbm>> -> memref<160xi32, #tpu.memory_space<hbm>>
    %dma_wait3A_57 = tpu.memref_slice %arg4[%mul3A_53] : memref<320000xi32, #tpu.memory_space<hbm>> -> memref<160xi32, #tpu.memory_space<hbm>>
    tpu.wait_dma2 semaphore(%arg23 : memref<!tpu.dma_semaphore, #tpu.memory_space<semaphore_mem>>) src(%dma_wait3A_57 : memref<160xi32, #tpu.memory_space<hbm>>) dst(%arg12 : memref<160xi32, #tpu.memory_space<vmem>>)
    %dma_start3A_58 = arith.constant 0 : i32
    %dma_start3A_59 = arith.constant 0 : i32
    %dma_start3A_60 = tpu.memref_slice %arg2[%dma_start3A_58, %dma_start3A_59] : memref<10000x128xf32, #tpu.memory_space<hbm>> -> memref<10000x128xf32, #tpu.memory_space<hbm>>
    tpu.enqueue_indirect_dma source(%dma_start3A_60 : memref<10000x128xf32, #tpu.memory_space<hbm>>) target(%arg16 : memref<160x128xf32, #tpu.memory_space<vmem>>) offsets(%arg8 : memref<160xi32, #tpu.memory_space<vmem>>) semaphore(%arg19 : memref<!tpu.dma_semaphore, #tpu.memory_space<semaphore_mem>>)
    %dma_start3A_61 = arith.constant 0 : i32
    %dma_start3A_62 = arith.constant 0 : i32
    %dma_start3A_63 = tpu.memref_slice %arg17[%dma_start3A_61, %dma_start3A_62] : memref<10000x128xf32, #tpu.memory_space<vmem_shared>> -> memref<10000x128xf32, #tpu.memory_space<vmem_shared>>
    tpu.enqueue_indirect_dma source(%arg15 : memref<160x128xf32, #tpu.memory_space<vmem>>) target(%dma_start3A_63 : memref<10000x128xf32, #tpu.memory_space<vmem_shared>>) offsets(%arg11 : memref<160xi32, #tpu.memory_space<vmem>>) semaphore(%arg20 : memref<!tpu.dma_semaphore, #tpu.memory_space<semaphore_mem>>) {add = true}
    %dma_wait3A_64 = arith.constant 0 : i32
    %dma_wait3A_65 = arith.constant 0 : i32
    %dma_wait3A_66 = tpu.memref_slice %arg2[%dma_wait3A_64, %dma_wait3A_65] : memref<10000x128xf32, #tpu.memory_space<hbm>> -> memref<10000x128xf32, #tpu.memory_space<hbm>>
    tpu.wait_indirect_dma semaphore(%arg19 : memref<!tpu.dma_semaphore, #tpu.memory_space<semaphore_mem>>) src(%dma_wait3A_66 : memref<10000x128xf32, #tpu.memory_space<hbm>>) dst(%arg16 : memref<160x128xf32, #tpu.memory_space<vmem>>)
    %dma_wait3A_67 = arith.constant 0 : i32
    %dma_wait3A_68 = arith.constant 0 : i32
    %dma_wait3A_69 = tpu.memref_slice %arg17[%dma_wait3A_67, %dma_wait3A_68] : memref<10000x128xf32, #tpu.memory_space<vmem_shared>> -> memref<10000x128xf32, #tpu.memory_space<vmem_shared>>
    tpu.wait_indirect_dma semaphore(%arg20 : memref<!tpu.dma_semaphore, #tpu.memory_space<semaphore_mem>>) src(%arg15 : memref<160x128xf32, #tpu.memory_space<vmem>>) dst(%dma_wait3A_69 : memref<10000x128xf32, #tpu.memory_space<vmem_shared>>)
    %dma_start3A_70 = arith.constant 0 : i32
    %dma_start3A_71 = arith.constant 0 : i32
    %dma_start3A_72 = tpu.memref_slice %arg17[%dma_start3A_70, %dma_start3A_71] : memref<10000x128xf32, #tpu.memory_space<vmem_shared>> -> memref<10000x128xf32, #tpu.memory_space<vmem_shared>>
    tpu.enqueue_indirect_dma source(%arg16 : memref<160x128xf32, #tpu.memory_space<vmem>>) target(%dma_start3A_72 : memref<10000x128xf32, #tpu.memory_space<vmem_shared>>) offsets(%arg12 : memref<160xi32, #tpu.memory_space<vmem>>) semaphore(%arg21 : memref<!tpu.dma_semaphore, #tpu.memory_space<semaphore_mem>>) {add = true}
    %dma_wait3A_73 = arith.constant 0 : i32
    %dma_wait3A_74 = arith.constant 0 : i32
    %dma_wait3A_75 = tpu.memref_slice %arg17[%dma_wait3A_73, %dma_wait3A_74] : memref<10000x128xf32, #tpu.memory_space<vmem_shared>> -> memref<10000x128xf32, #tpu.memory_space<vmem_shared>>
    tpu.wait_indirect_dma semaphore(%arg21 : memref<!tpu.dma_semaphore, #tpu.memory_space<semaphore_mem>>) src(%arg16 : memref<160x128xf32, #tpu.memory_space<vmem>>) dst(%dma_wait3A_75 : memref<10000x128xf32, #tpu.memory_space<vmem_shared>>)
    %lt3A = arith.constant 16 : i32
    %lt3A_76 = arith.cmpi slt, %add3A, %lt3A : i32
    %convert_element_type3A_77 = arith.extui %lt3A_76 : i1 to i32
    %cond3A_78 = arith.constant 0 : i32
    %cond3A_79 = arith.cmpi ne, %convert_element_type3A_77, %cond3A_78 : i32
    scf.if %cond3A_79 {
      %add3A_89 = arith.constant 1984 : i32
      %add3A_90 = arith.addi %add3A_89, %add3A : i32
      %mul3A_91 = arith.constant 160 : i32
      %mul3A_92 = arith.muli %add3A_90, %mul3A_91 : i32
      "tpu.region"() ({
        %run_scoped3A = tpu.sem_alloc : memref<!tpu.dma_semaphore, #tpu.memory_space<semaphore_mem>>
        %dma_start3A_99 = tpu.memref_slice %arg3[%mul3A_92] : memref<320000xi32, #tpu.memory_space<hbm>> -> memref<160xi32, #tpu.memory_space<hbm>>
        %dma_start3A_100 = tpu.memref_slice %arg3[%mul3A_92] : memref<320000xi32, #tpu.memory_space<hbm>> -> memref<160xi32, #tpu.memory_space<hbm>>
        tpu.enqueue_dma source(%dma_start3A_100 : memref<160xi32, #tpu.memory_space<hbm>>) target(%arg7 : memref<160xi32, #tpu.memory_space<vmem>>) target_semaphore(%run_scoped3A : memref<!tpu.dma_semaphore, #tpu.memory_space<semaphore_mem>>)
        %dma_wait3A_101 = tpu.memref_slice %arg3[%mul3A_92] : memref<320000xi32, #tpu.memory_space<hbm>> -> memref<160xi32, #tpu.memory_space<hbm>>
        %dma_wait3A_102 = tpu.memref_slice %arg3[%mul3A_92] : memref<320000xi32, #tpu.memory_space<hbm>> -> memref<160xi32, #tpu.memory_space<hbm>>
        tpu.wait_dma2 semaphore(%run_scoped3A : memref<!tpu.dma_semaphore, #tpu.memory_space<semaphore_mem>>) src(%dma_wait3A_102 : memref<160xi32, #tpu.memory_space<hbm>>) dst(%arg7 : memref<160xi32, #tpu.memory_space<vmem>>)
        tpu.yield
      }) : () -> ()
      "tpu.region"() ({
        %run_scoped3A = tpu.sem_alloc : memref<!tpu.dma_semaphore, #tpu.memory_space<semaphore_mem>>
        %dma_start3A_99 = tpu.memref_slice %arg4[%mul3A_92] : memref<320000xi32, #tpu.memory_space<hbm>> -> memref<160xi32, #tpu.memory_space<hbm>>
        %dma_start3A_100 = tpu.memref_slice %arg4[%mul3A_92] : memref<320000xi32, #tpu.memory_space<hbm>> -> memref<160xi32, #tpu.memory_space<hbm>>
        tpu.enqueue_dma source(%dma_start3A_100 : memref<160xi32, #tpu.memory_space<hbm>>) target(%arg11 : memref<160xi32, #tpu.memory_space<vmem>>) target_semaphore(%run_scoped3A : memref<!tpu.dma_semaphore, #tpu.memory_space<semaphore_mem>>)
        %dma_wait3A_101 = tpu.memref_slice %arg4[%mul3A_92] : memref<320000xi32, #tpu.memory_space<hbm>> -> memref<160xi32, #tpu.memory_space<hbm>>
        %dma_wait3A_102 = tpu.memref_slice %arg4[%mul3A_92] : memref<320000xi32, #tpu.memory_space<hbm>> -> memref<160xi32, #tpu.memory_space<hbm>>
        tpu.wait_dma2 semaphore(%run_scoped3A : memref<!tpu.dma_semaphore, #tpu.memory_space<semaphore_mem>>) src(%dma_wait3A_102 : memref<160xi32, #tpu.memory_space<hbm>>) dst(%arg11 : memref<160xi32, #tpu.memory_space<vmem>>)
        tpu.yield
      }) : () -> ()
      %dma_start3A_93 = arith.constant 0 : i32
      %dma_start3A_94 = arith.constant 0 : i32
      %dma_start3A_95 = tpu.memref_slice %arg2[%dma_start3A_93, %dma_start3A_94] : memref<10000x128xf32, #tpu.memory_space<hbm>> -> memref<10000x128xf32, #tpu.memory_space<hbm>>
      tpu.enqueue_indirect_dma source(%dma_start3A_95 : memref<10000x128xf32, #tpu.memory_space<hbm>>) target(%arg15 : memref<160x128xf32, #tpu.memory_space<vmem>>) offsets(%arg7 : memref<160xi32, #tpu.memory_space<vmem>>) semaphore(%arg18 : memref<!tpu.dma_semaphore, #tpu.memory_space<semaphore_mem>>)
      %dma_wait3A_96 = arith.constant 0 : i32
      %dma_wait3A_97 = arith.constant 0 : i32
      %dma_wait3A_98 = tpu.memref_slice %arg2[%dma_wait3A_96, %dma_wait3A_97] : memref<10000x128xf32, #tpu.memory_space<hbm>> -> memref<10000x128xf32, #tpu.memory_space<hbm>>
      tpu.wait_indirect_dma semaphore(%arg18 : memref<!tpu.dma_semaphore, #tpu.memory_space<semaphore_mem>>) src(%dma_wait3A_98 : memref<10000x128xf32, #tpu.memory_space<hbm>>) dst(%arg15 : memref<160x128xf32, #tpu.memory_space<vmem>>)
      "tpu.region"() ({
        %run_scoped3A = tpu.sem_alloc : memref<!tpu.dma_semaphore, #tpu.memory_space<semaphore_mem>>
        %dma_start3A_99 = arith.constant 0 : i32
        %dma_start3A_100 = arith.constant 0 : i32
        %dma_start3A_101 = tpu.memref_slice %arg17[%dma_start3A_99, %dma_start3A_100] : memref<10000x128xf32, #tpu.memory_space<vmem_shared>> -> memref<10000x128xf32, #tpu.memory_space<vmem_shared>>
        tpu.enqueue_indirect_dma source(%arg15 : memref<160x128xf32, #tpu.memory_space<vmem>>) target(%dma_start3A_101 : memref<10000x128xf32, #tpu.memory_space<vmem_shared>>) offsets(%arg11 : memref<160xi32, #tpu.memory_space<vmem>>) semaphore(%run_scoped3A : memref<!tpu.dma_semaphore, #tpu.memory_space<semaphore_mem>>) {add = true}
        %dma_wait3A_102 = arith.constant 0 : i32
        %dma_wait3A_103 = arith.constant 0 : i32
        %dma_wait3A_104 = tpu.memref_slice %arg17[%dma_wait3A_102, %dma_wait3A_103] : memref<10000x128xf32, #tpu.memory_space<vmem_shared>> -> memref<10000x128xf32, #tpu.memory_space<vmem_shared>>
        tpu.wait_indirect_dma semaphore(%run_scoped3A : memref<!tpu.dma_semaphore, #tpu.memory_space<semaphore_mem>>) src(%arg15 : memref<160x128xf32, #tpu.memory_space<vmem>>) dst(%dma_wait3A_104 : memref<10000x128xf32, #tpu.memory_space<vmem_shared>>)
        tpu.yield
      }) : () -> ()
    } else {
    }
    %barrier3A_80 = arith.constant 0 : index
    tpu.barrier barrier_id(%barrier3A_80)
    %mul3A_81 = arith.constant 10000 : i32
    %mul3A_82 = arith.muli %arg0, %mul3A_81 : i32
    %add3A_83 = arith.addi %mul3A_82, %mul3A_2 : i32
    "tpu.region"() ({
      %run_scoped3A = tpu.sem_alloc : memref<!tpu.dma_semaphore, #tpu.memory_space<semaphore_mem>>
      %dma_start3A_89 = arith.constant 0 : i32
      %dma_start3A_90 = tpu.memref_slice %arg6[%add3A_83, %dma_start3A_89] : memref<20000x128xf32, #tpu.memory_space<hbm>> -> memref<624x128xf32, #tpu.memory_space<hbm>>
      %dma_start3A_91 = arith.constant 0 : i32
      %dma_start3A_92 = tpu.memref_slice %arg17[%mul3A_2, %dma_start3A_91] : memref<10000x128xf32, #tpu.memory_space<vmem_shared>> -> memref<624x128xf32, #tpu.memory_space<vmem_shared>>
      tpu.enqueue_dma source(%dma_start3A_92 : memref<624x128xf32, #tpu.memory_space<vmem_shared>>) target(%dma_start3A_90 : memref<624x128xf32, #tpu.memory_space<hbm>>) target_semaphore(%run_scoped3A : memref<!tpu.dma_semaphore, #tpu.memory_space<semaphore_mem>>)
      %dma_wait3A_93 = arith.constant 0 : i32
      %dma_wait3A_94 = tpu.memref_slice %arg6[%add3A_83, %dma_wait3A_93] : memref<20000x128xf32, #tpu.memory_space<hbm>> -> memref<624x128xf32, #tpu.memory_space<hbm>>
      %dma_wait3A_95 = arith.constant 0 : i32
      %dma_wait3A_96 = tpu.memref_slice %arg17[%mul3A_2, %dma_wait3A_95] : memref<10000x128xf32, #tpu.memory_space<vmem_shared>> -> memref<624x128xf32, #tpu.memory_space<vmem_shared>>
      tpu.wait_dma2 semaphore(%run_scoped3A : memref<!tpu.dma_semaphore, #tpu.memory_space<semaphore_mem>>) src(%dma_wait3A_96 : memref<624x128xf32, #tpu.memory_space<vmem_shared>>) dst(%dma_wait3A_94 : memref<624x128xf32, #tpu.memory_space<hbm>>)
      tpu.yield
    }) : () -> ()
    %eq3A_84 = arith.constant 15 : i32
    %eq3A_85 = arith.cmpi eq, %arg1, %eq3A_84 : i32
    %convert_element_type3A_86 = arith.extui %eq3A_85 : i1 to i32
    %cond3A_87 = arith.constant 0 : i32
    %cond3A_88 = arith.cmpi ne, %convert_element_type3A_86, %cond3A_87 : i32
    scf.if %cond3A_88 {
      %mul3A_89 = arith.constant 10000 : i32
      %mul3A_90 = arith.muli %arg0, %mul3A_89 : i32
      %add3A_91 = arith.constant 9984 : i32
      %add3A_92 = arith.addi %mul3A_90, %add3A_91 : i32
      "tpu.region"() ({
        %run_scoped3A = tpu.sem_alloc : memref<!tpu.dma_semaphore, #tpu.memory_space<semaphore_mem>>
        %dma_start3A_93 = arith.constant 0 : i32
        %dma_start3A_94 = tpu.memref_slice %arg6[%add3A_92, %dma_start3A_93] : memref<20000x128xf32, #tpu.memory_space<hbm>> -> memref<16x128xf32, #tpu.memory_space<hbm>>
        %dma_start3A_95 = arith.constant 9984 : i32
        %dma_start3A_96 = arith.constant 0 : i32
        %dma_start3A_97 = tpu.memref_slice %arg17[%dma_start3A_95, %dma_start3A_96] : memref<10000x128xf32, #tpu.memory_space<vmem_shared>> -> memref<16x128xf32, #tpu.memory_space<vmem_shared>>
        tpu.enqueue_dma source(%dma_start3A_97 : memref<16x128xf32, #tpu.memory_space<vmem_shared>>) target(%dma_start3A_94 : memref<16x128xf32, #tpu.memory_space<hbm>>) target_semaphore(%run_scoped3A : memref<!tpu.dma_semaphore, #tpu.memory_space<semaphore_mem>>)
        %dma_wait3A_98 = arith.constant 0 : i32
        %dma_wait3A_99 = tpu.memref_slice %arg6[%add3A_92, %dma_wait3A_98] : memref<20000x128xf32, #tpu.memory_space<hbm>> -> memref<16x128xf32, #tpu.memory_space<hbm>>
        %dma_wait3A_100 = arith.constant 9984 : i32
        %dma_wait3A_101 = arith.constant 0 : i32
        %dma_wait3A_102 = tpu.memref_slice %arg17[%dma_wait3A_100, %dma_wait3A_101] : memref<10000x128xf32, #tpu.memory_space<vmem_shared>> -> memref<16x128xf32, #tpu.memory_space<vmem_shared>>
        tpu.wait_dma2 semaphore(%run_scoped3A : memref<!tpu.dma_semaphore, #tpu.memory_space<semaphore_mem>>) src(%dma_wait3A_102 : memref<16x128xf32, #tpu.memory_space<vmem_shared>>) dst(%dma_wait3A_99 : memref<16x128xf32, #tpu.memory_space<hbm>>)
        tpu.yield
      }) : () -> ()
    } else {
    }
    return
  }
}

#map = affine_map<(d0, d1) -> (0, 0)>
#map1 = affine_map<(d0, d1) -> (0)>
module attributes {stable_mosaic.version = 14 : i64} {
  func.func @seg_sum(%arg0: i32, %arg1: i32, %arg2: memref<10000x128xf32, #tpu.memory_space<hbm>>, %arg3: memref<320000xi32, #tpu.memory_space<hbm>>, %arg4: memref<320000xi32, #tpu.memory_space<hbm>>, %arg5: memref<640x128xf32, #tpu.memory_space<hbm>>, %arg6: memref<20000x128xf32, #tpu.memory_space<hbm>>, %arg7: memref<160xi32, #tpu.memory_space<vmem>>, %arg8: memref<160xi32, #tpu.memory_space<vmem>>, %arg9: memref<160xi32, #tpu.memory_space<vmem>>, %arg10: memref<160xi32, #tpu.memory_space<vmem>>, %arg11: memref<160xi32, #tpu.memory_space<vmem>>, %arg12: memref<160xi32, #tpu.memory_space<vmem>>, %arg13: memref<160xi32, #tpu.memory_space<vmem>>, %arg14: memref<160xi32, #tpu.memory_space<vmem>>, %arg15: memref<160x128xf32, #tpu.memory_space<vmem>>, %arg16: memref<160x128xf32, #tpu.memory_space<vmem>>, %arg17: memref<10000x128xf32, #tpu.memory_space<vmem_shared>>, %arg18: memref<!tpu.dma_semaphore, #tpu.memory_space<semaphore_mem>>, %arg19: memref<!tpu.dma_semaphore, #tpu.memory_space<semaphore_mem>>, %arg20: memref<!tpu.dma_semaphore, #tpu.memory_space<semaphore_mem>>, %arg21: memref<!tpu.dma_semaphore, #tpu.memory_space<semaphore_mem>>, %arg22: memref<!tpu.dma_semaphore, #tpu.memory_space<semaphore_mem>>, %arg23: memref<!tpu.dma_semaphore, #tpu.memory_space<semaphore_mem>>, %arg24: memref<!tpu.dma_semaphore, #tpu.memory_space<semaphore_mem>>, %arg25: memref<!tpu.dma_semaphore, #tpu.memory_space<semaphore_mem>>) attributes {dimension_semantics = [#tpu.dimension_semantics<core_parallel>, #tpu.dimension_semantics<subcore_parallel>], iteration_bounds = array<i64: 2, 16>, scalar_prefetch = 0 : i64, scratch_operands = 19 : i64, tpu.core_type = #tpu.core_type<sc_vector_subcore>, window_params = [{transform_indices = #map}, {transform_indices = #map1}, {transform_indices = #map1}, {transform_indices = #map}, {transform_indices = #map}]} {
    %mul3A = arith.constant 16 : i32
    %mul3A_0 = arith.muli %arg0, %mul3A : i32
    %add3A = arith.addi %mul3A_0, %arg1 : i32
    %mul3A_1 = arith.constant 624 : i32
    %mul3A_2 = arith.muli %arg1, %mul3A_1 : i32
    %mul3A_3 = arith.constant 62 : i32
    %mul3A_4 = arith.muli %add3A, %mul3A_3 : i32
    %add3A_5 = arith.constant 0 : i32
    %add3A_6 = arith.addi %mul3A_4, %add3A_5 : i32
    %mul3A_7 = arith.constant 160 : i32
    %mul3A_8 = arith.muli %add3A_6, %mul3A_7 : i32
    %dma_start3A = tpu.memref_slice %arg3[%mul3A_8] : memref<320000xi32, #tpu.memory_space<hbm>> -> memref<160xi32, #tpu.memory_space<hbm>>
    %dma_start3A_9 = tpu.memref_slice %arg3[%mul3A_8] : memref<320000xi32, #tpu.memory_space<hbm>> -> memref<160xi32, #tpu.memory_space<hbm>>
    tpu.enqueue_dma source(%dma_start3A_9 : memref<160xi32, #tpu.memory_space<hbm>>) target(%arg7 : memref<160xi32, #tpu.memory_space<vmem>>) target_semaphore(%arg22 : memref<!tpu.dma_semaphore, #tpu.memory_space<semaphore_mem>>)
    %dma_start3A_10 = tpu.memref_slice %arg4[%mul3A_8] : memref<320000xi32, #tpu.memory_space<hbm>> -> memref<160xi32, #tpu.memory_space<hbm>>
    %dma_start3A_11 = tpu.memref_slice %arg4[%mul3A_8] : memref<320000xi32, #tpu.memory_space<hbm>> -> memref<160xi32, #tpu.memory_space<hbm>>
    tpu.enqueue_dma source(%dma_start3A_11 : memref<160xi32, #tpu.memory_space<hbm>>) target(%arg11 : memref<160xi32, #tpu.memory_space<vmem>>) target_semaphore(%arg22 : memref<!tpu.dma_semaphore, #tpu.memory_space<semaphore_mem>>)
    %add3A_12 = arith.constant 1 : i32
    %add3A_13 = arith.addi %mul3A_4, %add3A_12 : i32
    %mul3A_14 = arith.constant 160 : i32
    %mul3A_15 = arith.muli %add3A_13, %mul3A_14 : i32
    %dma_start3A_16 = tpu.memref_slice %arg3[%mul3A_15] : memref<320000xi32, #tpu.memory_space<hbm>> -> memref<160xi32, #tpu.memory_space<hbm>>
    %dma_start3A_17 = tpu.memref_slice %arg3[%mul3A_15] : memref<320000xi32, #tpu.memory_space<hbm>> -> memref<160xi32, #tpu.memory_space<hbm>>
    tpu.enqueue_dma source(%dma_start3A_17 : memref<160xi32, #tpu.memory_space<hbm>>) target(%arg8 : memref<160xi32, #tpu.memory_space<vmem>>) target_semaphore(%arg23 : memref<!tpu.dma_semaphore, #tpu.memory_space<semaphore_mem>>)
    %dma_start3A_18 = tpu.memref_slice %arg4[%mul3A_15] : memref<320000xi32, #tpu.memory_space<hbm>> -> memref<160xi32, #tpu.memory_space<hbm>>
    %dma_start3A_19 = tpu.memref_slice %arg4[%mul3A_15] : memref<320000xi32, #tpu.memory_space<hbm>> -> memref<160xi32, #tpu.memory_space<hbm>>
    tpu.enqueue_dma source(%dma_start3A_19 : memref<160xi32, #tpu.memory_space<hbm>>) target(%arg12 : memref<160xi32, #tpu.memory_space<vmem>>) target_semaphore(%arg23 : memref<!tpu.dma_semaphore, #tpu.memory_space<semaphore_mem>>)
    %add3A_20 = arith.constant 2 : i32
    %add3A_21 = arith.addi %mul3A_4, %add3A_20 : i32
    %mul3A_22 = arith.constant 160 : i32
    %mul3A_23 = arith.muli %add3A_21, %mul3A_22 : i32
    %dma_start3A_24 = tpu.memref_slice %arg3[%mul3A_23] : memref<320000xi32, #tpu.memory_space<hbm>> -> memref<160xi32, #tpu.memory_space<hbm>>
    %dma_start3A_25 = tpu.memref_slice %arg3[%mul3A_23] : memref<320000xi32, #tpu.memory_space<hbm>> -> memref<160xi32, #tpu.memory_space<hbm>>
    tpu.enqueue_dma source(%dma_start3A_25 : memref<160xi32, #tpu.memory_space<hbm>>) target(%arg9 : memref<160xi32, #tpu.memory_space<vmem>>) target_semaphore(%arg24 : memref<!tpu.dma_semaphore, #tpu.memory_space<semaphore_mem>>)
    %dma_start3A_26 = tpu.memref_slice %arg4[%mul3A_23] : memref<320000xi32, #tpu.memory_space<hbm>> -> memref<160xi32, #tpu.memory_space<hbm>>
    %dma_start3A_27 = tpu.memref_slice %arg4[%mul3A_23] : memref<320000xi32, #tpu.memory_space<hbm>> -> memref<160xi32, #tpu.memory_space<hbm>>
    tpu.enqueue_dma source(%dma_start3A_27 : memref<160xi32, #tpu.memory_space<hbm>>) target(%arg13 : memref<160xi32, #tpu.memory_space<vmem>>) target_semaphore(%arg24 : memref<!tpu.dma_semaphore, #tpu.memory_space<semaphore_mem>>)
    "tpu.region"() ({
      %run_scoped3A = tpu.sem_alloc : memref<!tpu.dma_semaphore, #tpu.memory_space<semaphore_mem>>
      %dma_start3A_89 = arith.constant 0 : i32
      %dma_start3A_90 = tpu.memref_slice %arg17[%mul3A_2, %dma_start3A_89] : memref<10000x128xf32, #tpu.memory_space<vmem_shared>> -> memref<624x128xf32, #tpu.memory_space<vmem_shared>>
      %dma_start3A_91 = arith.constant 0 : i32
      %dma_start3A_92 = arith.constant 0 : i32
      %dma_start3A_93 = tpu.memref_slice %arg5[%dma_start3A_91, %dma_start3A_92] : memref<640x128xf32, #tpu.memory_space<hbm>> -> memref<624x128xf32, #tpu.memory_space<hbm>>
      tpu.enqueue_dma source(%dma_start3A_93 : memref<624x128xf32, #tpu.memory_space<hbm>>) target(%dma_start3A_90 : memref<624x128xf32, #tpu.memory_space<vmem_shared>>) target_semaphore(%run_scoped3A : memref<!tpu.dma_semaphore, #tpu.memory_space<semaphore_mem>>)
      %dma_wait3A_94 = arith.constant 0 : i32
      %dma_wait3A_95 = tpu.memref_slice %arg17[%mul3A_2, %dma_wait3A_94] : memref<10000x128xf32, #tpu.memory_space<vmem_shared>> -> memref<624x128xf32, #tpu.memory_space<vmem_shared>>
      %dma_wait3A_96 = arith.constant 0 : i32
      %dma_wait3A_97 = arith.constant 0 : i32
      %dma_wait3A_98 = tpu.memref_slice %arg5[%dma_wait3A_96, %dma_wait3A_97] : memref<640x128xf32, #tpu.memory_space<hbm>> -> memref<624x128xf32, #tpu.memory_space<hbm>>
      tpu.wait_dma2 semaphore(%run_scoped3A : memref<!tpu.dma_semaphore, #tpu.memory_space<semaphore_mem>>) src(%dma_wait3A_98 : memref<624x128xf32, #tpu.memory_space<hbm>>) dst(%dma_wait3A_95 : memref<624x128xf32, #tpu.memory_space<vmem_shared>>)
      tpu.yield
    }) : () -> ()
    %eq3A = arith.constant 15 : i32
    %eq3A_28 = arith.cmpi eq, %arg1, %eq3A : i32
    %convert_element_type3A = arith.extui %eq3A_28 : i1 to i32
    %cond3A = arith.constant 0 : i32
    %cond3A_29 = arith.cmpi ne, %convert_element_type3A, %cond3A : i32
    scf.if %cond3A_29 {
      "tpu.region"() ({
        %run_scoped3A = tpu.sem_alloc : memref<!tpu.dma_semaphore, #tpu.memory_space<semaphore_mem>>
        %dma_start3A_89 = arith.constant 9984 : i32
        %dma_start3A_90 = arith.constant 0 : i32
        %dma_start3A_91 = tpu.memref_slice %arg17[%dma_start3A_89, %dma_start3A_90] : memref<10000x128xf32, #tpu.memory_space<vmem_shared>> -> memref<16x128xf32, #tpu.memory_space<vmem_shared>>
        %dma_start3A_92 = arith.constant 0 : i32
        %dma_start3A_93 = arith.constant 0 : i32
        %dma_start3A_94 = tpu.memref_slice %arg5[%dma_start3A_92, %dma_start3A_93] : memref<640x128xf32, #tpu.memory_space<hbm>> -> memref<16x128xf32, #tpu.memory_space<hbm>>
        tpu.enqueue_dma source(%dma_start3A_94 : memref<16x128xf32, #tpu.memory_space<hbm>>) target(%dma_start3A_91 : memref<16x128xf32, #tpu.memory_space<vmem_shared>>) target_semaphore(%run_scoped3A : memref<!tpu.dma_semaphore, #tpu.memory_space<semaphore_mem>>)
        %dma_wait3A_95 = arith.constant 9984 : i32
        %dma_wait3A_96 = arith.constant 0 : i32
        %dma_wait3A_97 = tpu.memref_slice %arg17[%dma_wait3A_95, %dma_wait3A_96] : memref<10000x128xf32, #tpu.memory_space<vmem_shared>> -> memref<16x128xf32, #tpu.memory_space<vmem_shared>>
        %dma_wait3A_98 = arith.constant 0 : i32
        %dma_wait3A_99 = arith.constant 0 : i32
        %dma_wait3A_100 = tpu.memref_slice %arg5[%dma_wait3A_98, %dma_wait3A_99] : memref<640x128xf32, #tpu.memory_space<hbm>> -> memref<16x128xf32, #tpu.memory_space<hbm>>
        tpu.wait_dma2 semaphore(%run_scoped3A : memref<!tpu.dma_semaphore, #tpu.memory_space<semaphore_mem>>) src(%dma_wait3A_100 : memref<16x128xf32, #tpu.memory_space<hbm>>) dst(%dma_wait3A_97 : memref<16x128xf32, #tpu.memory_space<vmem_shared>>)
        tpu.yield
      }) : () -> ()
    } else {
    }
    %add3A_30 = arith.constant 0 : i32
    %add3A_31 = arith.addi %mul3A_4, %add3A_30 : i32
    %mul3A_32 = arith.constant 160 : i32
    %mul3A_33 = arith.muli %add3A_31, %mul3A_32 : i32
    %dma_wait3A = tpu.memref_slice %arg3[%mul3A_33] : memref<320000xi32, #tpu.memory_space<hbm>> -> memref<160xi32, #tpu.memory_space<hbm>>
    %dma_wait3A_34 = tpu.memref_slice %arg3[%mul3A_33] : memref<320000xi32, #tpu.memory_space<hbm>> -> memref<160xi32, #tpu.memory_space<hbm>>
    tpu.wait_dma2 semaphore(%arg22 : memref<!tpu.dma_semaphore, #tpu.memory_space<semaphore_mem>>) src(%dma_wait3A_34 : memref<160xi32, #tpu.memory_space<hbm>>) dst(%arg7 : memref<160xi32, #tpu.memory_space<vmem>>)
    %dma_wait3A_35 = tpu.memref_slice %arg4[%mul3A_33] : memref<320000xi32, #tpu.memory_space<hbm>> -> memref<160xi32, #tpu.memory_space<hbm>>
    %dma_wait3A_36 = tpu.memref_slice %arg4[%mul3A_33] : memref<320000xi32, #tpu.memory_space<hbm>> -> memref<160xi32, #tpu.memory_space<hbm>>
    tpu.wait_dma2 semaphore(%arg22 : memref<!tpu.dma_semaphore, #tpu.memory_space<semaphore_mem>>) src(%dma_wait3A_36 : memref<160xi32, #tpu.memory_space<hbm>>) dst(%arg11 : memref<160xi32, #tpu.memory_space<vmem>>)
    %dma_start3A_37 = arith.constant 0 : i32
    %dma_start3A_38 = arith.constant 0 : i32
    %dma_start3A_39 = tpu.memref_slice %arg2[%dma_start3A_37, %dma_start3A_38] : memref<10000x128xf32, #tpu.memory_space<hbm>> -> memref<10000x128xf32, #tpu.memory_space<hbm>>
    tpu.enqueue_indirect_dma source(%dma_start3A_39 : memref<10000x128xf32, #tpu.memory_space<hbm>>) target(%arg15 : memref<160x128xf32, #tpu.memory_space<vmem>>) offsets(%arg7 : memref<160xi32, #tpu.memory_space<vmem>>) semaphore(%arg18 : memref<!tpu.dma_semaphore, #tpu.memory_space<semaphore_mem>>)
    %barrier3A = arith.constant 0 : index
    tpu.barrier barrier_id(%barrier3A)
    %scan3A = arith.constant 0 : i32
    %scan3A_40 = arith.constant 15 : i32
    %scan3A_41 = arith.addi %scan3A, %scan3A_40 : i32
    %scan3A_42 = arith.constant 1 : i32
    scf.for %scan3A_89 = %scan3A to %scan3A_41 step %scan3A_42  : i32 {
      %mul3A_90 = arith.constant 1 : i32
      %mul3A_91 = arith.muli %scan3A_89, %mul3A_90 : i32
      %add3A_92 = arith.constant 0 : i32
      %add3A_93 = arith.addi %add3A_92, %mul3A_91 : i32
      %mul3A_94 = arith.constant 4 : i32
      %mul3A_95 = arith.muli %mul3A_94, %add3A_93 : i32
      %add3A_96 = arith.constant 0 : i32
      %add3A_97 = arith.addi %mul3A_95, %add3A_96 : i32
      %dma_wait3A_98 = arith.constant 0 : i32
      %dma_wait3A_99 = arith.constant 0 : i32
      %dma_wait3A_100 = tpu.memref_slice %arg2[%dma_wait3A_98, %dma_wait3A_99] : memref<10000x128xf32, #tpu.memory_space<hbm>> -> memref<10000x128xf32, #tpu.memory_space<hbm>>
      tpu.wait_indirect_dma semaphore(%arg18 : memref<!tpu.dma_semaphore, #tpu.memory_space<semaphore_mem>>) src(%dma_wait3A_100 : memref<10000x128xf32, #tpu.memory_space<hbm>>) dst(%arg15 : memref<160x128xf32, #tpu.memory_space<vmem>>)
      %gt3A = arith.constant 0 : i32
      %gt3A_101 = arith.cmpi sgt, %add3A_93, %gt3A : i32
      %convert_element_type3A_102 = arith.extui %gt3A_101 : i1 to i32
      %cond3A_103 = arith.constant 0 : i32
      %cond3A_104 = arith.cmpi ne, %convert_element_type3A_102, %cond3A_103 : i32
      scf.if %cond3A_104 {
        %dma_wait3A_227 = arith.constant 0 : i32
        %dma_wait3A_228 = arith.constant 0 : i32
        %dma_wait3A_229 = tpu.memref_slice %arg17[%dma_wait3A_227, %dma_wait3A_228] : memref<10000x128xf32, #tpu.memory_space<vmem_shared>> -> memref<10000x128xf32, #tpu.memory_space<vmem_shared>>
        tpu.wait_indirect_dma semaphore(%arg21 : memref<!tpu.dma_semaphore, #tpu.memory_space<semaphore_mem>>) src(%arg16 : memref<160x128xf32, #tpu.memory_space<vmem>>) dst(%dma_wait3A_229 : memref<10000x128xf32, #tpu.memory_space<vmem_shared>>)
      } else {
      }
      %add3A_105 = arith.constant 3 : i32
      %add3A_106 = arith.addi %add3A_97, %add3A_105 : i32
      %add3A_107 = arith.addi %mul3A_4, %add3A_106 : i32
      %mul3A_108 = arith.constant 160 : i32
      %mul3A_109 = arith.muli %add3A_107, %mul3A_108 : i32
      %dma_start3A_110 = tpu.memref_slice %arg3[%mul3A_109] : memref<320000xi32, #tpu.memory_space<hbm>> -> memref<160xi32, #tpu.memory_space<hbm>>
      %dma_start3A_111 = tpu.memref_slice %arg3[%mul3A_109] : memref<320000xi32, #tpu.memory_space<hbm>> -> memref<160xi32, #tpu.memory_space<hbm>>
      tpu.enqueue_dma source(%dma_start3A_111 : memref<160xi32, #tpu.memory_space<hbm>>) target(%arg10 : memref<160xi32, #tpu.memory_space<vmem>>) target_semaphore(%arg25 : memref<!tpu.dma_semaphore, #tpu.memory_space<semaphore_mem>>)
      %dma_start3A_112 = tpu.memref_slice %arg4[%mul3A_109] : memref<320000xi32, #tpu.memory_space<hbm>> -> memref<160xi32, #tpu.memory_space<hbm>>
      %dma_start3A_113 = tpu.memref_slice %arg4[%mul3A_109] : memref<320000xi32, #tpu.memory_space<hbm>> -> memref<160xi32, #tpu.memory_space<hbm>>
      tpu.enqueue_dma source(%dma_start3A_113 : memref<160xi32, #tpu.memory_space<hbm>>) target(%arg14 : memref<160xi32, #tpu.memory_space<vmem>>) target_semaphore(%arg25 : memref<!tpu.dma_semaphore, #tpu.memory_space<semaphore_mem>>)
      %add3A_114 = arith.constant 1 : i32
      %add3A_115 = arith.addi %add3A_97, %add3A_114 : i32
      %add3A_116 = arith.addi %mul3A_4, %add3A_115 : i32
      %mul3A_117 = arith.constant 160 : i32
      %mul3A_118 = arith.muli %add3A_116, %mul3A_117 : i32
      %dma_wait3A_119 = tpu.memref_slice %arg3[%mul3A_118] : memref<320000xi32, #tpu.memory_space<hbm>> -> memref<160xi32, #tpu.memory_space<hbm>>
      %dma_wait3A_120 = tpu.memref_slice %arg3[%mul3A_118] : memref<320000xi32, #tpu.memory_space<hbm>> -> memref<160xi32, #tpu.memory_space<hbm>>
      tpu.wait_dma2 semaphore(%arg23 : memref<!tpu.dma_semaphore, #tpu.memory_space<semaphore_mem>>) src(%dma_wait3A_120 : memref<160xi32, #tpu.memory_space<hbm>>) dst(%arg8 : memref<160xi32, #tpu.memory_space<vmem>>)
      %dma_wait3A_121 = tpu.memref_slice %arg4[%mul3A_118] : memref<320000xi32, #tpu.memory_space<hbm>> -> memref<160xi32, #tpu.memory_space<hbm>>
      %dma_wait3A_122 = tpu.memref_slice %arg4[%mul3A_118] : memref<320000xi32, #tpu.memory_space<hbm>> -> memref<160xi32, #tpu.memory_space<hbm>>
      tpu.wait_dma2 semaphore(%arg23 : memref<!tpu.dma_semaphore, #tpu.memory_space<semaphore_mem>>) src(%dma_wait3A_122 : memref<160xi32, #tpu.memory_space<hbm>>) dst(%arg12 : memref<160xi32, #tpu.memory_space<vmem>>)
      %dma_start3A_123 = arith.constant 0 : i32
      %dma_start3A_124 = arith.constant 0 : i32
      %dma_start3A_125 = tpu.memref_slice %arg2[%dma_start3A_123, %dma_start3A_124] : memref<10000x128xf32, #tpu.memory_space<hbm>> -> memref<10000x128xf32, #tpu.memory_space<hbm>>
      tpu.enqueue_indirect_dma source(%dma_start3A_125 : memref<10000x128xf32, #tpu.memory_space<hbm>>) target(%arg16 : memref<160x128xf32, #tpu.memory_space<vmem>>) offsets(%arg8 : memref<160xi32, #tpu.memory_space<vmem>>) semaphore(%arg19 : memref<!tpu.dma_semaphore, #tpu.memory_space<semaphore_mem>>)
      %dma_start3A_126 = arith.constant 0 : i32
      %dma_start3A_127 = arith.constant 0 : i32
      %dma_start3A_128 = tpu.memref_slice %arg17[%dma_start3A_126, %dma_start3A_127] : memref<10000x128xf32, #tpu.memory_space<vmem_shared>> -> memref<10000x128xf32, #tpu.memory_space<vmem_shared>>
      tpu.enqueue_indirect_dma source(%arg15 : memref<160x128xf32, #tpu.memory_space<vmem>>) target(%dma_start3A_128 : memref<10000x128xf32, #tpu.memory_space<vmem_shared>>) offsets(%arg11 : memref<160xi32, #tpu.memory_space<vmem>>) semaphore(%arg20 : memref<!tpu.dma_semaphore, #tpu.memory_space<semaphore_mem>>) {add = true}
      %mul3A_129 = arith.constant 4 : i32
      %mul3A_130 = arith.muli %mul3A_129, %add3A_93 : i32
      %add3A_131 = arith.constant 1 : i32
      %add3A_132 = arith.addi %mul3A_130, %add3A_131 : i32
      %dma_wait3A_133 = arith.constant 0 : i32
      %dma_wait3A_134 = arith.constant 0 : i32
      %dma_wait3A_135 = tpu.memref_slice %arg2[%dma_wait3A_133, %dma_wait3A_134] : memref<10000x128xf32, #tpu.memory_space<hbm>> -> memref<10000x128xf32, #tpu.memory_space<hbm>>
      tpu.wait_indirect_dma semaphore(%arg19 : memref<!tpu.dma_semaphore, #tpu.memory_space<semaphore_mem>>) src(%dma_wait3A_135 : memref<10000x128xf32, #tpu.memory_space<hbm>>) dst(%arg16 : memref<160x128xf32, #tpu.memory_space<vmem>>)
      %dma_wait3A_136 = arith.constant 0 : i32
      %dma_wait3A_137 = arith.constant 0 : i32
      %dma_wait3A_138 = tpu.memref_slice %arg17[%dma_wait3A_136, %dma_wait3A_137] : memref<10000x128xf32, #tpu.memory_space<vmem_shared>> -> memref<10000x128xf32, #tpu.memory_space<vmem_shared>>
      tpu.wait_indirect_dma semaphore(%arg20 : memref<!tpu.dma_semaphore, #tpu.memory_space<semaphore_mem>>) src(%arg15 : memref<160x128xf32, #tpu.memory_space<vmem>>) dst(%dma_wait3A_138 : memref<10000x128xf32, #tpu.memory_space<vmem_shared>>)
      %add3A_139 = arith.constant 3 : i32
      %add3A_140 = arith.addi %add3A_132, %add3A_139 : i32
      %add3A_141 = arith.addi %mul3A_4, %add3A_140 : i32
      %mul3A_142 = arith.constant 160 : i32
      %mul3A_143 = arith.muli %add3A_141, %mul3A_142 : i32
      %dma_start3A_144 = tpu.memref_slice %arg3[%mul3A_143] : memref<320000xi32, #tpu.memory_space<hbm>> -> memref<160xi32, #tpu.memory_space<hbm>>
      %dma_start3A_145 = tpu.memref_slice %arg3[%mul3A_143] : memref<320000xi32, #tpu.memory_space<hbm>> -> memref<160xi32, #tpu.memory_space<hbm>>
      tpu.enqueue_dma source(%dma_start3A_145 : memref<160xi32, #tpu.memory_space<hbm>>) target(%arg7 : memref<160xi32, #tpu.memory_space<vmem>>) target_semaphore(%arg22 : memref<!tpu.dma_semaphore, #tpu.memory_space<semaphore_mem>>)
      %dma_start3A_146 = tpu.memref_slice %arg4[%mul3A_143] : memref<320000xi32, #tpu.memory_space<hbm>> -> memref<160xi32, #tpu.memory_space<hbm>>
      %dma_start3A_147 = tpu.memref_slice %arg4[%mul3A_143] : memref<320000xi32, #tpu.memory_space<hbm>> -> memref<160xi32, #tpu.memory_space<hbm>>
      tpu.enqueue_dma source(%dma_start3A_147 : memref<160xi32, #tpu.memory_space<hbm>>) target(%arg11 : memref<160xi32, #tpu.memory_space<vmem>>) target_semaphore(%arg22 : memref<!tpu.dma_semaphore, #tpu.memory_space<semaphore_mem>>)
      %add3A_148 = arith.constant 1 : i32
      %add3A_149 = arith.addi %add3A_132, %add3A_148 : i32
      %add3A_150 = arith.addi %mul3A_4, %add3A_149 : i32
      %mul3A_151 = arith.constant 160 : i32
      %mul3A_152 = arith.muli %add3A_150, %mul3A_151 : i32
      %dma_wait3A_153 = tpu.memref_slice %arg3[%mul3A_152] : memref<320000xi32, #tpu.memory_space<hbm>> -> memref<160xi32, #tpu.memory_space<hbm>>
      %dma_wait3A_154 = tpu.memref_slice %arg3[%mul3A_152] : memref<320000xi32, #tpu.memory_space<hbm>> -> memref<160xi32, #tpu.memory_space<hbm>>
      tpu.wait_dma2 semaphore(%arg24 : memref<!tpu.dma_semaphore, #tpu.memory_space<semaphore_mem>>) src(%dma_wait3A_154 : memref<160xi32, #tpu.memory_space<hbm>>) dst(%arg9 : memref<160xi32, #tpu.memory_space<vmem>>)
      %dma_wait3A_155 = tpu.memref_slice %arg4[%mul3A_152] : memref<320000xi32, #tpu.memory_space<hbm>> -> memref<160xi32, #tpu.memory_space<hbm>>
      %dma_wait3A_156 = tpu.memref_slice %arg4[%mul3A_152] : memref<320000xi32, #tpu.memory_space<hbm>> -> memref<160xi32, #tpu.memory_space<hbm>>
      tpu.wait_dma2 semaphore(%arg24 : memref<!tpu.dma_semaphore, #tpu.memory_space<semaphore_mem>>) src(%dma_wait3A_156 : memref<160xi32, #tpu.memory_space<hbm>>) dst(%arg13 : memref<160xi32, #tpu.memory_space<vmem>>)
      %dma_start3A_157 = arith.constant 0 : i32
      %dma_start3A_158 = arith.constant 0 : i32
      %dma_start3A_159 = tpu.memref_slice %arg2[%dma_start3A_157, %dma_start3A_158] : memref<10000x128xf32, #tpu.memory_space<hbm>> -> memref<10000x128xf32, #tpu.memory_space<hbm>>
      tpu.enqueue_indirect_dma source(%dma_start3A_159 : memref<10000x128xf32, #tpu.memory_space<hbm>>) target(%arg15 : memref<160x128xf32, #tpu.memory_space<vmem>>) offsets(%arg9 : memref<160xi32, #tpu.memory_space<vmem>>) semaphore(%arg18 : memref<!tpu.dma_semaphore, #tpu.memory_space<semaphore_mem>>)
      %dma_start3A_160 = arith.constant 0 : i32
      %dma_start3A_161 = arith.constant 0 : i32
      %dma_start3A_162 = tpu.memref_slice %arg17[%dma_start3A_160, %dma_start3A_161] : memref<10000x128xf32, #tpu.memory_space<vmem_shared>> -> memref<10000x128xf32, #tpu.memory_space<vmem_shared>>
      tpu.enqueue_indirect_dma source(%arg16 : memref<160x128xf32, #tpu.memory_space<vmem>>) target(%dma_start3A_162 : memref<10000x128xf32, #tpu.memory_space<vmem_shared>>) offsets(%arg12 : memref<160xi32, #tpu.memory_space<vmem>>) semaphore(%arg21 : memref<!tpu.dma_semaphore, #tpu.memory_space<semaphore_mem>>) {add = true}
      %mul3A_163 = arith.constant 4 : i32
      %mul3A_164 = arith.muli %mul3A_163, %add3A_93 : i32
      %add3A_165 = arith.constant 2 : i32
      %add3A_166 = arith.addi %mul3A_164, %add3A_165 : i32
      %dma_wait3A_167 = arith.constant 0 : i32
      %dma_wait3A_168 = arith.constant 0 : i32
      %dma_wait3A_169 = tpu.memref_slice %arg2[%dma_wait3A_167, %dma_wait3A_168] : memref<10000x128xf32, #tpu.memory_space<hbm>> -> memref<10000x128xf32, #tpu.memory_space<hbm>>
      tpu.wait_indirect_dma semaphore(%arg18 : memref<!tpu.dma_semaphore, #tpu.memory_space<semaphore_mem>>) src(%dma_wait3A_169 : memref<10000x128xf32, #tpu.memory_space<hbm>>) dst(%arg15 : memref<160x128xf32, #tpu.memory_space<vmem>>)
      %dma_wait3A_170 = arith.constant 0 : i32
      %dma_wait3A_171 = arith.constant 0 : i32
      %dma_wait3A_172 = tpu.memref_slice %arg17[%dma_wait3A_170, %dma_wait3A_171] : memref<10000x128xf32, #tpu.memory_space<vmem_shared>> -> memref<10000x128xf32, #tpu.memory_space<vmem_shared>>
      tpu.wait_indirect_dma semaphore(%arg21 : memref<!tpu.dma_semaphore, #tpu.memory_space<semaphore_mem>>) src(%arg16 : memref<160x128xf32, #tpu.memory_space<vmem>>) dst(%dma_wait3A_172 : memref<10000x128xf32, #tpu.memory_space<vmem_shared>>)
      %add3A_173 = arith.constant 3 : i32
      %add3A_174 = arith.addi %add3A_166, %add3A_173 : i32
      %add3A_175 = arith.addi %mul3A_4, %add3A_174 : i32
      %mul3A_176 = arith.constant 160 : i32
      %mul3A_177 = arith.muli %add3A_175, %mul3A_176 : i32
      %dma_start3A_178 = tpu.memref_slice %arg3[%mul3A_177] : memref<320000xi32, #tpu.memory_space<hbm>> -> memref<160xi32, #tpu.memory_space<hbm>>
      %dma_start3A_179 = tpu.memref_slice %arg3[%mul3A_177] : memref<320000xi32, #tpu.memory_space<hbm>> -> memref<160xi32, #tpu.memory_space<hbm>>
      tpu.enqueue_dma source(%dma_start3A_179 : memref<160xi32, #tpu.memory_space<hbm>>) target(%arg8 : memref<160xi32, #tpu.memory_space<vmem>>) target_semaphore(%arg23 : memref<!tpu.dma_semaphore, #tpu.memory_space<semaphore_mem>>)
      %dma_start3A_180 = tpu.memref_slice %arg4[%mul3A_177] : memref<320000xi32, #tpu.memory_space<hbm>> -> memref<160xi32, #tpu.memory_space<hbm>>
      %dma_start3A_181 = tpu.memref_slice %arg4[%mul3A_177] : memref<320000xi32, #tpu.memory_space<hbm>> -> memref<160xi32, #tpu.memory_space<hbm>>
      tpu.enqueue_dma source(%dma_start3A_181 : memref<160xi32, #tpu.memory_space<hbm>>) target(%arg12 : memref<160xi32, #tpu.memory_space<vmem>>) target_semaphore(%arg23 : memref<!tpu.dma_semaphore, #tpu.memory_space<semaphore_mem>>)
      %add3A_182 = arith.constant 1 : i32
      %add3A_183 = arith.addi %add3A_166, %add3A_182 : i32
      %add3A_184 = arith.addi %mul3A_4, %add3A_183 : i32
      %mul3A_185 = arith.constant 160 : i32
      %mul3A_186 = arith.muli %add3A_184, %mul3A_185 : i32
      %dma_wait3A_187 = tpu.memref_slice %arg3[%mul3A_186] : memref<320000xi32, #tpu.memory_space<hbm>> -> memref<160xi32, #tpu.memory_space<hbm>>
      %dma_wait3A_188 = tpu.memref_slice %arg3[%mul3A_186] : memref<320000xi32, #tpu.memory_space<hbm>> -> memref<160xi32, #tpu.memory_space<hbm>>
      tpu.wait_dma2 semaphore(%arg25 : memref<!tpu.dma_semaphore, #tpu.memory_space<semaphore_mem>>) src(%dma_wait3A_188 : memref<160xi32, #tpu.memory_space<hbm>>) dst(%arg10 : memref<160xi32, #tpu.memory_space<vmem>>)
      %dma_wait3A_189 = tpu.memref_slice %arg4[%mul3A_186] : memref<320000xi32, #tpu.memory_space<hbm>> -> memref<160xi32, #tpu.memory_space<hbm>>
      %dma_wait3A_190 = tpu.memref_slice %arg4[%mul3A_186] : memref<320000xi32, #tpu.memory_space<hbm>> -> memref<160xi32, #tpu.memory_space<hbm>>
      tpu.wait_dma2 semaphore(%arg25 : memref<!tpu.dma_semaphore, #tpu.memory_space<semaphore_mem>>) src(%dma_wait3A_190 : memref<160xi32, #tpu.memory_space<hbm>>) dst(%arg14 : memref<160xi32, #tpu.memory_space<vmem>>)
      %dma_start3A_191 = arith.constant 0 : i32
      %dma_start3A_192 = arith.constant 0 : i32
      %dma_start3A_193 = tpu.memref_slice %arg2[%dma_start3A_191, %dma_start3A_192] : memref<10000x128xf32, #tpu.memory_space<hbm>> -> memref<10000x128xf32, #tpu.memory_space<hbm>>
      tpu.enqueue_indirect_dma source(%dma_start3A_193 : memref<10000x128xf32, #tpu.memory_space<hbm>>) target(%arg16 : memref<160x128xf32, #tpu.memory_space<vmem>>) offsets(%arg10 : memref<160xi32, #tpu.memory_space<vmem>>) semaphore(%arg19 : memref<!tpu.dma_semaphore, #tpu.memory_space<semaphore_mem>>)
      %dma_start3A_194 = arith.constant 0 : i32
      %dma_start3A_195 = arith.constant 0 : i32
      %dma_start3A_196 = tpu.memref_slice %arg17[%dma_start3A_194, %dma_start3A_195] : memref<10000x128xf32, #tpu.memory_space<vmem_shared>> -> memref<10000x128xf32, #tpu.memory_space<vmem_shared>>
      tpu.enqueue_indirect_dma source(%arg15 : memref<160x128xf32, #tpu.memory_space<vmem>>) target(%dma_start3A_196 : memref<10000x128xf32, #tpu.memory_space<vmem_shared>>) offsets(%arg13 : memref<160xi32, #tpu.memory_space<vmem>>) semaphore(%arg20 : memref<!tpu.dma_semaphore, #tpu.memory_space<semaphore_mem>>) {add = true}
      %mul3A_197 = arith.constant 4 : i32
      %mul3A_198 = arith.muli %mul3A_197, %add3A_93 : i32
      %add3A_199 = arith.constant 3 : i32
      %add3A_200 = arith.addi %mul3A_198, %add3A_199 : i32
      %dma_wait3A_201 = arith.constant 0 : i32
      %dma_wait3A_202 = arith.constant 0 : i32
      %dma_wait3A_203 = tpu.memref_slice %arg2[%dma_wait3A_201, %dma_wait3A_202] : memref<10000x128xf32, #tpu.memory_space<hbm>> -> memref<10000x128xf32, #tpu.memory_space<hbm>>
      tpu.wait_indirect_dma semaphore(%arg19 : memref<!tpu.dma_semaphore, #tpu.memory_space<semaphore_mem>>) src(%dma_wait3A_203 : memref<10000x128xf32, #tpu.memory_space<hbm>>) dst(%arg16 : memref<160x128xf32, #tpu.memory_space<vmem>>)
      %dma_wait3A_204 = arith.constant 0 : i32
      %dma_wait3A_205 = arith.constant 0 : i32
      %dma_wait3A_206 = tpu.memref_slice %arg17[%dma_wait3A_204, %dma_wait3A_205] : memref<10000x128xf32, #tpu.memory_space<vmem_shared>> -> memref<10000x128xf32, #tpu.memory_space<vmem_shared>>
      tpu.wait_indirect_dma semaphore(%arg20 : memref<!tpu.dma_semaphore, #tpu.memory_space<semaphore_mem>>) src(%arg15 : memref<160x128xf32, #tpu.memory_space<vmem>>) dst(%dma_wait3A_206 : memref<10000x128xf32, #tpu.memory_space<vmem_shared>>)
      %lt3A_207 = arith.constant 14 : i32
      %lt3A_208 = arith.cmpi slt, %add3A_93, %lt3A_207 : i32
      %convert_element_type3A_209 = arith.extui %lt3A_208 : i1 to i32
      %cond3A_210 = arith.constant 0 : i32
      %cond3A_211 = arith.cmpi ne, %convert_element_type3A_209, %cond3A_210 : i32
      scf.if %cond3A_211 {
        %add3A_227 = arith.constant 3 : i32
        %add3A_228 = arith.addi %add3A_200, %add3A_227 : i32
        %add3A_229 = arith.addi %mul3A_4, %add3A_228 : i32
        %mul3A_230 = arith.constant 160 : i32
        %mul3A_231 = arith.muli %add3A_229, %mul3A_230 : i32
        %dma_start3A_232 = tpu.memref_slice %arg3[%mul3A_231] : memref<320000xi32, #tpu.memory_space<hbm>> -> memref<160xi32, #tpu.memory_space<hbm>>
        %dma_start3A_233 = tpu.memref_slice %arg3[%mul3A_231] : memref<320000xi32, #tpu.memory_space<hbm>> -> memref<160xi32, #tpu.memory_space<hbm>>
        tpu.enqueue_dma source(%dma_start3A_233 : memref<160xi32, #tpu.memory_space<hbm>>) target(%arg9 : memref<160xi32, #tpu.memory_space<vmem>>) target_semaphore(%arg24 : memref<!tpu.dma_semaphore, #tpu.memory_space<semaphore_mem>>)
        %dma_start3A_234 = tpu.memref_slice %arg4[%mul3A_231] : memref<320000xi32, #tpu.memory_space<hbm>> -> memref<160xi32, #tpu.memory_space<hbm>>
        %dma_start3A_235 = tpu.memref_slice %arg4[%mul3A_231] : memref<320000xi32, #tpu.memory_space<hbm>> -> memref<160xi32, #tpu.memory_space<hbm>>
        tpu.enqueue_dma source(%dma_start3A_235 : memref<160xi32, #tpu.memory_space<hbm>>) target(%arg13 : memref<160xi32, #tpu.memory_space<vmem>>) target_semaphore(%arg24 : memref<!tpu.dma_semaphore, #tpu.memory_space<semaphore_mem>>)
      } else {
      }
      %add3A_212 = arith.constant 1 : i32
      %add3A_213 = arith.addi %add3A_200, %add3A_212 : i32
      %add3A_214 = arith.addi %mul3A_4, %add3A_213 : i32
      %mul3A_215 = arith.constant 160 : i32
      %mul3A_216 = arith.muli %add3A_214, %mul3A_215 : i32
      %dma_wait3A_217 = tpu.memref_slice %arg3[%mul3A_216] : memref<320000xi32, #tpu.memory_space<hbm>> -> memref<160xi32, #tpu.memory_space<hbm>>
      %dma_wait3A_218 = tpu.memref_slice %arg3[%mul3A_216] : memref<320000xi32, #tpu.memory_space<hbm>> -> memref<160xi32, #tpu.memory_space<hbm>>
      tpu.wait_dma2 semaphore(%arg22 : memref<!tpu.dma_semaphore, #tpu.memory_space<semaphore_mem>>) src(%dma_wait3A_218 : memref<160xi32, #tpu.memory_space<hbm>>) dst(%arg7 : memref<160xi32, #tpu.memory_space<vmem>>)
      %dma_wait3A_219 = tpu.memref_slice %arg4[%mul3A_216] : memref<320000xi32, #tpu.memory_space<hbm>> -> memref<160xi32, #tpu.memory_space<hbm>>
      %dma_wait3A_220 = tpu.memref_slice %arg4[%mul3A_216] : memref<320000xi32, #tpu.memory_space<hbm>> -> memref<160xi32, #tpu.memory_space<hbm>>
      tpu.wait_dma2 semaphore(%arg22 : memref<!tpu.dma_semaphore, #tpu.memory_space<semaphore_mem>>) src(%dma_wait3A_220 : memref<160xi32, #tpu.memory_space<hbm>>) dst(%arg11 : memref<160xi32, #tpu.memory_space<vmem>>)
      %dma_start3A_221 = arith.constant 0 : i32
      %dma_start3A_222 = arith.constant 0 : i32
      %dma_start3A_223 = tpu.memref_slice %arg2[%dma_start3A_221, %dma_start3A_222] : memref<10000x128xf32, #tpu.memory_space<hbm>> -> memref<10000x128xf32, #tpu.memory_space<hbm>>
      tpu.enqueue_indirect_dma source(%dma_start3A_223 : memref<10000x128xf32, #tpu.memory_space<hbm>>) target(%arg15 : memref<160x128xf32, #tpu.memory_space<vmem>>) offsets(%arg7 : memref<160xi32, #tpu.memory_space<vmem>>) semaphore(%arg18 : memref<!tpu.dma_semaphore, #tpu.memory_space<semaphore_mem>>)
      %dma_start3A_224 = arith.constant 0 : i32
      %dma_start3A_225 = arith.constant 0 : i32
      %dma_start3A_226 = tpu.memref_slice %arg17[%dma_start3A_224, %dma_start3A_225] : memref<10000x128xf32, #tpu.memory_space<vmem_shared>> -> memref<10000x128xf32, #tpu.memory_space<vmem_shared>>
      tpu.enqueue_indirect_dma source(%arg16 : memref<160x128xf32, #tpu.memory_space<vmem>>) target(%dma_start3A_226 : memref<10000x128xf32, #tpu.memory_space<vmem_shared>>) offsets(%arg14 : memref<160xi32, #tpu.memory_space<vmem>>) semaphore(%arg21 : memref<!tpu.dma_semaphore, #tpu.memory_space<semaphore_mem>>) {add = true}
    }
    %scan3A_43 = arith.constant 15 : i32
    %dma_wait3A_44 = arith.constant 0 : i32
    %dma_wait3A_45 = arith.constant 0 : i32
    %dma_wait3A_46 = tpu.memref_slice %arg2[%dma_wait3A_44, %dma_wait3A_45] : memref<10000x128xf32, #tpu.memory_space<hbm>> -> memref<10000x128xf32, #tpu.memory_space<hbm>>
    tpu.wait_indirect_dma semaphore(%arg18 : memref<!tpu.dma_semaphore, #tpu.memory_space<semaphore_mem>>) src(%dma_wait3A_46 : memref<10000x128xf32, #tpu.memory_space<hbm>>) dst(%arg15 : memref<160x128xf32, #tpu.memory_space<vmem>>)
    %dma_wait3A_47 = arith.constant 0 : i32
    %dma_wait3A_48 = arith.constant 0 : i32
    %dma_wait3A_49 = tpu.memref_slice %arg17[%dma_wait3A_47, %dma_wait3A_48] : memref<10000x128xf32, #tpu.memory_space<vmem_shared>> -> memref<10000x128xf32, #tpu.memory_space<vmem_shared>>
    tpu.wait_indirect_dma semaphore(%arg21 : memref<!tpu.dma_semaphore, #tpu.memory_space<semaphore_mem>>) src(%arg16 : memref<160x128xf32, #tpu.memory_space<vmem>>) dst(%dma_wait3A_49 : memref<10000x128xf32, #tpu.memory_space<vmem_shared>>)
    %add3A_50 = arith.constant 61 : i32
    %add3A_51 = arith.addi %mul3A_4, %add3A_50 : i32
    %mul3A_52 = arith.constant 160 : i32
    %mul3A_53 = arith.muli %add3A_51, %mul3A_52 : i32
    %dma_wait3A_54 = tpu.memref_slice %arg3[%mul3A_53] : memref<320000xi32, #tpu.memory_space<hbm>> -> memref<160xi32, #tpu.memory_space<hbm>>
    %dma_wait3A_55 = tpu.memref_slice %arg3[%mul3A_53] : memref<320000xi32, #tpu.memory_space<hbm>> -> memref<160xi32, #tpu.memory_space<hbm>>
    tpu.wait_dma2 semaphore(%arg23 : memref<!tpu.dma_semaphore, #tpu.memory_space<semaphore_mem>>) src(%dma_wait3A_55 : memref<160xi32, #tpu.memory_space<hbm>>) dst(%arg8 : memref<160xi32, #tpu.memory_space<vmem>>)
    %dma_wait3A_56 = tpu.memref_slice %arg4[%mul3A_53] : memref<320000xi32, #tpu.memory_space<hbm>> -> memref<160xi32, #tpu.memory_space<hbm>>
    %dma_wait3A_57 = tpu.memref_slice %arg4[%mul3A_53] : memref<320000xi32, #tpu.memory_space<hbm>> -> memref<160xi32, #tpu.memory_space<hbm>>
    tpu.wait_dma2 semaphore(%arg23 : memref<!tpu.dma_semaphore, #tpu.memory_space<semaphore_mem>>) src(%dma_wait3A_57 : memref<160xi32, #tpu.memory_space<hbm>>) dst(%arg12 : memref<160xi32, #tpu.memory_space<vmem>>)
    %dma_start3A_58 = arith.constant 0 : i32
    %dma_start3A_59 = arith.constant 0 : i32
    %dma_start3A_60 = tpu.memref_slice %arg2[%dma_start3A_58, %dma_start3A_59] : memref<10000x128xf32, #tpu.memory_space<hbm>> -> memref<10000x128xf32, #tpu.memory_space<hbm>>
    tpu.enqueue_indirect_dma source(%dma_start3A_60 : memref<10000x128xf32, #tpu.memory_space<hbm>>) target(%arg16 : memref<160x128xf32, #tpu.memory_space<vmem>>) offsets(%arg8 : memref<160xi32, #tpu.memory_space<vmem>>) semaphore(%arg19 : memref<!tpu.dma_semaphore, #tpu.memory_space<semaphore_mem>>)
    %dma_start3A_61 = arith.constant 0 : i32
    %dma_start3A_62 = arith.constant 0 : i32
    %dma_start3A_63 = tpu.memref_slice %arg17[%dma_start3A_61, %dma_start3A_62] : memref<10000x128xf32, #tpu.memory_space<vmem_shared>> -> memref<10000x128xf32, #tpu.memory_space<vmem_shared>>
    tpu.enqueue_indirect_dma source(%arg15 : memref<160x128xf32, #tpu.memory_space<vmem>>) target(%dma_start3A_63 : memref<10000x128xf32, #tpu.memory_space<vmem_shared>>) offsets(%arg11 : memref<160xi32, #tpu.memory_space<vmem>>) semaphore(%arg20 : memref<!tpu.dma_semaphore, #tpu.memory_space<semaphore_mem>>) {add = true}
    %dma_wait3A_64 = arith.constant 0 : i32
    %dma_wait3A_65 = arith.constant 0 : i32
    %dma_wait3A_66 = tpu.memref_slice %arg2[%dma_wait3A_64, %dma_wait3A_65] : memref<10000x128xf32, #tpu.memory_space<hbm>> -> memref<10000x128xf32, #tpu.memory_space<hbm>>
    tpu.wait_indirect_dma semaphore(%arg19 : memref<!tpu.dma_semaphore, #tpu.memory_space<semaphore_mem>>) src(%dma_wait3A_66 : memref<10000x128xf32, #tpu.memory_space<hbm>>) dst(%arg16 : memref<160x128xf32, #tpu.memory_space<vmem>>)
    %dma_wait3A_67 = arith.constant 0 : i32
    %dma_wait3A_68 = arith.constant 0 : i32
    %dma_wait3A_69 = tpu.memref_slice %arg17[%dma_wait3A_67, %dma_wait3A_68] : memref<10000x128xf32, #tpu.memory_space<vmem_shared>> -> memref<10000x128xf32, #tpu.memory_space<vmem_shared>>
    tpu.wait_indirect_dma semaphore(%arg20 : memref<!tpu.dma_semaphore, #tpu.memory_space<semaphore_mem>>) src(%arg15 : memref<160x128xf32, #tpu.memory_space<vmem>>) dst(%dma_wait3A_69 : memref<10000x128xf32, #tpu.memory_space<vmem_shared>>)
    %dma_start3A_70 = arith.constant 0 : i32
    %dma_start3A_71 = arith.constant 0 : i32
    %dma_start3A_72 = tpu.memref_slice %arg17[%dma_start3A_70, %dma_start3A_71] : memref<10000x128xf32, #tpu.memory_space<vmem_shared>> -> memref<10000x128xf32, #tpu.memory_space<vmem_shared>>
    tpu.enqueue_indirect_dma source(%arg16 : memref<160x128xf32, #tpu.memory_space<vmem>>) target(%dma_start3A_72 : memref<10000x128xf32, #tpu.memory_space<vmem_shared>>) offsets(%arg12 : memref<160xi32, #tpu.memory_space<vmem>>) semaphore(%arg21 : memref<!tpu.dma_semaphore, #tpu.memory_space<semaphore_mem>>) {add = true}
    %dma_wait3A_73 = arith.constant 0 : i32
    %dma_wait3A_74 = arith.constant 0 : i32
    %dma_wait3A_75 = tpu.memref_slice %arg17[%dma_wait3A_73, %dma_wait3A_74] : memref<10000x128xf32, #tpu.memory_space<vmem_shared>> -> memref<10000x128xf32, #tpu.memory_space<vmem_shared>>
    tpu.wait_indirect_dma semaphore(%arg21 : memref<!tpu.dma_semaphore, #tpu.memory_space<semaphore_mem>>) src(%arg16 : memref<160x128xf32, #tpu.memory_space<vmem>>) dst(%dma_wait3A_75 : memref<10000x128xf32, #tpu.memory_space<vmem_shared>>)
    %lt3A = arith.constant 16 : i32
    %lt3A_76 = arith.cmpi slt, %add3A, %lt3A : i32
    %convert_element_type3A_77 = arith.extui %lt3A_76 : i1 to i32
    %cond3A_78 = arith.constant 0 : i32
    %cond3A_79 = arith.cmpi ne, %convert_element_type3A_77, %cond3A_78 : i32
    scf.if %cond3A_79 {
      %add3A_89 = arith.constant 1984 : i32
      %add3A_90 = arith.addi %add3A_89, %add3A : i32
      %mul3A_91 = arith.constant 160 : i32
      %mul3A_92 = arith.muli %add3A_90, %mul3A_91 : i32
      "tpu.region"() ({
        %run_scoped3A = tpu.sem_alloc : memref<!tpu.dma_semaphore, #tpu.memory_space<semaphore_mem>>
        %dma_start3A_99 = tpu.memref_slice %arg3[%mul3A_92] : memref<320000xi32, #tpu.memory_space<hbm>> -> memref<160xi32, #tpu.memory_space<hbm>>
        %dma_start3A_100 = tpu.memref_slice %arg3[%mul3A_92] : memref<320000xi32, #tpu.memory_space<hbm>> -> memref<160xi32, #tpu.memory_space<hbm>>
        tpu.enqueue_dma source(%dma_start3A_100 : memref<160xi32, #tpu.memory_space<hbm>>) target(%arg7 : memref<160xi32, #tpu.memory_space<vmem>>) target_semaphore(%run_scoped3A : memref<!tpu.dma_semaphore, #tpu.memory_space<semaphore_mem>>)
        %dma_wait3A_101 = tpu.memref_slice %arg3[%mul3A_92] : memref<320000xi32, #tpu.memory_space<hbm>> -> memref<160xi32, #tpu.memory_space<hbm>>
        %dma_wait3A_102 = tpu.memref_slice %arg3[%mul3A_92] : memref<320000xi32, #tpu.memory_space<hbm>> -> memref<160xi32, #tpu.memory_space<hbm>>
        tpu.wait_dma2 semaphore(%run_scoped3A : memref<!tpu.dma_semaphore, #tpu.memory_space<semaphore_mem>>) src(%dma_wait3A_102 : memref<160xi32, #tpu.memory_space<hbm>>) dst(%arg7 : memref<160xi32, #tpu.memory_space<vmem>>)
        tpu.yield
      }) : () -> ()
      "tpu.region"() ({
        %run_scoped3A = tpu.sem_alloc : memref<!tpu.dma_semaphore, #tpu.memory_space<semaphore_mem>>
        %dma_start3A_99 = tpu.memref_slice %arg4[%mul3A_92] : memref<320000xi32, #tpu.memory_space<hbm>> -> memref<160xi32, #tpu.memory_space<hbm>>
        %dma_start3A_100 = tpu.memref_slice %arg4[%mul3A_92] : memref<320000xi32, #tpu.memory_space<hbm>> -> memref<160xi32, #tpu.memory_space<hbm>>
        tpu.enqueue_dma source(%dma_start3A_100 : memref<160xi32, #tpu.memory_space<hbm>>) target(%arg11 : memref<160xi32, #tpu.memory_space<vmem>>) target_semaphore(%run_scoped3A : memref<!tpu.dma_semaphore, #tpu.memory_space<semaphore_mem>>)
        %dma_wait3A_101 = tpu.memref_slice %arg4[%mul3A_92] : memref<320000xi32, #tpu.memory_space<hbm>> -> memref<160xi32, #tpu.memory_space<hbm>>
        %dma_wait3A_102 = tpu.memref_slice %arg4[%mul3A_92] : memref<320000xi32, #tpu.memory_space<hbm>> -> memref<160xi32, #tpu.memory_space<hbm>>
        tpu.wait_dma2 semaphore(%run_scoped3A : memref<!tpu.dma_semaphore, #tpu.memory_space<semaphore_mem>>) src(%dma_wait3A_102 : memref<160xi32, #tpu.memory_space<hbm>>) dst(%arg11 : memref<160xi32, #tpu.memory_space<vmem>>)
        tpu.yield
      }) : () -> ()
      %dma_start3A_93 = arith.constant 0 : i32
      %dma_start3A_94 = arith.constant 0 : i32
      %dma_start3A_95 = tpu.memref_slice %arg2[%dma_start3A_93, %dma_start3A_94] : memref<10000x128xf32, #tpu.memory_space<hbm>> -> memref<10000x128xf32, #tpu.memory_space<hbm>>
      tpu.enqueue_indirect_dma source(%dma_start3A_95 : memref<10000x128xf32, #tpu.memory_space<hbm>>) target(%arg15 : memref<160x128xf32, #tpu.memory_space<vmem>>) offsets(%arg7 : memref<160xi32, #tpu.memory_space<vmem>>) semaphore(%arg18 : memref<!tpu.dma_semaphore, #tpu.memory_space<semaphore_mem>>)
      %dma_wait3A_96 = arith.constant 0 : i32
      %dma_wait3A_97 = arith.constant 0 : i32
      %dma_wait3A_98 = tpu.memref_slice %arg2[%dma_wait3A_96, %dma_wait3A_97] : memref<10000x128xf32, #tpu.memory_space<hbm>> -> memref<10000x128xf32, #tpu.memory_space<hbm>>
      tpu.wait_indirect_dma semaphore(%arg18 : memref<!tpu.dma_semaphore, #tpu.memory_space<semaphore_mem>>) src(%dma_wait3A_98 : memref<10000x128xf32, #tpu.memory_space<hbm>>) dst(%arg15 : memref<160x128xf32, #tpu.memory_space<vmem>>)
      "tpu.region"() ({
        %run_scoped3A = tpu.sem_alloc : memref<!tpu.dma_semaphore, #tpu.memory_space<semaphore_mem>>
        %dma_start3A_99 = arith.constant 0 : i32
        %dma_start3A_100 = arith.constant 0 : i32
        %dma_start3A_101 = tpu.memref_slice %arg17[%dma_start3A_99, %dma_start3A_100] : memref<10000x128xf32, #tpu.memory_space<vmem_shared>> -> memref<10000x128xf32, #tpu.memory_space<vmem_shared>>
        tpu.enqueue_indirect_dma source(%arg15 : memref<160x128xf32, #tpu.memory_space<vmem>>) target(%dma_start3A_101 : memref<10000x128xf32, #tpu.memory_space<vmem_shared>>) offsets(%arg11 : memref<160xi32, #tpu.memory_space<vmem>>) semaphore(%run_scoped3A : memref<!tpu.dma_semaphore, #tpu.memory_space<semaphore_mem>>) {add = true}
        %dma_wait3A_102 = arith.constant 0 : i32
        %dma_wait3A_103 = arith.constant 0 : i32
        %dma_wait3A_104 = tpu.memref_slice %arg17[%dma_wait3A_102, %dma_wait3A_103] : memref<10000x128xf32, #tpu.memory_space<vmem_shared>> -> memref<10000x128xf32, #tpu.memory_space<vmem_shared>>
        tpu.wait_indirect_dma semaphore(%run_scoped3A : memref<!tpu.dma_semaphore, #tpu.memory_space<semaphore_mem>>) src(%arg15 : memref<160x128xf32, #tpu.memory_space<vmem>>) dst(%dma_wait3A_104 : memref<10000x128xf32, #tpu.memory_space<vmem_shared>>)
        tpu.yield
      }) : () -> ()
    } else {
    }
    %barrier3A_80 = arith.constant 0 : index
    tpu.barrier barrier_id(%barrier3A_80)
    %mul3A_81 = arith.constant 10000 : i32
    %mul3A_82 = arith.muli %arg0, %mul3A_81 : i32
    %add3A_83 = arith.addi %mul3A_82, %mul3A_2 : i32
    "tpu.region"() ({
      %run_scoped3A = tpu.sem_alloc : memref<!tpu.dma_semaphore, #tpu.memory_space<semaphore_mem>>
      %dma_start3A_89 = arith.constant 0 : i32
      %dma_start3A_90 = tpu.memref_slice %arg6[%add3A_83, %dma_start3A_89] : memref<20000x128xf32, #tpu.memory_space<hbm>> -> memref<624x128xf32, #tpu.memory_space<hbm>>
      %dma_start3A_91 = arith.constant 0 : i32
      %dma_start3A_92 = tpu.memref_slice %arg17[%mul3A_2, %dma_start3A_91] : memref<10000x128xf32, #tpu.memory_space<vmem_shared>> -> memref<624x128xf32, #tpu.memory_space<vmem_shared>>
      tpu.enqueue_dma source(%dma_start3A_92 : memref<624x128xf32, #tpu.memory_space<vmem_shared>>) target(%dma_start3A_90 : memref<624x128xf32, #tpu.memory_space<hbm>>) target_semaphore(%run_scoped3A : memref<!tpu.dma_semaphore, #tpu.memory_space<semaphore_mem>>)
      %dma_wait3A_93 = arith.constant 0 : i32
      %dma_wait3A_94 = tpu.memref_slice %arg6[%add3A_83, %dma_wait3A_93] : memref<20000x128xf32, #tpu.memory_space<hbm>> -> memref<624x128xf32, #tpu.memory_space<hbm>>
      %dma_wait3A_95 = arith.constant 0 : i32
      %dma_wait3A_96 = tpu.memref_slice %arg17[%mul3A_2, %dma_wait3A_95] : memref<10000x128xf32, #tpu.memory_space<vmem_shared>> -> memref<624x128xf32, #tpu.memory_space<vmem_shared>>
      tpu.wait_dma2 semaphore(%run_scoped3A : memref<!tpu.dma_semaphore, #tpu.memory_space<semaphore_mem>>) src(%dma_wait3A_96 : memref<624x128xf32, #tpu.memory_space<vmem_shared>>) dst(%dma_wait3A_94 : memref<624x128xf32, #tpu.memory_space<hbm>>)
      tpu.yield
    }) : () -> ()
    %eq3A_84 = arith.constant 15 : i32
    %eq3A_85 = arith.cmpi eq, %arg1, %eq3A_84 : i32
    %convert_element_type3A_86 = arith.extui %eq3A_85 : i1 to i32
    %cond3A_87 = arith.constant 0 : i32
    %cond3A_88 = arith.cmpi ne, %convert_element_type3A_86, %cond3A_87 : i32
    scf.if %cond3A_88 {
      %mul3A_89 = arith.constant 10000 : i32
      %mul3A_90 = arith.muli %arg0, %mul3A_89 : i32
      %add3A_91 = arith.constant 9984 : i32
      %add3A_92 = arith.addi %mul3A_90, %add3A_91 : i32
      "tpu.region"() ({
        %run_scoped3A = tpu.sem_alloc : memref<!tpu.dma_semaphore, #tpu.memory_space<semaphore_mem>>
        %dma_start3A_93 = arith.constant 0 : i32
        %dma_start3A_94 = tpu.memref_slice %arg6[%add3A_92, %dma_start3A_93] : memref<20000x128xf32, #tpu.memory_space<hbm>> -> memref<16x128xf32, #tpu.memory_space<hbm>>
        %dma_start3A_95 = arith.constant 9984 : i32
        %dma_start3A_96 = arith.constant 0 : i32
        %dma_start3A_97 = tpu.memref_slice %arg17[%dma_start3A_95, %dma_start3A_96] : memref<10000x128xf32, #tpu.memory_space<vmem_shared>> -> memref<16x128xf32, #tpu.memory_space<vmem_shared>>
        tpu.enqueue_dma source(%dma_start3A_97 : memref<16x128xf32, #tpu.memory_space<vmem_shared>>) target(%dma_start3A_94 : memref<16x128xf32, #tpu.memory_space<hbm>>) target_semaphore(%run_scoped3A : memref<!tpu.dma_semaphore, #tpu.memory_space<semaphore_mem>>)
        %dma_wait3A_98 = arith.constant 0 : i32
        %dma_wait3A_99 = tpu.memref_slice %arg6[%add3A_92, %dma_wait3A_98] : memref<20000x128xf32, #tpu.memory_space<hbm>> -> memref<16x128xf32, #tpu.memory_space<hbm>>
        %dma_wait3A_100 = arith.constant 9984 : i32
        %dma_wait3A_101 = arith.constant 0 : i32
        %dma_wait3A_102 = tpu.memref_slice %arg17[%dma_wait3A_100, %dma_wait3A_101] : memref<10000x128xf32, #tpu.memory_space<vmem_shared>> -> memref<16x128xf32, #tpu.memory_space<vmem_shared>>
        tpu.wait_dma2 semaphore(%run_scoped3A : memref<!tpu.dma_semaphore, #tpu.memory_space<semaphore_mem>>) src(%dma_wait3A_102 : memref<16x128xf32, #tpu.memory_space<vmem_shared>>) dst(%dma_wait3A_99 : memref<16x128xf32, #tpu.memory_space<hbm>>)
        tpu.yield
      }) : () -> ()
    } else {
    }
    return
  }
}

module attributes {stable_mosaic.version = 14 : i64} {
  func.func @_mm_body(%arg0: i32, %arg1: memref<1000x128xf32, #tpu.memory_space<vmem>>, %arg2: memref<128x128xf32, #tpu.memory_space<vmem>>, %arg3: memref<1x128xf32, #tpu.memory_space<vmem>>, %arg4: memref<1000x128xf32, #tpu.memory_space<vmem>>) attributes {dimension_semantics = [#tpu.dimension_semantics<arbitrary>], iteration_bounds = array<i64: 10>, scalar_prefetch = 0 : i64, scratch_operands = 0 : i64, tpu.core_type = #tpu.core_type<tc>, window_params = [{transform_indices = @transform_0, window_bounds = array<i64: 1000, 128>}, {pipeline_mode = #tpu.pipeline_mode<synchronous>, transform_indices = @transform_1, window_bounds = array<i64: 128, 128>}, {pipeline_mode = #tpu.pipeline_mode<synchronous>, transform_indices = @transform_2, window_bounds = array<i64: 1, 128>}, {transform_indices = @transform_3, window_bounds = array<i64: 1000, 128>}]} {
    %get3A = arith.constant 0 : index
    %get3A_0 = arith.constant 0 : index
    %get3A_1 = vector.load %arg1[%get3A, %get3A_0] : memref<1000x128xf32, #tpu.memory_space<vmem>>, vector<1000x128xf32>
    %get3A_2 = arith.constant 0 : index
    %get3A_3 = arith.constant 0 : index
    %get3A_4 = vector.load %arg2[%get3A_2, %get3A_3] : memref<128x128xf32, #tpu.memory_space<vmem>>, vector<128x128xf32>
    %dot_general3A = arith.constant dense<0.000000e+00> : vector<1000x128xf32>
    %dot_general3A_5 = tpu.matmul %get3A_1, %get3A_4, %dot_general3A {dimension_numbers = #tpu.dot_dimension_numbers<[1], [0], [0], [1], [0, 0, 1, 1], [], []>, transpose_lhs_hint = false} : vector<1000x128xf32>, vector<128x128xf32>, vector<1000x128xf32> -> vector<1000x128xf32>
    %get3A_6 = arith.constant 0 : index
    %get3A_7 = arith.constant 0 : index
    %get3A_8 = vector.load %arg3[%get3A_6, %get3A_7] : memref<1x128xf32, #tpu.memory_space<vmem>>, vector<1x128xf32>
    %add3A = vector.broadcast %get3A_8 : vector<1x128xf32> to vector<1000x128xf32>
    %add3A_9 = arith.addf %dot_general3A_5, %add3A : vector<1000x128xf32>
    %swap3A = arith.constant 0 : index
    %swap3A_10 = arith.constant 0 : index
    %swap3A_11 = vector.load %arg4[%swap3A, %swap3A_10] : memref<1000x128xf32, #tpu.memory_space<vmem>>, vector<1000x128xf32>
    tpu.vector_store %arg4[%swap3A, %swap3A_10], %add3A_9 {strides = array<i32>} : memref<1000x128xf32, #tpu.memory_space<vmem>>, vector<1000x128xf32>,
    return
  }
  func.func @transform_0(%arg0: i32) -> (i32, i32) {
    %c0_i32 = arith.constant 0 : i32
    %c0_i32_0 = arith.constant 0 : i32
    return %arg0, %c0_i32 : i32, i32
  }
  func.func @transform_1(%arg0: i32) -> (i32, i32) {
    %c0_i32 = arith.constant 0 : i32
    %c0_i32_0 = arith.constant 0 : i32
    %c0_i32_1 = arith.constant 0 : i32
    return %c0_i32, %c0_i32_0 : i32, i32
  }
  func.func @transform_2(%arg0: i32) -> (i32, i32) {
    %c0_i32 = arith.constant 0 : i32
    %c0_i32_0 = arith.constant 0 : i32
    %c0_i32_1 = arith.constant 0 : i32
    return %c0_i32, %c0_i32_0 : i32, i32
  }
  func.func @transform_3(%arg0: i32) -> (i32, i32) {
    %c0_i32 = arith.constant 0 : i32
    %c0_i32_0 = arith.constant 0 : i32
    return %arg0, %c0_i32 : i32, i32
  }
}

module attributes {stable_mosaic.version = 14 : i64} {
  func.func @_div_body(%arg0: i32, %arg1: memref<1x1000x128xf32, #tpu.memory_space<vmem>>, %arg2: memref<1x1000x128xf32, #tpu.memory_space<vmem>>, %arg3: memref<1000x1xf32, #tpu.memory_space<vmem>>, %arg4: memref<1000x128xf32, #tpu.memory_space<vmem>>) attributes {dimension_semantics = [#tpu.dimension_semantics<arbitrary>], iteration_bounds = array<i64: 10>, scalar_prefetch = 0 : i64, scratch_operands = 0 : i64, tpu.core_type = #tpu.core_type<tc>, window_params = [{transform_indices = @transform_0, window_bounds = array<i64: 1, 1000, 128>}, {transform_indices = @transform_1, window_bounds = array<i64: 1, 1000, 128>}, {transform_indices = @transform_2, window_bounds = array<i64: 1000, 1>}, {transform_indices = @transform_3, window_bounds = array<i64: 1000, 128>}]} {
    %get3A = arith.constant 0 : index
    %get3A_0 = arith.constant 0 : index
    %get3A_1 = arith.constant 0 : index
    %get3A_2 = vector.load %arg1[%get3A, %get3A_0, %get3A_1] : memref<1x1000x128xf32, #tpu.memory_space<vmem>>, vector<1x1000x128xf32>
    %get3A_3 = vector.shape_cast %get3A_2 : vector<1x1000x128xf32> to vector<1000x128xf32>
    %get3A_4 = arith.constant 0 : index
    %get3A_5 = arith.constant 0 : index
    %get3A_6 = arith.constant 0 : index
    %get3A_7 = vector.load %arg2[%get3A_4, %get3A_5, %get3A_6] : memref<1x1000x128xf32, #tpu.memory_space<vmem>>, vector<1x1000x128xf32>
    %get3A_8 = vector.shape_cast %get3A_7 : vector<1x1000x128xf32> to vector<1000x128xf32>
    %add3A = arith.addf %get3A_3, %get3A_8 : vector<1000x128xf32>
    %get3A_9 = arith.constant 0 : index
    %get3A_10 = arith.constant 0 : index
    %get3A_11 = vector.load %arg3[%get3A_9, %get3A_10] : memref<1000x1xf32, #tpu.memory_space<vmem>>, vector<1000x1xf32>
    %max3A = arith.constant 1.000000e+00 : f32
    %max3A_12 = vector.broadcast %max3A : f32 to vector<1000x1xf32>
    %max3A_13 = arith.maximumf %get3A_11, %max3A_12 : vector<1000x1xf32>
    %div3A = vector.broadcast %max3A_13 : vector<1000x1xf32> to vector<1000x128xf32>
    %div3A_14 = arith.divf %add3A, %div3A : vector<1000x128xf32>
    %swap3A = arith.constant 0 : index
    %swap3A_15 = arith.constant 0 : index
    %swap3A_16 = vector.load %arg4[%swap3A, %swap3A_15] : memref<1000x128xf32, #tpu.memory_space<vmem>>, vector<1000x128xf32>
    tpu.vector_store %arg4[%swap3A, %swap3A_15], %div3A_14 {strides = array<i32>} : memref<1000x128xf32, #tpu.memory_space<vmem>>, vector<1000x128xf32>,
    return
  }
  func.func @transform_0(%arg0: i32) -> (i32, i32, i32) {
    %c0_i32 = arith.constant 0 : i32
    %c0_i32_0 = arith.constant 0 : i32
    %c0_i32_1 = arith.constant 0 : i32
    return %c0_i32, %arg0, %c0_i32_0 : i32, i32, i32
  }
  func.func @transform_1(%arg0: i32) -> (i32, i32, i32) {
    %c1_i32 = arith.constant 1 : i32
    %c0_i32 = arith.constant 0 : i32
    %c0_i32_0 = arith.constant 0 : i32
    return %c1_i32, %arg0, %c0_i32 : i32, i32, i32
  }
  func.func @transform_2(%arg0: i32) -> (i32, i32) {
    %c0_i32 = arith.constant 0 : i32
    %c0_i32_0 = arith.constant 0 : i32
    return %arg0, %c0_i32 : i32, i32
  }
  func.func @transform_3(%arg0: i32) -> (i32, i32) {
    %c0_i32 = arith.constant 0 : i32
    %c0_i32_0 = arith.constant 0 : i32
    return %arg0, %c0_i32 : i32, i32
  }
}

module attributes {stable_mosaic.version = 14 : i64} {
  func.func @_resmm_body(%arg0: i32, %arg1: memref<1000x128xf32, #tpu.memory_space<vmem>>, %arg2: memref<1x1000x128xf32, #tpu.memory_space<vmem>>, %arg3: memref<1x1000x128xf32, #tpu.memory_space<vmem>>, %arg4: memref<128x128xf32, #tpu.memory_space<vmem>>, %arg5: memref<1x128xf32, #tpu.memory_space<vmem>>, %arg6: memref<1000x128xf32, #tpu.memory_space<vmem>>) attributes {dimension_semantics = [#tpu.dimension_semantics<arbitrary>], iteration_bounds = array<i64: 10>, scalar_prefetch = 0 : i64, scratch_operands = 0 : i64, tpu.core_type = #tpu.core_type<tc>, window_params = [{transform_indices = @transform_0, window_bounds = array<i64: 1000, 128>}, {transform_indices = @transform_1, window_bounds = array<i64: 1, 1000, 128>}, {transform_indices = @transform_2, window_bounds = array<i64: 1, 1000, 128>}, {pipeline_mode = #tpu.pipeline_mode<synchronous>, transform_indices = @transform_3, window_bounds = array<i64: 128, 128>}, {pipeline_mode = #tpu.pipeline_mode<synchronous>, transform_indices = @transform_4, window_bounds = array<i64: 1, 128>}, {transform_indices = @transform_5, window_bounds = array<i64: 1000, 128>}]} {
    %get3A = arith.constant 0 : index
    %get3A_0 = arith.constant 0 : index
    %get3A_1 = vector.load %arg1[%get3A, %get3A_0] : memref<1000x128xf32, #tpu.memory_space<vmem>>, vector<1000x128xf32>
    %get3A_2 = arith.constant 0 : index
    %get3A_3 = arith.constant 0 : index
    %get3A_4 = arith.constant 0 : index
    %get3A_5 = vector.load %arg2[%get3A_2, %get3A_3, %get3A_4] : memref<1x1000x128xf32, #tpu.memory_space<vmem>>, vector<1x1000x128xf32>
    %get3A_6 = vector.shape_cast %get3A_5 : vector<1x1000x128xf32> to vector<1000x128xf32>
    %add3A = arith.addf %get3A_1, %get3A_6 : vector<1000x128xf32>
    %get3A_7 = arith.constant 0 : index
    %get3A_8 = arith.constant 0 : index
    %get3A_9 = arith.constant 0 : index
    %get3A_10 = vector.load %arg3[%get3A_7, %get3A_8, %get3A_9] : memref<1x1000x128xf32, #tpu.memory_space<vmem>>, vector<1x1000x128xf32>
    %get3A_11 = vector.shape_cast %get3A_10 : vector<1x1000x128xf32> to vector<1000x128xf32>
    %add3A_12 = arith.addf %add3A, %get3A_11 : vector<1000x128xf32>
    %max3A = arith.constant 0.000000e+00 : f32
    %max3A_13 = vector.broadcast %max3A : f32 to vector<1000x128xf32>
    %max3A_14 = arith.maximumf %add3A_12, %max3A_13 : vector<1000x128xf32>
    %get3A_15 = arith.constant 0 : index
    %get3A_16 = arith.constant 0 : index
    %get3A_17 = vector.load %arg4[%get3A_15, %get3A_16] : memref<128x128xf32, #tpu.memory_space<vmem>>, vector<128x128xf32>
    %dot_general3A = arith.constant dense<0.000000e+00> : vector<1000x128xf32>
    %dot_general3A_18 = tpu.matmul %max3A_14, %get3A_17, %dot_general3A {dimension_numbers = #tpu.dot_dimension_numbers<[1], [0], [0], [1], [0, 0, 1, 1], [], []>, transpose_lhs_hint = false} : vector<1000x128xf32>, vector<128x128xf32>, vector<1000x128xf32> -> vector<1000x128xf32>
    %get3A_19 = arith.constant 0 : index
    %get3A_20 = arith.constant 0 : index
    %get3A_21 = vector.load %arg5[%get3A_19, %get3A_20] : memref<1x128xf32, #tpu.memory_space<vmem>>, vector<1x128xf32>
    %add3A_22 = vector.broadcast %get3A_21 : vector<1x128xf32> to vector<1000x128xf32>
    %add3A_23 = arith.addf %dot_general3A_18, %add3A_22 : vector<1000x128xf32>
    %swap3A = arith.constant 0 : index
    %swap3A_24 = arith.constant 0 : index
    %swap3A_25 = vector.load %arg6[%swap3A, %swap3A_24] : memref<1000x128xf32, #tpu.memory_space<vmem>>, vector<1000x128xf32>
    tpu.vector_store %arg6[%swap3A, %swap3A_24], %add3A_23 {strides = array<i32>} : memref<1000x128xf32, #tpu.memory_space<vmem>>, vector<1000x128xf32>,
    return
  }
  func.func @transform_0(%arg0: i32) -> (i32, i32) {
    %c0_i32 = arith.constant 0 : i32
    %c0_i32_0 = arith.constant 0 : i32
    return %arg0, %c0_i32 : i32, i32
  }
  func.func @transform_1(%arg0: i32) -> (i32, i32, i32) {
    %c0_i32 = arith.constant 0 : i32
    %c0_i32_0 = arith.constant 0 : i32
    %c0_i32_1 = arith.constant 0 : i32
    return %c0_i32, %arg0, %c0_i32_0 : i32, i32, i32
  }
  func.func @transform_2(%arg0: i32) -> (i32, i32, i32) {
    %c1_i32 = arith.constant 1 : i32
    %c0_i32 = arith.constant 0 : i32
    %c0_i32_0 = arith.constant 0 : i32
    return %c1_i32, %arg0, %c0_i32 : i32, i32, i32
  }
  func.func @transform_3(%arg0: i32) -> (i32, i32) {
    %c0_i32 = arith.constant 0 : i32
    %c0_i32_0 = arith.constant 0 : i32
    %c0_i32_1 = arith.constant 0 : i32
    return %c0_i32, %c0_i32_0 : i32, i32
  }
  func.func @transform_4(%arg0: i32) -> (i32, i32) {
    %c0_i32 = arith.constant 0 : i32
    %c0_i32_0 = arith.constant 0 : i32
    %c0_i32_1 = arith.constant 0 : i32
    return %c0_i32, %c0_i32_0 : i32, i32
  }
  func.func @transform_5(%arg0: i32) -> (i32, i32) {
    %c0_i32 = arith.constant 0 : i32
    %c0_i32_0 = arith.constant 0 : i32
    return %arg0, %c0_i32 : i32, i32
  }
}

module attributes {stable_mosaic.version = 14 : i64} {
  func.func @_resrelu_body(%arg0: i32, %arg1: memref<1000x128xf32, #tpu.memory_space<vmem>>, %arg2: memref<1x1000x128xf32, #tpu.memory_space<vmem>>, %arg3: memref<1x1000x128xf32, #tpu.memory_space<vmem>>, %arg4: memref<1000x128xf32, #tpu.memory_space<vmem>>) attributes {dimension_semantics = [#tpu.dimension_semantics<arbitrary>], iteration_bounds = array<i64: 10>, scalar_prefetch = 0 : i64, scratch_operands = 0 : i64, tpu.core_type = #tpu.core_type<tc>, window_params = [{transform_indices = @transform_0, window_bounds = array<i64: 1000, 128>}, {transform_indices = @transform_1, window_bounds = array<i64: 1, 1000, 128>}, {transform_indices = @transform_2, window_bounds = array<i64: 1, 1000, 128>}, {transform_indices = @transform_3, window_bounds = array<i64: 1000, 128>}]} {
    %get3A = arith.constant 0 : index
    %get3A_0 = arith.constant 0 : index
    %get3A_1 = vector.load %arg1[%get3A, %get3A_0] : memref<1000x128xf32, #tpu.memory_space<vmem>>, vector<1000x128xf32>
    %get3A_2 = arith.constant 0 : index
    %get3A_3 = arith.constant 0 : index
    %get3A_4 = arith.constant 0 : index
    %get3A_5 = vector.load %arg2[%get3A_2, %get3A_3, %get3A_4] : memref<1x1000x128xf32, #tpu.memory_space<vmem>>, vector<1x1000x128xf32>
    %get3A_6 = vector.shape_cast %get3A_5 : vector<1x1000x128xf32> to vector<1000x128xf32>
    %add3A = arith.addf %get3A_1, %get3A_6 : vector<1000x128xf32>
    %get3A_7 = arith.constant 0 : index
    %get3A_8 = arith.constant 0 : index
    %get3A_9 = arith.constant 0 : index
    %get3A_10 = vector.load %arg3[%get3A_7, %get3A_8, %get3A_9] : memref<1x1000x128xf32, #tpu.memory_space<vmem>>, vector<1x1000x128xf32>
    %get3A_11 = vector.shape_cast %get3A_10 : vector<1x1000x128xf32> to vector<1000x128xf32>
    %add3A_12 = arith.addf %add3A, %get3A_11 : vector<1000x128xf32>
    %max3A = arith.constant 0.000000e+00 : f32
    %max3A_13 = vector.broadcast %max3A : f32 to vector<1000x128xf32>
    %max3A_14 = arith.maximumf %add3A_12, %max3A_13 : vector<1000x128xf32>
    %swap3A = arith.constant 0 : index
    %swap3A_15 = arith.constant 0 : index
    %swap3A_16 = vector.load %arg4[%swap3A, %swap3A_15] : memref<1000x128xf32, #tpu.memory_space<vmem>>, vector<1000x128xf32>
    tpu.vector_store %arg4[%swap3A, %swap3A_15], %max3A_14 {strides = array<i32>} : memref<1000x128xf32, #tpu.memory_space<vmem>>, vector<1000x128xf32>,
    return
  }
  func.func @transform_0(%arg0: i32) -> (i32, i32) {
    %c0_i32 = arith.constant 0 : i32
    %c0_i32_0 = arith.constant 0 : i32
    return %arg0, %c0_i32 : i32, i32
  }
  func.func @transform_1(%arg0: i32) -> (i32, i32, i32) {
    %c0_i32 = arith.constant 0 : i32
    %c0_i32_0 = arith.constant 0 : i32
    %c0_i32_1 = arith.constant 0 : i32
    return %c0_i32, %arg0, %c0_i32_0 : i32, i32, i32
  }
  func.func @transform_2(%arg0: i32) -> (i32, i32, i32) {
    %c1_i32 = arith.constant 1 : i32
    %c0_i32 = arith.constant 0 : i32
    %c0_i32_0 = arith.constant 0 : i32
    return %c1_i32, %arg0, %c0_i32 : i32, i32, i32
  }
  func.func @transform_3(%arg0: i32) -> (i32, i32) {
    %c0_i32 = arith.constant 0 : i32
    %c0_i32_0 = arith.constant 0 : i32
    return %arg0, %c0_i32 : i32, i32
  }
}

</mosaic_0001>

<sc_bundles>
// kernel: edge_counts.3.cloned.1.call-start
scs
__scs_entry_jumppad:
0x0: {  	(pc) =	sbr.rel $0x88, $3  }
0x1: {  	(tag) =	ssettag $0x0;
	lr =	simm.s32 $0x1  }
0x2: {  	[smem:$0x3F9B] =	sst lr;
	_ =	strace $0xD0000000  }
0x3: {  	_ = 	snop  }
0x4: {  	_ = 	snop  }
0x5: {  	_ = 	snop  }
0x6: {  	_ = 	snop  }
0x7: {  	_ = 	snop  }
__scs_overlays_trampoline_lowered:
0x8: {  	[smem:$0x3FAA] =	sst s0  }
0x9: {  	[smem:$0x3FAB] =	sst s1  }
0xa: {  	[smem:$0x3FAC] =	sst s2  }
0xb: {  	[smem:$0x3FAD] =	sst s3  }
0xc: {  	[smem:$0x3FAE] =	sst s4  }
0xd: {  	[smem:$0x3FAF] =	sst s5  }
0xe: {  	[smem:$0x3FB0] =	sst s6  }
0xf: {  	[smem:$0x3FB1] =	sst s7  }
0x10: {  	[smem:$0x3FB2] =	sst s8  }
0x11: {  	[smem:$0x3FB3] =	sst s9;
	s0 =	simm.s32 @!p0 $0x0  }
0x12: {  	s1 =	sld [smem:$0x3F99];
	s0 =	simm.s32 @p0 $0x1  }
0x13: {  	[smem:$0x3FB4] =	sst s0;
	s0 =	simm.s32 @!p1 $0x0  }
0x14: {  	s2 =	sld [smem:$0x3F98];
	s0 =	simm.s32 @p1 $0x1  }
0x15: {  	[smem:$0x3FB5] =	sst s0;
	s0 =	simm.s32 @!p2 $0x0  }
0x16: {  	s3 =	sld [smem:$0x3FDB];
	s0 =	simm.s32 @p2 $0x1  }
0x17: {  	s4 =	simm.s32 $0x1BF5;
	[smem:$0x3FB7] =	sst s0  }
0x18: {  	s0 =	sld [smem:$0x3F9A];
	_ =	swait.ge [sflag:s4], $0x0  }
0x19: {  	s7 =	sld [smem:$0x3F9B]  }
0x1a: {  	s8 =	sadd.s32 $0xFFFFE003, lr  }
0x1b: {  	s9 =	sadd.s32 $0xFFFFFEF7, lr;
	s5 =	simm.s32 $0xFFFFFFFF;
	p2 =	slt.u32 s8, $0xFFFFF086  }
0x1c: {  	p1 =	slt.u32 s9, $0xF7A;
	s5 =	simm.s32 @!p2 $0x0  }
0x1d: {  	s5 =	simm.s32 @p1 $0x1;
	p0 =	seq.s32 s7, s2  }
0x1e: {  	s7 =	smul.u32 @!p0 $0xF7A, s2;
	p2 =	seq.s32 @!p0 s5, $0x0  }
0x1f: {  	s9 =	smul.u32 $0xF7A, s1;
	s8 =	simm.s32 @!p0 $0x1BF5;
	p2 =	por !p2, p0  }
0x20: {  	[sflag:s8] =	ssyncset.s32 @!p0 $0xFFFFF086;
	s6 =	sadd.s32 @!p0 s3, s7;
	s7 =	simm.s32 @!p0 $0x108  }
0x21: {  	s3 =	sadd.s32 s3, s9;
	s6 =	sadd.s32 @!p0 $0x88, s6;
	s7 =	simm.s32 @p2 $0x1082  }
0x22: {  	[simem:s7], [sflag:s8] =	dma.local @!p0 [hbm:s6], $0xF7A  }
0x23: {  	s9 =	sor.u32 $0xD0000000, s2;
	s6 =	simm.s32 $0x108;
	_ =	swait.ge @!p0 [sflag:s8], $0x0  }
0x24: {  	s3 =	sadd.s32 $0x88, s3;
	s6 =	simm.s32 @!p1 $0x1082;
	[sflag:s4] =	ssyncset.s32 $0xFFFFF086  }
0x25: {  	[simem:s6], [sflag:s4] =	dma.local [hbm:s3], $0xF7A  }
0x26: {  	[smem:$0x3F9B] =	sst s1;
	(tag) =	ssettag s2;
	_ =	strace s9  }
0x27: {  	s1 =	sld [smem:$0x3FAB]  }
0x28: {  	s2 =	sld [smem:$0x3FAC]  }
0x29: {  	s4 =	sld [smem:$0x3FAE]  }
0x2a: {  	p0 =	seq.s32 s5, $0x0;
	s5 =	sld [smem:$0x3FAF]  }
0x2b: {  	s6 =	sld [smem:$0x3FB0]  }
0x2c: {  	s7 =	sld [smem:$0x3FB1]  }
0x2d: {  	s3 =	simm.s32 $0x108;
	s8 =	sld [smem:$0x3FB2]  }
0x2e: {  	s3 =	simm.s32 @!p0 $0x1082;
	s9 =	sld [smem:$0x3FB3]  }
0x2f: {  	lr =	sadd.s32 s0, s3;
	s0 =	sld [smem:$0x3FAA]  }
0x30: {  	s3 =	sld [smem:$0x3FAD]  }
0x31: {  	[smem:$0x3FB6] =	sst s10  }
0x32: {  	s10 =	sld [smem:$0x3FB4];
	_ =	sdelay $0x3  }
0x33: {  	p0 =	seq.s32 s10, $0x1;
	s10 =	sld [smem:$0x3FB6];
	_ =	sdelay $0x3  }
0x34: {  	[smem:$0x3FB6] =	sst s10  }
0x35: {  	s10 =	sld [smem:$0x3FB5];
	_ =	sdelay $0x3  }
0x36: {  	p1 =	seq.s32 s10, $0x1;
	s10 =	sld [smem:$0x3FB6];
	_ =	sdelay $0x3  }
0x37: {  	[smem:$0x3FB6] =	sst s10  }
0x38: {  	s10 =	sld [smem:$0x3FB7]  }
0x39: {  	_ = 	snop;
	(pc) =	sbr.ind lr, $3  }
0x3a: {  	_ = 	snop  }
0x3b: {  	_ = 	snop  }
0x3c: {  	p2 =	seq.s32 s10, $0x1;
	s10 =	sld [smem:$0x3FB6]  }
0x3d: {  	_ =	shalt  }
0x3e: {  	_ =	shalt  }
0x3f: {  	_ =	shalt  }
0x40: {  	_ =	shalt  }
0x41: {  	_ =	shalt  }
0x42: {  	_ =	shalt  }
0x43: {  	_ =	shalt  }
0x44: {  	_ =	shalt  }
0x45: {  	_ =	shalt  }
0x46: {  	_ =	shalt  }
0x47: {  	_ =	shalt  }
0x48: {  	_ =	shalt  }
0x49: {  	_ =	shalt  }
0x4a: {  	_ =	shalt  }
0x4b: {  	_ =	shalt  }
0x4c: {  	_ =	shalt  }
0x4d: {  	_ =	shalt  }
0x4e: {  	_ =	shalt  }
0x4f: {  	_ =	shalt  }
0x50: {  	_ =	shalt  }
0x51: {  	_ =	shalt  }
0x52: {  	_ =	shalt  }
0x53: {  	_ =	shalt  }
0x54: {  	_ =	shalt  }
0x55: {  	_ =	shalt  }
0x56: {  	_ =	shalt  }
0x57: {  	_ =	shalt  }
0x58: {  	_ =	shalt  }
0x59: {  	_ =	shalt  }
0x5a: {  	_ =	shalt  }
0x5b: {  	_ =	shalt  }
0x5c: {  	_ =	shalt  }
0x5d: {  	_ =	shalt  }
0x5e: {  	_ =	shalt  }
0x5f: {  	_ =	shalt  }
0x60: {  	_ =	shalt  }
0x61: {  	_ =	shalt  }
0x62: {  	_ =	shalt  }
0x63: {  	_ =	shalt  }
0x64: {  	_ =	shalt  }
0x65: {  	_ =	shalt  }
0x66: {  	_ =	shalt  }
0x67: {  	_ =	shalt  }
0x68: {  	_ =	shalt  }
0x69: {  	_ =	shalt  }
0x6a: {  	_ =	shalt  }
0x6b: {  	_ =	shalt  }
0x6c: {  	_ =	shalt  }
0x6d: {  	_ =	shalt  }
0x6e: {  	_ =	shalt  }
0x6f: {  	_ =	shalt  }
0x70: {  	_ =	shalt  }
0x71: {  	_ =	shalt  }
0x72: {  	_ =	shalt  }
0x73: {  	_ =	shalt  }
0x74: {  	_ =	shalt  }
0x75: {  	_ =	shalt  }
0x76: {  	_ =	shalt  }
0x77: {  	_ =	shalt  }
0x78: {  	_ =	shalt  }
0x79: {  	_ =	shalt  }
0x7a: {  	_ =	shalt  }
0x7b: {  	_ =	shalt  }
0x7c: {  	_ =	shalt  }
0x7d: {  	_ =	shalt  }
0x7e: {  	_ =	shalt  }
0x7f: {  	_ =	shalt  }
0x80: {  	_ =	shalt  }
0x81: {  	_ =	shalt  }
0x82: {  	_ =	shalt  }
0x83: {  	_ =	shalt  }
0x84: {  	_ =	shalt  }
0x85: {  	_ =	shalt  }
0x86: {  	_ =	shalt  }
0x87: {  	_ =	shalt  }
.Lfunc_end0:
.L_simem_size_0:
called_computation_lowered:
.L_overlay_start_0:
0x88: {  	s2 =	sld [smem:$0x3FD9]  }
0x89: {  	s3 =	sld [smem:$0x3FFE];
	_ =	sdelay $0x1  }
0x8a: {  	s1 =	srdreg.scid  }
0x8b: {  	s0 =	sand.u32 $0x1, s1  }
0x8c: {  	s16 =	sshll.u32 s0, $0xA;
	s2 =	sadd.s32 s3, s2  }
0x8d: {  	s2 =	sadd.s32 s2, s16  }
0x8e: {  	[smem:$0x3FC2] =	sst s2  }
0x8f: {  	_ = 	snop  }
0x90: {  	(tm) =	ssettm $0x1  }
0x91: {  	s17 =	sld [smem:$0x3FFB];
	_ =	sdelay $0x3  }
0x92: {  	_ =	strace s17  }
0x93: {  	s2 =	sld [smem:$0x3FFC];
	_ =	sdelay $0x3  }
0x94: {  	_ =	strace s2  }
0x95: {  	s2 =	sld [smem:$0x3FFD];
	_ =	sdelay $0x3  }
0x96: {  	_ =	strace s2  }
0x97: {  	_ =	strace $0x8FFFFFFF  }
0x98: {  	s18 =	sld [smem:$0x3FDB];
	_ =	sdelay $0x1  }
0x99: {  	s19 =	simm.s32 $_scs_section_size  }
0x9a: {  	s4 =	simm.s32 $_size__tile_overlayer_lowered;
	s5 =	simm.s32 $_tile_overlayer_lowered  }
0x9b: {  	s22 =	simm.s32 $0x1BFF;
	s21 =	sshll.u32 s5, $0x1;
	s2 =	sadd.s32 s19, s18  }
0x9c: {  	s6 =	simm.s32 $0x0;
	s20 =	sshll.u32 s4, $0x1;
	s4 =	sadd.s32 s21, s2  }
0x9d: {  	[timem:s6], [sflag:s22] =	dma.local [hbm:s4], s20  }
0x9e: {  	_ =	swait.ge [sflag:s22], s20  }
0x9f: {  	s3 =	ssub.s32 $0x0, s20;
	[sflag:s22] =	ssyncset.done $0x0  }
0xa0: {  	[sflag:s22] =	ssyncadd.s32 s3;
	_ =	sdelay $0x1  }
0xa1: {  	s23 =	simm.s32 $0x1B8B  }
0xa2: {  	_ =	swait.ge [sflag:s23], $0x1  }
0xa3: {  	[sflag:s23] =	ssyncset.done $0x0  }
0xa4: {  	s25 =	simm.s32 $0x1B8E;
	s24 =	sld [smem:$0x3FFE];
	[sflag:s23] =	ssyncadd.s32 $0xFFFFFFFF  }
0xa5: {  	s26 =	simm.s32 $execute0_lowered;
	[smem:$0x3FD2] =	sst s25  }
0xa6: {  	s4 =	sshll.u32 s26, $0x1;
	_ =	strace $0x80000046;
	[dreg:$0x1] =	wrdreg $0xFFFFFFFF  }
0xa7: {  	s28 =	simm.s32 $_size_execute0_lowered;
	s2 =	sadd.s32 s2, s4;
	[dreg:$0x0] =	wrdreg $0x0  }
0xa8: {  	s4 =	sshll.u32 s28, $0x1;
	[dreg:$0x2] =	wrdreg s2  }
0xa9: {  	[dreg:$0x3] =	wrdreg s4  }
0xaa: {  	[dreg:$0x4] =	wrdreg $0xC0  }
0xab: {  	_ =	task [dreg:s6], $0x5FFFF  }
0xac: {  	[dreg:$0x1] =	wrdreg $0xFFFFFFFF  }
0xad: {  	[dreg:$0x0] =	wrdreg $0x60  }
0xae: {  	[dreg:$0x2] =	wrdreg s24  }
0xaf: {  	[dreg:$0x3] =	wrdreg $0x9  }
0xb0: {  	_ =	task.clear_ibuf [dreg:s6], $0x4FFFF;
	_ =	strace $0x90000046  }
0xb1: {  	s29 =	simm.s32 $0x9;
	_ =	strace $0x80000048  }
0xb2: {  	_ =	swait.ge [sflag:s29], $0x1  }
0xb3: {  	[sflag:s29] =	ssyncadd.s32 $0xFFFFFFFF  }
0xb4: {  	_ =	strace $0x90000048  }
0xb5: {  	_ =	sfence  }
0xb6: {  	s30 =	sld [smem:$0x0];
	_ =	sdelay $0x2  }
0xb7: {  	s31 =	sshll.u32 s1, $0xD;
	s1 =	sshrl.u32 s1, $0x2  }
0xb8: {  	s3 =	sand.u32 $0x4000, s31;
	s1 =	sadd.s32 s1, s30  }
0xb9: {  	s0 =	sor.u32 s3, s0;
	s1 =	sshll.u32 s1, $0x11  }
0xba: {  	s0 =	sor.u32 s1, s0  }
0xbb: {  	s0 =	sadd.s32 $0x8F2B, s0  }
0xbc: {  	[sflag:s0] =	ssyncadd.remote.s32 $0x1  }
0xbd: {  	_ =	sfence.sel $0xFFFF  }
0xbe: {  	[dreg:$0x0] =	wrdreg $0xFFFFFFFF;
	(pc) =	sbr.abs _section_cstart, $3  }
0xbf: {  	[dreg:$0x1] =	wrdreg $0xFFFFFFFF  }
0xc0: {  	_ =	task.clear_ibuf [dreg:s6], $0x2FFFF;
	_ =	strace $0x9FFFFFFF  }
0xc1: {  	(tm) =	ssettm $0x7FFFFFFF  }
tec
execute0_lowered:
.L_overlay_start_1:
0x0: {  	(tag) =	ssettag $0x1  }
0x1: {  	s0 =	srdreg.scid  }
0x2: {  	s4 =	rddreg [dreg:$0x0];
	s3 =	sand.u32 $0x1, s0  }
0x3: {  	s2 =	simm.s32 $0x0;
	s0 =	stileid.u32;
	s1 =	sshll.u32 s3, $0x4  }
0x4: {  	s9 =	simm.s32 $0x0;
	[smem:$0x7FF] =	sst s2;
	s5 =	sor.u32 s0, s1  }
0x5: {  	s7 =	ssub.s32 $0x2, s3;
	s3 =	sadd.s32 $0x17200, s4;
	s6 =	smul.u32 $0x4E2, s5  }
0x6: {  	s1 =	rddreg [dreg:$0x1];
	s8 =	sshrl.u32 s7, $0x1;
	s5 =	smul.u32 $0x500, s5  }
0x7: {  	_ =	strace $0x80000047;
	s7 =	ssub.s32 s7, s8;
	s6 =	sadd.s32 s6, s4  }
0x8: {  	s8 =	simm.s32 $0x1;
	s5 =	sadd.s32 s5, s4;
	s4 =	sadd.s32 $0x3600, s6  }
0x9: {  	v0 =	vimm.f32 $1.000000000e+00;
	s5 =	sadd.s32 $0x19A00, s5;
	s6 =	smax.u32 s7, $0x1;
	s7 =	simm.s32 $0x2780  }
.LBB2_1:
0xa: {  	[tilespmem:s7], [sflag:$0x1] =	stream.linear.gather [hbm4b:s3+s2], $0x2800, $0x38;
	[tilespmem:$0x4F80] =	vst v63  }
0xb: {  	_ =	swait.ge [sflag:s8], $0x2800  }
0xc: {  	[sflag:s8] =	ssyncset.done $0x0  }
0xd: {  	[sflag:s8] =	ssyncadd.s32 $0xFFFFD800  }
0xe: {  	[tilespmem:s2], [sflag:$0x1] =	stream.linear.gather [hbm4b:s4+s2], $0x2710, $0x38;
	[tilespmem:$0x4F80] =	vst v63  }
0xf: {  	_ =	swait.ge [sflag:s8], $0x2710  }
0x10: {  	[sflag:s8] =	ssyncset.done $0x0  }
0x11: {  	s11 =	simm.s32 $0x0;
	s10 =	simm.s32 $0x40;
	[sflag:s8] =	ssyncadd.s32 $0xFFFFD8F0  }
.LBB2_2:
0x12: {  	p0 =	sne.s32 s10, $0x9C00;
	v1 =	vld [tilespmem:s11+$0x0];
	_ =	sdelay $0x3  }
.Ltmp0:
0x13: {  	(pc) =	sbr.rel @p0 .LBB2_2-.Ltmp0, $2  }
0x14: {  	_ =	sdelay $0x2  }
0x15: {  	s11 =	sshra.s32 s10, $0x2;
	s10 =	sadd.s32 $0x40, s10;
	[tilespmem:v1+s7+$0x0] =	vst.idx.add.f32.msk $0xffff, v0  }
0x16: {  	v1 =	vld [tilespmem:s11+$0x0];
	_ =	sdelay $0x5  }
0x17: {  	s9 =	sadd.s32 $0x1, s9  }
0x18: {  	p0 =	sne.s32 s9, s6  }
.Ltmp1:
0x19: {  	[tilespmem:v1+s7+$0x0] =	vst.idx.add.f32.msk $0xffff, v0;
	(pc) =	sbr.rel @p0 .LBB2_1-.Ltmp1, $4  }
0x1a: {  	[hbm4b:s5+s2] =	stream.linear.scatter [tilespmem:s7], [sflag:$0x1], $0x2800, $0x38;
	[tilespmem:$0x4F80] =	vst v63  }
0x1b: {  	_ =	swait.ge [sflag:s8], $0x2800  }
0x1c: {  	[sflag:s8] =	ssyncset.done $0x0  }
0x1d: {  	[sflag:s8] =	ssyncadd.s32 $0xFFFFD800  }
0x1e: {  	_ =	sfence.sel $0x180000  }
0x1f: {  	[bflag:$0x0] =	sbarrier.arrive $0xFFFF  }
0x20: {  	p0 =	sne.s32 s0, $0x0;
	_ =	strace $0x90000047  }
0x21: {  	s0 =	sadd.s32 @!p0 $0x100000, s1;
	[bflag:$0x2] =	sbarrier.arrive $0xFFFF  }
0x22: {  	[sflag:s0] =	ssyncadd.tile.s32 @!p0 $0x1;
	_ =	shalt  }
.Lfunc_end2:
_tile_overlayer_lowered:
.L_overlay_start_2:
0x23: {  	(tag) =	ssettag $0x2  }
0x24: {  	s0 =	rddreg [dreg:$0x0];
	s2 =	stileid.u32  }
0x25: {  	s1 =	rddreg [dreg:$0x1];
	p0 =	sne.s32 s2, $0x0  }
0x26: {  	s3 =	rddreg [dreg:$0x2];
	[bflag:$0x3] =	sbarrier.arrive $0xFFFF;
	s2 =	simm.s32 @!p0 $0x1C01  }
0x27: {  	[timem:s3], [sflag:s2] =	dma.local @!p0 [hbm:s0], s1  }
0x28: {  	s0 =	simm.s32 @!p0 $0x1  }
0x29: {  	_ =	swait.ge @!p0 [sflag:s0], s1  }
0x2a: {  	s1 =	ssub.s32 @!p0 $0x0, s1;
	[sflag:s0] =	ssyncset.done @!p0 $0x0  }
0x2b: {  	[sflag:s0] =	ssyncadd.s32 @!p0 s1  }
0x2c: {  	[bflag:$0x3] =	sbarrier.arrive $0xFFFF  }
0x2d: {  	_ =	shalt  }

// kernel: seg_sum.12.cloned.1.call-start
scs
__scs_entry_jumppad:
0x0: {  	(pc) =	sbr.rel $0x88, $3  }
0x1: {  	(tag) =	ssettag $0x0;
	lr =	simm.s32 $0x1  }
0x2: {  	[smem:$0x3F9B] =	sst lr;
	_ =	strace $0xD0000000  }
0x3: {  	_ = 	snop  }
0x4: {  	_ = 	snop  }
0x5: {  	_ = 	snop  }
0x6: {  	_ = 	snop  }
0x7: {  	_ = 	snop  }
__scs_overlays_trampoline_lowered:
0x8: {  	[smem:$0x3FAA] =	sst s0  }
0x9: {  	[smem:$0x3FAB] =	sst s1  }
0xa: {  	[smem:$0x3FAC] =	sst s2  }
0xb: {  	[smem:$0x3FAD] =	sst s3  }
0xc: {  	[smem:$0x3FAE] =	sst s4  }
0xd: {  	[smem:$0x3FAF] =	sst s5  }
0xe: {  	[smem:$0x3FB0] =	sst s6  }
0xf: {  	[smem:$0x3FB1] =	sst s7  }
0x10: {  	[smem:$0x3FB2] =	sst s8  }
0x11: {  	[smem:$0x3FB3] =	sst s9;
	s0 =	simm.s32 @!p0 $0x0  }
0x12: {  	s1 =	sld [smem:$0x3F99];
	s0 =	simm.s32 @p0 $0x1  }
0x13: {  	[smem:$0x3FB4] =	sst s0;
	s0 =	simm.s32 @!p1 $0x0  }
0x14: {  	s2 =	sld [smem:$0x3F98];
	s0 =	simm.s32 @p1 $0x1  }
0x15: {  	[smem:$0x3FB5] =	sst s0;
	s0 =	simm.s32 @!p2 $0x0  }
0x16: {  	s3 =	sld [smem:$0x3FDB];
	s0 =	simm.s32 @p2 $0x1  }
0x17: {  	s4 =	simm.s32 $0x1BF5;
	[smem:$0x3FB7] =	sst s0  }
0x18: {  	s0 =	sld [smem:$0x3F9A];
	_ =	swait.ge [sflag:s4], $0x0  }
0x19: {  	s7 =	sld [smem:$0x3F9B]  }
0x1a: {  	s8 =	sadd.s32 $0xFFFFE003, lr  }
0x1b: {  	s9 =	sadd.s32 $0xFFFFFEF7, lr;
	s5 =	simm.s32 $0xFFFFFFFF;
	p2 =	slt.u32 s8, $0xFFFFF086  }
0x1c: {  	p1 =	slt.u32 s9, $0xF7A;
	s5 =	simm.s32 @!p2 $0x0  }
0x1d: {  	s5 =	simm.s32 @p1 $0x1;
	p0 =	seq.s32 s7, s2  }
0x1e: {  	s7 =	smul.u32 @!p0 $0xF7A, s2;
	p2 =	seq.s32 @!p0 s5, $0x0  }
0x1f: {  	s9 =	smul.u32 $0xF7A, s1;
	s8 =	simm.s32 @!p0 $0x1BF5;
	p2 =	por !p2, p0  }
0x20: {  	[sflag:s8] =	ssyncset.s32 @!p0 $0xFFFFF086;
	s6 =	sadd.s32 @!p0 s3, s7;
	s7 =	simm.s32 @!p0 $0x108  }
0x21: {  	s3 =	sadd.s32 s3, s9;
	s6 =	sadd.s32 @!p0 $0x88, s6;
	s7 =	simm.s32 @p2 $0x1082  }
0x22: {  	[simem:s7], [sflag:s8] =	dma.local @!p0 [hbm:s6], $0xF7A  }
0x23: {  	s9 =	sor.u32 $0xD0000000, s2;
	s6 =	simm.s32 $0x108;
	_ =	swait.ge @!p0 [sflag:s8], $0x0  }
0x24: {  	s3 =	sadd.s32 $0x88, s3;
	s6 =	simm.s32 @!p1 $0x1082;
	[sflag:s4] =	ssyncset.s32 $0xFFFFF086  }
0x25: {  	[simem:s6], [sflag:s4] =	dma.local [hbm:s3], $0xF7A  }
0x26: {  	[smem:$0x3F9B] =	sst s1;
	(tag) =	ssettag s2;
	_ =	strace s9  }
0x27: {  	s1 =	sld [smem:$0x3FAB]  }
0x28: {  	s2 =	sld [smem:$0x3FAC]  }
0x29: {  	s4 =	sld [smem:$0x3FAE]  }
0x2a: {  	p0 =	seq.s32 s5, $0x0;
	s5 =	sld [smem:$0x3FAF]  }
0x2b: {  	s6 =	sld [smem:$0x3FB0]  }
0x2c: {  	s7 =	sld [smem:$0x3FB1]  }
0x2d: {  	s3 =	simm.s32 $0x108;
	s8 =	sld [smem:$0x3FB2]  }
0x2e: {  	s3 =	simm.s32 @!p0 $0x1082;
	s9 =	sld [smem:$0x3FB3]  }
0x2f: {  	lr =	sadd.s32 s0, s3;
	s0 =	sld [smem:$0x3FAA]  }
0x30: {  	s3 =	sld [smem:$0x3FAD]  }
0x31: {  	[smem:$0x3FB6] =	sst s10  }
0x32: {  	s10 =	sld [smem:$0x3FB4];
	_ =	sdelay $0x3  }
0x33: {  	p0 =	seq.s32 s10, $0x1;
	s10 =	sld [smem:$0x3FB6];
	_ =	sdelay $0x3  }
0x34: {  	[smem:$0x3FB6] =	sst s10  }
0x35: {  	s10 =	sld [smem:$0x3FB5];
	_ =	sdelay $0x3  }
0x36: {  	p1 =	seq.s32 s10, $0x1;
	s10 =	sld [smem:$0x3FB6];
	_ =	sdelay $0x3  }
0x37: {  	[smem:$0x3FB6] =	sst s10  }
0x38: {  	s10 =	sld [smem:$0x3FB7]  }
0x39: {  	_ = 	snop;
	(pc) =	sbr.ind lr, $3  }
0x3a: {  	_ = 	snop  }
0x3b: {  	_ = 	snop  }
0x3c: {  	p2 =	seq.s32 s10, $0x1;
	s10 =	sld [smem:$0x3FB6]  }
0x3d: {  	_ =	shalt  }
0x3e: {  	_ =	shalt  }
0x3f: {  	_ =	shalt  }
0x40: {  	_ =	shalt  }
0x41: {  	_ =	shalt  }
0x42: {  	_ =	shalt  }
0x43: {  	_ =	shalt  }
0x44: {  	_ =	shalt  }
0x45: {  	_ =	shalt  }
0x46: {  	_ =	shalt  }
0x47: {  	_ =	shalt  }
0x48: {  	_ =	shalt  }
0x49: {  	_ =	shalt  }
0x4a: {  	_ =	shalt  }
0x4b: {  	_ =	shalt  }
0x4c: {  	_ =	shalt  }
0x4d: {  	_ =	shalt  }
0x4e: {  	_ =	shalt  }
0x4f: {  	_ =	shalt  }
0x50: {  	_ =	shalt  }
0x51: {  	_ =	shalt  }
0x52: {  	_ =	shalt  }
0x53: {  	_ =	shalt  }
0x54: {  	_ =	shalt  }
0x55: {  	_ =	shalt  }
0x56: {  	_ =	shalt  }
0x57: {  	_ =	shalt  }
0x58: {  	_ =	shalt  }
0x59: {  	_ =	shalt  }
0x5a: {  	_ =	shalt  }
0x5b: {  	_ =	shalt  }
0x5c: {  	_ =	shalt  }
0x5d: {  	_ =	shalt  }
0x5e: {  	_ =	shalt  }
0x5f: {  	_ =	shalt  }
0x60: {  	_ =	shalt  }
0x61: {  	_ =	shalt  }
0x62: {  	_ =	shalt  }
0x63: {  	_ =	shalt  }
0x64: {  	_ =	shalt  }
0x65: {  	_ =	shalt  }
0x66: {  	_ =	shalt  }
0x67: {  	_ =	shalt  }
0x68: {  	_ =	shalt  }
0x69: {  	_ =	shalt  }
0x6a: {  	_ =	shalt  }
0x6b: {  	_ =	shalt  }
0x6c: {  	_ =	shalt  }
0x6d: {  	_ =	shalt  }
0x6e: {  	_ =	shalt  }
0x6f: {  	_ =	shalt  }
0x70: {  	_ =	shalt  }
0x71: {  	_ =	shalt  }
0x72: {  	_ =	shalt  }
0x73: {  	_ =	shalt  }
0x74: {  	_ =	shalt  }
0x75: {  	_ =	shalt  }
0x76: {  	_ =	shalt  }
0x77: {  	_ =	shalt  }
0x78: {  	_ =	shalt  }
0x79: {  	_ =	shalt  }
0x7a: {  	_ =	shalt  }
0x7b: {  	_ =	shalt  }
0x7c: {  	_ =	shalt  }
0x7d: {  	_ =	shalt  }
0x7e: {  	_ =	shalt  }
0x7f: {  	_ =	shalt  }
0x80: {  	_ =	shalt  }
0x81: {  	_ =	shalt  }
0x82: {  	_ =	shalt  }
0x83: {  	_ =	shalt  }
0x84: {  	_ =	shalt  }
0x85: {  	_ =	shalt  }
0x86: {  	_ =	shalt  }
0x87: {  	_ =	shalt  }
.Lfunc_end0:
.L_simem_size_0:
called_computation.3_lowered:
.L_overlay_start_0:
0x88: {  	s2 =	sld [smem:$0x3FD9]  }
0x89: {  	s3 =	sld [smem:$0x3FFE];
	_ =	sdelay $0x1  }
0x8a: {  	s1 =	srdreg.scid  }
0x8b: {  	s0 =	sand.u32 $0x1, s1  }
0x8c: {  	s17 =	sshll.u32 s0, $0xA;
	s2 =	sadd.s32 s3, s2  }
0x8d: {  	s2 =	sadd.s32 s2, s17  }
0x8e: {  	[smem:$0x3FC2] =	sst s2  }
0x8f: {  	_ = 	snop  }
0x90: {  	s2 =	sld [smem:$0x3FD0];
	(tm) =	ssettm $0x1  }
0x91: {  	s18 =	sld [smem:$0x3FFB];
	_ =	sdelay $0x3  }
0x92: {  	_ =	strace s18  }
0x93: {  	s3 =	sld [smem:$0x3FFC];
	_ =	sdelay $0x3  }
0x94: {  	_ =	strace s3  }
0x95: {  	s3 =	sld [smem:$0x3FFD];
	_ =	sdelay $0x3  }
0x96: {  	_ =	strace s3  }
0x97: {  	_ =	strace $0x8FFFFFFF  }
0x98: {  	s19 =	sld [smem:$0x3FDB];
	_ =	sdelay $0x1  }
0x99: {  	s4 =	simm.s32 $_scs_section_size  }
0x9a: {  	s5 =	simm.s32 $_size__tile_overlayer_lowered;
	s6 =	simm.s32 $_tile_overlayer_lowered  }
0x9b: {  	s22 =	simm.s32 $0x1BFF;
	s21 =	sshll.u32 s6, $0x1;
	s3 =	sadd.s32 s4, s19  }
0x9c: {  	s7 =	simm.s32 $0x0;
	s20 =	sshll.u32 s5, $0x1;
	s5 =	sadd.s32 s21, s3  }
0x9d: {  	[timem:s7], [sflag:s22] =	dma.local [hbm:s5], s20  }
0x9e: {  	_ =	swait.ge [sflag:s22], s20  }
0x9f: {  	s4 =	ssub.s32 $0x0, s20;
	[sflag:s22] =	ssyncset.done $0x0  }
0xa0: {  	[sflag:s22] =	ssyncadd.s32 s4;
	_ =	sdelay $0x1  }
0xa1: {  	s23 =	simm.s32 $0x1B8B  }
0xa2: {  	_ =	swait.ge [sflag:s23], $0x1  }
0xa3: {  	[sflag:s23] =	ssyncset.done $0x0  }
0xa4: {  	s25 =	simm.s32 $0x1B8E;
	s24 =	sld [smem:$0x3FFE];
	[sflag:s23] =	ssyncadd.s32 $0xFFFFFFFF  }
0xa5: {  	s26 =	simm.s32 $execute0_lowered;
	[smem:$0x3FD2] =	sst s25  }
0xa6: {  	s5 =	sshll.u32 s26, $0x1;
	_ =	strace $0x8000004F;
	[dreg:$0x1] =	wrdreg $0xFFFFFFFF  }
0xa7: {  	s28 =	simm.s32 $_size_execute0_lowered;
	s3 =	sadd.s32 s3, s5;
	[dreg:$0x0] =	wrdreg $0x0  }
0xa8: {  	s5 =	sshll.u32 s28, $0x1;
	[dreg:$0x2] =	wrdreg s3  }
0xa9: {  	[dreg:$0x3] =	wrdreg s5  }
0xaa: {  	[dreg:$0x4] =	wrdreg $0xC0  }
0xab: {  	_ =	task [dreg:s7], $0x5FFFF  }
0xac: {  	[dreg:$0x1] =	wrdreg $0xFFFFFFFF  }
0xad: {  	[dreg:$0x0] =	wrdreg $0x60  }
0xae: {  	[dreg:$0x2] =	wrdreg s2  }
0xaf: {  	[dreg:$0x3] =	wrdreg s24  }
0xb0: {  	[dreg:$0x4] =	wrdreg $0xA8000  }
0xb1: {  	[dreg:$0x5] =	wrdreg $0x9  }
0xb2: {  	_ =	task.clear_ibuf [dreg:s7], $0x6FFFF;
	_ =	strace $0x9000004F  }
0xb3: {  	s29 =	simm.s32 $0x9;
	_ =	strace $0x80000051  }
0xb4: {  	_ =	swait.ge [sflag:s29], $0x1  }
0xb5: {  	[sflag:s29] =	ssyncadd.s32 $0xFFFFFFFF  }
0xb6: {  	_ =	strace $0x90000051  }
0xb7: {  	_ =	sfence  }
0xb8: {  	s30 =	sld [smem:$0x0];
	_ =	sdelay $0x2  }
0xb9: {  	s31 =	sshll.u32 s1, $0xD;
	s1 =	sshrl.u32 s1, $0x2  }
0xba: {  	s3 =	sand.u32 $0x4000, s31;
	s1 =	sadd.s32 s1, s30  }
0xbb: {  	s0 =	sor.u32 s3, s0;
	s1 =	sshll.u32 s1, $0x11  }
0xbc: {  	s0 =	sor.u32 s1, s0  }
0xbd: {  	s0 =	sadd.s32 $0x8F2B, s0  }
0xbe: {  	[sflag:s0] =	ssyncadd.remote.s32 $0x1  }
0xbf: {  	_ =	sfence.sel $0xFFFF  }
0xc0: {  	[dreg:$0x0] =	wrdreg $0xFFFFFFFF;
	(pc) =	sbr.abs _section_cstart, $3  }
0xc1: {  	[dreg:$0x1] =	wrdreg $0xFFFFFFFF  }
0xc2: {  	_ =	task.clear_ibuf [dreg:s7], $0x2FFFF;
	_ =	strace $0x9FFFFFFF  }
0xc3: {  	(tm) =	ssettm $0x7FFFFFFF  }
tec
execute0_lowered:
.L_overlay_start_1:
0x0: {  	(tag) =	ssettag $0x1  }
0x1: {  	s1 =	rddreg [dreg:$0x0]  }
0x2: {  	s0 =	rddreg [dreg:$0x1]  }
0x3: {  	s2 =	rddreg [dreg:$0x2];
	s3 =	srdreg.scid  }
0x4: {  	s4 =	simm.s32 $0x0;
	s12 =	stileid.u32;
	s29 =	simm.s32 $0x5  }
0x5: {  	s30 =	simm.s32 $0xA0;
	s31 =	simm.s32 $0x800;
	s3 =	sand.u32 $0x1, s3  }
0x6: {  	[smem:$0x7FF] =	sst s4;
	s6 =	sadd.s32 $0xD400, s0;
	s21 =	smul.u32 $0x2700, s12  }
0x7: {  	s9 =	sadd.s32 $0x3600, s0;
	s11 =	sadd.s32 $0x17200, s0;
	s24 =	smul.u32 $0x4E000, s12  }
0x8: {  	s0 =	sadd.s32 $0x19A00, s0;
	s28 =	smul.u32 $0xA0, s12;
	s15 =	sshll.u32 s12, $0x6  }
0x9: {  	s18 =	sadd.s32 $0x138000, s2;
	p0 =	sne.s32 s12, $0xF;
	s5 =	sshll.u32 s3, $0x4  }
0xa: {  	_ =	strace $0x80000050;
	[dreg:$0x4] =	wrdreg s11;
	s17 =	smul.u32 $0x138800, s3  }
0xb: {  	s7 =	ssub.s32 $0x2, s3;
	[dreg:$0xc] =	wrdreg s18;
	s19 =	smul.u32 $0x27100, s3  }
0xc: {  	p1 =	sne.s32 s3, $0x0;
	s11 =	simm.s32 $0x7;
	s5 =	sor.u32 s12, s5  }
0xd: {  	s10 =	sshrl.u32 s7, $0x1;
	s26 =	sshrl.u32 s24, $0x2;
	s24 =	smul.u32 $0x4D8, s12  }
0xe: {  	s16 =	sshrl.u32 s28, $0x3;
	s12 =	simm.s32 $0x4;
	s8 =	smul.u32 $0x4D8, s5  }
0xf: {  	s5 =	smul.u32 $0x26C0, s5;
	s7 =	ssub.s32 s7, s10;
	s14 =	sadd.s32 s26, s2  }
0x10: {  	s20 =	sshrl.u32 s17, $0x3;
	s21 =	sadd.s32 s21, s19;
	s17 =	simm.s32 $0x9  }
0x11: {  	[dreg:$0xb] =	wrdreg s14;
	s22 =	sadd.s32 s6, s8;
	s5 =	sshrl.u32 s5, $0x3  }
0x12: {  	s8 =	sadd.s32 s9, s8;
	[dreg:$0x5] =	wrdreg s22;
	s23 =	sadd.s32 $0x14, s5  }
0x13: {  	s10 =	simm.s32 $0x3;
	[dreg:$0x6] =	wrdreg s8;
	s13 =	sadd.s32 s6, s23  }
0x14: {  	s5 =	sadd.s32 $0x28, s5;
	s8 =	sadd.s32 s9, s23;
	[dreg:$0x7] =	wrdreg s13  }
0x15: {  	s22 =	smul.u32 $0x4D80, s3;
	s25 =	sadd.s32 s6, s5;
	[dreg:$0x8] =	wrdreg s8  }
0x16: {  	s3 =	simm.s32 $0x300;
	s5 =	sadd.s32 s9, s5;
	[dreg:$0x9] =	wrdreg s25  }
0x17: {  	[dreg:$0xa] =	wrdreg s5;
	s13 =	sor.u32 $0x1C09, s15;
	s5 =	sadd.s32 $0x9B00, s16  }
0x18: {  	s25 =	smax.u32 s7, $0x1;
	s26 =	sadd.s32 s22, s6;
	s28 =	sadd.s32 s22, s9  }
0x19: {  	s22 =	simm.s32 $0x400;
	s7 =	simm.s32 $0x6;
	s8 =	simm.s32 $0x5800  }
0x1a: {  	s15 =	simm.s32 $0x0;
	s14 =	sadd.s32 s6, s5;
	[dreg:$0x11] =	wrdreg s25  }
0x1b: {  	s5 =	sadd.s32 s9, s5;
	s25 =	simm.s32 $0x200;
	[dreg:$0xd] =	wrdreg s14  }
0x1c: {  	s6 =	simm.s32 $0x700;
	s9 =	simm.s32 $0x2;
	[dreg:$0xe] =	wrdreg s5  }
0x1d: {  	s5 =	sadd.s32 s0, s20;
	s0 =	sadd.s32 s0, s21;
	s20 =	sadd.s32 s24, s26  }
0x1e: {  	s21 =	sadd.s32 s24, s28;
	s24 =	simm.s32 $0x500;
	s26 =	simm.s32 $0x600  }
0x1f: {  	s14 =	simm.s32 $0x8;
	[dreg:$0xf] =	wrdreg s0;
	s23 =	sadd.s32 $0x27000, s5  }
0x20: {  	s0 =	simm.s32 $0x1;
	[dreg:$0x10] =	wrdreg s23;
	s23 =	simm.s32 $0x100  }
.LBB2_1:
0x21: {  	s5 =	rddreg [dreg:$0x5]  }
0x22: {  	s19 =	rddreg [dreg:$0x6]  }
0x23: {  	s28 =	rddreg [dreg:$0x7]  }
0x24: {  	s16 =	rddreg [dreg:$0x8]  }
0x25: {  	[tilespmem:s4], [sflag:$0x5] =	stream.linear.gather [hbm4b:s5+s4], $0xA0, $0x38;
	[tilespmem:$0x1E080] =	vst v63  }
0x26: {  	s18 =	rddreg [dreg:$0x9]  }
0x27: {  	[tilespmem:s22], [sflag:$0x5] =	stream.linear.gather [hbm4b:s19+s4], $0xA0, $0x38;
	[tilespmem:$0x1E080] =	vst v63  }
0x28: {  	s5 =	rddreg [dreg:$0x4]  }
0x29: {  	[tilespmem:s23], [sflag:$0x6] =	stream.linear.gather [hbm4b:s28+s4], $0xA0, $0x38;
	[tilespmem:$0x1E080] =	vst v63  }
0x2a: {  	s28 =	rddreg [dreg:$0xb]  }
0x2b: {  	[tilespmem:s24], [sflag:$0x6] =	stream.linear.gather [hbm4b:s16+s4], $0xA0, $0x38;
	[tilespmem:$0x1E080] =	vst v63  }
0x2c: {  	s19 =	rddreg [dreg:$0xa];
	s16 =	sshrl.u32 s28, $0x3  }
0x2d: {  	[tilespmem:s25], [sflag:$0x7] =	stream.linear.gather [hbm4b:s18+s4], $0xA0, $0x38;
	[tilespmem:$0x1E080] =	vst v63  }
0x2e: {  	[dreg:$0x12] =	wrdreg s16  }
0x2f: {  	[tilespmem:s26], [sflag:$0x7] =	stream.linear.gather [hbm4b:s19+s4], $0xA0, $0x38;
	[tilespmem:$0x1E080] =	vst v63  }
0x30: {  	[spmem:s16], [sflag:s13] =	dma.local [hbm:s5], $0x2700  }
0x31: {  	_ =	swait.ge [sflag:s17], $0x2700  }
0x32: {  	s16 =	rddreg [dreg:$0xc]  }
0x33: {  	[sflag:s17] =	ssyncset.done $0x0;
	s16 =	sshrl.u32 @!p0 s16, $0x3  }
0x34: {  	[sflag:s17] =	ssyncadd.s32 $0xFFFFD900;
	[dreg:$0x13] =	wrdreg s16  }
0x35: {  	[spmem:s16], [sflag:s13] =	dma.local @!p0 [hbm:s5], $0x100  }
0x36: {  	s5 =	simm.s32 @!p0 $0x9  }
0x37: {  	_ =	swait.ge @!p0 [sflag:s5], $0x100  }
0x38: {  	[sflag:s5] =	ssyncset.done @!p0 $0x0  }
0x39: {  	[sflag:s5] =	ssyncadd.s32 @!p0 $0xFFFFFF00  }
0x3a: {  	_ =	swait.ge [sflag:s29], $0xA0  }
0x3b: {  	[sflag:s29] =	ssyncset.done $0x0  }
0x3c: {  	[sflag:s29] =	ssyncadd.s32 $0xFFFFFF60  }
0x3d: {  	_ =	swait.ge [sflag:s29], $0xA0  }
0x3e: {  	[sflag:s29] =	ssyncset.done $0x0  }
0x3f: {  	[sflag:s29] =	ssyncadd.s32 $0xFFFFFF60  }
0x40: {  	[tilespmem:s31], [sflag:$0x1] =	stream.indirect.gather [hbm4b:s1+s30], $0x80, s4, s30, $0xb8;
	[tilespmem:$0x1E080] =	vst v63  }
0x41: {  	[bflag:$0x0] =	sbarrier.arrive $0xFFFF  }
0x42: {  	_ =	swait.ge [sflag:s0], $0x5000  }
0x43: {  	p2 =	por $0x1, $0x1;
	[sflag:s0] =	ssyncset.done $0x0  }
0x44: {  	s5 =	simm.s32 @!p2 $0x4;
	[sflag:s0] =	ssyncadd.s32 $0xFFFFB000  }
0x45: {  	_ =	swait.ge @!p2 [sflag:s5], $0x5000  }
0x46: {  	s18 =	sadd.s32 $0x0, s20;
	[sflag:s5] =	ssyncset.done @!p2 $0x0  }
0x47: {  	s19 =	sadd.s32 $0x3C, s18;
	[sflag:s5] =	ssyncadd.s32 @!p2 $0xFFFFB000;
	s5 =	sadd.s32 $0x0, s21  }
0x48: {  	[tilespmem:s3], [sflag:$0x8] =	stream.linear.gather [hbm4b:s19+s4], $0xA0, $0x38;
	[tilespmem:$0x1E080] =	vst v63  }
0x49: {  	s16 =	sadd.s32 $0x3C, s5  }
0x4a: {  	[tilespmem:s6], [sflag:$0x8] =	stream.linear.gather [hbm4b:s16+s4], $0xA0, $0x38;
	[tilespmem:$0x1E080] =	vst v63  }
0x4b: {  	_ =	swait.ge [sflag:s7], $0xA0  }
0x4c: {  	[sflag:s7] =	ssyncset.done $0x0  }
0x4d: {  	[sflag:s7] =	ssyncadd.s32 $0xFFFFFF60  }
0x4e: {  	_ =	swait.ge [sflag:s7], $0xA0  }
0x4f: {  	[sflag:s7] =	ssyncset.done $0x0  }
0x50: {  	[sflag:s7] =	ssyncadd.s32 $0xFFFFFF60  }
0x51: {  	[tilespmem:s8], [sflag:$0x2] =	stream.indirect.gather [hbm4b:s1+s30], $0x80, s23, s30, $0xb8;
	[tilespmem:$0x1E080] =	vst v63  }
0x52: {  	_ = 	snop  }
0x53: {  	[spmem:s2] =	stream.indirect.scatter.add.f32 [tilespmem:s31], [sflag:$0x3], $0x80, s22, s30, $0xb8;
	[tilespmem:$0x1E080] =	vst v63  }
0x54: {  	_ =	swait.ge [sflag:s9], $0x5000  }
0x55: {  	[sflag:s9] =	ssyncset.done $0x0  }
0x56: {  	[sflag:s9] =	ssyncadd.s32 $0xFFFFB000  }
0x57: {  	_ =	swait.ge [sflag:s10], $0x5000  }
0x58: {  	[sflag:s10] =	ssyncset.done $0x0  }
0x59: {  	s17 =	sadd.s32 $0x50, s18;
	[sflag:s10] =	ssyncadd.s32 $0xFFFFB000  }
0x5a: {  	[tilespmem:s4], [sflag:$0x5] =	stream.linear.gather [hbm4b:s17+s4], $0xA0, $0x38;
	[tilespmem:$0x1E080] =	vst v63  }
0x5b: {  	s28 =	sadd.s32 $0x50, s5  }
0x5c: {  	[tilespmem:s22], [sflag:$0x5] =	stream.linear.gather [hbm4b:s28+s4], $0xA0, $0x38;
	[tilespmem:$0x1E080] =	vst v63  }
0x5d: {  	_ =	swait.ge [sflag:s11], $0xA0  }
0x5e: {  	[sflag:s11] =	ssyncset.done $0x0  }
0x5f: {  	[sflag:s11] =	ssyncadd.s32 $0xFFFFFF60  }
0x60: {  	_ =	swait.ge [sflag:s11], $0xA0  }
0x61: {  	[sflag:s11] =	ssyncset.done $0x0  }
0x62: {  	[sflag:s11] =	ssyncadd.s32 $0xFFFFFF60  }
0x63: {  	[tilespmem:s31], [sflag:$0x1] =	stream.indirect.gather [hbm4b:s1+s30], $0x80, s25, s30, $0xb8;
	[tilespmem:$0x1E080] =	vst v63  }
0x64: {  	_ = 	snop  }
0x65: {  	[spmem:s2] =	stream.indirect.scatter.add.f32 [tilespmem:s8], [sflag:$0x4], $0x80, s24, s30, $0xb8;
	[tilespmem:$0x1E080] =	vst v63  }
0x66: {  	_ =	swait.ge [sflag:s0], $0x5000  }
0x67: {  	[sflag:s0] =	ssyncset.done $0x0  }
0x68: {  	[sflag:s0] =	ssyncadd.s32 $0xFFFFB000  }
0x69: {  	_ =	swait.ge [sflag:s12], $0x5000  }
0x6a: {  	[sflag:s12] =	ssyncset.done $0x0  }
0x6b: {  	s18 =	sadd.s32 $0x64, s18;
	[sflag:s12] =	ssyncadd.s32 $0xFFFFB000  }
0x6c: {  	[tilespmem:s23], [sflag:$0x6] =	stream.linear.gather [hbm4b:s18+s4], $0xA0, $0x38;
	[tilespmem:$0x1E080] =	vst v63  }
0x6d: {  	s5 =	sadd.s32 $0x64, s5  }
0x6e: {  	[tilespmem:s24], [sflag:$0x6] =	stream.linear.gather [hbm4b:s5+s4], $0xA0, $0x38;
	[tilespmem:$0x1E080] =	vst v63  }
0x6f: {  	_ =	swait.ge [sflag:s14], $0xA0  }
0x70: {  	[sflag:s14] =	ssyncset.done $0x0  }
0x71: {  	[sflag:s14] =	ssyncadd.s32 $0xFFFFFF60  }
0x72: {  	_ =	swait.ge [sflag:s14], $0xA0  }
0x73: {  	[sflag:s14] =	ssyncset.done $0x0  }
0x74: {  	[sflag:s14] =	ssyncadd.s32 $0xFFFFFF60  }
0x75: {  	[tilespmem:s8], [sflag:$0x2] =	stream.indirect.gather [hbm4b:s1+s30], $0x80, s3, s30, $0xb8;
	[tilespmem:$0x1E080] =	vst v63  }
0x76: {  	_ = 	snop  }
0x77: {  	[spmem:s2] =	stream.indirect.scatter.add.f32 [tilespmem:s31], [sflag:$0x3], $0x80, s26, s30, $0xb8;
	[tilespmem:$0x1E080] =	vst v63  }
0x78: {  	_ =	swait.ge [sflag:s9], $0x5000  }
0x79: {  	[sflag:s9] =	ssyncset.done $0x0  }
0x7a: {  	[sflag:s9] =	ssyncadd.s32 $0xFFFFB000  }
0x7b: {  	p2 =	por $0x0, $0x0;
	_ =	swait.ge [sflag:s10], $0x5000  }
0x7c: {  	s19 =	simm.s32 @!p2 $0x200;
	s5 =	sadd.s32 @!p2 $0x0, s20;
	[sflag:s10] =	ssyncset.done $0x0  }
0x7d: {  	s18 =	simm.s32 @!p2 $0x0;
	s5 =	sadd.s32 @!p2 $0x78, s5;
	[sflag:s10] =	ssyncadd.s32 $0xFFFFB000  }
0x7e: {  	[tilespmem:s19], [sflag:$0x7] =	stream.linear.gather @!p2 [hbm4b:s5+s18], $0xA0, $0x38;
	[tilespmem:$0x1E080] =	vst v63  }
0x7f: {  	s5 =	sadd.s32 @!p2 $0x0, s21  }
0x80: {  	s19 =	simm.s32 @!p2 $0x600;
	s5 =	sadd.s32 @!p2 $0x78, s5  }
0x81: {  	[tilespmem:s19], [sflag:$0x7] =	stream.linear.gather @!p2 [hbm4b:s5+s18], $0xA0, $0x38;
	[tilespmem:$0x1E080] =	vst v63  }
0x82: {  	_ =	swait.ge [sflag:s29], $0xA0  }
0x83: {  	[sflag:s29] =	ssyncset.done $0x0  }
0x84: {  	[sflag:s29] =	ssyncadd.s32 $0xFFFFFF60  }
0x85: {  	_ =	swait.ge [sflag:s29], $0xA0  }
0x86: {  	[sflag:s29] =	ssyncset.done $0x0  }
0x87: {  	s18 =	simm.s32 $0x50;
	[sflag:s29] =	ssyncadd.s32 $0xFFFFFF60  }
0x88: {  	[tilespmem:s31], [sflag:$0x1] =	stream.indirect.gather [hbm4b:s1+s30], $0x80, s4, s30, $0xb8;
	[tilespmem:$0x1E080] =	vst v63  }
.LBB2_2:
0x89: {  	s19 =	smov.u32 s18;
	s18 =	sadd.s32 $0x50, s18  }
0x8a: {  	[spmem:s2] =	stream.indirect.scatter.add.f32 [tilespmem:s8], [sflag:$0x4], $0x80, s6, s30, $0xb8;
	[tilespmem:$0x1E080] =	vst v63  }
0x8b: {  	p3 =	seq.s32 s19, $0x0;
	p2 =	sne.s32 s18, $0x4B0;
	_ =	swait.ge [sflag:s0], $0x5000  }
0x8c: {  	s16 =	simm.s32 @!p3 $0x4;
	[sflag:s0] =	ssyncset.done $0x0  }
0x8d: {  	[sflag:s0] =	ssyncadd.s32 $0xFFFFB000  }
0x8e: {  	s28 =	sadd.s32 s19, s20;
	_ =	swait.ge @!p3 [sflag:s16], $0x5000  }
0x8f: {  	s5 =	sadd.s32 s19, s21;
	s17 =	sadd.s32 $0x3C, s28;
	[sflag:s16] =	ssyncset.done @!p3 $0x0  }
0x90: {  	[sflag:s16] =	ssyncadd.s32 @!p3 $0xFFFFB000  }
0x91: {  	[tilespmem:s3], [sflag:$0x8] =	stream.linear.gather [hbm4b:s17+s4], $0xA0, $0x38;
	[tilespmem:$0x1E080] =	vst v63  }
0x92: {  	s16 =	sadd.s32 $0x3C, s5  }
0x93: {  	[tilespmem:s6], [sflag:$0x8] =	stream.linear.gather [hbm4b:s16+s4], $0xA0, $0x38;
	[tilespmem:$0x1E080] =	vst v63  }
0x94: {  	_ =	swait.ge [sflag:s7], $0xA0  }
0x95: {  	[sflag:s7] =	ssyncset.done $0x0  }
0x96: {  	[sflag:s7] =	ssyncadd.s32 $0xFFFFFF60  }
0x97: {  	_ =	swait.ge [sflag:s7], $0xA0  }
0x98: {  	[sflag:s7] =	ssyncset.done $0x0  }
0x99: {  	[sflag:s7] =	ssyncadd.s32 $0xFFFFFF60  }
0x9a: {  	[tilespmem:s8], [sflag:$0x2] =	stream.indirect.gather [hbm4b:s1+s30], $0x80, s23, s30, $0xb8;
	[tilespmem:$0x1E080] =	vst v63  }
0x9b: {  	_ = 	snop  }
0x9c: {  	[spmem:s2] =	stream.indirect.scatter.add.f32 [tilespmem:s31], [sflag:$0x3], $0x80, s22, s30, $0xb8;
	[tilespmem:$0x1E080] =	vst v63  }
0x9d: {  	_ =	swait.ge [sflag:s9], $0x5000  }
0x9e: {  	[sflag:s9] =	ssyncset.done $0x0  }
0x9f: {  	[sflag:s9] =	ssyncadd.s32 $0xFFFFB000  }
0xa0: {  	_ =	swait.ge [sflag:s10], $0x5000  }
0xa1: {  	s16 =	sadd.s32 $0x50, s28;
	[sflag:s10] =	ssyncset.done $0x0  }
0xa2: {  	[sflag:s10] =	ssyncadd.s32 $0xFFFFB000  }
0xa3: {  	[tilespmem:s4], [sflag:$0x5] =	stream.linear.gather [hbm4b:s16+s4], $0xA0, $0x38;
	[tilespmem:$0x1E080] =	vst v63  }
0xa4: {  	s16 =	sadd.s32 $0x50, s5  }
0xa5: {  	[tilespmem:s22], [sflag:$0x5] =	stream.linear.gather [hbm4b:s16+s4], $0xA0, $0x38;
	[tilespmem:$0x1E080] =	vst v63  }
0xa6: {  	_ =	swait.ge [sflag:s11], $0xA0  }
0xa7: {  	[sflag:s11] =	ssyncset.done $0x0  }
0xa8: {  	[sflag:s11] =	ssyncadd.s32 $0xFFFFFF60  }
0xa9: {  	_ =	swait.ge [sflag:s11], $0xA0  }
0xaa: {  	[sflag:s11] =	ssyncset.done $0x0  }
0xab: {  	[sflag:s11] =	ssyncadd.s32 $0xFFFFFF60  }
0xac: {  	[tilespmem:s31], [sflag:$0x1] =	stream.indirect.gather [hbm4b:s1+s30], $0x80, s25, s30, $0xb8;
	[tilespmem:$0x1E080] =	vst v63  }
0xad: {  	_ = 	snop  }
0xae: {  	[spmem:s2] =	stream.indirect.scatter.add.f32 [tilespmem:s8], [sflag:$0x4], $0x80, s24, s30, $0xb8;
	[tilespmem:$0x1E080] =	vst v63  }
0xaf: {  	_ =	swait.ge [sflag:s0], $0x5000  }
0xb0: {  	[sflag:s0] =	ssyncset.done $0x0  }
0xb1: {  	[sflag:s0] =	ssyncadd.s32 $0xFFFFB000  }
0xb2: {  	_ =	swait.ge [sflag:s12], $0x5000  }
0xb3: {  	s16 =	sadd.s32 $0x64, s28;
	[sflag:s12] =	ssyncset.done $0x0  }
0xb4: {  	[sflag:s12] =	ssyncadd.s32 $0xFFFFB000  }
0xb5: {  	[tilespmem:s23], [sflag:$0x6] =	stream.linear.gather [hbm4b:s16+s4], $0xA0, $0x38;
	[tilespmem:$0x1E080] =	vst v63  }
0xb6: {  	s5 =	sadd.s32 $0x64, s5  }
0xb7: {  	[tilespmem:s24], [sflag:$0x6] =	stream.linear.gather [hbm4b:s5+s4], $0xA0, $0x38;
	[tilespmem:$0x1E080] =	vst v63  }
0xb8: {  	_ =	swait.ge [sflag:s14], $0xA0  }
0xb9: {  	[sflag:s14] =	ssyncset.done $0x0  }
0xba: {  	[sflag:s14] =	ssyncadd.s32 $0xFFFFFF60  }
0xbb: {  	_ =	swait.ge [sflag:s14], $0xA0  }
0xbc: {  	[sflag:s14] =	ssyncset.done $0x0  }
0xbd: {  	[sflag:s14] =	ssyncadd.s32 $0xFFFFFF60  }
0xbe: {  	[tilespmem:s8], [sflag:$0x2] =	stream.indirect.gather [hbm4b:s1+s30], $0x80, s3, s30, $0xb8;
	[tilespmem:$0x1E080] =	vst v63  }
0xbf: {  	_ = 	snop  }
0xc0: {  	[spmem:s2] =	stream.indirect.scatter.add.f32 [tilespmem:s31], [sflag:$0x3], $0x80, s26, s30, $0xb8;
	[tilespmem:$0x1E080] =	vst v63  }
0xc1: {  	_ =	swait.ge [sflag:s9], $0x5000  }
0xc2: {  	[sflag:s9] =	ssyncset.done $0x0  }
0xc3: {  	p3 =	seq.s32 s19, $0x460;
	[sflag:s9] =	ssyncadd.s32 $0xFFFFB000  }
0xc4: {  	s16 =	simm.s32 @!p3 $0x0;
	s5 =	sadd.s32 @!p3 s19, s20;
	_ =	swait.ge [sflag:s10], $0x5000  }
0xc5: {  	s17 =	simm.s32 @!p3 $0x200;
	s5 =	sadd.s32 @!p3 $0x78, s5;
	[sflag:s10] =	ssyncset.done $0x0  }
0xc6: {  	s28 =	simm.s32 @!p3 $0x600;
	s19 =	sadd.s32 @!p3 s19, s21;
	[sflag:s10] =	ssyncadd.s32 $0xFFFFB000  }
0xc7: {  	[tilespmem:s17], [sflag:$0x7] =	stream.linear.gather @!p3 [hbm4b:s5+s16], $0xA0, $0x38;
	[tilespmem:$0x1E080] =	vst v63  }
0xc8: {  	s5 =	sadd.s32 @!p3 $0x78, s19  }
0xc9: {  	[tilespmem:s28], [sflag:$0x7] =	stream.linear.gather @!p3 [hbm4b:s5+s16], $0xA0, $0x38;
	[tilespmem:$0x1E080] =	vst v63  }
0xca: {  	_ =	swait.ge [sflag:s29], $0xA0  }
0xcb: {  	[sflag:s29] =	ssyncset.done $0x0  }
.Ltmp0:
0xcc: {  	[sflag:s29] =	ssyncadd.s32 $0xFFFFFF60;
	(pc) =	sbr.rel @p2 .LBB2_2-.Ltmp0, $4  }
0xcd: {  	_ =	swait.ge [sflag:s29], $0xA0  }
0xce: {  	[sflag:s29] =	ssyncset.done $0x0  }
0xcf: {  	[sflag:s29] =	ssyncadd.s32 $0xFFFFFF60  }
0xd0: {  	[tilespmem:s31], [sflag:$0x1] =	stream.indirect.gather [hbm4b:s1+s30], $0x80, s4, s30, $0xb8;
	[tilespmem:$0x1E080] =	vst v63  }
0xd1: {  	[spmem:s2] =	stream.indirect.scatter.add.f32 [tilespmem:s8], [sflag:$0x4], $0x80, s6, s30, $0xb8;
	[tilespmem:$0x1E080] =	vst v63  }
0xd2: {  	_ =	swait.ge [sflag:s0], $0x5000  }
0xd3: {  	[sflag:s0] =	ssyncset.done $0x0  }
0xd4: {  	[sflag:s0] =	ssyncadd.s32 $0xFFFFB000  }
0xd5: {  	_ =	swait.ge [sflag:s12], $0x5000  }
0xd6: {  	[sflag:s12] =	ssyncset.done $0x0  }
0xd7: {  	[sflag:s12] =	ssyncadd.s32 $0xFFFFB000  }
0xd8: {  	_ =	swait.ge [sflag:s7], $0xA0  }
0xd9: {  	[sflag:s7] =	ssyncset.done $0x0  }
0xda: {  	[sflag:s7] =	ssyncadd.s32 $0xFFFFFF60  }
0xdb: {  	_ =	swait.ge [sflag:s7], $0xA0  }
0xdc: {  	[sflag:s7] =	ssyncset.done $0x0  }
0xdd: {  	[sflag:s7] =	ssyncadd.s32 $0xFFFFFF60  }
0xde: {  	[tilespmem:s8], [sflag:$0x2] =	stream.indirect.gather [hbm4b:s1+s30], $0x80, s23, s30, $0xb8;
	[tilespmem:$0x1E080] =	vst v63  }
0xdf: {  	_ = 	snop  }
0xe0: {  	[spmem:s2] =	stream.indirect.scatter.add.f32 [tilespmem:s31], [sflag:$0x3], $0x80, s22, s30, $0xb8;
	[tilespmem:$0x1E080] =	vst v63  }
0xe1: {  	_ =	swait.ge [sflag:s9], $0x5000  }
0xe2: {  	[sflag:s9] =	ssyncset.done $0x0  }
0xe3: {  	[sflag:s9] =	ssyncadd.s32 $0xFFFFB000  }
0xe4: {  	_ =	swait.ge [sflag:s10], $0x5000  }
0xe5: {  	[sflag:s10] =	ssyncset.done $0x0  }
0xe6: {  	[sflag:s10] =	ssyncadd.s32 $0xFFFFB000  }
0xe7: {  	[spmem:s2] =	stream.indirect.scatter.add.f32 [tilespmem:s8], [sflag:$0x4], $0x80, s24, s30, $0xb8;
	[tilespmem:$0x1E080] =	vst v63  }
0xe8: {  	_ =	swait.ge [sflag:s12], $0x5000  }
0xe9: {  	[sflag:s12] =	ssyncset.done $0x0  }
0xea: {  	s5 =	simm.s32 @!p1 $0x0;
	s16 =	rddreg [dreg:$0xd];
	[sflag:s12] =	ssyncadd.s32 $0xFFFFB000  }
0xeb: {  	[tilespmem:s5], [sflag:$0x9] =	stream.linear.gather @!p1 [hbm4b:s16+s5], $0xA0, $0x38;
	[tilespmem:$0x1E080] =	vst v63  }
0xec: {  	s16 =	simm.s32 @!p1 $0x9  }
0xed: {  	_ =	swait.ge @!p1 [sflag:s16], $0xA0  }
0xee: {  	[sflag:s16] =	ssyncset.done @!p1 $0x0  }
0xef: {  	s17 =	simm.s32 @!p1 $0x400;
	s18 =	rddreg [dreg:$0xe];
	[sflag:s16] =	ssyncadd.s32 @!p1 $0xFFFFFF60  }
0xf0: {  	[tilespmem:s17], [sflag:$0x9] =	stream.linear.gather @!p1 [hbm4b:s18+s5], $0xA0, $0x38;
	[tilespmem:$0x1E080] =	vst v63  }
0xf1: {  	_ =	swait.ge @!p1 [sflag:s16], $0xA0  }
0xf2: {  	[sflag:s16] =	ssyncset.done @!p1 $0x0  }
0xf3: {  	s19 =	simm.s32 @!p1 $0x800;
	s18 =	simm.s32 @!p1 $0xA0;
	[sflag:s16] =	ssyncadd.s32 @!p1 $0xFFFFFF60  }
0xf4: {  	[tilespmem:s19], [sflag:$0x1] =	stream.indirect.gather @!p1 [hbm4b:s1+s18], $0x80, s5, s18, $0xb8;
	[tilespmem:$0x1E080] =	vst v63  }
0xf5: {  	s5 =	simm.s32 @!p1 $0x1  }
0xf6: {  	_ =	swait.ge @!p1 [sflag:s5], $0x5000  }
0xf7: {  	[sflag:s5] =	ssyncset.done @!p1 $0x0  }
0xf8: {  	[sflag:s5] =	ssyncadd.s32 @!p1 $0xFFFFB000  }
0xf9: {  	[spmem:s2] =	stream.indirect.scatter.add.f32 @!p1 [tilespmem:s19], [sflag:$0x9], $0x80, s17, s18, $0xb8;
	[tilespmem:$0x1E080] =	vst v63  }
0xfa: {  	_ =	swait.ge @!p1 [sflag:s16], $0x5000  }
0xfb: {  	[sflag:s16] =	ssyncset.done @!p1 $0x0  }
0xfc: {  	[sflag:s16] =	ssyncadd.s32 @!p1 $0xFFFFB000  }
0xfd: {  	[bflag:$0x0] =	sbarrier.arrive $0xFFFF  }
0xfe: {  	s18 =	rddreg [dreg:$0xf]  }
0xff: {  	s17 =	simm.s32 $0x9;
	s19 =	rddreg [dreg:$0x12]  }
0x100: {  	[hbm:s18], [sflag:s13] =	dma.local [spmem:s19], $0x2700  }
0x101: {  	_ =	swait.ge [sflag:s17], $0x2700  }
0x102: {  	[sflag:s17] =	ssyncset.done $0x0;
	s5 =	rddreg [dreg:$0x10]  }
0x103: {  	s16 =	rddreg [dreg:$0x13];
	[sflag:s17] =	ssyncadd.s32 $0xFFFFD900  }
0x104: {  	[hbm:s5], [sflag:s13] =	dma.local @!p0 [spmem:s16], $0x100  }
0x105: {  	s5 =	simm.s32 @!p0 $0x9  }
0x106: {  	_ =	swait.ge @!p0 [sflag:s5], $0x100  }
0x107: {  	s15 =	sadd.s32 $0x1, s15;
	s28 =	rddreg [dreg:$0x11]  }
0x108: {  	p2 =	sne.s32 s15, s28  }
.Ltmp1:
0x109: {  	_ = 	snop;
	(pc) =	sbr.rel @p2 .LBB2_1-.Ltmp1, $3  }
0x10a: {  	_ =	sdelay $0x1  }
0x10b: {  	[sflag:s5] =	ssyncset.done @!p0 $0x0  }
0x10c: {  	[sflag:s5] =	ssyncadd.s32 @!p0 $0xFFFFFF00  }
0x10d: {  	_ =	sfence.sel $0x180000  }
0x10e: {  	[bflag:$0x0] =	sbarrier.arrive $0xFFFF  }
0x10f: {  	_ =	strace $0x90000050  }
0x110: {  	s0 =	stileid.u32;
	[bflag:$0x2] =	sbarrier.arrive $0xFFFF  }
0x111: {  	p0 =	sne.s32 s0, $0x0;
	s0 =	rddreg [dreg:$0x3]  }
0x112: {  	s0 =	sadd.s32 @!p0 $0x100000, s0  }
0x113: {  	[sflag:s0] =	ssyncadd.tile.s32 @!p0 $0x1;
	_ =	shalt  }
.Lfunc_end2:
_tile_overlayer_lowered:
.L_overlay_start_2:
0x114: {  	(tag) =	ssettag $0x2  }
0x115: {  	s0 =	rddreg [dreg:$0x0];
	s2 =	stileid.u32  }
0x116: {  	s1 =	rddreg [dreg:$0x1];
	p0 =	sne.s32 s2, $0x0  }
0x117: {  	s3 =	rddreg [dreg:$0x2];
	[bflag:$0x3] =	sbarrier.arrive $0xFFFF;
	s2 =	simm.s32 @!p0 $0x1C09  }
0x118: {  	[timem:s3], [sflag:s2] =	dma.local @!p0 [hbm:s0], s1  }
0x119: {  	s0 =	simm.s32 @!p0 $0x9  }
0x11a: {  	_ =	swait.ge @!p0 [sflag:s0], s1  }
0x11b: {  	s1 =	ssub.s32 @!p0 $0x0, s1;
	[sflag:s0] =	ssyncset.done @!p0 $0x0  }
0x11c: {  	[sflag:s0] =	ssyncadd.s32 @!p0 s1  }
0x11d: {  	[bflag:$0x3] =	sbarrier.arrive $0xFFFF  }
0x11e: {  	_ =	shalt  }

// kernel: seg_sum.15.cloned.1.call-start
scs
__scs_entry_jumppad:
0x0: {  	(pc) =	sbr.rel $0x88, $3  }
0x1: {  	(tag) =	ssettag $0x0;
	lr =	simm.s32 $0x1  }
0x2: {  	[smem:$0x3F9B] =	sst lr;
	_ =	strace $0xD0000000  }
0x3: {  	_ = 	snop  }
0x4: {  	_ = 	snop  }
0x5: {  	_ = 	snop  }
0x6: {  	_ = 	snop  }
0x7: {  	_ = 	snop  }
__scs_overlays_trampoline_lowered:
0x8: {  	[smem:$0x3FAA] =	sst s0  }
0x9: {  	[smem:$0x3FAB] =	sst s1  }
0xa: {  	[smem:$0x3FAC] =	sst s2  }
0xb: {  	[smem:$0x3FAD] =	sst s3  }
0xc: {  	[smem:$0x3FAE] =	sst s4  }
0xd: {  	[smem:$0x3FAF] =	sst s5  }
0xe: {  	[smem:$0x3FB0] =	sst s6  }
0xf: {  	[smem:$0x3FB1] =	sst s7  }
0x10: {  	[smem:$0x3FB2] =	sst s8  }
0x11: {  	[smem:$0x3FB3] =	sst s9;
	s0 =	simm.s32 @!p0 $0x0  }
0x12: {  	s1 =	sld [smem:$0x3F99];
	s0 =	simm.s32 @p0 $0x1  }
0x13: {  	[smem:$0x3FB4] =	sst s0;
	s0 =	simm.s32 @!p1 $0x0  }
0x14: {  	s2 =	sld [smem:$0x3F98];
	s0 =	simm.s32 @p1 $0x1  }
0x15: {  	[smem:$0x3FB5] =	sst s0;
	s0 =	simm.s32 @!p2 $0x0  }
0x16: {  	s3 =	sld [smem:$0x3FDB];
	s0 =	simm.s32 @p2 $0x1  }
0x17: {  	s4 =	simm.s32 $0x1BF5;
	[smem:$0x3FB7] =	sst s0  }
0x18: {  	s0 =	sld [smem:$0x3F9A];
	_ =	swait.ge [sflag:s4], $0x0  }
0x19: {  	s7 =	sld [smem:$0x3F9B]  }
0x1a: {  	s8 =	sadd.s32 $0xFFFFE003, lr  }
0x1b: {  	s9 =	sadd.s32 $0xFFFFFEF7, lr;
	s5 =	simm.s32 $0xFFFFFFFF;
	p2 =	slt.u32 s8, $0xFFFFF086  }
0x1c: {  	p1 =	slt.u32 s9, $0xF7A;
	s5 =	simm.s32 @!p2 $0x0  }
0x1d: {  	s5 =	simm.s32 @p1 $0x1;
	p0 =	seq.s32 s7, s2  }
0x1e: {  	s7 =	smul.u32 @!p0 $0xF7A, s2;
	p2 =	seq.s32 @!p0 s5, $0x0  }
0x1f: {  	s9 =	smul.u32 $0xF7A, s1;
	s8 =	simm.s32 @!p0 $0x1BF5;
	p2 =	por !p2, p0  }
0x20: {  	[sflag:s8] =	ssyncset.s32 @!p0 $0xFFFFF086;
	s6 =	sadd.s32 @!p0 s3, s7;
	s7 =	simm.s32 @!p0 $0x108  }
0x21: {  	s3 =	sadd.s32 s3, s9;
	s6 =	sadd.s32 @!p0 $0x88, s6;
	s7 =	simm.s32 @p2 $0x1082  }
0x22: {  	[simem:s7], [sflag:s8] =	dma.local @!p0 [hbm:s6], $0xF7A  }
0x23: {  	s9 =	sor.u32 $0xD0000000, s2;
	s6 =	simm.s32 $0x108;
	_ =	swait.ge @!p0 [sflag:s8], $0x0  }
0x24: {  	s3 =	sadd.s32 $0x88, s3;
	s6 =	simm.s32 @!p1 $0x1082;
	[sflag:s4] =	ssyncset.s32 $0xFFFFF086  }
0x25: {  	[simem:s6], [sflag:s4] =	dma.local [hbm:s3], $0xF7A  }
0x26: {  	[smem:$0x3F9B] =	sst s1;
	(tag) =	ssettag s2;
	_ =	strace s9  }
0x27: {  	s1 =	sld [smem:$0x3FAB]  }
0x28: {  	s2 =	sld [smem:$0x3FAC]  }
0x29: {  	s4 =	sld [smem:$0x3FAE]  }
0x2a: {  	p0 =	seq.s32 s5, $0x0;
	s5 =	sld [smem:$0x3FAF]  }
0x2b: {  	s6 =	sld [smem:$0x3FB0]  }
0x2c: {  	s7 =	sld [smem:$0x3FB1]  }
0x2d: {  	s3 =	simm.s32 $0x108;
	s8 =	sld [smem:$0x3FB2]  }
0x2e: {  	s3 =	simm.s32 @!p0 $0x1082;
	s9 =	sld [smem:$0x3FB3]  }
0x2f: {  	lr =	sadd.s32 s0, s3;
	s0 =	sld [smem:$0x3FAA]  }
0x30: {  	s3 =	sld [smem:$0x3FAD]  }
0x31: {  	[smem:$0x3FB6] =	sst s10  }
0x32: {  	s10 =	sld [smem:$0x3FB4];
	_ =	sdelay $0x3  }
0x33: {  	p0 =	seq.s32 s10, $0x1;
	s10 =	sld [smem:$0x3FB6];
	_ =	sdelay $0x3  }
0x34: {  	[smem:$0x3FB6] =	sst s10  }
0x35: {  	s10 =	sld [smem:$0x3FB5];
	_ =	sdelay $0x3  }
0x36: {  	p1 =	seq.s32 s10, $0x1;
	s10 =	sld [smem:$0x3FB6];
	_ =	sdelay $0x3  }
0x37: {  	[smem:$0x3FB6] =	sst s10  }
0x38: {  	s10 =	sld [smem:$0x3FB7]  }
0x39: {  	_ = 	snop;
	(pc) =	sbr.ind lr, $3  }
0x3a: {  	_ = 	snop  }
0x3b: {  	_ = 	snop  }
0x3c: {  	p2 =	seq.s32 s10, $0x1;
	s10 =	sld [smem:$0x3FB6]  }
0x3d: {  	_ =	shalt  }
0x3e: {  	_ =	shalt  }
0x3f: {  	_ =	shalt  }
0x40: {  	_ =	shalt  }
0x41: {  	_ =	shalt  }
0x42: {  	_ =	shalt  }
0x43: {  	_ =	shalt  }
0x44: {  	_ =	shalt  }
0x45: {  	_ =	shalt  }
0x46: {  	_ =	shalt  }
0x47: {  	_ =	shalt  }
0x48: {  	_ =	shalt  }
0x49: {  	_ =	shalt  }
0x4a: {  	_ =	shalt  }
0x4b: {  	_ =	shalt  }
0x4c: {  	_ =	shalt  }
0x4d: {  	_ =	shalt  }
0x4e: {  	_ =	shalt  }
0x4f: {  	_ =	shalt  }
0x50: {  	_ =	shalt  }
0x51: {  	_ =	shalt  }
0x52: {  	_ =	shalt  }
0x53: {  	_ =	shalt  }
0x54: {  	_ =	shalt  }
0x55: {  	_ =	shalt  }
0x56: {  	_ =	shalt  }
0x57: {  	_ =	shalt  }
0x58: {  	_ =	shalt  }
0x59: {  	_ =	shalt  }
0x5a: {  	_ =	shalt  }
0x5b: {  	_ =	shalt  }
0x5c: {  	_ =	shalt  }
0x5d: {  	_ =	shalt  }
0x5e: {  	_ =	shalt  }
0x5f: {  	_ =	shalt  }
0x60: {  	_ =	shalt  }
0x61: {  	_ =	shalt  }
0x62: {  	_ =	shalt  }
0x63: {  	_ =	shalt  }
0x64: {  	_ =	shalt  }
0x65: {  	_ =	shalt  }
0x66: {  	_ =	shalt  }
0x67: {  	_ =	shalt  }
0x68: {  	_ =	shalt  }
0x69: {  	_ =	shalt  }
0x6a: {  	_ =	shalt  }
0x6b: {  	_ =	shalt  }
0x6c: {  	_ =	shalt  }
0x6d: {  	_ =	shalt  }
0x6e: {  	_ =	shalt  }
0x6f: {  	_ =	shalt  }
0x70: {  	_ =	shalt  }
0x71: {  	_ =	shalt  }
0x72: {  	_ =	shalt  }
0x73: {  	_ =	shalt  }
0x74: {  	_ =	shalt  }
0x75: {  	_ =	shalt  }
0x76: {  	_ =	shalt  }
0x77: {  	_ =	shalt  }
0x78: {  	_ =	shalt  }
0x79: {  	_ =	shalt  }
0x7a: {  	_ =	shalt  }
0x7b: {  	_ =	shalt  }
0x7c: {  	_ =	shalt  }
0x7d: {  	_ =	shalt  }
0x7e: {  	_ =	shalt  }
0x7f: {  	_ =	shalt  }
0x80: {  	_ =	shalt  }
0x81: {  	_ =	shalt  }
0x82: {  	_ =	shalt  }
0x83: {  	_ =	shalt  }
0x84: {  	_ =	shalt  }
0x85: {  	_ =	shalt  }
0x86: {  	_ =	shalt  }
0x87: {  	_ =	shalt  }
.Lfunc_end0:
.L_simem_size_0:
called_computation.4_lowered:
.L_overlay_start_0:
0x88: {  	s2 =	sld [smem:$0x3FD9]  }
0x89: {  	s3 =	sld [smem:$0x3FFE];
	_ =	sdelay $0x1  }
0x8a: {  	s1 =	srdreg.scid  }
0x8b: {  	s0 =	sand.u32 $0x1, s1  }
0x8c: {  	s16 =	sshll.u32 s0, $0xA;
	s2 =	sadd.s32 s3, s2  }
0x8d: {  	s2 =	sadd.s32 s2, s16  }
0x8e: {  	[smem:$0x3FC2] =	sst s2  }
0x8f: {  	_ = 	snop  }
0x90: {  	(tm) =	ssettm $0x1  }
0x91: {  	s17 =	sld [smem:$0x3FFB];
	_ =	sdelay $0x3  }
0x92: {  	_ =	strace s17  }
0x93: {  	s2 =	sld [smem:$0x3FFC];
	_ =	sdelay $0x3  }
0x94: {  	_ =	strace s2  }
0x95: {  	s2 =	sld [smem:$0x3FFD];
	_ =	sdelay $0x3  }
0x96: {  	_ =	strace s2  }
0x97: {  	_ =	strace $0x8FFFFFFF  }
0x98: {  	s18 =	sld [smem:$0x3FDB];
	_ =	sdelay $0x1  }
0x99: {  	s19 =	simm.s32 $_scs_section_size  }
0x9a: {  	s4 =	simm.s32 $_size__tile_overlayer_lowered;
	s5 =	simm.s32 $_tile_overlayer_lowered  }
0x9b: {  	s22 =	simm.s32 $0x1BFF;
	s21 =	sshll.u32 s5, $0x1;
	s2 =	sadd.s32 s19, s18  }
0x9c: {  	s6 =	simm.s32 $0x0;
	s20 =	sshll.u32 s4, $0x1;
	s4 =	sadd.s32 s21, s2  }
0x9d: {  	[timem:s6], [sflag:s22] =	dma.local [hbm:s4], s20  }
0x9e: {  	_ =	swait.ge [sflag:s22], s20  }
0x9f: {  	s3 =	ssub.s32 $0x0, s20;
	[sflag:s22] =	ssyncset.done $0x0  }
0xa0: {  	[sflag:s22] =	ssyncadd.s32 s3;
	_ =	sdelay $0x1  }
0xa1: {  	s23 =	simm.s32 $0x1B8B  }
0xa2: {  	_ =	swait.ge [sflag:s23], $0x1  }
0xa3: {  	[sflag:s23] =	ssyncset.done $0x0  }
0xa4: {  	s25 =	simm.s32 $0x1B8E;
	s24 =	sld [smem:$0x3FFE];
	[sflag:s23] =	ssyncadd.s32 $0xFFFFFFFF  }
0xa5: {  	s26 =	simm.s32 $execute0_lowered;
	[smem:$0x3FD2] =	sst s25  }
0xa6: {  	s4 =	sshll.u32 s26, $0x1;
	_ =	strace $0x80000052;
	[dreg:$0x1] =	wrdreg $0xFFFFFFFF  }
0xa7: {  	s28 =	simm.s32 $_size_execute0_lowered;
	s2 =	sadd.s32 s2, s4;
	[dreg:$0x0] =	wrdreg $0x0  }
0xa8: {  	s4 =	sshll.u32 s28, $0x1;
	[dreg:$0x2] =	wrdreg s2  }
0xa9: {  	[dreg:$0x3] =	wrdreg s4  }
0xaa: {  	[dreg:$0x4] =	wrdreg $0xC0  }
0xab: {  	_ =	task [dreg:s6], $0x5FFFF  }
0xac: {  	[dreg:$0x1] =	wrdreg $0xFFFFFFFF  }
0xad: {  	[dreg:$0x0] =	wrdreg $0x60  }
0xae: {  	[dreg:$0x2] =	wrdreg s24  }
0xaf: {  	[dreg:$0x3] =	wrdreg $0xA8000  }
0xb0: {  	[dreg:$0x4] =	wrdreg $0x9  }
0xb1: {  	_ =	task.clear_ibuf [dreg:s6], $0x5FFFF;
	_ =	strace $0x90000052  }
0xb2: {  	s29 =	simm.s32 $0x9;
	_ =	strace $0x80000054  }
0xb3: {  	_ =	swait.ge [sflag:s29], $0x1  }
0xb4: {  	[sflag:s29] =	ssyncadd.s32 $0xFFFFFFFF  }
0xb5: {  	_ =	strace $0x90000054  }
0xb6: {  	_ =	sfence  }
0xb7: {  	s30 =	sld [smem:$0x0];
	_ =	sdelay $0x2  }
0xb8: {  	s31 =	sshll.u32 s1, $0xD;
	s1 =	sshrl.u32 s1, $0x2  }
0xb9: {  	s3 =	sand.u32 $0x4000, s31;
	s1 =	sadd.s32 s1, s30  }
0xba: {  	s0 =	sor.u32 s3, s0;
	s1 =	sshll.u32 s1, $0x11  }
0xbb: {  	s0 =	sor.u32 s1, s0  }
0xbc: {  	s0 =	sadd.s32 $0x8F2B, s0  }
0xbd: {  	[sflag:s0] =	ssyncadd.remote.s32 $0x1  }
0xbe: {  	_ =	sfence.sel $0xFFFF  }
0xbf: {  	[dreg:$0x0] =	wrdreg $0xFFFFFFFF;
	(pc) =	sbr.abs _section_cstart, $3  }
0xc0: {  	[dreg:$0x1] =	wrdreg $0xFFFFFFFF  }
0xc1: {  	_ =	task.clear_ibuf [dreg:s6], $0x2FFFF;
	_ =	strace $0x9FFFFFFF  }
0xc2: {  	(tm) =	ssettm $0x7FFFFFFF  }
0xc3: {  	_ =	shalt  }
tec
execute0_lowered:
.L_overlay_start_1:
0x0: {  	(tag) =	ssettag $0x1  }
0x1: {  	s0 =	rddreg [dreg:$0x0]  }
0x2: {  	s1 =	rddreg [dreg:$0x1];
	s2 =	srdreg.scid;
	s3 =	simm.s32 $0x0  }
0x3: {  	s12 =	stileid.u32;
	s29 =	simm.s32 $0x5;
	s30 =	simm.s32 $0xA0  }
0x4: {  	s31 =	simm.s32 $0x800;
	s2 =	sand.u32 $0x1, s2;
	[smem:$0x7FF] =	sst s3  }
0x5: {  	s4 =	sadd.s32 $0x19A00, s0;
	s6 =	sadd.s32 $0x3600, s0;
	s21 =	smul.u32 $0x2700, s12  }
0x6: {  	s9 =	sadd.s32 $0xD400, s0;
	s11 =	sadd.s32 $0x17200, s0;
	s24 =	smul.u32 $0x4E000, s12  }
0x7: {  	s0 =	sadd.s32 $0x40C00, s0;
	s28 =	smul.u32 $0xA0, s12;
	s15 =	sshll.u32 s12, $0x6  }
0x8: {  	s18 =	sadd.s32 $0x138000, s1;
	p0 =	sne.s32 s12, $0xF;
	s5 =	sshll.u32 s2, $0x4  }
0x9: {  	_ =	strace $0x80000053;
	[dreg:$0x3] =	wrdreg s11;
	s17 =	smul.u32 $0x138800, s2  }
0xa: {  	s7 =	ssub.s32 $0x2, s2;
	[dreg:$0xb] =	wrdreg s18;
	s19 =	smul.u32 $0x27100, s2  }
0xb: {  	p1 =	sne.s32 s2, $0x0;
	s11 =	simm.s32 $0x7;
	s5 =	sor.u32 s12, s5  }
0xc: {  	s10 =	sshrl.u32 s7, $0x1;
	s26 =	sshrl.u32 s24, $0x2;
	s24 =	smul.u32 $0x4D8, s12  }
0xd: {  	s16 =	sshrl.u32 s28, $0x3;
	s12 =	simm.s32 $0x4;
	s8 =	smul.u32 $0x4D8, s5  }
0xe: {  	s5 =	smul.u32 $0x26C0, s5;
	s7 =	ssub.s32 s7, s10;
	s14 =	sadd.s32 s26, s1  }
0xf: {  	s20 =	sshrl.u32 s17, $0x3;
	s21 =	sadd.s32 s21, s19;
	s17 =	simm.s32 $0x9  }
0x10: {  	[dreg:$0xa] =	wrdreg s14;
	s22 =	sadd.s32 s6, s8;
	s5 =	sshrl.u32 s5, $0x3  }
0x11: {  	s8 =	sadd.s32 s9, s8;
	[dreg:$0x4] =	wrdreg s22;
	s23 =	sadd.s32 $0x14, s5  }
0x12: {  	s10 =	simm.s32 $0x3;
	[dreg:$0x5] =	wrdreg s8;
	s13 =	sadd.s32 s6, s23  }
0x13: {  	s5 =	sadd.s32 $0x28, s5;
	s8 =	sadd.s32 s9, s23;
	[dreg:$0x6] =	wrdreg s13  }
0x14: {  	s22 =	smul.u32 $0x4D80, s2;
	s25 =	sadd.s32 s6, s5;
	[dreg:$0x7] =	wrdreg s8  }
0x15: {  	s2 =	simm.s32 $0x300;
	s5 =	sadd.s32 s9, s5;
	[dreg:$0x8] =	wrdreg s25  }
0x16: {  	[dreg:$0x9] =	wrdreg s5;
	s13 =	sor.u32 $0x1C09, s15;
	s5 =	sadd.s32 $0x9B00, s16  }
0x17: {  	s25 =	smax.u32 s7, $0x1;
	s26 =	sadd.s32 s22, s6;
	s28 =	sadd.s32 s22, s9  }
0x18: {  	s22 =	simm.s32 $0x400;
	s7 =	simm.s32 $0x6;
	s8 =	simm.s32 $0x5800  }
0x19: {  	s15 =	simm.s32 $0x0;
	s14 =	sadd.s32 s6, s5;
	[dreg:$0x10] =	wrdreg s25  }
0x1a: {  	s5 =	sadd.s32 s9, s5;
	s25 =	simm.s32 $0x200;
	[dreg:$0xc] =	wrdreg s14  }
0x1b: {  	s6 =	simm.s32 $0x700;
	s9 =	simm.s32 $0x2;
	[dreg:$0xd] =	wrdreg s5  }
0x1c: {  	s5 =	sadd.s32 s0, s20;
	s0 =	sadd.s32 s0, s21;
	s20 =	sadd.s32 s24, s26  }
0x1d: {  	s21 =	sadd.s32 s24, s28;
	s24 =	simm.s32 $0x500;
	s26 =	simm.s32 $0x600  }
0x1e: {  	s14 =	simm.s32 $0x8;
	[dreg:$0xe] =	wrdreg s0;
	s23 =	sadd.s32 $0x27000, s5  }
0x1f: {  	s0 =	simm.s32 $0x1;
	[dreg:$0xf] =	wrdreg s23;
	s23 =	simm.s32 $0x100  }
.LBB2_1:
0x20: {  	s5 =	rddreg [dreg:$0x4]  }
0x21: {  	s19 =	rddreg [dreg:$0x5]  }
0x22: {  	s28 =	rddreg [dreg:$0x6]  }
0x23: {  	s16 =	rddreg [dreg:$0x7]  }
0x24: {  	[tilespmem:s3], [sflag:$0x5] =	stream.linear.gather [hbm4b:s5+s3], $0xA0, $0x38;
	[tilespmem:$0x1E080] =	vst v63  }
0x25: {  	s18 =	rddreg [dreg:$0x8]  }
0x26: {  	[tilespmem:s22], [sflag:$0x5] =	stream.linear.gather [hbm4b:s19+s3], $0xA0, $0x38;
	[tilespmem:$0x1E080] =	vst v63  }
0x27: {  	s5 =	rddreg [dreg:$0x3]  }
0x28: {  	[tilespmem:s23], [sflag:$0x6] =	stream.linear.gather [hbm4b:s28+s3], $0xA0, $0x38;
	[tilespmem:$0x1E080] =	vst v63  }
0x29: {  	s28 =	rddreg [dreg:$0xa]  }
0x2a: {  	[tilespmem:s24], [sflag:$0x6] =	stream.linear.gather [hbm4b:s16+s3], $0xA0, $0x38;
	[tilespmem:$0x1E080] =	vst v63  }
0x2b: {  	s19 =	rddreg [dreg:$0x9];
	s16 =	sshrl.u32 s28, $0x3  }
0x2c: {  	[tilespmem:s25], [sflag:$0x7] =	stream.linear.gather [hbm4b:s18+s3], $0xA0, $0x38;
	[tilespmem:$0x1E080] =	vst v63  }
0x2d: {  	[dreg:$0x11] =	wrdreg s16  }
0x2e: {  	[tilespmem:s26], [sflag:$0x7] =	stream.linear.gather [hbm4b:s19+s3], $0xA0, $0x38;
	[tilespmem:$0x1E080] =	vst v63  }
0x2f: {  	[spmem:s16], [sflag:s13] =	dma.local [hbm:s5], $0x2700  }
0x30: {  	_ =	swait.ge [sflag:s17], $0x2700  }
0x31: {  	s16 =	rddreg [dreg:$0xb]  }
0x32: {  	[sflag:s17] =	ssyncset.done $0x0;
	s16 =	sshrl.u32 @!p0 s16, $0x3  }
0x33: {  	[sflag:s17] =	ssyncadd.s32 $0xFFFFD900;
	[dreg:$0x12] =	wrdreg s16  }
0x34: {  	[spmem:s16], [sflag:s13] =	dma.local @!p0 [hbm:s5], $0x100  }
0x35: {  	s5 =	simm.s32 @!p0 $0x9  }
0x36: {  	_ =	swait.ge @!p0 [sflag:s5], $0x100  }
0x37: {  	[sflag:s5] =	ssyncset.done @!p0 $0x0  }
0x38: {  	[sflag:s5] =	ssyncadd.s32 @!p0 $0xFFFFFF00  }
0x39: {  	_ =	swait.ge [sflag:s29], $0xA0  }
0x3a: {  	[sflag:s29] =	ssyncset.done $0x0  }
0x3b: {  	[sflag:s29] =	ssyncadd.s32 $0xFFFFFF60  }
0x3c: {  	_ =	swait.ge [sflag:s29], $0xA0  }
0x3d: {  	[sflag:s29] =	ssyncset.done $0x0  }
0x3e: {  	[sflag:s29] =	ssyncadd.s32 $0xFFFFFF60  }
0x3f: {  	[tilespmem:s31], [sflag:$0x1] =	stream.indirect.gather [hbm4b:s4+s30], $0x80, s3, s30, $0xb8;
	[tilespmem:$0x1E080] =	vst v63  }
0x40: {  	[bflag:$0x0] =	sbarrier.arrive $0xFFFF  }
0x41: {  	_ =	swait.ge [sflag:s0], $0x5000  }
0x42: {  	p2 =	por $0x1, $0x1;
	[sflag:s0] =	ssyncset.done $0x0  }
0x43: {  	s5 =	simm.s32 @!p2 $0x4;
	[sflag:s0] =	ssyncadd.s32 $0xFFFFB000  }
0x44: {  	_ =	swait.ge @!p2 [sflag:s5], $0x5000  }
0x45: {  	s18 =	sadd.s32 $0x0, s20;
	[sflag:s5] =	ssyncset.done @!p2 $0x0  }
0x46: {  	s19 =	sadd.s32 $0x3C, s18;
	[sflag:s5] =	ssyncadd.s32 @!p2 $0xFFFFB000;
	s5 =	sadd.s32 $0x0, s21  }
0x47: {  	[tilespmem:s2], [sflag:$0x8] =	stream.linear.gather [hbm4b:s19+s3], $0xA0, $0x38;
	[tilespmem:$0x1E080] =	vst v63  }
0x48: {  	s16 =	sadd.s32 $0x3C, s5  }
0x49: {  	[tilespmem:s6], [sflag:$0x8] =	stream.linear.gather [hbm4b:s16+s3], $0xA0, $0x38;
	[tilespmem:$0x1E080] =	vst v63  }
0x4a: {  	_ =	swait.ge [sflag:s7], $0xA0  }
0x4b: {  	[sflag:s7] =	ssyncset.done $0x0  }
0x4c: {  	[sflag:s7] =	ssyncadd.s32 $0xFFFFFF60  }
0x4d: {  	_ =	swait.ge [sflag:s7], $0xA0  }
0x4e: {  	[sflag:s7] =	ssyncset.done $0x0  }
0x4f: {  	[sflag:s7] =	ssyncadd.s32 $0xFFFFFF60  }
0x50: {  	[tilespmem:s8], [sflag:$0x2] =	stream.indirect.gather [hbm4b:s4+s30], $0x80, s23, s30, $0xb8;
	[tilespmem:$0x1E080] =	vst v63  }
0x51: {  	_ = 	snop  }
0x52: {  	[spmem:s1] =	stream.indirect.scatter.add.f32 [tilespmem:s31], [sflag:$0x3], $0x80, s22, s30, $0xb8;
	[tilespmem:$0x1E080] =	vst v63  }
0x53: {  	_ =	swait.ge [sflag:s9], $0x5000  }
0x54: {  	[sflag:s9] =	ssyncset.done $0x0  }
0x55: {  	[sflag:s9] =	ssyncadd.s32 $0xFFFFB000  }
0x56: {  	_ =	swait.ge [sflag:s10], $0x5000  }
0x57: {  	[sflag:s10] =	ssyncset.done $0x0  }
0x58: {  	s17 =	sadd.s32 $0x50, s18;
	[sflag:s10] =	ssyncadd.s32 $0xFFFFB000  }
0x59: {  	[tilespmem:s3], [sflag:$0x5] =	stream.linear.gather [hbm4b:s17+s3], $0xA0, $0x38;
	[tilespmem:$0x1E080] =	vst v63  }
0x5a: {  	s28 =	sadd.s32 $0x50, s5  }
0x5b: {  	[tilespmem:s22], [sflag:$0x5] =	stream.linear.gather [hbm4b:s28+s3], $0xA0, $0x38;
	[tilespmem:$0x1E080] =	vst v63  }
0x5c: {  	_ =	swait.ge [sflag:s11], $0xA0  }
0x5d: {  	[sflag:s11] =	ssyncset.done $0x0  }
0x5e: {  	[sflag:s11] =	ssyncadd.s32 $0xFFFFFF60  }
0x5f: {  	_ =	swait.ge [sflag:s11], $0xA0  }
0x60: {  	[sflag:s11] =	ssyncset.done $0x0  }
0x61: {  	[sflag:s11] =	ssyncadd.s32 $0xFFFFFF60  }
0x62: {  	[tilespmem:s31], [sflag:$0x1] =	stream.indirect.gather [hbm4b:s4+s30], $0x80, s25, s30, $0xb8;
	[tilespmem:$0x1E080] =	vst v63  }
0x63: {  	_ = 	snop  }
0x64: {  	[spmem:s1] =	stream.indirect.scatter.add.f32 [tilespmem:s8], [sflag:$0x4], $0x80, s24, s30, $0xb8;
	[tilespmem:$0x1E080] =	vst v63  }
0x65: {  	_ =	swait.ge [sflag:s0], $0x5000  }
0x66: {  	[sflag:s0] =	ssyncset.done $0x0  }
0x67: {  	[sflag:s0] =	ssyncadd.s32 $0xFFFFB000  }
0x68: {  	_ =	swait.ge [sflag:s12], $0x5000  }
0x69: {  	[sflag:s12] =	ssyncset.done $0x0  }
0x6a: {  	s18 =	sadd.s32 $0x64, s18;
	[sflag:s12] =	ssyncadd.s32 $0xFFFFB000  }
0x6b: {  	[tilespmem:s23], [sflag:$0x6] =	stream.linear.gather [hbm4b:s18+s3], $0xA0, $0x38;
	[tilespmem:$0x1E080] =	vst v63  }
0x6c: {  	s5 =	sadd.s32 $0x64, s5  }
0x6d: {  	[tilespmem:s24], [sflag:$0x6] =	stream.linear.gather [hbm4b:s5+s3], $0xA0, $0x38;
	[tilespmem:$0x1E080] =	vst v63  }
0x6e: {  	_ =	swait.ge [sflag:s14], $0xA0  }
0x6f: {  	[sflag:s14] =	ssyncset.done $0x0  }
0x70: {  	[sflag:s14] =	ssyncadd.s32 $0xFFFFFF60  }
0x71: {  	_ =	swait.ge [sflag:s14], $0xA0  }
0x72: {  	[sflag:s14] =	ssyncset.done $0x0  }
0x73: {  	[sflag:s14] =	ssyncadd.s32 $0xFFFFFF60  }
0x74: {  	[tilespmem:s8], [sflag:$0x2] =	stream.indirect.gather [hbm4b:s4+s30], $0x80, s2, s30, $0xb8;
	[tilespmem:$0x1E080] =	vst v63  }
0x75: {  	_ = 	snop  }
0x76: {  	[spmem:s1] =	stream.indirect.scatter.add.f32 [tilespmem:s31], [sflag:$0x3], $0x80, s26, s30, $0xb8;
	[tilespmem:$0x1E080] =	vst v63  }
0x77: {  	_ =	swait.ge [sflag:s9], $0x5000  }
0x78: {  	[sflag:s9] =	ssyncset.done $0x0  }
0x79: {  	[sflag:s9] =	ssyncadd.s32 $0xFFFFB000  }
0x7a: {  	p2 =	por $0x0, $0x0;
	_ =	swait.ge [sflag:s10], $0x5000  }
0x7b: {  	s19 =	simm.s32 @!p2 $0x200;
	s5 =	sadd.s32 @!p2 $0x0, s20;
	[sflag:s10] =	ssyncset.done $0x0  }
0x7c: {  	s18 =	simm.s32 @!p2 $0x0;
	s5 =	sadd.s32 @!p2 $0x78, s5;
	[sflag:s10] =	ssyncadd.s32 $0xFFFFB000  }
0x7d: {  	[tilespmem:s19], [sflag:$0x7] =	stream.linear.gather @!p2 [hbm4b:s5+s18], $0xA0, $0x38;
	[tilespmem:$0x1E080] =	vst v63  }
0x7e: {  	s5 =	sadd.s32 @!p2 $0x0, s21  }
0x7f: {  	s19 =	simm.s32 @!p2 $0x600;
	s5 =	sadd.s32 @!p2 $0x78, s5  }
0x80: {  	[tilespmem:s19], [sflag:$0x7] =	stream.linear.gather @!p2 [hbm4b:s5+s18], $0xA0, $0x38;
	[tilespmem:$0x1E080] =	vst v63  }
0x81: {  	_ =	swait.ge [sflag:s29], $0xA0  }
0x82: {  	[sflag:s29] =	ssyncset.done $0x0  }
0x83: {  	[sflag:s29] =	ssyncadd.s32 $0xFFFFFF60  }
0x84: {  	_ =	swait.ge [sflag:s29], $0xA0  }
0x85: {  	[sflag:s29] =	ssyncset.done $0x0  }
0x86: {  	s18 =	simm.s32 $0x50;
	[sflag:s29] =	ssyncadd.s32 $0xFFFFFF60  }
0x87: {  	[tilespmem:s31], [sflag:$0x1] =	stream.indirect.gather [hbm4b:s4+s30], $0x80, s3, s30, $0xb8;
	[tilespmem:$0x1E080] =	vst v63  }
.LBB2_2:
0x88: {  	s19 =	smov.u32 s18;
	s18 =	sadd.s32 $0x50, s18  }
0x89: {  	[spmem:s1] =	stream.indirect.scatter.add.f32 [tilespmem:s8], [sflag:$0x4], $0x80, s6, s30, $0xb8;
	[tilespmem:$0x1E080] =	vst v63  }
0x8a: {  	p3 =	seq.s32 s19, $0x0;
	p2 =	sne.s32 s18, $0x4B0;
	_ =	swait.ge [sflag:s0], $0x5000  }
0x8b: {  	s16 =	simm.s32 @!p3 $0x4;
	[sflag:s0] =	ssyncset.done $0x0  }
0x8c: {  	[sflag:s0] =	ssyncadd.s32 $0xFFFFB000  }
0x8d: {  	s28 =	sadd.s32 s19, s20;
	_ =	swait.ge @!p3 [sflag:s16], $0x5000  }
0x8e: {  	s5 =	sadd.s32 s19, s21;
	s17 =	sadd.s32 $0x3C, s28;
	[sflag:s16] =	ssyncset.done @!p3 $0x0  }
0x8f: {  	[sflag:s16] =	ssyncadd.s32 @!p3 $0xFFFFB000  }
0x90: {  	[tilespmem:s2], [sflag:$0x8] =	stream.linear.gather [hbm4b:s17+s3], $0xA0, $0x38;
	[tilespmem:$0x1E080] =	vst v63  }
0x91: {  	s16 =	sadd.s32 $0x3C, s5  }
0x92: {  	[tilespmem:s6], [sflag:$0x8] =	stream.linear.gather [hbm4b:s16+s3], $0xA0, $0x38;
	[tilespmem:$0x1E080] =	vst v63  }
0x93: {  	_ =	swait.ge [sflag:s7], $0xA0  }
0x94: {  	[sflag:s7] =	ssyncset.done $0x0  }
0x95: {  	[sflag:s7] =	ssyncadd.s32 $0xFFFFFF60  }
0x96: {  	_ =	swait.ge [sflag:s7], $0xA0  }
0x97: {  	[sflag:s7] =	ssyncset.done $0x0  }
0x98: {  	[sflag:s7] =	ssyncadd.s32 $0xFFFFFF60  }
0x99: {  	[tilespmem:s8], [sflag:$0x2] =	stream.indirect.gather [hbm4b:s4+s30], $0x80, s23, s30, $0xb8;
	[tilespmem:$0x1E080] =	vst v63  }
0x9a: {  	_ = 	snop  }
0x9b: {  	[spmem:s1] =	stream.indirect.scatter.add.f32 [tilespmem:s31], [sflag:$0x3], $0x80, s22, s30, $0xb8;
	[tilespmem:$0x1E080] =	vst v63  }
0x9c: {  	_ =	swait.ge [sflag:s9], $0x5000  }
0x9d: {  	[sflag:s9] =	ssyncset.done $0x0  }
0x9e: {  	[sflag:s9] =	ssyncadd.s32 $0xFFFFB000  }
0x9f: {  	_ =	swait.ge [sflag:s10], $0x5000  }
0xa0: {  	s16 =	sadd.s32 $0x50, s28;
	[sflag:s10] =	ssyncset.done $0x0  }
0xa1: {  	[sflag:s10] =	ssyncadd.s32 $0xFFFFB000  }
0xa2: {  	[tilespmem:s3], [sflag:$0x5] =	stream.linear.gather [hbm4b:s16+s3], $0xA0, $0x38;
	[tilespmem:$0x1E080] =	vst v63  }
0xa3: {  	s16 =	sadd.s32 $0x50, s5  }
0xa4: {  	[tilespmem:s22], [sflag:$0x5] =	stream.linear.gather [hbm4b:s16+s3], $0xA0, $0x38;
	[tilespmem:$0x1E080] =	vst v63  }
0xa5: {  	_ =	swait.ge [sflag:s11], $0xA0  }
0xa6: {  	[sflag:s11] =	ssyncset.done $0x0  }
0xa7: {  	[sflag:s11] =	ssyncadd.s32 $0xFFFFFF60  }
0xa8: {  	_ =	swait.ge [sflag:s11], $0xA0  }
0xa9: {  	[sflag:s11] =	ssyncset.done $0x0  }
0xaa: {  	[sflag:s11] =	ssyncadd.s32 $0xFFFFFF60  }
0xab: {  	[tilespmem:s31], [sflag:$0x1] =	stream.indirect.gather [hbm4b:s4+s30], $0x80, s25, s30, $0xb8;
	[tilespmem:$0x1E080] =	vst v63  }
0xac: {  	_ = 	snop  }
0xad: {  	[spmem:s1] =	stream.indirect.scatter.add.f32 [tilespmem:s8], [sflag:$0x4], $0x80, s24, s30, $0xb8;
	[tilespmem:$0x1E080] =	vst v63  }
0xae: {  	_ =	swait.ge [sflag:s0], $0x5000  }
0xaf: {  	[sflag:s0] =	ssyncset.done $0x0  }
0xb0: {  	[sflag:s0] =	ssyncadd.s32 $0xFFFFB000  }
0xb1: {  	_ =	swait.ge [sflag:s12], $0x5000  }
0xb2: {  	s16 =	sadd.s32 $0x64, s28;
	[sflag:s12] =	ssyncset.done $0x0  }
0xb3: {  	[sflag:s12] =	ssyncadd.s32 $0xFFFFB000  }
0xb4: {  	[tilespmem:s23], [sflag:$0x6] =	stream.linear.gather [hbm4b:s16+s3], $0xA0, $0x38;
	[tilespmem:$0x1E080] =	vst v63  }
0xb5: {  	s5 =	sadd.s32 $0x64, s5  }
0xb6: {  	[tilespmem:s24], [sflag:$0x6] =	stream.linear.gather [hbm4b:s5+s3], $0xA0, $0x38;
	[tilespmem:$0x1E080] =	vst v63  }
0xb7: {  	_ =	swait.ge [sflag:s14], $0xA0  }
0xb8: {  	[sflag:s14] =	ssyncset.done $0x0  }
0xb9: {  	[sflag:s14] =	ssyncadd.s32 $0xFFFFFF60  }
0xba: {  	_ =	swait.ge [sflag:s14], $0xA0  }
0xbb: {  	[sflag:s14] =	ssyncset.done $0x0  }
0xbc: {  	[sflag:s14] =	ssyncadd.s32 $0xFFFFFF60  }
0xbd: {  	[tilespmem:s8], [sflag:$0x2] =	stream.indirect.gather [hbm4b:s4+s30], $0x80, s2, s30, $0xb8;
	[tilespmem:$0x1E080] =	vst v63  }
0xbe: {  	_ = 	snop  }
0xbf: {  	[spmem:s1] =	stream.indirect.scatter.add.f32 [tilespmem:s31], [sflag:$0x3], $0x80, s26, s30, $0xb8;
	[tilespmem:$0x1E080] =	vst v63  }
0xc0: {  	_ =	swait.ge [sflag:s9], $0x5000  }
0xc1: {  	[sflag:s9] =	ssyncset.done $0x0  }
0xc2: {  	p3 =	seq.s32 s19, $0x460;
	[sflag:s9] =	ssyncadd.s32 $0xFFFFB000  }
0xc3: {  	s16 =	simm.s32 @!p3 $0x0;
	s5 =	sadd.s32 @!p3 s19, s20;
	_ =	swait.ge [sflag:s10], $0x5000  }
0xc4: {  	s17 =	simm.s32 @!p3 $0x200;
	s5 =	sadd.s32 @!p3 $0x78, s5;
	[sflag:s10] =	ssyncset.done $0x0  }
0xc5: {  	s28 =	simm.s32 @!p3 $0x600;
	s19 =	sadd.s32 @!p3 s19, s21;
	[sflag:s10] =	ssyncadd.s32 $0xFFFFB000  }
0xc6: {  	[tilespmem:s17], [sflag:$0x7] =	stream.linear.gather @!p3 [hbm4b:s5+s16], $0xA0, $0x38;
	[tilespmem:$0x1E080] =	vst v63  }
0xc7: {  	s5 =	sadd.s32 @!p3 $0x78, s19  }
0xc8: {  	[tilespmem:s28], [sflag:$0x7] =	stream.linear.gather @!p3 [hbm4b:s5+s16], $0xA0, $0x38;
	[tilespmem:$0x1E080] =	vst v63  }
0xc9: {  	_ =	swait.ge [sflag:s29], $0xA0  }
0xca: {  	[sflag:s29] =	ssyncset.done $0x0  }
.Ltmp0:
0xcb: {  	[sflag:s29] =	ssyncadd.s32 $0xFFFFFF60;
	(pc) =	sbr.rel @p2 .LBB2_2-.Ltmp0, $4  }
0xcc: {  	_ =	swait.ge [sflag:s29], $0xA0  }
0xcd: {  	[sflag:s29] =	ssyncset.done $0x0  }
0xce: {  	[sflag:s29] =	ssyncadd.s32 $0xFFFFFF60  }
0xcf: {  	[tilespmem:s31], [sflag:$0x1] =	stream.indirect.gather [hbm4b:s4+s30], $0x80, s3, s30, $0xb8;
	[tilespmem:$0x1E080] =	vst v63  }
0xd0: {  	[spmem:s1] =	stream.indirect.scatter.add.f32 [tilespmem:s8], [sflag:$0x4], $0x80, s6, s30, $0xb8;
	[tilespmem:$0x1E080] =	vst v63  }
0xd1: {  	_ =	swait.ge [sflag:s0], $0x5000  }
0xd2: {  	[sflag:s0] =	ssyncset.done $0x0  }
0xd3: {  	[sflag:s0] =	ssyncadd.s32 $0xFFFFB000  }
0xd4: {  	_ =	swait.ge [sflag:s12], $0x5000  }
0xd5: {  	[sflag:s12] =	ssyncset.done $0x0  }
0xd6: {  	[sflag:s12] =	ssyncadd.s32 $0xFFFFB000  }
0xd7: {  	_ =	swait.ge [sflag:s7], $0xA0  }
0xd8: {  	[sflag:s7] =	ssyncset.done $0x0  }
0xd9: {  	[sflag:s7] =	ssyncadd.s32 $0xFFFFFF60  }
0xda: {  	_ =	swait.ge [sflag:s7], $0xA0  }
0xdb: {  	[sflag:s7] =	ssyncset.done $0x0  }
0xdc: {  	[sflag:s7] =	ssyncadd.s32 $0xFFFFFF60  }
0xdd: {  	[tilespmem:s8], [sflag:$0x2] =	stream.indirect.gather [hbm4b:s4+s30], $0x80, s23, s30, $0xb8;
	[tilespmem:$0x1E080] =	vst v63  }
0xde: {  	_ = 	snop  }
0xdf: {  	[spmem:s1] =	stream.indirect.scatter.add.f32 [tilespmem:s31], [sflag:$0x3], $0x80, s22, s30, $0xb8;
	[tilespmem:$0x1E080] =	vst v63  }
0xe0: {  	_ =	swait.ge [sflag:s9], $0x5000  }
0xe1: {  	[sflag:s9] =	ssyncset.done $0x0  }
0xe2: {  	[sflag:s9] =	ssyncadd.s32 $0xFFFFB000  }
0xe3: {  	_ =	swait.ge [sflag:s10], $0x5000  }
0xe4: {  	[sflag:s10] =	ssyncset.done $0x0  }
0xe5: {  	[sflag:s10] =	ssyncadd.s32 $0xFFFFB000  }
0xe6: {  	[spmem:s1] =	stream.indirect.scatter.add.f32 [tilespmem:s8], [sflag:$0x4], $0x80, s24, s30, $0xb8;
	[tilespmem:$0x1E080] =	vst v63  }
0xe7: {  	_ =	swait.ge [sflag:s12], $0x5000  }
0xe8: {  	[sflag:s12] =	ssyncset.done $0x0  }
0xe9: {  	s5 =	simm.s32 @!p1 $0x0;
	s16 =	rddreg [dreg:$0xc];
	[sflag:s12] =	ssyncadd.s32 $0xFFFFB000  }
0xea: {  	[tilespmem:s5], [sflag:$0x9] =	stream.linear.gather @!p1 [hbm4b:s16+s5], $0xA0, $0x38;
	[tilespmem:$0x1E080] =	vst v63  }
0xeb: {  	s16 =	simm.s32 @!p1 $0x9  }
0xec: {  	_ =	swait.ge @!p1 [sflag:s16], $0xA0  }
0xed: {  	[sflag:s16] =	ssyncset.done @!p1 $0x0  }
0xee: {  	s17 =	simm.s32 @!p1 $0x400;
	s18 =	rddreg [dreg:$0xd];
	[sflag:s16] =	ssyncadd.s32 @!p1 $0xFFFFFF60  }
0xef: {  	[tilespmem:s17], [sflag:$0x9] =	stream.linear.gather @!p1 [hbm4b:s18+s5], $0xA0, $0x38;
	[tilespmem:$0x1E080] =	vst v63  }
0xf0: {  	_ =	swait.ge @!p1 [sflag:s16], $0xA0  }
0xf1: {  	[sflag:s16] =	ssyncset.done @!p1 $0x0  }
0xf2: {  	s19 =	simm.s32 @!p1 $0x800;
	s18 =	simm.s32 @!p1 $0xA0;
	[sflag:s16] =	ssyncadd.s32 @!p1 $0xFFFFFF60  }
0xf3: {  	[tilespmem:s19], [sflag:$0x1] =	stream.indirect.gather @!p1 [hbm4b:s4+s18], $0x80, s5, s18, $0xb8;
	[tilespmem:$0x1E080] =	vst v63  }
0xf4: {  	s5 =	simm.s32 @!p1 $0x1  }
0xf5: {  	_ =	swait.ge @!p1 [sflag:s5], $0x5000  }
0xf6: {  	[sflag:s5] =	ssyncset.done @!p1 $0x0  }
0xf7: {  	[sflag:s5] =	ssyncadd.s32 @!p1 $0xFFFFB000  }
0xf8: {  	[spmem:s1] =	stream.indirect.scatter.add.f32 @!p1 [tilespmem:s19], [sflag:$0x9], $0x80, s17, s18, $0xb8;
	[tilespmem:$0x1E080] =	vst v63  }
0xf9: {  	_ =	swait.ge @!p1 [sflag:s16], $0x5000  }
0xfa: {  	[sflag:s16] =	ssyncset.done @!p1 $0x0  }
0xfb: {  	[sflag:s16] =	ssyncadd.s32 @!p1 $0xFFFFB000  }
0xfc: {  	[bflag:$0x0] =	sbarrier.arrive $0xFFFF  }
0xfd: {  	s18 =	rddreg [dreg:$0xe]  }
0xfe: {  	s17 =	simm.s32 $0x9;
	s19 =	rddreg [dreg:$0x11]  }
0xff: {  	[hbm:s18], [sflag:s13] =	dma.local [spmem:s19], $0x2700  }
0x100: {  	_ =	swait.ge [sflag:s17], $0x2700  }
0x101: {  	[sflag:s17] =	ssyncset.done $0x0;
	s5 =	rddreg [dreg:$0xf]  }
0x102: {  	s16 =	rddreg [dreg:$0x12];
	[sflag:s17] =	ssyncadd.s32 $0xFFFFD900  }
0x103: {  	[hbm:s5], [sflag:s13] =	dma.local @!p0 [spmem:s16], $0x100  }
0x104: {  	s5 =	simm.s32 @!p0 $0x9  }
0x105: {  	_ =	swait.ge @!p0 [sflag:s5], $0x100  }
0x106: {  	s15 =	sadd.s32 $0x1, s15;
	s28 =	rddreg [dreg:$0x10]  }
0x107: {  	p2 =	sne.s32 s15, s28  }
.Ltmp1:
0x108: {  	_ = 	snop;
	(pc) =	sbr.rel @p2 .LBB2_1-.Ltmp1, $3  }
0x109: {  	_ =	sdelay $0x1  }
0x10a: {  	[sflag:s5] =	ssyncset.done @!p0 $0x0  }
0x10b: {  	[sflag:s5] =	ssyncadd.s32 @!p0 $0xFFFFFF00  }
0x10c: {  	_ =	sfence.sel $0x180000  }
0x10d: {  	[bflag:$0x0] =	sbarrier.arrive $0xFFFF  }
0x10e: {  	_ =	strace $0x90000053  }
0x10f: {  	s0 =	stileid.u32;
	[bflag:$0x2] =	sbarrier.arrive $0xFFFF  }
0x110: {  	p0 =	sne.s32 s0, $0x0;
	s0 =	rddreg [dreg:$0x2]  }
0x111: {  	s0 =	sadd.s32 @!p0 $0x100000, s0  }
0x112: {  	[sflag:s0] =	ssyncadd.tile.s32 @!p0 $0x1;
	_ =	shalt  }
.Lfunc_end2:
_tile_overlayer_lowered:
.L_overlay_start_2:
0x113: {  	(tag) =	ssettag $0x2  }
0x114: {  	s0 =	rddreg [dreg:$0x0];
	s2 =	stileid.u32  }
0x115: {  	s1 =	rddreg [dreg:$0x1];
	p0 =	sne.s32 s2, $0x0  }
0x116: {  	s3 =	rddreg [dreg:$0x2];
	[bflag:$0x3] =	sbarrier.arrive $0xFFFF;
	s2 =	simm.s32 @!p0 $0x1C09  }
0x117: {  	[timem:s3], [sflag:s2] =	dma.local @!p0 [hbm:s0], s1  }
0x118: {  	s0 =	simm.s32 @!p0 $0x9  }
0x119: {  	_ =	swait.ge @!p0 [sflag:s0], s1  }
0x11a: {  	s1 =	ssub.s32 @!p0 $0x0, s1;
	[sflag:s0] =	ssyncset.done @!p0 $0x0  }
0x11b: {  	[sflag:s0] =	ssyncadd.s32 @!p0 s1  }
0x11c: {  	[bflag:$0x3] =	sbarrier.arrive $0xFFFF  }
0x11d: {  	_ =	shalt  }

// kernel: seg_sum.6.cloned.1.call-start
scs
__scs_entry_jumppad:
0x0: {  	(pc) =	sbr.rel $0x88, $3  }
0x1: {  	(tag) =	ssettag $0x0;
	lr =	simm.s32 $0x1  }
0x2: {  	[smem:$0x3F9B] =	sst lr;
	_ =	strace $0xD0000000  }
0x3: {  	_ = 	snop  }
0x4: {  	_ = 	snop  }
0x5: {  	_ = 	snop  }
0x6: {  	_ = 	snop  }
0x7: {  	_ = 	snop  }
__scs_overlays_trampoline_lowered:
0x8: {  	[smem:$0x3FAA] =	sst s0  }
0x9: {  	[smem:$0x3FAB] =	sst s1  }
0xa: {  	[smem:$0x3FAC] =	sst s2  }
0xb: {  	[smem:$0x3FAD] =	sst s3  }
0xc: {  	[smem:$0x3FAE] =	sst s4  }
0xd: {  	[smem:$0x3FAF] =	sst s5  }
0xe: {  	[smem:$0x3FB0] =	sst s6  }
0xf: {  	[smem:$0x3FB1] =	sst s7  }
0x10: {  	[smem:$0x3FB2] =	sst s8  }
0x11: {  	[smem:$0x3FB3] =	sst s9;
	s0 =	simm.s32 @!p0 $0x0  }
0x12: {  	s1 =	sld [smem:$0x3F99];
	s0 =	simm.s32 @p0 $0x1  }
0x13: {  	[smem:$0x3FB4] =	sst s0;
	s0 =	simm.s32 @!p1 $0x0  }
0x14: {  	s2 =	sld [smem:$0x3F98];
	s0 =	simm.s32 @p1 $0x1  }
0x15: {  	[smem:$0x3FB5] =	sst s0;
	s0 =	simm.s32 @!p2 $0x0  }
0x16: {  	s3 =	sld [smem:$0x3FDB];
	s0 =	simm.s32 @p2 $0x1  }
0x17: {  	s4 =	simm.s32 $0x1BF5;
	[smem:$0x3FB7] =	sst s0  }
0x18: {  	s0 =	sld [smem:$0x3F9A];
	_ =	swait.ge [sflag:s4], $0x0  }
0x19: {  	s7 =	sld [smem:$0x3F9B]  }
0x1a: {  	s8 =	sadd.s32 $0xFFFFE003, lr  }
0x1b: {  	s9 =	sadd.s32 $0xFFFFFEF7, lr;
	s5 =	simm.s32 $0xFFFFFFFF;
	p2 =	slt.u32 s8, $0xFFFFF086  }
0x1c: {  	p1 =	slt.u32 s9, $0xF7A;
	s5 =	simm.s32 @!p2 $0x0  }
0x1d: {  	s5 =	simm.s32 @p1 $0x1;
	p0 =	seq.s32 s7, s2  }
0x1e: {  	s7 =	smul.u32 @!p0 $0xF7A, s2;
	p2 =	seq.s32 @!p0 s5, $0x0  }
0x1f: {  	s9 =	smul.u32 $0xF7A, s1;
	s8 =	simm.s32 @!p0 $0x1BF5;
	p2 =	por !p2, p0  }
0x20: {  	[sflag:s8] =	ssyncset.s32 @!p0 $0xFFFFF086;
	s6 =	sadd.s32 @!p0 s3, s7;
	s7 =	simm.s32 @!p0 $0x108  }
0x21: {  	s3 =	sadd.s32 s3, s9;
	s6 =	sadd.s32 @!p0 $0x88, s6;
	s7 =	simm.s32 @p2 $0x1082  }
0x22: {  	[simem:s7], [sflag:s8] =	dma.local @!p0 [hbm:s6], $0xF7A  }
0x23: {  	s9 =	sor.u32 $0xD0000000, s2;
	s6 =	simm.s32 $0x108;
	_ =	swait.ge @!p0 [sflag:s8], $0x0  }
0x24: {  	s3 =	sadd.s32 $0x88, s3;
	s6 =	simm.s32 @!p1 $0x1082;
	[sflag:s4] =	ssyncset.s32 $0xFFFFF086  }
0x25: {  	[simem:s6], [sflag:s4] =	dma.local [hbm:s3], $0xF7A  }
0x26: {  	[smem:$0x3F9B] =	sst s1;
	(tag) =	ssettag s2;
	_ =	strace s9  }
0x27: {  	s1 =	sld [smem:$0x3FAB]  }
0x28: {  	s2 =	sld [smem:$0x3FAC]  }
0x29: {  	s4 =	sld [smem:$0x3FAE]  }
0x2a: {  	p0 =	seq.s32 s5, $0x0;
	s5 =	sld [smem:$0x3FAF]  }
0x2b: {  	s6 =	sld [smem:$0x3FB0]  }
0x2c: {  	s7 =	sld [smem:$0x3FB1]  }
0x2d: {  	s3 =	simm.s32 $0x108;
	s8 =	sld [smem:$0x3FB2]  }
0x2e: {  	s3 =	simm.s32 @!p0 $0x1082;
	s9 =	sld [smem:$0x3FB3]  }
0x2f: {  	lr =	sadd.s32 s0, s3;
	s0 =	sld [smem:$0x3FAA]  }
0x30: {  	s3 =	sld [smem:$0x3FAD]  }
0x31: {  	[smem:$0x3FB6] =	sst s10  }
0x32: {  	s10 =	sld [smem:$0x3FB4];
	_ =	sdelay $0x3  }
0x33: {  	p0 =	seq.s32 s10, $0x1;
	s10 =	sld [smem:$0x3FB6];
	_ =	sdelay $0x3  }
0x34: {  	[smem:$0x3FB6] =	sst s10  }
0x35: {  	s10 =	sld [smem:$0x3FB5];
	_ =	sdelay $0x3  }
0x36: {  	p1 =	seq.s32 s10, $0x1;
	s10 =	sld [smem:$0x3FB6];
	_ =	sdelay $0x3  }
0x37: {  	[smem:$0x3FB6] =	sst s10  }
0x38: {  	s10 =	sld [smem:$0x3FB7]  }
0x39: {  	_ = 	snop;
	(pc) =	sbr.ind lr, $3  }
0x3a: {  	_ = 	snop  }
0x3b: {  	_ = 	snop  }
0x3c: {  	p2 =	seq.s32 s10, $0x1;
	s10 =	sld [smem:$0x3FB6]  }
0x3d: {  	_ =	shalt  }
0x3e: {  	_ =	shalt  }
0x3f: {  	_ =	shalt  }
0x40: {  	_ =	shalt  }
0x41: {  	_ =	shalt  }
0x42: {  	_ =	shalt  }
0x43: {  	_ =	shalt  }
0x44: {  	_ =	shalt  }
0x45: {  	_ =	shalt  }
0x46: {  	_ =	shalt  }
0x47: {  	_ =	shalt  }
0x48: {  	_ =	shalt  }
0x49: {  	_ =	shalt  }
0x4a: {  	_ =	shalt  }
0x4b: {  	_ =	shalt  }
0x4c: {  	_ =	shalt  }
0x4d: {  	_ =	shalt  }
0x4e: {  	_ =	shalt  }
0x4f: {  	_ =	shalt  }
0x50: {  	_ =	shalt  }
0x51: {  	_ =	shalt  }
0x52: {  	_ =	shalt  }
0x53: {  	_ =	shalt  }
0x54: {  	_ =	shalt  }
0x55: {  	_ =	shalt  }
0x56: {  	_ =	shalt  }
0x57: {  	_ =	shalt  }
0x58: {  	_ =	shalt  }
0x59: {  	_ =	shalt  }
0x5a: {  	_ =	shalt  }
0x5b: {  	_ =	shalt  }
0x5c: {  	_ =	shalt  }
0x5d: {  	_ =	shalt  }
0x5e: {  	_ =	shalt  }
0x5f: {  	_ =	shalt  }
0x60: {  	_ =	shalt  }
0x61: {  	_ =	shalt  }
0x62: {  	_ =	shalt  }
0x63: {  	_ =	shalt  }
0x64: {  	_ =	shalt  }
0x65: {  	_ =	shalt  }
0x66: {  	_ =	shalt  }
0x67: {  	_ =	shalt  }
0x68: {  	_ =	shalt  }
0x69: {  	_ =	shalt  }
0x6a: {  	_ =	shalt  }
0x6b: {  	_ =	shalt  }
0x6c: {  	_ =	shalt  }
0x6d: {  	_ =	shalt  }
0x6e: {  	_ =	shalt  }
0x6f: {  	_ =	shalt  }
0x70: {  	_ =	shalt  }
0x71: {  	_ =	shalt  }
0x72: {  	_ =	shalt  }
0x73: {  	_ =	shalt  }
0x74: {  	_ =	shalt  }
0x75: {  	_ =	shalt  }
0x76: {  	_ =	shalt  }
0x77: {  	_ =	shalt  }
0x78: {  	_ =	shalt  }
0x79: {  	_ =	shalt  }
0x7a: {  	_ =	shalt  }
0x7b: {  	_ =	shalt  }
0x7c: {  	_ =	shalt  }
0x7d: {  	_ =	shalt  }
0x7e: {  	_ =	shalt  }
0x7f: {  	_ =	shalt  }
0x80: {  	_ =	shalt  }
0x81: {  	_ =	shalt  }
0x82: {  	_ =	shalt  }
0x83: {  	_ =	shalt  }
0x84: {  	_ =	shalt  }
0x85: {  	_ =	shalt  }
0x86: {  	_ =	shalt  }
0x87: {  	_ =	shalt  }
.Lfunc_end0:
.L_simem_size_0:
called_computation.1_lowered:
.L_overlay_start_0:
0x88: {  	s2 =	sld [smem:$0x3FD9]  }
0x89: {  	s3 =	sld [smem:$0x3FFE];
	_ =	sdelay $0x1  }
0x8a: {  	s1 =	srdreg.scid  }
0x8b: {  	s0 =	sand.u32 $0x1, s1  }
0x8c: {  	s17 =	sshll.u32 s0, $0xA;
	s2 =	sadd.s32 s3, s2  }
0x8d: {  	s2 =	sadd.s32 s2, s17  }
0x8e: {  	[smem:$0x3FC2] =	sst s2  }
0x8f: {  	_ = 	snop  }
0x90: {  	s18 =	sld [smem:$0x3FD0];
	(tm) =	ssettm $0x1  }
0x91: {  	s19 =	sld [smem:$0x3FFB];
	_ =	sdelay $0x3  }
0x92: {  	_ =	strace s19  }
0x93: {  	s2 =	sld [smem:$0x3FFC];
	_ =	sdelay $0x3  }
0x94: {  	_ =	strace s2  }
0x95: {  	s2 =	sld [smem:$0x3FFD];
	_ =	sdelay $0x3  }
0x96: {  	_ =	strace s2  }
0x97: {  	_ =	strace $0x8FFFFFFF  }
0x98: {  	s20 =	sld [smem:$0x3FDB];
	_ =	sdelay $0x1  }
0x99: {  	s4 =	simm.s32 $_scs_section_size  }
0x9a: {  	s5 =	simm.s32 $_size__tile_overlayer_lowered;
	s6 =	simm.s32 $_tile_overlayer_lowered  }
0x9b: {  	s7 =	simm.s32 $0x1BFF;
	s21 =	sshll.u32 s6, $0x1;
	s4 =	sadd.s32 s4, s20  }
0x9c: {  	s22 =	simm.s32 $0x0;
	s5 =	sshll.u32 s5, $0x1;
	s6 =	sadd.s32 s21, s4  }
0x9d: {  	[timem:s22], [sflag:s7] =	dma.local [hbm:s6], s5  }
0x9e: {  	_ =	swait.ge [sflag:s7], s5  }
0x9f: {  	s5 =	ssub.s32 $0x0, s5;
	[sflag:s7] =	ssyncset.done $0x0  }
0xa0: {  	[sflag:s7] =	ssyncadd.s32 s5;
	_ =	sdelay $0x1  }
0xa1: {  	s23 =	simm.s32 $0x1B8B  }
0xa2: {  	_ =	swait.ge [sflag:s23], $0x1  }
0xa3: {  	[sflag:s23] =	ssyncset.done $0x0  }
0xa4: {  	[sflag:s23] =	ssyncadd.s32 $0xFFFFFFFF  }
0xa5: {  	s5 =	sld [smem:$0x0]  }
0xa6: {  	s6 =	sand.u32 $0xFFFFFFFE, s1  }
0xa7: {  	p0 =	sne.s32 s1, s6  }
0xa8: {  	s6 =	sshll.u32 @p0 s6, $0xE  }
0xa9: {  	s6 =	sadd.s32 @p0 $0x11B8D, s6;
	s7 =	sshll.u32 @p0 s5, $0x11  }
0xaa: {  	s6 =	sor.u32 @p0 s7, s6  }
0xab: {  	[sflag:s6] =	ssyncadd.remote.s32 @p0 $0x1;
	_ =	sdelay $0x1  }
0xac: {  	s6 =	simm.s32 @p0 $0x1B8D  }
0xad: {  	_ =	swait.eq @p0 [sflag:s6], $0x1  }
0xae: {  	[sflag:s6] =	ssyncadd.s32 @p0 $0xFFFFFFFF  }
0xaf: {  	s7 =	sshll.u32 @!p0 s1, $0xE  }
0xb0: {  	s7 =	sor.u32 @!p0 $0x4000, s7;
	s6 =	simm.s32 @!p0 $0x1B8D  }
0xb1: {  	s5 =	sshll.u32 @!p0 s5, $0x11;
	s7 =	sadd.s32 @!p0 $0x11B8D, s7;
	_ =	swait.eq @!p0 [sflag:s6], $0x1  }
0xb2: {  	s5 =	sor.u32 @!p0 s5, s7;
	[sflag:s6] =	ssyncadd.s32 @!p0 $0xFFFFFFFF  }
0xb3: {  	s25 =	simm.s32 $0x1B8E;
	s24 =	sld [smem:$0x3FFE];
	[sflag:s5] =	ssyncadd.remote.s32 @!p0 $0x1  }
0xb4: {  	s26 =	simm.s32 $execute0_lowered;
	[smem:$0x3FD2] =	sst s25  }
0xb5: {  	s6 =	sshll.u32 s26, $0x1;
	_ =	strace $0x80000049;
	[dreg:$0x1] =	wrdreg $0xFFFFFFFF  }
0xb6: {  	s28 =	simm.s32 $_size_execute0_lowered;
	s4 =	sadd.s32 s4, s6;
	[dreg:$0x0] =	wrdreg $0x0  }
0xb7: {  	s6 =	sshll.u32 s28, $0x1;
	[dreg:$0x2] =	wrdreg s4  }
0xb8: {  	[dreg:$0x3] =	wrdreg s6  }
0xb9: {  	[dreg:$0x4] =	wrdreg $0xC0  }
0xba: {  	_ =	task [dreg:s22], $0x5FFFF  }
0xbb: {  	[dreg:$0x1] =	wrdreg $0xFFFFFFFF  }
0xbc: {  	[dreg:$0x0] =	wrdreg $0x60  }
0xbd: {  	[dreg:$0x2] =	wrdreg s18  }
0xbe: {  	[dreg:$0x3] =	wrdreg s24  }
0xbf: {  	[dreg:$0x4] =	wrdreg $0xA8000  }
0xc0: {  	[dreg:$0x5] =	wrdreg $0xA  }
0xc1: {  	_ =	task.clear_ibuf [dreg:s22], $0x6FFFF;
	_ =	strace $0x90000049  }
0xc2: {  	s29 =	simm.s32 $0xA;
	_ =	strace $0x8000004B  }
0xc3: {  	_ =	swait.ge [sflag:s29], $0x1  }
0xc4: {  	[sflag:s29] =	ssyncadd.s32 $0xFFFFFFFF  }
0xc5: {  	_ =	strace $0x9000004B  }
0xc6: {  	_ =	sfence  }
0xc7: {  	s30 =	sld [smem:$0x0];
	_ =	sdelay $0x2  }
0xc8: {  	s31 =	sshll.u32 s1, $0xD;
	s1 =	sshrl.u32 s1, $0x2  }
0xc9: {  	s4 =	sand.u32 $0x4000, s31;
	s1 =	sadd.s32 s1, s30  }
0xca: {  	s0 =	sor.u32 s4, s0;
	s1 =	sshll.u32 s1, $0x11  }
0xcb: {  	s0 =	sor.u32 s1, s0  }
0xcc: {  	s0 =	sadd.s32 $0x8F2B, s0  }
0xcd: {  	[sflag:s0] =	ssyncadd.remote.s32 $0x1  }
0xce: {  	_ =	sfence.sel $0xFFFF  }
0xcf: {  	[dreg:$0x0] =	wrdreg $0xFFFFFFFF;
	(pc) =	sbr.abs _section_cstart, $3  }
0xd0: {  	[dreg:$0x1] =	wrdreg $0xFFFFFFFF  }
0xd1: {  	_ =	task.clear_ibuf [dreg:s22], $0x2FFFF;
	_ =	strace $0x9FFFFFFF  }
0xd2: {  	(tm) =	ssettm $0x7FFFFFFF  }
0xd3: {  	_ =	shalt  }
tec
execute0_lowered:
.L_overlay_start_1:
0x0: {  	(tag) =	ssettag $0x1  }
0x1: {  	s1 =	rddreg [dreg:$0x0]  }
0x2: {  	s0 =	rddreg [dreg:$0x1]  }
0x3: {  	s2 =	rddreg [dreg:$0x2];
	s3 =	srdreg.scid  }
0x4: {  	s4 =	simm.s32 $0x0;
	s12 =	stileid.u32;
	s29 =	simm.s32 $0x5  }
0x5: {  	s30 =	simm.s32 $0xA0;
	s31 =	simm.s32 $0x800;
	s3 =	sand.u32 $0x1, s3  }
0x6: {  	[smem:$0x7FF] =	sst s4;
	s6 =	sadd.s32 $0xD400, s0;
	s21 =	smul.u32 $0x2700, s12  }
0x7: {  	s9 =	sadd.s32 $0x3600, s0;
	s11 =	sadd.s32 $0x17200, s0;
	s24 =	smul.u32 $0x4E000, s12  }
0x8: {  	s0 =	sadd.s32 $0x23A00, s0;
	s28 =	smul.u32 $0xA0, s12;
	s15 =	sshll.u32 s12, $0x6  }
0x9: {  	s18 =	sadd.s32 $0x138000, s2;
	p0 =	sne.s32 s12, $0xF;
	s5 =	sshll.u32 s3, $0x4  }
0xa: {  	_ =	strace $0x8000004A;
	[dreg:$0x4] =	wrdreg s11;
	s17 =	smul.u32 $0x138800, s3  }
0xb: {  	s7 =	ssub.s32 $0x2, s3;
	[dreg:$0xc] =	wrdreg s18;
	s19 =	smul.u32 $0x27100, s3  }
0xc: {  	p1 =	sne.s32 s3, $0x0;
	s11 =	simm.s32 $0x7;
	s5 =	sor.u32 s12, s5  }
0xd: {  	s10 =	sshrl.u32 s7, $0x1;
	s26 =	sshrl.u32 s24, $0x2;
	s24 =	smul.u32 $0x4D8, s12  }
0xe: {  	s16 =	sshrl.u32 s28, $0x3;
	s12 =	simm.s32 $0x4;
	s8 =	smul.u32 $0x4D8, s5  }
0xf: {  	s5 =	smul.u32 $0x26C0, s5;
	s7 =	ssub.s32 s7, s10;
	s14 =	sadd.s32 s26, s2  }
0x10: {  	s20 =	sshrl.u32 s17, $0x3;
	s21 =	sadd.s32 s21, s19;
	s17 =	simm.s32 $0x9  }
0x11: {  	[dreg:$0xb] =	wrdreg s14;
	s22 =	sadd.s32 s6, s8;
	s5 =	sshrl.u32 s5, $0x3  }
0x12: {  	s8 =	sadd.s32 s9, s8;
	[dreg:$0x5] =	wrdreg s22;
	s23 =	sadd.s32 $0x14, s5  }
0x13: {  	s10 =	simm.s32 $0x3;
	[dreg:$0x6] =	wrdreg s8;
	s13 =	sadd.s32 s6, s23  }
0x14: {  	s5 =	sadd.s32 $0x28, s5;
	s8 =	sadd.s32 s9, s23;
	[dreg:$0x7] =	wrdreg s13  }
0x15: {  	s22 =	smul.u32 $0x4D80, s3;
	s25 =	sadd.s32 s6, s5;
	[dreg:$0x8] =	wrdreg s8  }
0x16: {  	s3 =	simm.s32 $0x300;
	s5 =	sadd.s32 s9, s5;
	[dreg:$0x9] =	wrdreg s25  }
0x17: {  	[dreg:$0xa] =	wrdreg s5;
	s13 =	sor.u32 $0x1C09, s15;
	s5 =	sadd.s32 $0x9B00, s16  }
0x18: {  	s25 =	smax.u32 s7, $0x1;
	s26 =	sadd.s32 s22, s6;
	s28 =	sadd.s32 s22, s9  }
0x19: {  	s22 =	simm.s32 $0x400;
	s7 =	simm.s32 $0x6;
	s8 =	simm.s32 $0x5800  }
0x1a: {  	s15 =	simm.s32 $0x0;
	s14 =	sadd.s32 s6, s5;
	[dreg:$0x11] =	wrdreg s25  }
0x1b: {  	s5 =	sadd.s32 s9, s5;
	s25 =	simm.s32 $0x200;
	[dreg:$0xd] =	wrdreg s14  }
0x1c: {  	s6 =	simm.s32 $0x700;
	s9 =	simm.s32 $0x2;
	[dreg:$0xe] =	wrdreg s5  }
0x1d: {  	s5 =	sadd.s32 s0, s20;
	s0 =	sadd.s32 s0, s21;
	s20 =	sadd.s32 s24, s26  }
0x1e: {  	s21 =	sadd.s32 s24, s28;
	s24 =	simm.s32 $0x500;
	s26 =	simm.s32 $0x600  }
0x1f: {  	s14 =	simm.s32 $0x8;
	[dreg:$0xf] =	wrdreg s0;
	s23 =	sadd.s32 $0x27000, s5  }
0x20: {  	s0 =	simm.s32 $0x1;
	[dreg:$0x10] =	wrdreg s23;
	s23 =	simm.s32 $0x100  }
.LBB2_1:
0x21: {  	s5 =	rddreg [dreg:$0x5]  }
0x22: {  	s19 =	rddreg [dreg:$0x6]  }
0x23: {  	s28 =	rddreg [dreg:$0x7]  }
0x24: {  	s16 =	rddreg [dreg:$0x8]  }
0x25: {  	[tilespmem:s4], [sflag:$0x5] =	stream.linear.gather [hbm4b:s5+s4], $0xA0, $0x38;
	[tilespmem:$0x1E080] =	vst v63  }
0x26: {  	s18 =	rddreg [dreg:$0x9]  }
0x27: {  	[tilespmem:s22], [sflag:$0x5] =	stream.linear.gather [hbm4b:s19+s4], $0xA0, $0x38;
	[tilespmem:$0x1E080] =	vst v63  }
0x28: {  	s5 =	rddreg [dreg:$0x4]  }
0x29: {  	[tilespmem:s23], [sflag:$0x6] =	stream.linear.gather [hbm4b:s28+s4], $0xA0, $0x38;
	[tilespmem:$0x1E080] =	vst v63  }
0x2a: {  	s28 =	rddreg [dreg:$0xb]  }
0x2b: {  	[tilespmem:s24], [sflag:$0x6] =	stream.linear.gather [hbm4b:s16+s4], $0xA0, $0x38;
	[tilespmem:$0x1E080] =	vst v63  }
0x2c: {  	s19 =	rddreg [dreg:$0xa];
	s16 =	sshrl.u32 s28, $0x3  }
0x2d: {  	[tilespmem:s25], [sflag:$0x7] =	stream.linear.gather [hbm4b:s18+s4], $0xA0, $0x38;
	[tilespmem:$0x1E080] =	vst v63  }
0x2e: {  	[dreg:$0x12] =	wrdreg s16  }
0x2f: {  	[tilespmem:s26], [sflag:$0x7] =	stream.linear.gather [hbm4b:s19+s4], $0xA0, $0x38;
	[tilespmem:$0x1E080] =	vst v63  }
0x30: {  	[spmem:s16], [sflag:s13] =	dma.local [hbm:s5], $0x2700  }
0x31: {  	_ =	swait.ge [sflag:s17], $0x2700  }
0x32: {  	s16 =	rddreg [dreg:$0xc]  }
0x33: {  	[sflag:s17] =	ssyncset.done $0x0;
	s16 =	sshrl.u32 @!p0 s16, $0x3  }
0x34: {  	[sflag:s17] =	ssyncadd.s32 $0xFFFFD900;
	[dreg:$0x13] =	wrdreg s16  }
0x35: {  	[spmem:s16], [sflag:s13] =	dma.local @!p0 [hbm:s5], $0x100  }
0x36: {  	s5 =	simm.s32 @!p0 $0x9  }
0x37: {  	_ =	swait.ge @!p0 [sflag:s5], $0x100  }
0x38: {  	[sflag:s5] =	ssyncset.done @!p0 $0x0  }
0x39: {  	[sflag:s5] =	ssyncadd.s32 @!p0 $0xFFFFFF00  }
0x3a: {  	_ =	swait.ge [sflag:s29], $0xA0  }
0x3b: {  	[sflag:s29] =	ssyncset.done $0x0  }
0x3c: {  	[sflag:s29] =	ssyncadd.s32 $0xFFFFFF60  }
0x3d: {  	_ =	swait.ge [sflag:s29], $0xA0  }
0x3e: {  	[sflag:s29] =	ssyncset.done $0x0  }
0x3f: {  	[sflag:s29] =	ssyncadd.s32 $0xFFFFFF60  }
0x40: {  	[tilespmem:s31], [sflag:$0x1] =	stream.indirect.gather [hbm4b:s1+s30], $0x80, s4, s30, $0xb8;
	[tilespmem:$0x1E080] =	vst v63  }
0x41: {  	[bflag:$0x0] =	sbarrier.arrive $0xFFFF  }
0x42: {  	_ =	swait.ge [sflag:s0], $0x5000  }
0x43: {  	p2 =	por $0x1, $0x1;
	[sflag:s0] =	ssyncset.done $0x0  }
0x44: {  	s5 =	simm.s32 @!p2 $0x4;
	[sflag:s0] =	ssyncadd.s32 $0xFFFFB000  }
0x45: {  	_ =	swait.ge @!p2 [sflag:s5], $0x5000  }
0x46: {  	s18 =	sadd.s32 $0x0, s20;
	[sflag:s5] =	ssyncset.done @!p2 $0x0  }
0x47: {  	s19 =	sadd.s32 $0x3C, s18;
	[sflag:s5] =	ssyncadd.s32 @!p2 $0xFFFFB000;
	s5 =	sadd.s32 $0x0, s21  }
0x48: {  	[tilespmem:s3], [sflag:$0x8] =	stream.linear.gather [hbm4b:s19+s4], $0xA0, $0x38;
	[tilespmem:$0x1E080] =	vst v63  }
0x49: {  	s16 =	sadd.s32 $0x3C, s5  }
0x4a: {  	[tilespmem:s6], [sflag:$0x8] =	stream.linear.gather [hbm4b:s16+s4], $0xA0, $0x38;
	[tilespmem:$0x1E080] =	vst v63  }
0x4b: {  	_ =	swait.ge [sflag:s7], $0xA0  }
0x4c: {  	[sflag:s7] =	ssyncset.done $0x0  }
0x4d: {  	[sflag:s7] =	ssyncadd.s32 $0xFFFFFF60  }
0x4e: {  	_ =	swait.ge [sflag:s7], $0xA0  }
0x4f: {  	[sflag:s7] =	ssyncset.done $0x0  }
0x50: {  	[sflag:s7] =	ssyncadd.s32 $0xFFFFFF60  }
0x51: {  	[tilespmem:s8], [sflag:$0x2] =	stream.indirect.gather [hbm4b:s1+s30], $0x80, s23, s30, $0xb8;
	[tilespmem:$0x1E080] =	vst v63  }
0x52: {  	_ = 	snop  }
0x53: {  	[spmem:s2] =	stream.indirect.scatter.add.f32 [tilespmem:s31], [sflag:$0x3], $0x80, s22, s30, $0xb8;
	[tilespmem:$0x1E080] =	vst v63  }
0x54: {  	_ =	swait.ge [sflag:s9], $0x5000  }
0x55: {  	[sflag:s9] =	ssyncset.done $0x0  }
0x56: {  	[sflag:s9] =	ssyncadd.s32 $0xFFFFB000  }
0x57: {  	_ =	swait.ge [sflag:s10], $0x5000  }
0x58: {  	[sflag:s10] =	ssyncset.done $0x0  }
0x59: {  	s17 =	sadd.s32 $0x50, s18;
	[sflag:s10] =	ssyncadd.s32 $0xFFFFB000  }
0x5a: {  	[tilespmem:s4], [sflag:$0x5] =	stream.linear.gather [hbm4b:s17+s4], $0xA0, $0x38;
	[tilespmem:$0x1E080] =	vst v63  }
0x5b: {  	s28 =	sadd.s32 $0x50, s5  }
0x5c: {  	[tilespmem:s22], [sflag:$0x5] =	stream.linear.gather [hbm4b:s28+s4], $0xA0, $0x38;
	[tilespmem:$0x1E080] =	vst v63  }
0x5d: {  	_ =	swait.ge [sflag:s11], $0xA0  }
0x5e: {  	[sflag:s11] =	ssyncset.done $0x0  }
0x5f: {  	[sflag:s11] =	ssyncadd.s32 $0xFFFFFF60  }
0x60: {  	_ =	swait.ge [sflag:s11], $0xA0  }
0x61: {  	[sflag:s11] =	ssyncset.done $0x0  }
0x62: {  	[sflag:s11] =	ssyncadd.s32 $0xFFFFFF60  }
0x63: {  	[tilespmem:s31], [sflag:$0x1] =	stream.indirect.gather [hbm4b:s1+s30], $0x80, s25, s30, $0xb8;
	[tilespmem:$0x1E080] =	vst v63  }
0x64: {  	_ = 	snop  }
0x65: {  	[spmem:s2] =	stream.indirect.scatter.add.f32 [tilespmem:s8], [sflag:$0x4], $0x80, s24, s30, $0xb8;
	[tilespmem:$0x1E080] =	vst v63  }
0x66: {  	_ =	swait.ge [sflag:s0], $0x5000  }
0x67: {  	[sflag:s0] =	ssyncset.done $0x0  }
0x68: {  	[sflag:s0] =	ssyncadd.s32 $0xFFFFB000  }
0x69: {  	_ =	swait.ge [sflag:s12], $0x5000  }
0x6a: {  	[sflag:s12] =	ssyncset.done $0x0  }
0x6b: {  	s18 =	sadd.s32 $0x64, s18;
	[sflag:s12] =	ssyncadd.s32 $0xFFFFB000  }
0x6c: {  	[tilespmem:s23], [sflag:$0x6] =	stream.linear.gather [hbm4b:s18+s4], $0xA0, $0x38;
	[tilespmem:$0x1E080] =	vst v63  }
0x6d: {  	s5 =	sadd.s32 $0x64, s5  }
0x6e: {  	[tilespmem:s24], [sflag:$0x6] =	stream.linear.gather [hbm4b:s5+s4], $0xA0, $0x38;
	[tilespmem:$0x1E080] =	vst v63  }
0x6f: {  	_ =	swait.ge [sflag:s14], $0xA0  }
0x70: {  	[sflag:s14] =	ssyncset.done $0x0  }
0x71: {  	[sflag:s14] =	ssyncadd.s32 $0xFFFFFF60  }
0x72: {  	_ =	swait.ge [sflag:s14], $0xA0  }
0x73: {  	[sflag:s14] =	ssyncset.done $0x0  }
0x74: {  	[sflag:s14] =	ssyncadd.s32 $0xFFFFFF60  }
0x75: {  	[tilespmem:s8], [sflag:$0x2] =	stream.indirect.gather [hbm4b:s1+s30], $0x80, s3, s30, $0xb8;
	[tilespmem:$0x1E080] =	vst v63  }
0x76: {  	_ = 	snop  }
0x77: {  	[spmem:s2] =	stream.indirect.scatter.add.f32 [tilespmem:s31], [sflag:$0x3], $0x80, s26, s30, $0xb8;
	[tilespmem:$0x1E080] =	vst v63  }
0x78: {  	_ =	swait.ge [sflag:s9], $0x5000  }
0x79: {  	[sflag:s9] =	ssyncset.done $0x0  }
0x7a: {  	[sflag:s9] =	ssyncadd.s32 $0xFFFFB000  }
0x7b: {  	p2 =	por $0x0, $0x0;
	_ =	swait.ge [sflag:s10], $0x5000  }
0x7c: {  	s19 =	simm.s32 @!p2 $0x200;
	s5 =	sadd.s32 @!p2 $0x0, s20;
	[sflag:s10] =	ssyncset.done $0x0  }
0x7d: {  	s18 =	simm.s32 @!p2 $0x0;
	s5 =	sadd.s32 @!p2 $0x78, s5;
	[sflag:s10] =	ssyncadd.s32 $0xFFFFB000  }
0x7e: {  	[tilespmem:s19], [sflag:$0x7] =	stream.linear.gather @!p2 [hbm4b:s5+s18], $0xA0, $0x38;
	[tilespmem:$0x1E080] =	vst v63  }
0x7f: {  	s5 =	sadd.s32 @!p2 $0x0, s21  }
0x80: {  	s19 =	simm.s32 @!p2 $0x600;
	s5 =	sadd.s32 @!p2 $0x78, s5  }
0x81: {  	[tilespmem:s19], [sflag:$0x7] =	stream.linear.gather @!p2 [hbm4b:s5+s18], $0xA0, $0x38;
	[tilespmem:$0x1E080] =	vst v63  }
0x82: {  	_ =	swait.ge [sflag:s29], $0xA0  }
0x83: {  	[sflag:s29] =	ssyncset.done $0x0  }
0x84: {  	[sflag:s29] =	ssyncadd.s32 $0xFFFFFF60  }
0x85: {  	_ =	swait.ge [sflag:s29], $0xA0  }
0x86: {  	[sflag:s29] =	ssyncset.done $0x0  }
0x87: {  	s18 =	simm.s32 $0x50;
	[sflag:s29] =	ssyncadd.s32 $0xFFFFFF60  }
0x88: {  	[tilespmem:s31], [sflag:$0x1] =	stream.indirect.gather [hbm4b:s1+s30], $0x80, s4, s30, $0xb8;
	[tilespmem:$0x1E080] =	vst v63  }
.LBB2_2:
0x89: {  	s19 =	smov.u32 s18;
	s18 =	sadd.s32 $0x50, s18  }
0x8a: {  	[spmem:s2] =	stream.indirect.scatter.add.f32 [tilespmem:s8], [sflag:$0x4], $0x80, s6, s30, $0xb8;
	[tilespmem:$0x1E080] =	vst v63  }
0x8b: {  	p3 =	seq.s32 s19, $0x0;
	p2 =	sne.s32 s18, $0x4B0;
	_ =	swait.ge [sflag:s0], $0x5000  }
0x8c: {  	s16 =	simm.s32 @!p3 $0x4;
	[sflag:s0] =	ssyncset.done $0x0  }
0x8d: {  	[sflag:s0] =	ssyncadd.s32 $0xFFFFB000  }
0x8e: {  	s28 =	sadd.s32 s19, s20;
	_ =	swait.ge @!p3 [sflag:s16], $0x5000  }
0x8f: {  	s5 =	sadd.s32 s19, s21;
	s17 =	sadd.s32 $0x3C, s28;
	[sflag:s16] =	ssyncset.done @!p3 $0x0  }
0x90: {  	[sflag:s16] =	ssyncadd.s32 @!p3 $0xFFFFB000  }
0x91: {  	[tilespmem:s3], [sflag:$0x8] =	stream.linear.gather [hbm4b:s17+s4], $0xA0, $0x38;
	[tilespmem:$0x1E080] =	vst v63  }
0x92: {  	s16 =	sadd.s32 $0x3C, s5  }
0x93: {  	[tilespmem:s6], [sflag:$0x8] =	stream.linear.gather [hbm4b:s16+s4], $0xA0, $0x38;
	[tilespmem:$0x1E080] =	vst v63  }
0x94: {  	_ =	swait.ge [sflag:s7], $0xA0  }
0x95: {  	[sflag:s7] =	ssyncset.done $0x0  }
0x96: {  	[sflag:s7] =	ssyncadd.s32 $0xFFFFFF60  }
0x97: {  	_ =	swait.ge [sflag:s7], $0xA0  }
0x98: {  	[sflag:s7] =	ssyncset.done $0x0  }
0x99: {  	[sflag:s7] =	ssyncadd.s32 $0xFFFFFF60  }
0x9a: {  	[tilespmem:s8], [sflag:$0x2] =	stream.indirect.gather [hbm4b:s1+s30], $0x80, s23, s30, $0xb8;
	[tilespmem:$0x1E080] =	vst v63  }
0x9b: {  	_ = 	snop  }
0x9c: {  	[spmem:s2] =	stream.indirect.scatter.add.f32 [tilespmem:s31], [sflag:$0x3], $0x80, s22, s30, $0xb8;
	[tilespmem:$0x1E080] =	vst v63  }
0x9d: {  	_ =	swait.ge [sflag:s9], $0x5000  }
0x9e: {  	[sflag:s9] =	ssyncset.done $0x0  }
0x9f: {  	[sflag:s9] =	ssyncadd.s32 $0xFFFFB000  }
0xa0: {  	_ =	swait.ge [sflag:s10], $0x5000  }
0xa1: {  	s16 =	sadd.s32 $0x50, s28;
	[sflag:s10] =	ssyncset.done $0x0  }
0xa2: {  	[sflag:s10] =	ssyncadd.s32 $0xFFFFB000  }
0xa3: {  	[tilespmem:s4], [sflag:$0x5] =	stream.linear.gather [hbm4b:s16+s4], $0xA0, $0x38;
	[tilespmem:$0x1E080] =	vst v63  }
0xa4: {  	s16 =	sadd.s32 $0x50, s5  }
0xa5: {  	[tilespmem:s22], [sflag:$0x5] =	stream.linear.gather [hbm4b:s16+s4], $0xA0, $0x38;
	[tilespmem:$0x1E080] =	vst v63  }
0xa6: {  	_ =	swait.ge [sflag:s11], $0xA0  }
0xa7: {  	[sflag:s11] =	ssyncset.done $0x0  }
0xa8: {  	[sflag:s11] =	ssyncadd.s32 $0xFFFFFF60  }
0xa9: {  	_ =	swait.ge [sflag:s11], $0xA0  }
0xaa: {  	[sflag:s11] =	ssyncset.done $0x0  }
0xab: {  	[sflag:s11] =	ssyncadd.s32 $0xFFFFFF60  }
0xac: {  	[tilespmem:s31], [sflag:$0x1] =	stream.indirect.gather [hbm4b:s1+s30], $0x80, s25, s30, $0xb8;
	[tilespmem:$0x1E080] =	vst v63  }
0xad: {  	_ = 	snop  }
0xae: {  	[spmem:s2] =	stream.indirect.scatter.add.f32 [tilespmem:s8], [sflag:$0x4], $0x80, s24, s30, $0xb8;
	[tilespmem:$0x1E080] =	vst v63  }
0xaf: {  	_ =	swait.ge [sflag:s0], $0x5000  }
0xb0: {  	[sflag:s0] =	ssyncset.done $0x0  }
0xb1: {  	[sflag:s0] =	ssyncadd.s32 $0xFFFFB000  }
0xb2: {  	_ =	swait.ge [sflag:s12], $0x5000  }
0xb3: {  	s16 =	sadd.s32 $0x64, s28;
	[sflag:s12] =	ssyncset.done $0x0  }
0xb4: {  	[sflag:s12] =	ssyncadd.s32 $0xFFFFB000  }
0xb5: {  	[tilespmem:s23], [sflag:$0x6] =	stream.linear.gather [hbm4b:s16+s4], $0xA0, $0x38;
	[tilespmem:$0x1E080] =	vst v63  }
0xb6: {  	s5 =	sadd.s32 $0x64, s5  }
0xb7: {  	[tilespmem:s24], [sflag:$0x6] =	stream.linear.gather [hbm4b:s5+s4], $0xA0, $0x38;
	[tilespmem:$0x1E080] =	vst v63  }
0xb8: {  	_ =	swait.ge [sflag:s14], $0xA0  }
0xb9: {  	[sflag:s14] =	ssyncset.done $0x0  }
0xba: {  	[sflag:s14] =	ssyncadd.s32 $0xFFFFFF60  }
0xbb: {  	_ =	swait.ge [sflag:s14], $0xA0  }
0xbc: {  	[sflag:s14] =	ssyncset.done $0x0  }
0xbd: {  	[sflag:s14] =	ssyncadd.s32 $0xFFFFFF60  }
0xbe: {  	[tilespmem:s8], [sflag:$0x2] =	stream.indirect.gather [hbm4b:s1+s30], $0x80, s3, s30, $0xb8;
	[tilespmem:$0x1E080] =	vst v63  }
0xbf: {  	_ = 	snop  }
0xc0: {  	[spmem:s2] =	stream.indirect.scatter.add.f32 [tilespmem:s31], [sflag:$0x3], $0x80, s26, s30, $0xb8;
	[tilespmem:$0x1E080] =	vst v63  }
0xc1: {  	_ =	swait.ge [sflag:s9], $0x5000  }
0xc2: {  	[sflag:s9] =	ssyncset.done $0x0  }
0xc3: {  	p3 =	seq.s32 s19, $0x460;
	[sflag:s9] =	ssyncadd.s32 $0xFFFFB000  }
0xc4: {  	s16 =	simm.s32 @!p3 $0x0;
	s5 =	sadd.s32 @!p3 s19, s20;
	_ =	swait.ge [sflag:s10], $0x5000  }
0xc5: {  	s17 =	simm.s32 @!p3 $0x200;
	s5 =	sadd.s32 @!p3 $0x78, s5;
	[sflag:s10] =	ssyncset.done $0x0  }
0xc6: {  	s28 =	simm.s32 @!p3 $0x600;
	s19 =	sadd.s32 @!p3 s19, s21;
	[sflag:s10] =	ssyncadd.s32 $0xFFFFB000  }
0xc7: {  	[tilespmem:s17], [sflag:$0x7] =	stream.linear.gather @!p3 [hbm4b:s5+s16], $0xA0, $0x38;
	[tilespmem:$0x1E080] =	vst v63  }
0xc8: {  	s5 =	sadd.s32 @!p3 $0x78, s19  }
0xc9: {  	[tilespmem:s28], [sflag:$0x7] =	stream.linear.gather @!p3 [hbm4b:s5+s16], $0xA0, $0x38;
	[tilespmem:$0x1E080] =	vst v63  }
0xca: {  	_ =	swait.ge [sflag:s29], $0xA0  }
0xcb: {  	[sflag:s29] =	ssyncset.done $0x0  }
.Ltmp0:
0xcc: {  	[sflag:s29] =	ssyncadd.s32 $0xFFFFFF60;
	(pc) =	sbr.rel @p2 .LBB2_2-.Ltmp0, $4  }
0xcd: {  	_ =	swait.ge [sflag:s29], $0xA0  }
0xce: {  	[sflag:s29] =	ssyncset.done $0x0  }
0xcf: {  	[sflag:s29] =	ssyncadd.s32 $0xFFFFFF60  }
0xd0: {  	[tilespmem:s31], [sflag:$0x1] =	stream.indirect.gather [hbm4b:s1+s30], $0x80, s4, s30, $0xb8;
	[tilespmem:$0x1E080] =	vst v63  }
0xd1: {  	[spmem:s2] =	stream.indirect.scatter.add.f32 [tilespmem:s8], [sflag:$0x4], $0x80, s6, s30, $0xb8;
	[tilespmem:$0x1E080] =	vst v63  }
0xd2: {  	_ =	swait.ge [sflag:s0], $0x5000  }
0xd3: {  	[sflag:s0] =	ssyncset.done $0x0  }
0xd4: {  	[sflag:s0] =	ssyncadd.s32 $0xFFFFB000  }
0xd5: {  	_ =	swait.ge [sflag:s12], $0x5000  }
0xd6: {  	[sflag:s12] =	ssyncset.done $0x0  }
0xd7: {  	[sflag:s12] =	ssyncadd.s32 $0xFFFFB000  }
0xd8: {  	_ =	swait.ge [sflag:s7], $0xA0  }
0xd9: {  	[sflag:s7] =	ssyncset.done $0x0  }
0xda: {  	[sflag:s7] =	ssyncadd.s32 $0xFFFFFF60  }
0xdb: {  	_ =	swait.ge [sflag:s7], $0xA0  }
0xdc: {  	[sflag:s7] =	ssyncset.done $0x0  }
0xdd: {  	[sflag:s7] =	ssyncadd.s32 $0xFFFFFF60  }
0xde: {  	[tilespmem:s8], [sflag:$0x2] =	stream.indirect.gather [hbm4b:s1+s30], $0x80, s23, s30, $0xb8;
	[tilespmem:$0x1E080] =	vst v63  }
0xdf: {  	_ = 	snop  }
0xe0: {  	[spmem:s2] =	stream.indirect.scatter.add.f32 [tilespmem:s31], [sflag:$0x3], $0x80, s22, s30, $0xb8;
	[tilespmem:$0x1E080] =	vst v63  }
0xe1: {  	_ =	swait.ge [sflag:s9], $0x5000  }
0xe2: {  	[sflag:s9] =	ssyncset.done $0x0  }
0xe3: {  	[sflag:s9] =	ssyncadd.s32 $0xFFFFB000  }
0xe4: {  	_ =	swait.ge [sflag:s10], $0x5000  }
0xe5: {  	[sflag:s10] =	ssyncset.done $0x0  }
0xe6: {  	[sflag:s10] =	ssyncadd.s32 $0xFFFFB000  }
0xe7: {  	[spmem:s2] =	stream.indirect.scatter.add.f32 [tilespmem:s8], [sflag:$0x4], $0x80, s24, s30, $0xb8;
	[tilespmem:$0x1E080] =	vst v63  }
0xe8: {  	_ =	swait.ge [sflag:s12], $0x5000  }
0xe9: {  	[sflag:s12] =	ssyncset.done $0x0  }
0xea: {  	s5 =	simm.s32 @!p1 $0x0;
	s16 =	rddreg [dreg:$0xd];
	[sflag:s12] =	ssyncadd.s32 $0xFFFFB000  }
0xeb: {  	[tilespmem:s5], [sflag:$0x9] =	stream.linear.gather @!p1 [hbm4b:s16+s5], $0xA0, $0x38;
	[tilespmem:$0x1E080] =	vst v63  }
0xec: {  	s16 =	simm.s32 @!p1 $0x9  }
0xed: {  	_ =	swait.ge @!p1 [sflag:s16], $0xA0  }
0xee: {  	[sflag:s16] =	ssyncset.done @!p1 $0x0  }
0xef: {  	s17 =	simm.s32 @!p1 $0x400;
	s18 =	rddreg [dreg:$0xe];
	[sflag:s16] =	ssyncadd.s32 @!p1 $0xFFFFFF60  }
0xf0: {  	[tilespmem:s17], [sflag:$0x9] =	stream.linear.gather @!p1 [hbm4b:s18+s5], $0xA0, $0x38;
	[tilespmem:$0x1E080] =	vst v63  }
0xf1: {  	_ =	swait.ge @!p1 [sflag:s16], $0xA0  }
0xf2: {  	[sflag:s16] =	ssyncset.done @!p1 $0x0  }
0xf3: {  	s19 =	simm.s32 @!p1 $0x800;
	s18 =	simm.s32 @!p1 $0xA0;
	[sflag:s16] =	ssyncadd.s32 @!p1 $0xFFFFFF60  }
0xf4: {  	[tilespmem:s19], [sflag:$0x1] =	stream.indirect.gather @!p1 [hbm4b:s1+s18], $0x80, s5, s18, $0xb8;
	[tilespmem:$0x1E080] =	vst v63  }
0xf5: {  	s5 =	simm.s32 @!p1 $0x1  }
0xf6: {  	_ =	swait.ge @!p1 [sflag:s5], $0x5000  }
0xf7: {  	[sflag:s5] =	ssyncset.done @!p1 $0x0  }
0xf8: {  	[sflag:s5] =	ssyncadd.s32 @!p1 $0xFFFFB000  }
0xf9: {  	[spmem:s2] =	stream.indirect.scatter.add.f32 @!p1 [tilespmem:s19], [sflag:$0x9], $0x80, s17, s18, $0xb8;
	[tilespmem:$0x1E080] =	vst v63  }
0xfa: {  	_ =	swait.ge @!p1 [sflag:s16], $0x5000  }
0xfb: {  	[sflag:s16] =	ssyncset.done @!p1 $0x0  }
0xfc: {  	[sflag:s16] =	ssyncadd.s32 @!p1 $0xFFFFB000  }
0xfd: {  	[bflag:$0x0] =	sbarrier.arrive $0xFFFF  }
0xfe: {  	s18 =	rddreg [dreg:$0xf]  }
0xff: {  	s17 =	simm.s32 $0x9;
	s19 =	rddreg [dreg:$0x12]  }
0x100: {  	[hbm:s18], [sflag:s13] =	dma.local [spmem:s19], $0x2700  }
0x101: {  	_ =	swait.ge [sflag:s17], $0x2700  }
0x102: {  	[sflag:s17] =	ssyncset.done $0x0;
	s5 =	rddreg [dreg:$0x10]  }
0x103: {  	s16 =	rddreg [dreg:$0x13];
	[sflag:s17] =	ssyncadd.s32 $0xFFFFD900  }
0x104: {  	[hbm:s5], [sflag:s13] =	dma.local @!p0 [spmem:s16], $0x100  }
0x105: {  	s5 =	simm.s32 @!p0 $0x9  }
0x106: {  	_ =	swait.ge @!p0 [sflag:s5], $0x100  }
0x107: {  	s15 =	sadd.s32 $0x1, s15;
	s28 =	rddreg [dreg:$0x11]  }
0x108: {  	p2 =	sne.s32 s15, s28  }
.Ltmp1:
0x109: {  	_ = 	snop;
	(pc) =	sbr.rel @p2 .LBB2_1-.Ltmp1, $3  }
0x10a: {  	_ =	sdelay $0x1  }
0x10b: {  	[sflag:s5] =	ssyncset.done @!p0 $0x0  }
0x10c: {  	[sflag:s5] =	ssyncadd.s32 @!p0 $0xFFFFFF00  }
0x10d: {  	_ =	sfence.sel $0x180000  }
0x10e: {  	[bflag:$0x0] =	sbarrier.arrive $0xFFFF  }
0x10f: {  	_ =	strace $0x9000004A  }
0x110: {  	s0 =	stileid.u32;
	[bflag:$0x2] =	sbarrier.arrive $0xFFFF  }
0x111: {  	p0 =	sne.s32 s0, $0x0;
	s0 =	rddreg [dreg:$0x3]  }
0x112: {  	s0 =	sadd.s32 @!p0 $0x100000, s0  }
0x113: {  	[sflag:s0] =	ssyncadd.tile.s32 @!p0 $0x1;
	_ =	shalt  }
.Lfunc_end2:
_tile_overlayer_lowered:
.L_overlay_start_2:
0x114: {  	(tag) =	ssettag $0x2  }
0x115: {  	s0 =	rddreg [dreg:$0x0];
	s2 =	stileid.u32  }
0x116: {  	s1 =	rddreg [dreg:$0x1];
	p0 =	sne.s32 s2, $0x0  }
0x117: {  	s3 =	rddreg [dreg:$0x2];
	[bflag:$0x3] =	sbarrier.arrive $0xFFFF;
	s2 =	simm.s32 @!p0 $0x1C09  }
0x118: {  	[timem:s3], [sflag:s2] =	dma.local @!p0 [hbm:s0], s1  }
0x119: {  	s0 =	simm.s32 @!p0 $0x9  }
0x11a: {  	_ =	swait.ge @!p0 [sflag:s0], s1  }
0x11b: {  	s1 =	ssub.s32 @!p0 $0x0, s1;
	[sflag:s0] =	ssyncset.done @!p0 $0x0  }
0x11c: {  	[sflag:s0] =	ssyncadd.s32 @!p0 s1  }
0x11d: {  	[bflag:$0x3] =	sbarrier.arrive $0xFFFF  }
0x11e: {  	_ =	shalt  }

// kernel: seg_sum.9.cloned.1.call-start
scs
__scs_entry_jumppad:
0x0: {  	(pc) =	sbr.rel $0x88, $3  }
0x1: {  	(tag) =	ssettag $0x0;
	lr =	simm.s32 $0x1  }
0x2: {  	[smem:$0x3F9B] =	sst lr;
	_ =	strace $0xD0000000  }
0x3: {  	_ = 	snop  }
0x4: {  	_ = 	snop  }
0x5: {  	_ = 	snop  }
0x6: {  	_ = 	snop  }
0x7: {  	_ = 	snop  }
__scs_overlays_trampoline_lowered:
0x8: {  	[smem:$0x3FAA] =	sst s0  }
0x9: {  	[smem:$0x3FAB] =	sst s1  }
0xa: {  	[smem:$0x3FAC] =	sst s2  }
0xb: {  	[smem:$0x3FAD] =	sst s3  }
0xc: {  	[smem:$0x3FAE] =	sst s4  }
0xd: {  	[smem:$0x3FAF] =	sst s5  }
0xe: {  	[smem:$0x3FB0] =	sst s6  }
0xf: {  	[smem:$0x3FB1] =	sst s7  }
0x10: {  	[smem:$0x3FB2] =	sst s8  }
0x11: {  	[smem:$0x3FB3] =	sst s9;
	s0 =	simm.s32 @!p0 $0x0  }
0x12: {  	s1 =	sld [smem:$0x3F99];
	s0 =	simm.s32 @p0 $0x1  }
0x13: {  	[smem:$0x3FB4] =	sst s0;
	s0 =	simm.s32 @!p1 $0x0  }
0x14: {  	s2 =	sld [smem:$0x3F98];
	s0 =	simm.s32 @p1 $0x1  }
0x15: {  	[smem:$0x3FB5] =	sst s0;
	s0 =	simm.s32 @!p2 $0x0  }
0x16: {  	s3 =	sld [smem:$0x3FDB];
	s0 =	simm.s32 @p2 $0x1  }
0x17: {  	s4 =	simm.s32 $0x1BF5;
	[smem:$0x3FB7] =	sst s0  }
0x18: {  	s0 =	sld [smem:$0x3F9A];
	_ =	swait.ge [sflag:s4], $0x0  }
0x19: {  	s7 =	sld [smem:$0x3F9B]  }
0x1a: {  	s8 =	sadd.s32 $0xFFFFE003, lr  }
0x1b: {  	s9 =	sadd.s32 $0xFFFFFEF7, lr;
	s5 =	simm.s32 $0xFFFFFFFF;
	p2 =	slt.u32 s8, $0xFFFFF086  }
0x1c: {  	p1 =	slt.u32 s9, $0xF7A;
	s5 =	simm.s32 @!p2 $0x0  }
0x1d: {  	s5 =	simm.s32 @p1 $0x1;
	p0 =	seq.s32 s7, s2  }
0x1e: {  	s7 =	smul.u32 @!p0 $0xF7A, s2;
	p2 =	seq.s32 @!p0 s5, $0x0  }
0x1f: {  	s9 =	smul.u32 $0xF7A, s1;
	s8 =	simm.s32 @!p0 $0x1BF5;
	p2 =	por !p2, p0  }
0x20: {  	[sflag:s8] =	ssyncset.s32 @!p0 $0xFFFFF086;
	s6 =	sadd.s32 @!p0 s3, s7;
	s7 =	simm.s32 @!p0 $0x108  }
0x21: {  	s3 =	sadd.s32 s3, s9;
	s6 =	sadd.s32 @!p0 $0x88, s6;
	s7 =	simm.s32 @p2 $0x1082  }
0x22: {  	[simem:s7], [sflag:s8] =	dma.local @!p0 [hbm:s6], $0xF7A  }
0x23: {  	s9 =	sor.u32 $0xD0000000, s2;
	s6 =	simm.s32 $0x108;
	_ =	swait.ge @!p0 [sflag:s8], $0x0  }
0x24: {  	s3 =	sadd.s32 $0x88, s3;
	s6 =	simm.s32 @!p1 $0x1082;
	[sflag:s4] =	ssyncset.s32 $0xFFFFF086  }
0x25: {  	[simem:s6], [sflag:s4] =	dma.local [hbm:s3], $0xF7A  }
0x26: {  	[smem:$0x3F9B] =	sst s1;
	(tag) =	ssettag s2;
	_ =	strace s9  }
0x27: {  	s1 =	sld [smem:$0x3FAB]  }
0x28: {  	s2 =	sld [smem:$0x3FAC]  }
0x29: {  	s4 =	sld [smem:$0x3FAE]  }
0x2a: {  	p0 =	seq.s32 s5, $0x0;
	s5 =	sld [smem:$0x3FAF]  }
0x2b: {  	s6 =	sld [smem:$0x3FB0]  }
0x2c: {  	s7 =	sld [smem:$0x3FB1]  }
0x2d: {  	s3 =	simm.s32 $0x108;
	s8 =	sld [smem:$0x3FB2]  }
0x2e: {  	s3 =	simm.s32 @!p0 $0x1082;
	s9 =	sld [smem:$0x3FB3]  }
0x2f: {  	lr =	sadd.s32 s0, s3;
	s0 =	sld [smem:$0x3FAA]  }
0x30: {  	s3 =	sld [smem:$0x3FAD]  }
0x31: {  	[smem:$0x3FB6] =	sst s10  }
0x32: {  	s10 =	sld [smem:$0x3FB4];
	_ =	sdelay $0x3  }
0x33: {  	p0 =	seq.s32 s10, $0x1;
	s10 =	sld [smem:$0x3FB6];
	_ =	sdelay $0x3  }
0x34: {  	[smem:$0x3FB6] =	sst s10  }
0x35: {  	s10 =	sld [smem:$0x3FB5];
	_ =	sdelay $0x3  }
0x36: {  	p1 =	seq.s32 s10, $0x1;
	s10 =	sld [smem:$0x3FB6];
	_ =	sdelay $0x3  }
0x37: {  	[smem:$0x3FB6] =	sst s10  }
0x38: {  	s10 =	sld [smem:$0x3FB7]  }
0x39: {  	_ = 	snop;
	(pc) =	sbr.ind lr, $3  }
0x3a: {  	_ = 	snop  }
0x3b: {  	_ = 	snop  }
0x3c: {  	p2 =	seq.s32 s10, $0x1;
	s10 =	sld [smem:$0x3FB6]  }
0x3d: {  	_ =	shalt  }
0x3e: {  	_ =	shalt  }
0x3f: {  	_ =	shalt  }
0x40: {  	_ =	shalt  }
0x41: {  	_ =	shalt  }
0x42: {  	_ =	shalt  }
0x43: {  	_ =	shalt  }
0x44: {  	_ =	shalt  }
0x45: {  	_ =	shalt  }
0x46: {  	_ =	shalt  }
0x47: {  	_ =	shalt  }
0x48: {  	_ =	shalt  }
0x49: {  	_ =	shalt  }
0x4a: {  	_ =	shalt  }
0x4b: {  	_ =	shalt  }
0x4c: {  	_ =	shalt  }
0x4d: {  	_ =	shalt  }
0x4e: {  	_ =	shalt  }
0x4f: {  	_ =	shalt  }
0x50: {  	_ =	shalt  }
0x51: {  	_ =	shalt  }
0x52: {  	_ =	shalt  }
0x53: {  	_ =	shalt  }
0x54: {  	_ =	shalt  }
0x55: {  	_ =	shalt  }
0x56: {  	_ =	shalt  }
0x57: {  	_ =	shalt  }
0x58: {  	_ =	shalt  }
0x59: {  	_ =	shalt  }
0x5a: {  	_ =	shalt  }
0x5b: {  	_ =	shalt  }
0x5c: {  	_ =	shalt  }
0x5d: {  	_ =	shalt  }
0x5e: {  	_ =	shalt  }
0x5f: {  	_ =	shalt  }
0x60: {  	_ =	shalt  }
0x61: {  	_ =	shalt  }
0x62: {  	_ =	shalt  }
0x63: {  	_ =	shalt  }
0x64: {  	_ =	shalt  }
0x65: {  	_ =	shalt  }
0x66: {  	_ =	shalt  }
0x67: {  	_ =	shalt  }
0x68: {  	_ =	shalt  }
0x69: {  	_ =	shalt  }
0x6a: {  	_ =	shalt  }
0x6b: {  	_ =	shalt  }
0x6c: {  	_ =	shalt  }
0x6d: {  	_ =	shalt  }
0x6e: {  	_ =	shalt  }
0x6f: {  	_ =	shalt  }
0x70: {  	_ =	shalt  }
0x71: {  	_ =	shalt  }
0x72: {  	_ =	shalt  }
0x73: {  	_ =	shalt  }
0x74: {  	_ =	shalt  }
0x75: {  	_ =	shalt  }
0x76: {  	_ =	shalt  }
0x77: {  	_ =	shalt  }
0x78: {  	_ =	shalt  }
0x79: {  	_ =	shalt  }
0x7a: {  	_ =	shalt  }
0x7b: {  	_ =	shalt  }
0x7c: {  	_ =	shalt  }
0x7d: {  	_ =	shalt  }
0x7e: {  	_ =	shalt  }
0x7f: {  	_ =	shalt  }
0x80: {  	_ =	shalt  }
0x81: {  	_ =	shalt  }
0x82: {  	_ =	shalt  }
0x83: {  	_ =	shalt  }
0x84: {  	_ =	shalt  }
0x85: {  	_ =	shalt  }
0x86: {  	_ =	shalt  }
0x87: {  	_ =	shalt  }
.Lfunc_end0:
.L_simem_size_0:
called_computation.2_lowered:
.L_overlay_start_0:
0x88: {  	s2 =	sld [smem:$0x3FD9]  }
0x89: {  	s3 =	sld [smem:$0x3FFE];
	_ =	sdelay $0x1  }
0x8a: {  	s1 =	srdreg.scid  }
0x8b: {  	s0 =	sand.u32 $0x1, s1  }
0x8c: {  	s16 =	sshll.u32 s0, $0xA;
	s2 =	sadd.s32 s3, s2  }
0x8d: {  	s2 =	sadd.s32 s2, s16  }
0x8e: {  	[smem:$0x3FC2] =	sst s2  }
0x8f: {  	_ = 	snop  }
0x90: {  	(tm) =	ssettm $0x1  }
0x91: {  	s17 =	sld [smem:$0x3FFB];
	_ =	sdelay $0x3  }
0x92: {  	_ =	strace s17  }
0x93: {  	s2 =	sld [smem:$0x3FFC];
	_ =	sdelay $0x3  }
0x94: {  	_ =	strace s2  }
0x95: {  	s2 =	sld [smem:$0x3FFD];
	_ =	sdelay $0x3  }
0x96: {  	_ =	strace s2  }
0x97: {  	_ =	strace $0x8FFFFFFF  }
0x98: {  	s18 =	sld [smem:$0x3FDB];
	_ =	sdelay $0x1  }
0x99: {  	s19 =	simm.s32 $_scs_section_size  }
0x9a: {  	s4 =	simm.s32 $_size__tile_overlayer_lowered;
	s5 =	simm.s32 $_tile_overlayer_lowered  }
0x9b: {  	s22 =	simm.s32 $0x1BFF;
	s21 =	sshll.u32 s5, $0x1;
	s2 =	sadd.s32 s19, s18  }
0x9c: {  	s6 =	simm.s32 $0x0;
	s20 =	sshll.u32 s4, $0x1;
	s4 =	sadd.s32 s21, s2  }
0x9d: {  	[timem:s6], [sflag:s22] =	dma.local [hbm:s4], s20  }
0x9e: {  	_ =	swait.ge [sflag:s22], s20  }
0x9f: {  	s3 =	ssub.s32 $0x0, s20;
	[sflag:s22] =	ssyncset.done $0x0  }
0xa0: {  	[sflag:s22] =	ssyncadd.s32 s3;
	_ =	sdelay $0x1  }
0xa1: {  	s23 =	simm.s32 $0x1B8B  }
0xa2: {  	_ =	swait.ge [sflag:s23], $0x1  }
0xa3: {  	[sflag:s23] =	ssyncset.done $0x0  }
0xa4: {  	s25 =	simm.s32 $0x1B8E;
	s24 =	sld [smem:$0x3FFE];
	[sflag:s23] =	ssyncadd.s32 $0xFFFFFFFF  }
0xa5: {  	s26 =	simm.s32 $execute0_lowered;
	[smem:$0x3FD2] =	sst s25  }
0xa6: {  	s4 =	sshll.u32 s26, $0x1;
	_ =	strace $0x8000004C;
	[dreg:$0x1] =	wrdreg $0xFFFFFFFF  }
0xa7: {  	s28 =	simm.s32 $_size_execute0_lowered;
	s2 =	sadd.s32 s2, s4;
	[dreg:$0x0] =	wrdreg $0x0  }
0xa8: {  	s4 =	sshll.u32 s28, $0x1;
	[dreg:$0x2] =	wrdreg s2  }
0xa9: {  	[dreg:$0x3] =	wrdreg s4  }
0xaa: {  	[dreg:$0x4] =	wrdreg $0xC0  }
0xab: {  	_ =	task [dreg:s6], $0x5FFFF  }
0xac: {  	[dreg:$0x1] =	wrdreg $0xFFFFFFFF  }
0xad: {  	[dreg:$0x0] =	wrdreg $0x60  }
0xae: {  	[dreg:$0x2] =	wrdreg s24  }
0xaf: {  	[dreg:$0x3] =	wrdreg $0xA8000  }
0xb0: {  	[dreg:$0x4] =	wrdreg $0x9  }
0xb1: {  	_ =	task.clear_ibuf [dreg:s6], $0x5FFFF;
	_ =	strace $0x9000004C  }
0xb2: {  	s29 =	simm.s32 $0x9;
	_ =	strace $0x8000004E  }
0xb3: {  	_ =	swait.ge [sflag:s29], $0x1  }
0xb4: {  	[sflag:s29] =	ssyncadd.s32 $0xFFFFFFFF  }
0xb5: {  	_ =	strace $0x9000004E  }
0xb6: {  	_ =	sfence  }
0xb7: {  	s30 =	sld [smem:$0x0];
	_ =	sdelay $0x2  }
0xb8: {  	s31 =	sshll.u32 s1, $0xD;
	s1 =	sshrl.u32 s1, $0x2  }
0xb9: {  	s3 =	sand.u32 $0x4000, s31;
	s1 =	sadd.s32 s1, s30  }
0xba: {  	s0 =	sor.u32 s3, s0;
	s1 =	sshll.u32 s1, $0x11  }
0xbb: {  	s0 =	sor.u32 s1, s0  }
0xbc: {  	s0 =	sadd.s32 $0x8F2B, s0  }
0xbd: {  	[sflag:s0] =	ssyncadd.remote.s32 $0x1  }
0xbe: {  	_ =	sfence.sel $0xFFFF  }
0xbf: {  	[dreg:$0x0] =	wrdreg $0xFFFFFFFF;
	(pc) =	sbr.abs _section_cstart, $3  }
0xc0: {  	[dreg:$0x1] =	wrdreg $0xFFFFFFFF  }
0xc1: {  	_ =	task.clear_ibuf [dreg:s6], $0x2FFFF;
	_ =	strace $0x9FFFFFFF  }
0xc2: {  	(tm) =	ssettm $0x7FFFFFFF  }
0xc3: {  	_ =	shalt  }
tec
execute0_lowered:
.L_overlay_start_1:
0x0: {  	(tag) =	ssettag $0x1  }
0x1: {  	s0 =	rddreg [dreg:$0x0]  }
0x2: {  	s1 =	rddreg [dreg:$0x1];
	s2 =	srdreg.scid;
	s3 =	simm.s32 $0x0  }
0x3: {  	s12 =	stileid.u32;
	s29 =	simm.s32 $0x5;
	s30 =	simm.s32 $0xA0  }
0x4: {  	s31 =	simm.s32 $0x800;
	s2 =	sand.u32 $0x1, s2;
	[smem:$0x7FF] =	sst s3  }
0x5: {  	s4 =	sadd.s32 $0x19A00, s0;
	s6 =	sadd.s32 $0x3600, s0;
	s21 =	smul.u32 $0x2700, s12  }
0x6: {  	s9 =	sadd.s32 $0xD400, s0;
	s11 =	sadd.s32 $0x17200, s0;
	s24 =	smul.u32 $0x4E000, s12  }
0x7: {  	s0 =	sadd.s32 $0x40C00, s0;
	s28 =	smul.u32 $0xA0, s12;
	s15 =	sshll.u32 s12, $0x6  }
0x8: {  	s18 =	sadd.s32 $0x138000, s1;
	p0 =	sne.s32 s12, $0xF;
	s5 =	sshll.u32 s2, $0x4  }
0x9: {  	_ =	strace $0x8000004D;
	[dreg:$0x3] =	wrdreg s11;
	s17 =	smul.u32 $0x138800, s2  }
0xa: {  	s7 =	ssub.s32 $0x2, s2;
	[dreg:$0xb] =	wrdreg s18;
	s19 =	smul.u32 $0x27100, s2  }
0xb: {  	p1 =	sne.s32 s2, $0x0;
	s11 =	simm.s32 $0x7;
	s5 =	sor.u32 s12, s5  }
0xc: {  	s10 =	sshrl.u32 s7, $0x1;
	s26 =	sshrl.u32 s24, $0x2;
	s24 =	smul.u32 $0x4D8, s12  }
0xd: {  	s16 =	sshrl.u32 s28, $0x3;
	s12 =	simm.s32 $0x4;
	s8 =	smul.u32 $0x4D8, s5  }
0xe: {  	s5 =	smul.u32 $0x26C0, s5;
	s7 =	ssub.s32 s7, s10;
	s14 =	sadd.s32 s26, s1  }
0xf: {  	s20 =	sshrl.u32 s17, $0x3;
	s21 =	sadd.s32 s21, s19;
	s17 =	simm.s32 $0x9  }
0x10: {  	[dreg:$0xa] =	wrdreg s14;
	s22 =	sadd.s32 s6, s8;
	s5 =	sshrl.u32 s5, $0x3  }
0x11: {  	s8 =	sadd.s32 s9, s8;
	[dreg:$0x4] =	wrdreg s22;
	s23 =	sadd.s32 $0x14, s5  }
0x12: {  	s10 =	simm.s32 $0x3;
	[dreg:$0x5] =	wrdreg s8;
	s13 =	sadd.s32 s6, s23  }
0x13: {  	s5 =	sadd.s32 $0x28, s5;
	s8 =	sadd.s32 s9, s23;
	[dreg:$0x6] =	wrdreg s13  }
0x14: {  	s22 =	smul.u32 $0x4D80, s2;
	s25 =	sadd.s32 s6, s5;
	[dreg:$0x7] =	wrdreg s8  }
0x15: {  	s2 =	simm.s32 $0x300;
	s5 =	sadd.s32 s9, s5;
	[dreg:$0x8] =	wrdreg s25  }
0x16: {  	[dreg:$0x9] =	wrdreg s5;
	s13 =	sor.u32 $0x1C09, s15;
	s5 =	sadd.s32 $0x9B00, s16  }
0x17: {  	s25 =	smax.u32 s7, $0x1;
	s26 =	sadd.s32 s22, s6;
	s28 =	sadd.s32 s22, s9  }
0x18: {  	s22 =	simm.s32 $0x400;
	s7 =	simm.s32 $0x6;
	s8 =	simm.s32 $0x5800  }
0x19: {  	s15 =	simm.s32 $0x0;
	s14 =	sadd.s32 s6, s5;
	[dreg:$0x10] =	wrdreg s25  }
0x1a: {  	s5 =	sadd.s32 s9, s5;
	s25 =	simm.s32 $0x200;
	[dreg:$0xc] =	wrdreg s14  }
0x1b: {  	s6 =	simm.s32 $0x700;
	s9 =	simm.s32 $0x2;
	[dreg:$0xd] =	wrdreg s5  }
0x1c: {  	s5 =	sadd.s32 s0, s20;
	s0 =	sadd.s32 s0, s21;
	s20 =	sadd.s32 s24, s26  }
0x1d: {  	s21 =	sadd.s32 s24, s28;
	s24 =	simm.s32 $0x500;
	s26 =	simm.s32 $0x600  }
0x1e: {  	s14 =	simm.s32 $0x8;
	[dreg:$0xe] =	wrdreg s0;
	s23 =	sadd.s32 $0x27000, s5  }
0x1f: {  	s0 =	simm.s32 $0x1;
	[dreg:$0xf] =	wrdreg s23;
	s23 =	simm.s32 $0x100  }
.LBB2_1:
0x20: {  	s5 =	rddreg [dreg:$0x4]  }
0x21: {  	s19 =	rddreg [dreg:$0x5]  }
0x22: {  	s28 =	rddreg [dreg:$0x6]  }
0x23: {  	s16 =	rddreg [dreg:$0x7]  }
0x24: {  	[tilespmem:s3], [sflag:$0x5] =	stream.linear.gather [hbm4b:s5+s3], $0xA0, $0x38;
	[tilespmem:$0x1E080] =	vst v63  }
0x25: {  	s18 =	rddreg [dreg:$0x8]  }
0x26: {  	[tilespmem:s22], [sflag:$0x5] =	stream.linear.gather [hbm4b:s19+s3], $0xA0, $0x38;
	[tilespmem:$0x1E080] =	vst v63  }
0x27: {  	s5 =	rddreg [dreg:$0x3]  }
0x28: {  	[tilespmem:s23], [sflag:$0x6] =	stream.linear.gather [hbm4b:s28+s3], $0xA0, $0x38;
	[tilespmem:$0x1E080] =	vst v63  }
0x29: {  	s28 =	rddreg [dreg:$0xa]  }
0x2a: {  	[tilespmem:s24], [sflag:$0x6] =	stream.linear.gather [hbm4b:s16+s3], $0xA0, $0x38;
	[tilespmem:$0x1E080] =	vst v63  }
0x2b: {  	s19 =	rddreg [dreg:$0x9];
	s16 =	sshrl.u32 s28, $0x3  }
0x2c: {  	[tilespmem:s25], [sflag:$0x7] =	stream.linear.gather [hbm4b:s18+s3], $0xA0, $0x38;
	[tilespmem:$0x1E080] =	vst v63  }
0x2d: {  	[dreg:$0x11] =	wrdreg s16  }
0x2e: {  	[tilespmem:s26], [sflag:$0x7] =	stream.linear.gather [hbm4b:s19+s3], $0xA0, $0x38;
	[tilespmem:$0x1E080] =	vst v63  }
0x2f: {  	[spmem:s16], [sflag:s13] =	dma.local [hbm:s5], $0x2700  }
0x30: {  	_ =	swait.ge [sflag:s17], $0x2700  }
0x31: {  	s16 =	rddreg [dreg:$0xb]  }
0x32: {  	[sflag:s17] =	ssyncset.done $0x0;
	s16 =	sshrl.u32 @!p0 s16, $0x3  }
0x33: {  	[sflag:s17] =	ssyncadd.s32 $0xFFFFD900;
	[dreg:$0x12] =	wrdreg s16  }
0x34: {  	[spmem:s16], [sflag:s13] =	dma.local @!p0 [hbm:s5], $0x100  }
0x35: {  	s5 =	simm.s32 @!p0 $0x9  }
0x36: {  	_ =	swait.ge @!p0 [sflag:s5], $0x100  }
0x37: {  	[sflag:s5] =	ssyncset.done @!p0 $0x0  }
0x38: {  	[sflag:s5] =	ssyncadd.s32 @!p0 $0xFFFFFF00  }
0x39: {  	_ =	swait.ge [sflag:s29], $0xA0  }
0x3a: {  	[sflag:s29] =	ssyncset.done $0x0  }
0x3b: {  	[sflag:s29] =	ssyncadd.s32 $0xFFFFFF60  }
0x3c: {  	_ =	swait.ge [sflag:s29], $0xA0  }
0x3d: {  	[sflag:s29] =	ssyncset.done $0x0  }
0x3e: {  	[sflag:s29] =	ssyncadd.s32 $0xFFFFFF60  }
0x3f: {  	[tilespmem:s31], [sflag:$0x1] =	stream.indirect.gather [hbm4b:s4+s30], $0x80, s3, s30, $0xb8;
	[tilespmem:$0x1E080] =	vst v63  }
0x40: {  	[bflag:$0x0] =	sbarrier.arrive $0xFFFF  }
0x41: {  	_ =	swait.ge [sflag:s0], $0x5000  }
0x42: {  	p2 =	por $0x1, $0x1;
	[sflag:s0] =	ssyncset.done $0x0  }
0x43: {  	s5 =	simm.s32 @!p2 $0x4;
	[sflag:s0] =	ssyncadd.s32 $0xFFFFB000  }
0x44: {  	_ =	swait.ge @!p2 [sflag:s5], $0x5000  }
0x45: {  	s18 =	sadd.s32 $0x0, s20;
	[sflag:s5] =	ssyncset.done @!p2 $0x0  }
0x46: {  	s19 =	sadd.s32 $0x3C, s18;
	[sflag:s5] =	ssyncadd.s32 @!p2 $0xFFFFB000;
	s5 =	sadd.s32 $0x0, s21  }
0x47: {  	[tilespmem:s2], [sflag:$0x8] =	stream.linear.gather [hbm4b:s19+s3], $0xA0, $0x38;
	[tilespmem:$0x1E080] =	vst v63  }
0x48: {  	s16 =	sadd.s32 $0x3C, s5  }
0x49: {  	[tilespmem:s6], [sflag:$0x8] =	stream.linear.gather [hbm4b:s16+s3], $0xA0, $0x38;
	[tilespmem:$0x1E080] =	vst v63  }
0x4a: {  	_ =	swait.ge [sflag:s7], $0xA0  }
0x4b: {  	[sflag:s7] =	ssyncset.done $0x0  }
0x4c: {  	[sflag:s7] =	ssyncadd.s32 $0xFFFFFF60  }
0x4d: {  	_ =	swait.ge [sflag:s7], $0xA0  }
0x4e: {  	[sflag:s7] =	ssyncset.done $0x0  }
0x4f: {  	[sflag:s7] =	ssyncadd.s32 $0xFFFFFF60  }
0x50: {  	[tilespmem:s8], [sflag:$0x2] =	stream.indirect.gather [hbm4b:s4+s30], $0x80, s23, s30, $0xb8;
	[tilespmem:$0x1E080] =	vst v63  }
0x51: {  	_ = 	snop  }
0x52: {  	[spmem:s1] =	stream.indirect.scatter.add.f32 [tilespmem:s31], [sflag:$0x3], $0x80, s22, s30, $0xb8;
	[tilespmem:$0x1E080] =	vst v63  }
0x53: {  	_ =	swait.ge [sflag:s9], $0x5000  }
0x54: {  	[sflag:s9] =	ssyncset.done $0x0  }
0x55: {  	[sflag:s9] =	ssyncadd.s32 $0xFFFFB000  }
0x56: {  	_ =	swait.ge [sflag:s10], $0x5000  }
0x57: {  	[sflag:s10] =	ssyncset.done $0x0  }
0x58: {  	s17 =	sadd.s32 $0x50, s18;
	[sflag:s10] =	ssyncadd.s32 $0xFFFFB000  }
0x59: {  	[tilespmem:s3], [sflag:$0x5] =	stream.linear.gather [hbm4b:s17+s3], $0xA0, $0x38;
	[tilespmem:$0x1E080] =	vst v63  }
0x5a: {  	s28 =	sadd.s32 $0x50, s5  }
0x5b: {  	[tilespmem:s22], [sflag:$0x5] =	stream.linear.gather [hbm4b:s28+s3], $0xA0, $0x38;
	[tilespmem:$0x1E080] =	vst v63  }
0x5c: {  	_ =	swait.ge [sflag:s11], $0xA0  }
0x5d: {  	[sflag:s11] =	ssyncset.done $0x0  }
0x5e: {  	[sflag:s11] =	ssyncadd.s32 $0xFFFFFF60  }
0x5f: {  	_ =	swait.ge [sflag:s11], $0xA0  }
0x60: {  	[sflag:s11] =	ssyncset.done $0x0  }
0x61: {  	[sflag:s11] =	ssyncadd.s32 $0xFFFFFF60  }
0x62: {  	[tilespmem:s31], [sflag:$0x1] =	stream.indirect.gather [hbm4b:s4+s30], $0x80, s25, s30, $0xb8;
	[tilespmem:$0x1E080] =	vst v63  }
0x63: {  	_ = 	snop  }
0x64: {  	[spmem:s1] =	stream.indirect.scatter.add.f32 [tilespmem:s8], [sflag:$0x4], $0x80, s24, s30, $0xb8;
	[tilespmem:$0x1E080] =	vst v63  }
0x65: {  	_ =	swait.ge [sflag:s0], $0x5000  }
0x66: {  	[sflag:s0] =	ssyncset.done $0x0  }
0x67: {  	[sflag:s0] =	ssyncadd.s32 $0xFFFFB000  }
0x68: {  	_ =	swait.ge [sflag:s12], $0x5000  }
0x69: {  	[sflag:s12] =	ssyncset.done $0x0  }
0x6a: {  	s18 =	sadd.s32 $0x64, s18;
	[sflag:s12] =	ssyncadd.s32 $0xFFFFB000  }
0x6b: {  	[tilespmem:s23], [sflag:$0x6] =	stream.linear.gather [hbm4b:s18+s3], $0xA0, $0x38;
	[tilespmem:$0x1E080] =	vst v63  }
0x6c: {  	s5 =	sadd.s32 $0x64, s5  }
0x6d: {  	[tilespmem:s24], [sflag:$0x6] =	stream.linear.gather [hbm4b:s5+s3], $0xA0, $0x38;
	[tilespmem:$0x1E080] =	vst v63  }
0x6e: {  	_ =	swait.ge [sflag:s14], $0xA0  }
0x6f: {  	[sflag:s14] =	ssyncset.done $0x0  }
0x70: {  	[sflag:s14] =	ssyncadd.s32 $0xFFFFFF60  }
0x71: {  	_ =	swait.ge [sflag:s14], $0xA0  }
0x72: {  	[sflag:s14] =	ssyncset.done $0x0  }
0x73: {  	[sflag:s14] =	ssyncadd.s32 $0xFFFFFF60  }
0x74: {  	[tilespmem:s8], [sflag:$0x2] =	stream.indirect.gather [hbm4b:s4+s30], $0x80, s2, s30, $0xb8;
	[tilespmem:$0x1E080] =	vst v63  }
0x75: {  	_ = 	snop  }
0x76: {  	[spmem:s1] =	stream.indirect.scatter.add.f32 [tilespmem:s31], [sflag:$0x3], $0x80, s26, s30, $0xb8;
	[tilespmem:$0x1E080] =	vst v63  }
0x77: {  	_ =	swait.ge [sflag:s9], $0x5000  }
0x78: {  	[sflag:s9] =	ssyncset.done $0x0  }
0x79: {  	[sflag:s9] =	ssyncadd.s32 $0xFFFFB000  }
0x7a: {  	p2 =	por $0x0, $0x0;
	_ =	swait.ge [sflag:s10], $0x5000  }
0x7b: {  	s19 =	simm.s32 @!p2 $0x200;
	s5 =	sadd.s32 @!p2 $0x0, s20;
	[sflag:s10] =	ssyncset.done $0x0  }
0x7c: {  	s18 =	simm.s32 @!p2 $0x0;
	s5 =	sadd.s32 @!p2 $0x78, s5;
	[sflag:s10] =	ssyncadd.s32 $0xFFFFB000  }
0x7d: {  	[tilespmem:s19], [sflag:$0x7] =	stream.linear.gather @!p2 [hbm4b:s5+s18], $0xA0, $0x38;
	[tilespmem:$0x1E080] =	vst v63  }
0x7e: {  	s5 =	sadd.s32 @!p2 $0x0, s21  }
0x7f: {  	s19 =	simm.s32 @!p2 $0x600;
	s5 =	sadd.s32 @!p2 $0x78, s5  }
0x80: {  	[tilespmem:s19], [sflag:$0x7] =	stream.linear.gather @!p2 [hbm4b:s5+s18], $0xA0, $0x38;
	[tilespmem:$0x1E080] =	vst v63  }
0x81: {  	_ =	swait.ge [sflag:s29], $0xA0  }
0x82: {  	[sflag:s29] =	ssyncset.done $0x0  }
0x83: {  	[sflag:s29] =	ssyncadd.s32 $0xFFFFFF60  }
0x84: {  	_ =	swait.ge [sflag:s29], $0xA0  }
0x85: {  	[sflag:s29] =	ssyncset.done $0x0  }
0x86: {  	s18 =	simm.s32 $0x50;
	[sflag:s29] =	ssyncadd.s32 $0xFFFFFF60  }
0x87: {  	[tilespmem:s31], [sflag:$0x1] =	stream.indirect.gather [hbm4b:s4+s30], $0x80, s3, s30, $0xb8;
	[tilespmem:$0x1E080] =	vst v63  }
.LBB2_2:
0x88: {  	s19 =	smov.u32 s18;
	s18 =	sadd.s32 $0x50, s18  }
0x89: {  	[spmem:s1] =	stream.indirect.scatter.add.f32 [tilespmem:s8], [sflag:$0x4], $0x80, s6, s30, $0xb8;
	[tilespmem:$0x1E080] =	vst v63  }
0x8a: {  	p3 =	seq.s32 s19, $0x0;
	p2 =	sne.s32 s18, $0x4B0;
	_ =	swait.ge [sflag:s0], $0x5000  }
0x8b: {  	s16 =	simm.s32 @!p3 $0x4;
	[sflag:s0] =	ssyncset.done $0x0  }
0x8c: {  	[sflag:s0] =	ssyncadd.s32 $0xFFFFB000  }
0x8d: {  	s28 =	sadd.s32 s19, s20;
	_ =	swait.ge @!p3 [sflag:s16], $0x5000  }
0x8e: {  	s5 =	sadd.s32 s19, s21;
	s17 =	sadd.s32 $0x3C, s28;
	[sflag:s16] =	ssyncset.done @!p3 $0x0  }
0x8f: {  	[sflag:s16] =	ssyncadd.s32 @!p3 $0xFFFFB000  }
0x90: {  	[tilespmem:s2], [sflag:$0x8] =	stream.linear.gather [hbm4b:s17+s3], $0xA0, $0x38;
	[tilespmem:$0x1E080] =	vst v63  }
0x91: {  	s16 =	sadd.s32 $0x3C, s5  }
0x92: {  	[tilespmem:s6], [sflag:$0x8] =	stream.linear.gather [hbm4b:s16+s3], $0xA0, $0x38;
	[tilespmem:$0x1E080] =	vst v63  }
0x93: {  	_ =	swait.ge [sflag:s7], $0xA0  }
0x94: {  	[sflag:s7] =	ssyncset.done $0x0  }
0x95: {  	[sflag:s7] =	ssyncadd.s32 $0xFFFFFF60  }
0x96: {  	_ =	swait.ge [sflag:s7], $0xA0  }
0x97: {  	[sflag:s7] =	ssyncset.done $0x0  }
0x98: {  	[sflag:s7] =	ssyncadd.s32 $0xFFFFFF60  }
0x99: {  	[tilespmem:s8], [sflag:$0x2] =	stream.indirect.gather [hbm4b:s4+s30], $0x80, s23, s30, $0xb8;
	[tilespmem:$0x1E080] =	vst v63  }
0x9a: {  	_ = 	snop  }
0x9b: {  	[spmem:s1] =	stream.indirect.scatter.add.f32 [tilespmem:s31], [sflag:$0x3], $0x80, s22, s30, $0xb8;
	[tilespmem:$0x1E080] =	vst v63  }
0x9c: {  	_ =	swait.ge [sflag:s9], $0x5000  }
0x9d: {  	[sflag:s9] =	ssyncset.done $0x0  }
0x9e: {  	[sflag:s9] =	ssyncadd.s32 $0xFFFFB000  }
0x9f: {  	_ =	swait.ge [sflag:s10], $0x5000  }
0xa0: {  	s16 =	sadd.s32 $0x50, s28;
	[sflag:s10] =	ssyncset.done $0x0  }
0xa1: {  	[sflag:s10] =	ssyncadd.s32 $0xFFFFB000  }
0xa2: {  	[tilespmem:s3], [sflag:$0x5] =	stream.linear.gather [hbm4b:s16+s3], $0xA0, $0x38;
	[tilespmem:$0x1E080] =	vst v63  }
0xa3: {  	s16 =	sadd.s32 $0x50, s5  }
0xa4: {  	[tilespmem:s22], [sflag:$0x5] =	stream.linear.gather [hbm4b:s16+s3], $0xA0, $0x38;
	[tilespmem:$0x1E080] =	vst v63  }
0xa5: {  	_ =	swait.ge [sflag:s11], $0xA0  }
0xa6: {  	[sflag:s11] =	ssyncset.done $0x0  }
0xa7: {  	[sflag:s11] =	ssyncadd.s32 $0xFFFFFF60  }
0xa8: {  	_ =	swait.ge [sflag:s11], $0xA0  }
0xa9: {  	[sflag:s11] =	ssyncset.done $0x0  }
0xaa: {  	[sflag:s11] =	ssyncadd.s32 $0xFFFFFF60  }
0xab: {  	[tilespmem:s31], [sflag:$0x1] =	stream.indirect.gather [hbm4b:s4+s30], $0x80, s25, s30, $0xb8;
	[tilespmem:$0x1E080] =	vst v63  }
0xac: {  	_ = 	snop  }
0xad: {  	[spmem:s1] =	stream.indirect.scatter.add.f32 [tilespmem:s8], [sflag:$0x4], $0x80, s24, s30, $0xb8;
	[tilespmem:$0x1E080] =	vst v63  }
0xae: {  	_ =	swait.ge [sflag:s0], $0x5000  }
0xaf: {  	[sflag:s0] =	ssyncset.done $0x0  }
0xb0: {  	[sflag:s0] =	ssyncadd.s32 $0xFFFFB000  }
0xb1: {  	_ =	swait.ge [sflag:s12], $0x5000  }
0xb2: {  	s16 =	sadd.s32 $0x64, s28;
	[sflag:s12] =	ssyncset.done $0x0  }
0xb3: {  	[sflag:s12] =	ssyncadd.s32 $0xFFFFB000  }
0xb4: {  	[tilespmem:s23], [sflag:$0x6] =	stream.linear.gather [hbm4b:s16+s3], $0xA0, $0x38;
	[tilespmem:$0x1E080] =	vst v63  }
0xb5: {  	s5 =	sadd.s32 $0x64, s5  }
0xb6: {  	[tilespmem:s24], [sflag:$0x6] =	stream.linear.gather [hbm4b:s5+s3], $0xA0, $0x38;
	[tilespmem:$0x1E080] =	vst v63  }
0xb7: {  	_ =	swait.ge [sflag:s14], $0xA0  }
0xb8: {  	[sflag:s14] =	ssyncset.done $0x0  }
0xb9: {  	[sflag:s14] =	ssyncadd.s32 $0xFFFFFF60  }
0xba: {  	_ =	swait.ge [sflag:s14], $0xA0  }
0xbb: {  	[sflag:s14] =	ssyncset.done $0x0  }
0xbc: {  	[sflag:s14] =	ssyncadd.s32 $0xFFFFFF60  }
0xbd: {  	[tilespmem:s8], [sflag:$0x2] =	stream.indirect.gather [hbm4b:s4+s30], $0x80, s2, s30, $0xb8;
	[tilespmem:$0x1E080] =	vst v63  }
0xbe: {  	_ = 	snop  }
0xbf: {  	[spmem:s1] =	stream.indirect.scatter.add.f32 [tilespmem:s31], [sflag:$0x3], $0x80, s26, s30, $0xb8;
	[tilespmem:$0x1E080] =	vst v63  }
0xc0: {  	_ =	swait.ge [sflag:s9], $0x5000  }
0xc1: {  	[sflag:s9] =	ssyncset.done $0x0  }
0xc2: {  	p3 =	seq.s32 s19, $0x460;
	[sflag:s9] =	ssyncadd.s32 $0xFFFFB000  }
0xc3: {  	s16 =	simm.s32 @!p3 $0x0;
	s5 =	sadd.s32 @!p3 s19, s20;
	_ =	swait.ge [sflag:s10], $0x5000  }
0xc4: {  	s17 =	simm.s32 @!p3 $0x200;
	s5 =	sadd.s32 @!p3 $0x78, s5;
	[sflag:s10] =	ssyncset.done $0x0  }
0xc5: {  	s28 =	simm.s32 @!p3 $0x600;
	s19 =	sadd.s32 @!p3 s19, s21;
	[sflag:s10] =	ssyncadd.s32 $0xFFFFB000  }
0xc6: {  	[tilespmem:s17], [sflag:$0x7] =	stream.linear.gather @!p3 [hbm4b:s5+s16], $0xA0, $0x38;
	[tilespmem:$0x1E080] =	vst v63  }
0xc7: {  	s5 =	sadd.s32 @!p3 $0x78, s19  }
0xc8: {  	[tilespmem:s28], [sflag:$0x7] =	stream.linear.gather @!p3 [hbm4b:s5+s16], $0xA0, $0x38;
	[tilespmem:$0x1E080] =	vst v63  }
0xc9: {  	_ =	swait.ge [sflag:s29], $0xA0  }
0xca: {  	[sflag:s29] =	ssyncset.done $0x0  }
.Ltmp0:
0xcb: {  	[sflag:s29] =	ssyncadd.s32 $0xFFFFFF60;
	(pc) =	sbr.rel @p2 .LBB2_2-.Ltmp0, $4  }
0xcc: {  	_ =	swait.ge [sflag:s29], $0xA0  }
0xcd: {  	[sflag:s29] =	ssyncset.done $0x0  }
0xce: {  	[sflag:s29] =	ssyncadd.s32 $0xFFFFFF60  }
0xcf: {  	[tilespmem:s31], [sflag:$0x1] =	stream.indirect.gather [hbm4b:s4+s30], $0x80, s3, s30, $0xb8;
	[tilespmem:$0x1E080] =	vst v63  }
0xd0: {  	[spmem:s1] =	stream.indirect.scatter.add.f32 [tilespmem:s8], [sflag:$0x4], $0x80, s6, s30, $0xb8;
	[tilespmem:$0x1E080] =	vst v63  }
0xd1: {  	_ =	swait.ge [sflag:s0], $0x5000  }
0xd2: {  	[sflag:s0] =	ssyncset.done $0x0  }
0xd3: {  	[sflag:s0] =	ssyncadd.s32 $0xFFFFB000  }
0xd4: {  	_ =	swait.ge [sflag:s12], $0x5000  }
0xd5: {  	[sflag:s12] =	ssyncset.done $0x0  }
0xd6: {  	[sflag:s12] =	ssyncadd.s32 $0xFFFFB000  }
0xd7: {  	_ =	swait.ge [sflag:s7], $0xA0  }
0xd8: {  	[sflag:s7] =	ssyncset.done $0x0  }
0xd9: {  	[sflag:s7] =	ssyncadd.s32 $0xFFFFFF60  }
0xda: {  	_ =	swait.ge [sflag:s7], $0xA0  }
0xdb: {  	[sflag:s7] =	ssyncset.done $0x0  }
0xdc: {  	[sflag:s7] =	ssyncadd.s32 $0xFFFFFF60  }
0xdd: {  	[tilespmem:s8], [sflag:$0x2] =	stream.indirect.gather [hbm4b:s4+s30], $0x80, s23, s30, $0xb8;
	[tilespmem:$0x1E080] =	vst v63  }
0xde: {  	_ = 	snop  }
0xdf: {  	[spmem:s1] =	stream.indirect.scatter.add.f32 [tilespmem:s31], [sflag:$0x3], $0x80, s22, s30, $0xb8;
	[tilespmem:$0x1E080] =	vst v63  }
0xe0: {  	_ =	swait.ge [sflag:s9], $0x5000  }
0xe1: {  	[sflag:s9] =	ssyncset.done $0x0  }
0xe2: {  	[sflag:s9] =	ssyncadd.s32 $0xFFFFB000  }
0xe3: {  	_ =	swait.ge [sflag:s10], $0x5000  }
0xe4: {  	[sflag:s10] =	ssyncset.done $0x0  }
0xe5: {  	[sflag:s10] =	ssyncadd.s32 $0xFFFFB000  }
0xe6: {  	[spmem:s1] =	stream.indirect.scatter.add.f32 [tilespmem:s8], [sflag:$0x4], $0x80, s24, s30, $0xb8;
	[tilespmem:$0x1E080] =	vst v63  }
0xe7: {  	_ =	swait.ge [sflag:s12], $0x5000  }
0xe8: {  	[sflag:s12] =	ssyncset.done $0x0  }
0xe9: {  	s5 =	simm.s32 @!p1 $0x0;
	s16 =	rddreg [dreg:$0xc];
	[sflag:s12] =	ssyncadd.s32 $0xFFFFB000  }
0xea: {  	[tilespmem:s5], [sflag:$0x9] =	stream.linear.gather @!p1 [hbm4b:s16+s5], $0xA0, $0x38;
	[tilespmem:$0x1E080] =	vst v63  }
0xeb: {  	s16 =	simm.s32 @!p1 $0x9  }
0xec: {  	_ =	swait.ge @!p1 [sflag:s16], $0xA0  }
0xed: {  	[sflag:s16] =	ssyncset.done @!p1 $0x0  }
0xee: {  	s17 =	simm.s32 @!p1 $0x400;
	s18 =	rddreg [dreg:$0xd];
	[sflag:s16] =	ssyncadd.s32 @!p1 $0xFFFFFF60  }
0xef: {  	[tilespmem:s17], [sflag:$0x9] =	stream.linear.gather @!p1 [hbm4b:s18+s5], $0xA0, $0x38;
	[tilespmem:$0x1E080] =	vst v63  }
0xf0: {  	_ =	swait.ge @!p1 [sflag:s16], $0xA0  }
0xf1: {  	[sflag:s16] =	ssyncset.done @!p1 $0x0  }
0xf2: {  	s19 =	simm.s32 @!p1 $0x800;
	s18 =	simm.s32 @!p1 $0xA0;
	[sflag:s16] =	ssyncadd.s32 @!p1 $0xFFFFFF60  }
0xf3: {  	[tilespmem:s19], [sflag:$0x1] =	stream.indirect.gather @!p1 [hbm4b:s4+s18], $0x80, s5, s18, $0xb8;
	[tilespmem:$0x1E080] =	vst v63  }
0xf4: {  	s5 =	simm.s32 @!p1 $0x1  }
0xf5: {  	_ =	swait.ge @!p1 [sflag:s5], $0x5000  }
0xf6: {  	[sflag:s5] =	ssyncset.done @!p1 $0x0  }
0xf7: {  	[sflag:s5] =	ssyncadd.s32 @!p1 $0xFFFFB000  }
0xf8: {  	[spmem:s1] =	stream.indirect.scatter.add.f32 @!p1 [tilespmem:s19], [sflag:$0x9], $0x80, s17, s18, $0xb8;
	[tilespmem:$0x1E080] =	vst v63  }
0xf9: {  	_ =	swait.ge @!p1 [sflag:s16], $0x5000  }
0xfa: {  	[sflag:s16] =	ssyncset.done @!p1 $0x0  }
0xfb: {  	[sflag:s16] =	ssyncadd.s32 @!p1 $0xFFFFB000  }
0xfc: {  	[bflag:$0x0] =	sbarrier.arrive $0xFFFF  }
0xfd: {  	s18 =	rddreg [dreg:$0xe]  }
0xfe: {  	s17 =	simm.s32 $0x9;
	s19 =	rddreg [dreg:$0x11]  }
0xff: {  	[hbm:s18], [sflag:s13] =	dma.local [spmem:s19], $0x2700  }
0x100: {  	_ =	swait.ge [sflag:s17], $0x2700  }
0x101: {  	[sflag:s17] =	ssyncset.done $0x0;
	s5 =	rddreg [dreg:$0xf]  }
0x102: {  	s16 =	rddreg [dreg:$0x12];
	[sflag:s17] =	ssyncadd.s32 $0xFFFFD900  }
0x103: {  	[hbm:s5], [sflag:s13] =	dma.local @!p0 [spmem:s16], $0x100  }
0x104: {  	s5 =	simm.s32 @!p0 $0x9  }
0x105: {  	_ =	swait.ge @!p0 [sflag:s5], $0x100  }
0x106: {  	s15 =	sadd.s32 $0x1, s15;
	s28 =	rddreg [dreg:$0x10]  }
0x107: {  	p2 =	sne.s32 s15, s28  }
.Ltmp1:
0x108: {  	_ = 	snop;
	(pc) =	sbr.rel @p2 .LBB2_1-.Ltmp1, $3  }
0x109: {  	_ =	sdelay $0x1  }
0x10a: {  	[sflag:s5] =	ssyncset.done @!p0 $0x0  }
0x10b: {  	[sflag:s5] =	ssyncadd.s32 @!p0 $0xFFFFFF00  }
0x10c: {  	_ =	sfence.sel $0x180000  }
0x10d: {  	[bflag:$0x0] =	sbarrier.arrive $0xFFFF  }
0x10e: {  	_ =	strace $0x9000004D  }
0x10f: {  	s0 =	stileid.u32;
	[bflag:$0x2] =	sbarrier.arrive $0xFFFF  }
0x110: {  	p0 =	sne.s32 s0, $0x0;
	s0 =	rddreg [dreg:$0x2]  }
0x111: {  	s0 =	sadd.s32 @!p0 $0x100000, s0  }
0x112: {  	[sflag:s0] =	ssyncadd.tile.s32 @!p0 $0x1;
	_ =	shalt  }
.Lfunc_end2:
_tile_overlayer_lowered:
.L_overlay_start_2:
0x113: {  	(tag) =	ssettag $0x2  }
0x114: {  	s0 =	rddreg [dreg:$0x0];
	s2 =	stileid.u32  }
0x115: {  	s1 =	rddreg [dreg:$0x1];
	p0 =	sne.s32 s2, $0x0  }
0x116: {  	s3 =	rddreg [dreg:$0x2];
	[bflag:$0x3] =	sbarrier.arrive $0xFFFF;
	s2 =	simm.s32 @!p0 $0x1C09  }
0x117: {  	[timem:s3], [sflag:s2] =	dma.local @!p0 [hbm:s0], s1  }
0x118: {  	s0 =	simm.s32 @!p0 $0x9  }
0x119: {  	_ =	swait.ge @!p0 [sflag:s0], s1  }
0x11a: {  	s1 =	ssub.s32 @!p0 $0x0, s1;
	[sflag:s0] =	ssyncset.done @!p0 $0x0  }
0x11b: {  	[sflag:s0] =	ssyncadd.s32 @!p0 s1  }
0x11c: {  	[bflag:$0x3] =	sbarrier.arrive $0xFFFF  }
0x11d: {  	_ =	shalt  }

</sc_bundles>
